<compile_context>
chip_gen: v7x
topology: tpu7x:2x2x1
jax: 0.10.2.dev20260603
libtpu: 0.0.44.dev20260713+nightly
codegen_flags: <defaults>
</compile_context>

<pallas_src>
import functools

import jax
import jax.numpy as jnp
from jax import lax
from jax.experimental import pallas as pl
from jax.experimental.pallas import tpu as pltpu
from jax.experimental.pallas import tpu_sc as plsc

NPIX = 196608
NFREQS = 128
NPTS = 65536

NW = 32
PTS_PER_W = NPTS // NW
PTS_PER_SUB = 64
GPS = 2
ROWS_PER_G = 128
SUBS = PTS_PER_W // PTS_PER_SUB
NIDX = SUBS * GPS
LANES = 16
SLICES = NFREQS // LANES


def _sc_gather(table, idx3, wgt3):
    mesh = plsc.VectorSubcoreMesh(core_axis_name="c", subcore_axis_name="s")

    @functools.partial(
        pl.kernel,
        out_type=jax.ShapeDtypeStruct((NPTS, NFREQS), jnp.float32),
        mesh=mesh,
        scratch_types=[
            pltpu.VMEM((NIDX * ROWS_PER_G,), jnp.int32),
            pltpu.VMEM((NIDX * ROWS_PER_G,), jnp.float32),
            pltpu.VMEM((2, PTS_PER_SUB * 4, NFREQS), jnp.float32),
            pltpu.VMEM((2, PTS_PER_SUB, NFREQS), jnp.float32),
            pltpu.SemaphoreType.DMA,
            pltpu.SemaphoreType.DMA,
            pltpu.SemaphoreType.DMA,
            pltpu.SemaphoreType.DMA,
        ],
    )
    def k(table_hbm, idx_hbm, wgt_hbm, out_hbm, idx_v, wgt_v, buf, outb,
          gsem0, gsem1, osem0, osem1):
        gsems = (gsem0, gsem1)
        osems = (osem0, osem1)
        wid = lax.axis_index("s") * 2 + lax.axis_index("c")
        base = wid * PTS_PER_W
        wbase = wid * (NIDX * ROWS_PER_G)
        pltpu.sync_copy(idx_hbm.at[pl.ds(wbase, NIDX * ROWS_PER_G)], idx_v)
        pltpu.sync_copy(wgt_hbm.at[pl.ds(wbase, NIDX * ROWS_PER_G)], wgt_v)

        def start_gather(g, u):
            for h in range(GPS):
                pltpu.async_copy(
                    table_hbm.at[idx_v.at[pl.ds((GPS * g + h) * ROWS_PER_G,
                                                ROWS_PER_G)]],
                    buf.at[u, pl.ds(h * ROWS_PER_G, ROWS_PER_G)],
                    gsems[u],
                )

        def wait_gather(g, u):
            for h in range(GPS):
                pltpu.make_async_copy(
                    table_hbm.at[idx_v.at[pl.ds((GPS * g + h) * ROWS_PER_G,
                                                ROWS_PER_G)]],
                    buf.at[u, pl.ds(h * ROWS_PER_G, ROWS_PER_G)],
                    gsems[u],
                ).wait()

        for u in range(2):
            start_gather(u, u)

        def pair_body(tq, carry):
            for u in range(2):
                g = 2 * tq + u
                wait_gather(g, u)

                @pl.when(tq >= 1)
                def _():
                    pltpu.make_async_copy(
                        outb.at[u],
                        out_hbm.at[pl.ds(base + (g - 2) * PTS_PER_SUB,
                                         PTS_PER_SUB)],
                        osems[u],
                    ).wait()

                @plsc.parallel_loop(0, PTS_PER_SUB // 4, unroll=2)
                def _(q, u=u):
                    wv = wgt_v[pl.ds((GPS * g + q // 8) * ROWS_PER_G
                                     + (q % 8) * LANES, LANES)]
                    for pp in range(4):
                        p = q * 4 + pp
                        w = [
                            jnp.full((LANES,), wv[4 * pp + j],
                                     dtype=jnp.float32)
                            for j in range(4)
                        ]
                        for s in range(SLICES):
                            sl = pl.ds(s * LANES, LANES)
                            a = (w[0] * buf[u, 4 * p + 0, sl]
                                 + w[1] * buf[u, 4 * p + 1, sl])
                            b2 = (w[2] * buf[u, 4 * p + 2, sl]
                                  + w[3] * buf[u, 4 * p + 3, sl])
                            outb[u, p, sl] = a + b2

                @pl.when(g + 2 < SUBS)
                def _():
                    start_gather(g + 2, u)

                pltpu.async_copy(
                    outb.at[u],
                    out_hbm.at[pl.ds(base + g * PTS_PER_SUB, PTS_PER_SUB)],
                    osems[u],
                )
            return carry

        lax.fori_loop(0, SUBS // 2, pair_body, 0, unroll=False)

        for u in range(2):
            pltpu.make_async_copy(
                outb.at[u],
                out_hbm.at[pl.ds(base + (SUBS - 2 + u) * PTS_PER_SUB,
                                 PTS_PER_SUB)],
                osems[u],
            ).wait()

    return k(table, idx3, wgt3)


def kernel(params, inds, wgts, freqs):
    table = params.reshape(NFREQS, NPIX).T
    idx3 = inds.astype(jnp.int32).reshape(-1)
    wgt3 = wgts.astype(jnp.float32).reshape(-1)
    out = _sc_gather(table, idx3, wgt3)
    return out.T.reshape(1, 1, 1, NFREQS, NPTS)

# --- scband reference (transcript-rebuilt; emitter-appended) ---
"""Pipeline reference for scband-pixel-beam-18322330485163 (READ-ONLY COPY).

The authoritative reference and input builder live on the scoring server;
editing this copy changes nothing except your own understanding.
"""

import jax, jax.numpy as jnp
import numpy as np

NPIX = 196608   # healpix nside=128
NFREQS = 128
NPTS = 65536    # number of (zen, az) sky directions queried


def setup_inputs(seed: int = 0) -> dict:
    key = jax.random.key(seed)
    k1, k2, k3 = jax.random.split(key, 3)
    # learned beam map parameter: (Npol, Npol, Nmodel, Nfreqs, Npix)
    params = jax.random.normal(k1, (1, 1, 1, NFREQS, NPIX), dtype=jnp.float32) * 0.1
    # bilinear interpolation cache: 4 healpix neighbor indices per query direction
    inds = jax.random.randint(k2, (NPTS, 4), 0, NPIX).astype(jnp.int64)
    # bilinear weights, normalized to sum to 1 across the 4 neighbors
    wgts = jax.random.uniform(k3, (NPTS, 4), dtype=jnp.float32)
    wgts = wgts / jnp.sum(wgts, axis=-1, keepdims=True)
    freqs = jnp.linspace(1.0e8, 2.0e8, NFREQS).astype(jnp.float32)
    return {"params": params, "inds": inds, "wgts": wgts, "freqs": freqs}


def reference(params, inds, wgts, freqs):
    # PixelResponse.__call__ with interp_mode='bilinear', freq_mode='channel':
    # gather the 4 neighboring beam-map pixels for each query direction and
    # combine with the cached bilinear weights.
    # params: (1, 1, 1, Nfreqs, Npix); inds: (Npts, 4); wgts: (Npts, 4)
    nearest = jnp.take(params, inds, axis=-1)          # (1,1,1,Nfreqs,Npts,4)
    b = jnp.sum(nearest * wgts, axis=-1)               # (1,1,1,Nfreqs,Npts)
    # freq_mode == 'channel': each channel independent, no poly projection.
    # powerbeam with 1pol: beam is real-valued power beam, returned as-is.
    return b

if __name__ == "__main__":
    import jax
    _d = setup_inputs()
    print(jax.jit(kernel)(*tuple(_d.values())))

</pallas_src>

<mosaic_0001>
#map = affine_map<(d0, d1) -> (0, 0)>
#map1 = affine_map<(d0, d1) -> (0)>
module attributes {stable_mosaic.version = 14 : i64} {
  func.func @k(%arg0: i32, %arg1: i32, %arg2: memref<196608x128xf32, #tpu.memory_space<hbm>>, %arg3: memref<262144xi32, #tpu.memory_space<hbm>>, %arg4: memref<262144xf32, #tpu.memory_space<hbm>>, %arg5: memref<65536x128xf32, #tpu.memory_space<hbm>>, %arg6: memref<8192xi32, #tpu.memory_space<vmem>>, %arg7: memref<8192xf32, #tpu.memory_space<vmem>>, %arg8: memref<2x256x128xf32, #tpu.memory_space<vmem>>, %arg9: memref<2x64x128xf32, #tpu.memory_space<vmem>>, %arg10: memref<!tpu.dma_semaphore, #tpu.memory_space<semaphore_mem>>, %arg11: memref<!tpu.dma_semaphore, #tpu.memory_space<semaphore_mem>>, %arg12: memref<!tpu.dma_semaphore, #tpu.memory_space<semaphore_mem>>, %arg13: memref<!tpu.dma_semaphore, #tpu.memory_space<semaphore_mem>>) attributes {dimension_semantics = [#tpu.dimension_semantics<core_parallel>, #tpu.dimension_semantics<subcore_parallel>], iteration_bounds = array<i64: 2, 16>, scalar_prefetch = 0 : i64, scratch_operands = 8 : i64, tpu.core_type = #tpu.core_type<sc_vector_subcore>, window_params = [{transform_indices = #map}, {transform_indices = #map1}, {transform_indices = #map1}, {transform_indices = #map}]} {
    %mul3A = arith.constant 2 : i32
    %mul3A_0 = arith.muli %arg1, %mul3A : i32
    %add3A = arith.addi %mul3A_0, %arg0 : i32
    %mul3A_1 = arith.constant 2048 : i32
    %mul3A_2 = arith.muli %add3A, %mul3A_1 : i32
    %mul3A_3 = arith.constant 8192 : i32
    %mul3A_4 = arith.muli %add3A, %mul3A_3 : i32
    "tpu.region"() ({
      %run_scoped3A = tpu.sem_alloc : memref<!tpu.dma_semaphore, #tpu.memory_space<semaphore_mem>>
      %dma_start3A_78 = tpu.memref_slice %arg3[%mul3A_4] : memref<262144xi32, #tpu.memory_space<hbm>> -> memref<8192xi32, #tpu.memory_space<hbm>>
      %dma_start3A_79 = tpu.memref_slice %arg3[%mul3A_4] : memref<262144xi32, #tpu.memory_space<hbm>> -> memref<8192xi32, #tpu.memory_space<hbm>>
      tpu.enqueue_dma source(%dma_start3A_79 : memref<8192xi32, #tpu.memory_space<hbm>>) target(%arg6 : memref<8192xi32, #tpu.memory_space<vmem>>) target_semaphore(%run_scoped3A : memref<!tpu.dma_semaphore, #tpu.memory_space<semaphore_mem>>)
      %dma_wait3A_80 = tpu.memref_slice %arg3[%mul3A_4] : memref<262144xi32, #tpu.memory_space<hbm>> -> memref<8192xi32, #tpu.memory_space<hbm>>
      %dma_wait3A_81 = tpu.memref_slice %arg3[%mul3A_4] : memref<262144xi32, #tpu.memory_space<hbm>> -> memref<8192xi32, #tpu.memory_space<hbm>>
      tpu.wait_dma2 semaphore(%run_scoped3A : memref<!tpu.dma_semaphore, #tpu.memory_space<semaphore_mem>>) src(%dma_wait3A_81 : memref<8192xi32, #tpu.memory_space<hbm>>) dst(%arg6 : memref<8192xi32, #tpu.memory_space<vmem>>)
      tpu.yield
    }) : () -> ()
    "tpu.region"() ({
      %run_scoped3A = tpu.sem_alloc : memref<!tpu.dma_semaphore, #tpu.memory_space<semaphore_mem>>
      %dma_start3A_78 = tpu.memref_slice %arg4[%mul3A_4] : memref<262144xf32, #tpu.memory_space<hbm>> -> memref<8192xf32, #tpu.memory_space<hbm>>
      %dma_start3A_79 = tpu.memref_slice %arg4[%mul3A_4] : memref<262144xf32, #tpu.memory_space<hbm>> -> memref<8192xf32, #tpu.memory_space<hbm>>
      tpu.enqueue_dma source(%dma_start3A_79 : memref<8192xf32, #tpu.memory_space<hbm>>) target(%arg7 : memref<8192xf32, #tpu.memory_space<vmem>>) target_semaphore(%run_scoped3A : memref<!tpu.dma_semaphore, #tpu.memory_space<semaphore_mem>>)
      %dma_wait3A_80 = tpu.memref_slice %arg4[%mul3A_4] : memref<262144xf32, #tpu.memory_space<hbm>> -> memref<8192xf32, #tpu.memory_space<hbm>>
      %dma_wait3A_81 = tpu.memref_slice %arg4[%mul3A_4] : memref<262144xf32, #tpu.memory_space<hbm>> -> memref<8192xf32, #tpu.memory_space<hbm>>
      tpu.wait_dma2 semaphore(%run_scoped3A : memref<!tpu.dma_semaphore, #tpu.memory_space<semaphore_mem>>) src(%dma_wait3A_81 : memref<8192xf32, #tpu.memory_space<hbm>>) dst(%arg7 : memref<8192xf32, #tpu.memory_space<vmem>>)
      tpu.yield
    }) : () -> ()
    %dma_start3A = arith.constant 0 : i32
    %dma_start3A_5 = arith.constant 0 : i32
    %dma_start3A_6 = arith.constant 0 : i32
    %dma_start3A_7 = tpu.memref_slice %arg8[%dma_start3A, %dma_start3A_5, %dma_start3A_6] : memref<2x256x128xf32, #tpu.memory_space<vmem>> -> memref<1x128x128xf32, #tpu.memory_space<vmem>>
    %dma_start3A_8 = tpu.memref_squeeze %dma_start3A_7 : memref<1x128x128xf32, #tpu.memory_space<vmem>> -> memref<128x128xf32, #tpu.memory_space<vmem>>
    %dma_start3A_9 = arith.constant 0 : i32
    %dma_start3A_10 = tpu.memref_slice %arg6[%dma_start3A_9] : memref<8192xi32, #tpu.memory_space<vmem>> -> memref<128xi32, #tpu.memory_space<vmem>>
    %dma_start3A_11 = arith.constant 0 : i32
    %dma_start3A_12 = arith.constant 0 : i32
    %dma_start3A_13 = tpu.memref_slice %arg2[%dma_start3A_11, %dma_start3A_12] : memref<196608x128xf32, #tpu.memory_space<hbm>> -> memref<196608x128xf32, #tpu.memory_space<hbm>>
    tpu.enqueue_indirect_dma source(%dma_start3A_13 : memref<196608x128xf32, #tpu.memory_space<hbm>>) target(%dma_start3A_8 : memref<128x128xf32, #tpu.memory_space<vmem>>) offsets(%dma_start3A_10 : memref<128xi32, #tpu.memory_space<vmem>>) semaphore(%arg10 : memref<!tpu.dma_semaphore, #tpu.memory_space<semaphore_mem>>)
    %dma_start3A_14 = arith.constant 0 : i32
    %dma_start3A_15 = arith.constant 128 : i32
    %dma_start3A_16 = arith.constant 0 : i32
    %dma_start3A_17 = tpu.memref_slice %arg8[%dma_start3A_14, %dma_start3A_15, %dma_start3A_16] : memref<2x256x128xf32, #tpu.memory_space<vmem>> -> memref<1x128x128xf32, #tpu.memory_space<vmem>>
    %dma_start3A_18 = tpu.memref_squeeze %dma_start3A_17 : memref<1x128x128xf32, #tpu.memory_space<vmem>> -> memref<128x128xf32, #tpu.memory_space<vmem>>
    %dma_start3A_19 = arith.constant 128 : i32
    %dma_start3A_20 = tpu.memref_slice %arg6[%dma_start3A_19] : memref<8192xi32, #tpu.memory_space<vmem>> -> memref<128xi32, #tpu.memory_space<vmem>>
    %dma_start3A_21 = arith.constant 0 : i32
    %dma_start3A_22 = arith.constant 0 : i32
    %dma_start3A_23 = tpu.memref_slice %arg2[%dma_start3A_21, %dma_start3A_22] : memref<196608x128xf32, #tpu.memory_space<hbm>> -> memref<196608x128xf32, #tpu.memory_space<hbm>>
    tpu.enqueue_indirect_dma source(%dma_start3A_23 : memref<196608x128xf32, #tpu.memory_space<hbm>>) target(%dma_start3A_18 : memref<128x128xf32, #tpu.memory_space<vmem>>) offsets(%dma_start3A_20 : memref<128xi32, #tpu.memory_space<vmem>>) semaphore(%arg10 : memref<!tpu.dma_semaphore, #tpu.memory_space<semaphore_mem>>)
    %dma_start3A_24 = arith.constant 1 : i32
    %dma_start3A_25 = arith.constant 0 : i32
    %dma_start3A_26 = arith.constant 0 : i32
    %dma_start3A_27 = tpu.memref_slice %arg8[%dma_start3A_24, %dma_start3A_25, %dma_start3A_26] : memref<2x256x128xf32, #tpu.memory_space<vmem>> -> memref<1x128x128xf32, #tpu.memory_space<vmem>>
    %dma_start3A_28 = tpu.memref_squeeze %dma_start3A_27 : memref<1x128x128xf32, #tpu.memory_space<vmem>> -> memref<128x128xf32, #tpu.memory_space<vmem>>
    %dma_start3A_29 = arith.constant 256 : i32
    %dma_start3A_30 = tpu.memref_slice %arg6[%dma_start3A_29] : memref<8192xi32, #tpu.memory_space<vmem>> -> memref<128xi32, #tpu.memory_space<vmem>>
    %dma_start3A_31 = arith.constant 0 : i32
    %dma_start3A_32 = arith.constant 0 : i32
    %dma_start3A_33 = tpu.memref_slice %arg2[%dma_start3A_31, %dma_start3A_32] : memref<196608x128xf32, #tpu.memory_space<hbm>> -> memref<196608x128xf32, #tpu.memory_space<hbm>>
    tpu.enqueue_indirect_dma source(%dma_start3A_33 : memref<196608x128xf32, #tpu.memory_space<hbm>>) target(%dma_start3A_28 : memref<128x128xf32, #tpu.memory_space<vmem>>) offsets(%dma_start3A_30 : memref<128xi32, #tpu.memory_space<vmem>>) semaphore(%arg11 : memref<!tpu.dma_semaphore, #tpu.memory_space<semaphore_mem>>)
    %dma_start3A_34 = arith.constant 1 : i32
    %dma_start3A_35 = arith.constant 128 : i32
    %dma_start3A_36 = arith.constant 0 : i32
    %dma_start3A_37 = tpu.memref_slice %arg8[%dma_start3A_34, %dma_start3A_35, %dma_start3A_36] : memref<2x256x128xf32, #tpu.memory_space<vmem>> -> memref<1x128x128xf32, #tpu.memory_space<vmem>>
    %dma_start3A_38 = tpu.memref_squeeze %dma_start3A_37 : memref<1x128x128xf32, #tpu.memory_space<vmem>> -> memref<128x128xf32, #tpu.memory_space<vmem>>
    %dma_start3A_39 = arith.constant 384 : i32
    %dma_start3A_40 = tpu.memref_slice %arg6[%dma_start3A_39] : memref<8192xi32, #tpu.memory_space<vmem>> -> memref<128xi32, #tpu.memory_space<vmem>>
    %dma_start3A_41 = arith.constant 0 : i32
    %dma_start3A_42 = arith.constant 0 : i32
    %dma_start3A_43 = tpu.memref_slice %arg2[%dma_start3A_41, %dma_start3A_42] : memref<196608x128xf32, #tpu.memory_space<hbm>> -> memref<196608x128xf32, #tpu.memory_space<hbm>>
    tpu.enqueue_indirect_dma source(%dma_start3A_43 : memref<196608x128xf32, #tpu.memory_space<hbm>>) target(%dma_start3A_38 : memref<128x128xf32, #tpu.memory_space<vmem>>) offsets(%dma_start3A_40 : memref<128xi32, #tpu.memory_space<vmem>>) semaphore(%arg11 : memref<!tpu.dma_semaphore, #tpu.memory_space<semaphore_mem>>)
    %scan3A = arith.constant 0 : i32
    %scan3A_44 = arith.constant 0 : i32
    %scan3A_45 = arith.constant 16 : i32
    %scan3A_46 = arith.addi %scan3A_44, %scan3A_45 : i32
    %scan3A_47 = arith.constant 1 : i32
    scf.for %scan3A_78 = %scan3A_44 to %scan3A_46 step %scan3A_47  : i32 {
      %mul3A_79 = arith.constant 2 : i32
      %mul3A_80 = arith.muli %mul3A_79, %scan3A_78 : i32
      %add3A_81 = arith.constant 0 : i32
      %add3A_82 = arith.addi %mul3A_80, %add3A_81 : i32
      %mul3A_83 = arith.constant 2 : i32
      %mul3A_84 = arith.muli %mul3A_83, %add3A_82 : i32
      %add3A_85 = arith.constant 0 : i32
      %add3A_86 = arith.addi %mul3A_84, %add3A_85 : i32
      %mul3A_87 = arith.constant 128 : i32
      %mul3A_88 = arith.muli %add3A_86, %mul3A_87 : i32
      %dma_wait3A_89 = arith.constant 0 : i32
      %dma_wait3A_90 = arith.constant 0 : i32
      %dma_wait3A_91 = arith.constant 0 : i32
      %dma_wait3A_92 = tpu.memref_slice %arg8[%dma_wait3A_89, %dma_wait3A_90, %dma_wait3A_91] : memref<2x256x128xf32, #tpu.memory_space<vmem>> -> memref<1x128x128xf32, #tpu.memory_space<vmem>>
      %dma_wait3A_93 = tpu.memref_squeeze %dma_wait3A_92 : memref<1x128x128xf32, #tpu.memory_space<vmem>> -> memref<128x128xf32, #tpu.memory_space<vmem>>
      %dma_wait3A_94 = tpu.memref_slice %arg6[%mul3A_88] : memref<8192xi32, #tpu.memory_space<vmem>> -> memref<128xi32, #tpu.memory_space<vmem>>
      %dma_wait3A_95 = arith.constant 0 : i32
      %dma_wait3A_96 = arith.constant 0 : i32
      %dma_wait3A_97 = tpu.memref_slice %arg2[%dma_wait3A_95, %dma_wait3A_96] : memref<196608x128xf32, #tpu.memory_space<hbm>> -> memref<196608x128xf32, #tpu.memory_space<hbm>>
      tpu.wait_indirect_dma semaphore(%arg10 : memref<!tpu.dma_semaphore, #tpu.memory_space<semaphore_mem>>) src(%dma_wait3A_97 : memref<196608x128xf32, #tpu.memory_space<hbm>>) dst(%dma_wait3A_93 : memref<128x128xf32, #tpu.memory_space<vmem>>)
      %mul3A_98 = arith.constant 2 : i32
      %mul3A_99 = arith.muli %mul3A_98, %add3A_82 : i32
      %add3A_100 = arith.constant 1 : i32
      %add3A_101 = arith.addi %mul3A_99, %add3A_100 : i32
      %mul3A_102 = arith.constant 128 : i32
      %mul3A_103 = arith.muli %add3A_101, %mul3A_102 : i32
      %dma_wait3A_104 = arith.constant 0 : i32
      %dma_wait3A_105 = arith.constant 128 : i32
      %dma_wait3A_106 = arith.constant 0 : i32
      %dma_wait3A_107 = tpu.memref_slice %arg8[%dma_wait3A_104, %dma_wait3A_105, %dma_wait3A_106] : memref<2x256x128xf32, #tpu.memory_space<vmem>> -> memref<1x128x128xf32, #tpu.memory_space<vmem>>
      %dma_wait3A_108 = tpu.memref_squeeze %dma_wait3A_107 : memref<1x128x128xf32, #tpu.memory_space<vmem>> -> memref<128x128xf32, #tpu.memory_space<vmem>>
      %dma_wait3A_109 = tpu.memref_slice %arg6[%mul3A_103] : memref<8192xi32, #tpu.memory_space<vmem>> -> memref<128xi32, #tpu.memory_space<vmem>>
      %dma_wait3A_110 = arith.constant 0 : i32
      %dma_wait3A_111 = arith.constant 0 : i32
      %dma_wait3A_112 = tpu.memref_slice %arg2[%dma_wait3A_110, %dma_wait3A_111] : memref<196608x128xf32, #tpu.memory_space<hbm>> -> memref<196608x128xf32, #tpu.memory_space<hbm>>
      tpu.wait_indirect_dma semaphore(%arg10 : memref<!tpu.dma_semaphore, #tpu.memory_space<semaphore_mem>>) src(%dma_wait3A_112 : memref<196608x128xf32, #tpu.memory_space<hbm>>) dst(%dma_wait3A_108 : memref<128x128xf32, #tpu.memory_space<vmem>>)
      %ge3A = arith.constant 1 : i32
      %ge3A_113 = arith.cmpi sge, %scan3A_78, %ge3A : i32
      %convert_element_type3A = arith.extui %ge3A_113 : i1 to i32
      %cond3A = arith.constant 0 : i32
      %cond3A_114 = arith.cmpi ne, %convert_element_type3A, %cond3A : i32
      scf.if %cond3A_114 {
        %sub3A = arith.constant 2 : i32
        %sub3A_204 = arith.subi %add3A_82, %sub3A : i32
        %mul3A_205 = arith.constant 64 : i32
        %mul3A_206 = arith.muli %sub3A_204, %mul3A_205 : i32
        %add3A_207 = arith.addi %mul3A_2, %mul3A_206 : i32
        %dma_wait3A_208 = arith.constant 0 : i32
        %dma_wait3A_209 = arith.constant 0 : i32
        %dma_wait3A_210 = arith.constant 0 : i32
        %dma_wait3A_211 = tpu.memref_slice %arg9[%dma_wait3A_208, %dma_wait3A_209, %dma_wait3A_210] : memref<2x64x128xf32, #tpu.memory_space<vmem>> -> memref<1x64x128xf32, #tpu.memory_space<vmem>>
        %dma_wait3A_212 = tpu.memref_squeeze %dma_wait3A_211 : memref<1x64x128xf32, #tpu.memory_space<vmem>> -> memref<64x128xf32, #tpu.memory_space<vmem>>
        %dma_wait3A_213 = arith.constant 0 : i32
        %dma_wait3A_214 = tpu.memref_slice %arg5[%add3A_207, %dma_wait3A_213] : memref<65536x128xf32, #tpu.memory_space<hbm>> -> memref<64x128xf32, #tpu.memory_space<hbm>>
        %dma_wait3A_215 = arith.constant 0 : i32
        %dma_wait3A_216 = tpu.memref_slice %arg5[%add3A_207, %dma_wait3A_215] : memref<65536x128xf32, #tpu.memory_space<hbm>> -> memref<64x128xf32, #tpu.memory_space<hbm>>
        %dma_wait3A_217 = arith.constant 0 : i32
        %dma_wait3A_218 = arith.constant 0 : i32
        %dma_wait3A_219 = tpu.memref_slice %arg9[%dma_wait3A_208, %dma_wait3A_217, %dma_wait3A_218] : memref<2x64x128xf32, #tpu.memory_space<vmem>> -> memref<1x64x128xf32, #tpu.memory_space<vmem>>
        %dma_wait3A_220 = tpu.memref_squeeze %dma_wait3A_219 : memref<1x64x128xf32, #tpu.memory_space<vmem>> -> memref<64x128xf32, #tpu.memory_space<vmem>>
        tpu.wait_dma2 semaphore(%arg12 : memref<!tpu.dma_semaphore, #tpu.memory_space<semaphore_mem>>) src(%dma_wait3A_220 : memref<64x128xf32, #tpu.memory_space<vmem>>) dst(%dma_wait3A_216 : memref<64x128xf32, #tpu.memory_space<hbm>>)
      } else {
      }
      %parallel_loop3A = arith.constant 0 : i32
      %parallel_loop3A_115 = arith.constant 16 : i32
      %parallel_loop3A_116 = arith.constant 1 : i32
      scf.for %parallel_loop3A_204 = %parallel_loop3A to %parallel_loop3A_115 step %parallel_loop3A_116  : i32 {
        %parallel_loop3A_205 = arith.constant 2 : i32
        %parallel_loop3A_206 = arith.muli %parallel_loop3A_205, %add3A_82 : i32
        %parallel_loop3A_207 = arith.constant 8 : i32
        %parallel_loop3A_208 = arith.divsi %parallel_loop3A_204, %parallel_loop3A_207 : i32
        %parallel_loop3A_209 = arith.constant 0 : i32
        %parallel_loop3A_210 = arith.cmpi sgt, %parallel_loop3A_204, %parallel_loop3A_209 : i32
        %parallel_loop3A_211 = arith.extui %parallel_loop3A_210 : i1 to i32
        %parallel_loop3A_212 = arith.constant 0 : i32
        %parallel_loop3A_213 = arith.cmpi slt, %parallel_loop3A_204, %parallel_loop3A_212 : i32
        %parallel_loop3A_214 = arith.extui %parallel_loop3A_213 : i1 to i32
        %parallel_loop3A_215 = arith.subi %parallel_loop3A_211, %parallel_loop3A_214 : i32
        %parallel_loop3A_216 = arith.constant 0 : i32
        %parallel_loop3A_217 = arith.cmpi sgt, %parallel_loop3A_207, %parallel_loop3A_216 : i32
        %parallel_loop3A_218 = arith.extui %parallel_loop3A_217 : i1 to i32
        %parallel_loop3A_219 = arith.constant 0 : i32
        %parallel_loop3A_220 = arith.cmpi slt, %parallel_loop3A_207, %parallel_loop3A_219 : i32
        %parallel_loop3A_221 = arith.extui %parallel_loop3A_220 : i1 to i32
        %parallel_loop3A_222 = arith.subi %parallel_loop3A_218, %parallel_loop3A_221 : i32
        %parallel_loop3A_223 = arith.cmpi ne, %parallel_loop3A_215, %parallel_loop3A_222 : i32
        %parallel_loop3A_224 = arith.remsi %parallel_loop3A_204, %parallel_loop3A_207 : i32
        %parallel_loop3A_225 = arith.constant 0 : i32
        %parallel_loop3A_226 = arith.cmpi ne, %parallel_loop3A_224, %parallel_loop3A_225 : i32
        %parallel_loop3A_227 = arith.andi %parallel_loop3A_223, %parallel_loop3A_226 : i1
        %parallel_loop3A_228 = arith.constant 1 : i32
        %parallel_loop3A_229 = arith.subi %parallel_loop3A_208, %parallel_loop3A_228 : i32
        %parallel_loop3A_230 = arith.select %parallel_loop3A_227, %parallel_loop3A_229, %parallel_loop3A_208 : i32
        %parallel_loop3A_231 = arith.addi %parallel_loop3A_206, %parallel_loop3A_230 : i32
        %parallel_loop3A_232 = arith.constant 128 : i32
        %parallel_loop3A_233 = arith.muli %parallel_loop3A_231, %parallel_loop3A_232 : i32
        %parallel_loop3A_234 = arith.constant 8 : i32
        %parallel_loop3A_235 = arith.constant 0 : i32
        %parallel_loop3A_236 = arith.cmpi eq, %parallel_loop3A_234, %parallel_loop3A_235 : i32
        %parallel_loop3A_237 = arith.constant 1 : i32
        %parallel_loop3A_238 = arith.select %parallel_loop3A_236, %parallel_loop3A_237, %parallel_loop3A_234 : i32
        %parallel_loop3A_239 = arith.remsi %parallel_loop3A_204, %parallel_loop3A_238 : i32
        %parallel_loop3A_240 = arith.constant 0 : i32
        %parallel_loop3A_241 = arith.cmpi ne, %parallel_loop3A_239, %parallel_loop3A_240 : i32
        %parallel_loop3A_242 = arith.constant 0 : i32
        %parallel_loop3A_243 = arith.cmpi slt, %parallel_loop3A_239, %parallel_loop3A_242 : i32
        %parallel_loop3A_244 = arith.constant 0 : i32
        %parallel_loop3A_245 = arith.cmpi slt, %parallel_loop3A_238, %parallel_loop3A_244 : i32
        %parallel_loop3A_246 = arith.xori %parallel_loop3A_243, %parallel_loop3A_245 : i1
        %parallel_loop3A_247 = arith.andi %parallel_loop3A_246, %parallel_loop3A_241 : i1
        %parallel_loop3A_248 = arith.addi %parallel_loop3A_239, %parallel_loop3A_238 : i32
        %parallel_loop3A_249 = arith.select %parallel_loop3A_247, %parallel_loop3A_248, %parallel_loop3A_239 : i32
        %parallel_loop3A_250 = arith.constant 16 : i32
        %parallel_loop3A_251 = arith.muli %parallel_loop3A_249, %parallel_loop3A_250 : i32
        %parallel_loop3A_252 = arith.addi %parallel_loop3A_233, %parallel_loop3A_251 : i32
        %parallel_loop3A_253 = arith.index_cast %parallel_loop3A_252 : i32 to index
        %parallel_loop3A_254 = tpu.vector_load %arg7[%parallel_loop3A_253] {strides = array<i32>} : memref<8192xf32, #tpu.memory_space<vmem>>, vector<16xf32>,
        %parallel_loop3A_255 = vector.shape_cast %parallel_loop3A_254 : vector<16xf32> to vector<16xf32>
        %parallel_loop3A_256 = arith.constant 4 : i32
        %parallel_loop3A_257 = arith.muli %parallel_loop3A_204, %parallel_loop3A_256 : i32
        %parallel_loop3A_258 = arith.constant 0 : i32
        %parallel_loop3A_259 = arith.addi %parallel_loop3A_257, %parallel_loop3A_258 : i32
        %parallel_loop3A_260 = vector.extract_strided_slice %parallel_loop3A_255 {offsets = [0], sizes = [1], strides = [1]} : vector<16xf32> to vector<1xf32>
        %parallel_loop3A_261 = vector.extract %parallel_loop3A_260[0] : f32 from vector<1xf32>
        %parallel_loop3A_262 = vector.broadcast %parallel_loop3A_261 : f32 to vector<16xf32>
        %parallel_loop3A_263 = vector.extract_strided_slice %parallel_loop3A_255 {offsets = [1], sizes = [1], strides = [1]} : vector<16xf32> to vector<1xf32>
        %parallel_loop3A_264 = vector.extract %parallel_loop3A_263[0] : f32 from vector<1xf32>
        %parallel_loop3A_265 = vector.broadcast %parallel_loop3A_264 : f32 to vector<16xf32>
        %parallel_loop3A_266 = vector.extract_strided_slice %parallel_loop3A_255 {offsets = [2], sizes = [1], strides = [1]} : vector<16xf32> to vector<1xf32>
        %parallel_loop3A_267 = vector.extract %parallel_loop3A_266[0] : f32 from vector<1xf32>
        %parallel_loop3A_268 = vector.broadcast %parallel_loop3A_267 : f32 to vector<16xf32>
        %parallel_loop3A_269 = vector.extract_strided_slice %parallel_loop3A_255 {offsets = [3], sizes = [1], strides = [1]} : vector<16xf32> to vector<1xf32>
        %parallel_loop3A_270 = vector.extract %parallel_loop3A_269[0] : f32 from vector<1xf32>
        %parallel_loop3A_271 = vector.broadcast %parallel_loop3A_270 : f32 to vector<16xf32>
        %parallel_loop3A_272 = arith.constant 4 : i32
        %parallel_loop3A_273 = arith.muli %parallel_loop3A_272, %parallel_loop3A_259 : i32
        %parallel_loop3A_274 = arith.constant 0 : i32
        %parallel_loop3A_275 = arith.addi %parallel_loop3A_273, %parallel_loop3A_274 : i32
        %parallel_loop3A_276 = arith.constant 0 : i32
        %parallel_loop3A_277 = arith.index_cast %parallel_loop3A_276 : i32 to index
        %parallel_loop3A_278 = arith.index_cast %parallel_loop3A_275 : i32 to index
        %parallel_loop3A_279 = arith.constant 0 : index
        %parallel_loop3A_280 = tpu.vector_load %arg8[%parallel_loop3A_277, %parallel_loop3A_278, %parallel_loop3A_279] {strides = array<i32>} : memref<2x256x128xf32, #tpu.memory_space<vmem>>, vector<1x1x16xf32>,
        %parallel_loop3A_281 = vector.shape_cast %parallel_loop3A_280 : vector<1x1x16xf32> to vector<16xf32>
        %parallel_loop3A_282 = arith.mulf %parallel_loop3A_262, %parallel_loop3A_281 : vector<16xf32>
        %parallel_loop3A_283 = arith.constant 4 : i32
        %parallel_loop3A_284 = arith.muli %parallel_loop3A_283, %parallel_loop3A_259 : i32
        %parallel_loop3A_285 = arith.constant 1 : i32
        %parallel_loop3A_286 = arith.addi %parallel_loop3A_284, %parallel_loop3A_285 : i32
        %parallel_loop3A_287 = arith.constant 0 : i32
        %parallel_loop3A_288 = arith.index_cast %parallel_loop3A_287 : i32 to index
        %parallel_loop3A_289 = arith.index_cast %parallel_loop3A_286 : i32 to index
        %parallel_loop3A_290 = arith.constant 0 : index
        %parallel_loop3A_291 = tpu.vector_load %arg8[%parallel_loop3A_288, %parallel_loop3A_289, %parallel_loop3A_290] {strides = array<i32>} : memref<2x256x128xf32, #tpu.memory_space<vmem>>, vector<1x1x16xf32>,
        %parallel_loop3A_292 = vector.shape_cast %parallel_loop3A_291 : vector<1x1x16xf32> to vector<16xf32>
        %parallel_loop3A_293 = arith.mulf %parallel_loop3A_265, %parallel_loop3A_292 : vector<16xf32>
        %parallel_loop3A_294 = arith.addf %parallel_loop3A_282, %parallel_loop3A_293 : vector<16xf32>
        %parallel_loop3A_295 = arith.constant 4 : i32
        %parallel_loop3A_296 = arith.muli %parallel_loop3A_295, %parallel_loop3A_259 : i32
        %parallel_loop3A_297 = arith.constant 2 : i32
        %parallel_loop3A_298 = arith.addi %parallel_loop3A_296, %parallel_loop3A_297 : i32
        %parallel_loop3A_299 = arith.constant 0 : i32
        %parallel_loop3A_300 = arith.index_cast %parallel_loop3A_299 : i32 to index
        %parallel_loop3A_301 = arith.index_cast %parallel_loop3A_298 : i32 to index
        %parallel_loop3A_302 = arith.constant 0 : index
        %parallel_loop3A_303 = tpu.vector_load %arg8[%parallel_loop3A_300, %parallel_loop3A_301, %parallel_loop3A_302] {strides = array<i32>} : memref<2x256x128xf32, #tpu.memory_space<vmem>>, vector<1x1x16xf32>,
        %parallel_loop3A_304 = vector.shape_cast %parallel_loop3A_303 : vector<1x1x16xf32> to vector<16xf32>
        %parallel_loop3A_305 = arith.mulf %parallel_loop3A_268, %parallel_loop3A_304 : vector<16xf32>
        %parallel_loop3A_306 = arith.constant 4 : i32
        %parallel_loop3A_307 = arith.muli %parallel_loop3A_306, %parallel_loop3A_259 : i32
        %parallel_loop3A_308 = arith.constant 3 : i32
        %parallel_loop3A_309 = arith.addi %parallel_loop3A_307, %parallel_loop3A_308 : i32
        %parallel_loop3A_310 = arith.constant 0 : i32
        %parallel_loop3A_311 = arith.index_cast %parallel_loop3A_310 : i32 to index
        %parallel_loop3A_312 = arith.index_cast %parallel_loop3A_309 : i32 to index
        %parallel_loop3A_313 = arith.constant 0 : index
        %parallel_loop3A_314 = tpu.vector_load %arg8[%parallel_loop3A_311, %parallel_loop3A_312, %parallel_loop3A_313] {strides = array<i32>} : memref<2x256x128xf32, #tpu.memory_space<vmem>>, vector<1x1x16xf32>,
        %parallel_loop3A_315 = vector.shape_cast %parallel_loop3A_314 : vector<1x1x16xf32> to vector<16xf32>
        %parallel_loop3A_316 = arith.mulf %parallel_loop3A_271, %parallel_loop3A_315 : vector<16xf32>
        %parallel_loop3A_317 = arith.addf %parallel_loop3A_305, %parallel_loop3A_316 : vector<16xf32>
        %parallel_loop3A_318 = arith.addf %parallel_loop3A_294, %parallel_loop3A_317 : vector<16xf32>
        %parallel_loop3A_319 = arith.constant 0 : i32
        %parallel_loop3A_320 = arith.index_cast %parallel_loop3A_319 : i32 to index
        %parallel_loop3A_321 = arith.index_cast %parallel_loop3A_259 : i32 to index
        %parallel_loop3A_322 = arith.constant 0 : index
        %parallel_loop3A_323 = tpu.vector_load %arg9[%parallel_loop3A_320, %parallel_loop3A_321, %parallel_loop3A_322] {strides = array<i32>} : memref<2x64x128xf32, #tpu.memory_space<vmem>>, vector<1x1x16xf32>,
        %parallel_loop3A_324 = vector.shape_cast %parallel_loop3A_323 : vector<1x1x16xf32> to vector<16xf32>
        %parallel_loop3A_325 = vector.shape_cast %parallel_loop3A_318 : vector<16xf32> to vector<1x1x16xf32>
        tpu.vector_store %arg9[%parallel_loop3A_320, %parallel_loop3A_321, %parallel_loop3A_322], %parallel_loop3A_325 {strides = array<i32>} : memref<2x64x128xf32, #tpu.memory_space<vmem>>, vector<1x1x16xf32>,
        %parallel_loop3A_326 = arith.constant 4 : i32
        %parallel_loop3A_327 = arith.muli %parallel_loop3A_326, %parallel_loop3A_259 : i32
        %parallel_loop3A_328 = arith.constant 0 : i32
        %parallel_loop3A_329 = arith.addi %parallel_loop3A_327, %parallel_loop3A_328 : i32
        %parallel_loop3A_330 = arith.constant 0 : i32
        %parallel_loop3A_331 = arith.index_cast %parallel_loop3A_330 : i32 to index
        %parallel_loop3A_332 = arith.index_cast %parallel_loop3A_329 : i32 to index
        %parallel_loop3A_333 = arith.constant 16 : index
        %parallel_loop3A_334 = tpu.vector_load %arg8[%parallel_loop3A_331, %parallel_loop3A_332, %parallel_loop3A_333] {strides = array<i32>} : memref<2x256x128xf32, #tpu.memory_space<vmem>>, vector<1x1x16xf32>,
        %parallel_loop3A_335 = vector.shape_cast %parallel_loop3A_334 : vector<1x1x16xf32> to vector<16xf32>
        %parallel_loop3A_336 = arith.mulf %parallel_loop3A_262, %parallel_loop3A_335 : vector<16xf32>
        %parallel_loop3A_337 = arith.constant 4 : i32
        %parallel_loop3A_338 = arith.muli %parallel_loop3A_337, %parallel_loop3A_259 : i32
        %parallel_loop3A_339 = arith.constant 1 : i32
        %parallel_loop3A_340 = arith.addi %parallel_loop3A_338, %parallel_loop3A_339 : i32
        %parallel_loop3A_341 = arith.constant 0 : i32
        %parallel_loop3A_342 = arith.index_cast %parallel_loop3A_341 : i32 to index
        %parallel_loop3A_343 = arith.index_cast %parallel_loop3A_340 : i32 to index
        %parallel_loop3A_344 = arith.constant 16 : index
        %parallel_loop3A_345 = tpu.vector_load %arg8[%parallel_loop3A_342, %parallel_loop3A_343, %parallel_loop3A_344] {strides = array<i32>} : memref<2x256x128xf32, #tpu.memory_space<vmem>>, vector<1x1x16xf32>,
        %parallel_loop3A_346 = vector.shape_cast %parallel_loop3A_345 : vector<1x1x16xf32> to vector<16xf32>
        %parallel_loop3A_347 = arith.mulf %parallel_loop3A_265, %parallel_loop3A_346 : vector<16xf32>
        %parallel_loop3A_348 = arith.addf %parallel_loop3A_336, %parallel_loop3A_347 : vector<16xf32>
        %parallel_loop3A_349 = arith.constant 4 : i32
        %parallel_loop3A_350 = arith.muli %parallel_loop3A_349, %parallel_loop3A_259 : i32
        %parallel_loop3A_351 = arith.constant 2 : i32
        %parallel_loop3A_352 = arith.addi %parallel_loop3A_350, %parallel_loop3A_351 : i32
        %parallel_loop3A_353 = arith.constant 0 : i32
        %parallel_loop3A_354 = arith.index_cast %parallel_loop3A_353 : i32 to index
        %parallel_loop3A_355 = arith.index_cast %parallel_loop3A_352 : i32 to index
        %parallel_loop3A_356 = arith.constant 16 : index
        %parallel_loop3A_357 = tpu.vector_load %arg8[%parallel_loop3A_354, %parallel_loop3A_355, %parallel_loop3A_356] {strides = array<i32>} : memref<2x256x128xf32, #tpu.memory_space<vmem>>, vector<1x1x16xf32>,
        %parallel_loop3A_358 = vector.shape_cast %parallel_loop3A_357 : vector<1x1x16xf32> to vector<16xf32>
        %parallel_loop3A_359 = arith.mulf %parallel_loop3A_268, %parallel_loop3A_358 : vector<16xf32>
        %parallel_loop3A_360 = arith.constant 4 : i32
        %parallel_loop3A_361 = arith.muli %parallel_loop3A_360, %parallel_loop3A_259 : i32
        %parallel_loop3A_362 = arith.constant 3 : i32
        %parallel_loop3A_363 = arith.addi %parallel_loop3A_361, %parallel_loop3A_362 : i32
        %parallel_loop3A_364 = arith.constant 0 : i32
        %parallel_loop3A_365 = arith.index_cast %parallel_loop3A_364 : i32 to index
        %parallel_loop3A_366 = arith.index_cast %parallel_loop3A_363 : i32 to index
        %parallel_loop3A_367 = arith.constant 16 : index
        %parallel_loop3A_368 = tpu.vector_load %arg8[%parallel_loop3A_365, %parallel_loop3A_366, %parallel_loop3A_367] {strides = array<i32>} : memref<2x256x128xf32, #tpu.memory_space<vmem>>, vector<1x1x16xf32>,
        %parallel_loop3A_369 = vector.shape_cast %parallel_loop3A_368 : vector<1x1x16xf32> to vector<16xf32>
        %parallel_loop3A_370 = arith.mulf %parallel_loop3A_271, %parallel_loop3A_369 : vector<16xf32>
        %parallel_loop3A_371 = arith.addf %parallel_loop3A_359, %parallel_loop3A_370 : vector<16xf32>
        %parallel_loop3A_372 = arith.addf %parallel_loop3A_348, %parallel_loop3A_371 : vector<16xf32>
        %parallel_loop3A_373 = arith.constant 0 : i32
        %parallel_loop3A_374 = arith.index_cast %parallel_loop3A_373 : i32 to index
        %parallel_loop3A_375 = arith.index_cast %parallel_loop3A_259 : i32 to index
        %parallel_loop3A_376 = arith.constant 16 : index
        %parallel_loop3A_377 = tpu.vector_load %arg9[%parallel_loop3A_374, %parallel_loop3A_375, %parallel_loop3A_376] {strides = array<i32>} : memref<2x64x128xf32, #tpu.memory_space<vmem>>, vector<1x1x16xf32>,
        %parallel_loop3A_378 = vector.shape_cast %parallel_loop3A_377 : vector<1x1x16xf32> to vector<16xf32>
        %parallel_loop3A_379 = vector.shape_cast %parallel_loop3A_372 : vector<16xf32> to vector<1x1x16xf32>
        tpu.vector_store %arg9[%parallel_loop3A_374, %parallel_loop3A_375, %parallel_loop3A_376], %parallel_loop3A_379 {strides = array<i32>} : memref<2x64x128xf32, #tpu.memory_space<vmem>>, vector<1x1x16xf32>,
        %parallel_loop3A_380 = arith.constant 4 : i32
        %parallel_loop3A_381 = arith.muli %parallel_loop3A_380, %parallel_loop3A_259 : i32
        %parallel_loop3A_382 = arith.constant 0 : i32
        %parallel_loop3A_383 = arith.addi %parallel_loop3A_381, %parallel_loop3A_382 : i32
        %parallel_loop3A_384 = arith.constant 0 : i32
        %parallel_loop3A_385 = arith.index_cast %parallel_loop3A_384 : i32 to index
        %parallel_loop3A_386 = arith.index_cast %parallel_loop3A_383 : i32 to index
        %parallel_loop3A_387 = arith.constant 32 : index
        %parallel_loop3A_388 = tpu.vector_load %arg8[%parallel_loop3A_385, %parallel_loop3A_386, %parallel_loop3A_387] {strides = array<i32>} : memref<2x256x128xf32, #tpu.memory_space<vmem>>, vector<1x1x16xf32>,
        %parallel_loop3A_389 = vector.shape_cast %parallel_loop3A_388 : vector<1x1x16xf32> to vector<16xf32>
        %parallel_loop3A_390 = arith.mulf %parallel_loop3A_262, %parallel_loop3A_389 : vector<16xf32>
        %parallel_loop3A_391 = arith.constant 4 : i32
        %parallel_loop3A_392 = arith.muli %parallel_loop3A_391, %parallel_loop3A_259 : i32
        %parallel_loop3A_393 = arith.constant 1 : i32
        %parallel_loop3A_394 = arith.addi %parallel_loop3A_392, %parallel_loop3A_393 : i32
        %parallel_loop3A_395 = arith.constant 0 : i32
        %parallel_loop3A_396 = arith.index_cast %parallel_loop3A_395 : i32 to index
        %parallel_loop3A_397 = arith.index_cast %parallel_loop3A_394 : i32 to index
        %parallel_loop3A_398 = arith.constant 32 : index
        %parallel_loop3A_399 = tpu.vector_load %arg8[%parallel_loop3A_396, %parallel_loop3A_397, %parallel_loop3A_398] {strides = array<i32>} : memref<2x256x128xf32, #tpu.memory_space<vmem>>, vector<1x1x16xf32>,
        %parallel_loop3A_400 = vector.shape_cast %parallel_loop3A_399 : vector<1x1x16xf32> to vector<16xf32>
        %parallel_loop3A_401 = arith.mulf %parallel_loop3A_265, %parallel_loop3A_400 : vector<16xf32>
        %parallel_loop3A_402 = arith.addf %parallel_loop3A_390, %parallel_loop3A_401 : vector<16xf32>
        %parallel_loop3A_403 = arith.constant 4 : i32
        %parallel_loop3A_404 = arith.muli %parallel_loop3A_403, %parallel_loop3A_259 : i32
        %parallel_loop3A_405 = arith.constant 2 : i32
        %parallel_loop3A_406 = arith.addi %parallel_loop3A_404, %parallel_loop3A_405 : i32
        %parallel_loop3A_407 = arith.constant 0 : i32
        %parallel_loop3A_408 = arith.index_cast %parallel_loop3A_407 : i32 to index
        %parallel_loop3A_409 = arith.index_cast %parallel_loop3A_406 : i32 to index
        %parallel_loop3A_410 = arith.constant 32 : index
        %parallel_loop3A_411 = tpu.vector_load %arg8[%parallel_loop3A_408, %parallel_loop3A_409, %parallel_loop3A_410] {strides = array<i32>} : memref<2x256x128xf32, #tpu.memory_space<vmem>>, vector<1x1x16xf32>,
        %parallel_loop3A_412 = vector.shape_cast %parallel_loop3A_411 : vector<1x1x16xf32> to vector<16xf32>
        %parallel_loop3A_413 = arith.mulf %parallel_loop3A_268, %parallel_loop3A_412 : vector<16xf32>
        %parallel_loop3A_414 = arith.constant 4 : i32
        %parallel_loop3A_415 = arith.muli %parallel_loop3A_414, %parallel_loop3A_259 : i32
        %parallel_loop3A_416 = arith.constant 3 : i32
        %parallel_loop3A_417 = arith.addi %parallel_loop3A_415, %parallel_loop3A_416 : i32
        %parallel_loop3A_418 = arith.constant 0 : i32
        %parallel_loop3A_419 = arith.index_cast %parallel_loop3A_418 : i32 to index
        %parallel_loop3A_420 = arith.index_cast %parallel_loop3A_417 : i32 to index
        %parallel_loop3A_421 = arith.constant 32 : index
        %parallel_loop3A_422 = tpu.vector_load %arg8[%parallel_loop3A_419, %parallel_loop3A_420, %parallel_loop3A_421] {strides = array<i32>} : memref<2x256x128xf32, #tpu.memory_space<vmem>>, vector<1x1x16xf32>,
        %parallel_loop3A_423 = vector.shape_cast %parallel_loop3A_422 : vector<1x1x16xf32> to vector<16xf32>
        %parallel_loop3A_424 = arith.mulf %parallel_loop3A_271, %parallel_loop3A_423 : vector<16xf32>
        %parallel_loop3A_425 = arith.addf %parallel_loop3A_413, %parallel_loop3A_424 : vector<16xf32>
        %parallel_loop3A_426 = arith.addf %parallel_loop3A_402, %parallel_loop3A_425 : vector<16xf32>
        %parallel_loop3A_427 = arith.constant 0 : i32
        %parallel_loop3A_428 = arith.index_cast %parallel_loop3A_427 : i32 to index
        %parallel_loop3A_429 = arith.index_cast %parallel_loop3A_259 : i32 to index
        %parallel_loop3A_430 = arith.constant 32 : index
        %parallel_loop3A_431 = tpu.vector_load %arg9[%parallel_loop3A_428, %parallel_loop3A_429, %parallel_loop3A_430] {strides = array<i32>} : memref<2x64x128xf32, #tpu.memory_space<vmem>>, vector<1x1x16xf32>,
        %parallel_loop3A_432 = vector.shape_cast %parallel_loop3A_431 : vector<1x1x16xf32> to vector<16xf32>
        %parallel_loop3A_433 = vector.shape_cast %parallel_loop3A_426 : vector<16xf32> to vector<1x1x16xf32>
        tpu.vector_store %arg9[%parallel_loop3A_428, %parallel_loop3A_429, %parallel_loop3A_430], %parallel_loop3A_433 {strides = array<i32>} : memref<2x64x128xf32, #tpu.memory_space<vmem>>, vector<1x1x16xf32>,
        %parallel_loop3A_434 = arith.constant 4 : i32
        %parallel_loop3A_435 = arith.muli %parallel_loop3A_434, %parallel_loop3A_259 : i32
        %parallel_loop3A_436 = arith.constant 0 : i32
        %parallel_loop3A_437 = arith.addi %parallel_loop3A_435, %parallel_loop3A_436 : i32
        %parallel_loop3A_438 = arith.constant 0 : i32
        %parallel_loop3A_439 = arith.index_cast %parallel_loop3A_438 : i32 to index
        %parallel_loop3A_440 = arith.index_cast %parallel_loop3A_437 : i32 to index
        %parallel_loop3A_441 = arith.constant 48 : index
        %parallel_loop3A_442 = tpu.vector_load %arg8[%parallel_loop3A_439, %parallel_loop3A_440, %parallel_loop3A_441] {strides = array<i32>} : memref<2x256x128xf32, #tpu.memory_space<vmem>>, vector<1x1x16xf32>,
        %parallel_loop3A_443 = vector.shape_cast %parallel_loop3A_442 : vector<1x1x16xf32> to vector<16xf32>
        %parallel_loop3A_444 = arith.mulf %parallel_loop3A_262, %parallel_loop3A_443 : vector<16xf32>
        %parallel_loop3A_445 = arith.constant 4 : i32
        %parallel_loop3A_446 = arith.muli %parallel_loop3A_445, %parallel_loop3A_259 : i32
        %parallel_loop3A_447 = arith.constant 1 : i32
        %parallel_loop3A_448 = arith.addi %parallel_loop3A_446, %parallel_loop3A_447 : i32
        %parallel_loop3A_449 = arith.constant 0 : i32
        %parallel_loop3A_450 = arith.index_cast %parallel_loop3A_449 : i32 to index
        %parallel_loop3A_451 = arith.index_cast %parallel_loop3A_448 : i32 to index
        %parallel_loop3A_452 = arith.constant 48 : index
        %parallel_loop3A_453 = tpu.vector_load %arg8[%parallel_loop3A_450, %parallel_loop3A_451, %parallel_loop3A_452] {strides = array<i32>} : memref<2x256x128xf32, #tpu.memory_space<vmem>>, vector<1x1x16xf32>,
        %parallel_loop3A_454 = vector.shape_cast %parallel_loop3A_453 : vector<1x1x16xf32> to vector<16xf32>
        %parallel_loop3A_455 = arith.mulf %parallel_loop3A_265, %parallel_loop3A_454 : vector<16xf32>
        %parallel_loop3A_456 = arith.addf %parallel_loop3A_444, %parallel_loop3A_455 : vector<16xf32>
        %parallel_loop3A_457 = arith.constant 4 : i32
        %parallel_loop3A_458 = arith.muli %parallel_loop3A_457, %parallel_loop3A_259 : i32
        %parallel_loop3A_459 = arith.constant 2 : i32
        %parallel_loop3A_460 = arith.addi %parallel_loop3A_458, %parallel_loop3A_459 : i32
        %parallel_loop3A_461 = arith.constant 0 : i32
        %parallel_loop3A_462 = arith.index_cast %parallel_loop3A_461 : i32 to index
        %parallel_loop3A_463 = arith.index_cast %parallel_loop3A_460 : i32 to index
        %parallel_loop3A_464 = arith.constant 48 : index
        %parallel_loop3A_465 = tpu.vector_load %arg8[%parallel_loop3A_462, %parallel_loop3A_463, %parallel_loop3A_464] {strides = array<i32>} : memref<2x256x128xf32, #tpu.memory_space<vmem>>, vector<1x1x16xf32>,
        %parallel_loop3A_466 = vector.shape_cast %parallel_loop3A_465 : vector<1x1x16xf32> to vector<16xf32>
        %parallel_loop3A_467 = arith.mulf %parallel_loop3A_268, %parallel_loop3A_466 : vector<16xf32>
        %parallel_loop3A_468 = arith.constant 4 : i32
        %parallel_loop3A_469 = arith.muli %parallel_loop3A_468, %parallel_loop3A_259 : i32
        %parallel_loop3A_470 = arith.constant 3 : i32
        %parallel_loop3A_471 = arith.addi %parallel_loop3A_469, %parallel_loop3A_470 : i32
        %parallel_loop3A_472 = arith.constant 0 : i32
        %parallel_loop3A_473 = arith.index_cast %parallel_loop3A_472 : i32 to index
        %parallel_loop3A_474 = arith.index_cast %parallel_loop3A_471 : i32 to index
        %parallel_loop3A_475 = arith.constant 48 : index
        %parallel_loop3A_476 = tpu.vector_load %arg8[%parallel_loop3A_473, %parallel_loop3A_474, %parallel_loop3A_475] {strides = array<i32>} : memref<2x256x128xf32, #tpu.memory_space<vmem>>, vector<1x1x16xf32>,
        %parallel_loop3A_477 = vector.shape_cast %parallel_loop3A_476 : vector<1x1x16xf32> to vector<16xf32>
        %parallel_loop3A_478 = arith.mulf %parallel_loop3A_271, %parallel_loop3A_477 : vector<16xf32>
        %parallel_loop3A_479 = arith.addf %parallel_loop3A_467, %parallel_loop3A_478 : vector<16xf32>
        %parallel_loop3A_480 = arith.addf %parallel_loop3A_456, %parallel_loop3A_479 : vector<16xf32>
        %parallel_loop3A_481 = arith.constant 0 : i32
        %parallel_loop3A_482 = arith.index_cast %parallel_loop3A_481 : i32 to index
        %parallel_loop3A_483 = arith.index_cast %parallel_loop3A_259 : i32 to index
        %parallel_loop3A_484 = arith.constant 48 : index
        %parallel_loop3A_485 = tpu.vector_load %arg9[%parallel_loop3A_482, %parallel_loop3A_483, %parallel_loop3A_484] {strides = array<i32>} : memref<2x64x128xf32, #tpu.memory_space<vmem>>, vector<1x1x16xf32>,
        %parallel_loop3A_486 = vector.shape_cast %parallel_loop3A_485 : vector<1x1x16xf32> to vector<16xf32>
        %parallel_loop3A_487 = vector.shape_cast %parallel_loop3A_480 : vector<16xf32> to vector<1x1x16xf32>
        tpu.vector_store %arg9[%parallel_loop3A_482, %parallel_loop3A_483, %parallel_loop3A_484], %parallel_loop3A_487 {strides = array<i32>} : memref<2x64x128xf32, #tpu.memory_space<vmem>>, vector<1x1x16xf32>,
        %parallel_loop3A_488 = arith.constant 4 : i32
        %parallel_loop3A_489 = arith.muli %parallel_loop3A_488, %parallel_loop3A_259 : i32
        %parallel_loop3A_490 = arith.constant 0 : i32
        %parallel_loop3A_491 = arith.addi %parallel_loop3A_489, %parallel_loop3A_490 : i32
        %parallel_loop3A_492 = arith.constant 0 : i32
        %parallel_loop3A_493 = arith.index_cast %parallel_loop3A_492 : i32 to index
        %parallel_loop3A_494 = arith.index_cast %parallel_loop3A_491 : i32 to index
        %parallel_loop3A_495 = arith.constant 64 : index
        %parallel_loop3A_496 = tpu.vector_load %arg8[%parallel_loop3A_493, %parallel_loop3A_494, %parallel_loop3A_495] {strides = array<i32>} : memref<2x256x128xf32, #tpu.memory_space<vmem>>, vector<1x1x16xf32>,
        %parallel_loop3A_497 = vector.shape_cast %parallel_loop3A_496 : vector<1x1x16xf32> to vector<16xf32>
        %parallel_loop3A_498 = arith.mulf %parallel_loop3A_262, %parallel_loop3A_497 : vector<16xf32>
        %parallel_loop3A_499 = arith.constant 4 : i32
        %parallel_loop3A_500 = arith.muli %parallel_loop3A_499, %parallel_loop3A_259 : i32
        %parallel_loop3A_501 = arith.constant 1 : i32
        %parallel_loop3A_502 = arith.addi %parallel_loop3A_500, %parallel_loop3A_501 : i32
        %parallel_loop3A_503 = arith.constant 0 : i32
        %parallel_loop3A_504 = arith.index_cast %parallel_loop3A_503 : i32 to index
        %parallel_loop3A_505 = arith.index_cast %parallel_loop3A_502 : i32 to index
        %parallel_loop3A_506 = arith.constant 64 : index
        %parallel_loop3A_507 = tpu.vector_load %arg8[%parallel_loop3A_504, %parallel_loop3A_505, %parallel_loop3A_506] {strides = array<i32>} : memref<2x256x128xf32, #tpu.memory_space<vmem>>, vector<1x1x16xf32>,
        %parallel_loop3A_508 = vector.shape_cast %parallel_loop3A_507 : vector<1x1x16xf32> to vector<16xf32>
        %parallel_loop3A_509 = arith.mulf %parallel_loop3A_265, %parallel_loop3A_508 : vector<16xf32>
        %parallel_loop3A_510 = arith.addf %parallel_loop3A_498, %parallel_loop3A_509 : vector<16xf32>
        %parallel_loop3A_511 = arith.constant 4 : i32
        %parallel_loop3A_512 = arith.muli %parallel_loop3A_511, %parallel_loop3A_259 : i32
        %parallel_loop3A_513 = arith.constant 2 : i32
        %parallel_loop3A_514 = arith.addi %parallel_loop3A_512, %parallel_loop3A_513 : i32
        %parallel_loop3A_515 = arith.constant 0 : i32
        %parallel_loop3A_516 = arith.index_cast %parallel_loop3A_515 : i32 to index
        %parallel_loop3A_517 = arith.index_cast %parallel_loop3A_514 : i32 to index
        %parallel_loop3A_518 = arith.constant 64 : index
        %parallel_loop3A_519 = tpu.vector_load %arg8[%parallel_loop3A_516, %parallel_loop3A_517, %parallel_loop3A_518] {strides = array<i32>} : memref<2x256x128xf32, #tpu.memory_space<vmem>>, vector<1x1x16xf32>,
        %parallel_loop3A_520 = vector.shape_cast %parallel_loop3A_519 : vector<1x1x16xf32> to vector<16xf32>
        %parallel_loop3A_521 = arith.mulf %parallel_loop3A_268, %parallel_loop3A_520 : vector<16xf32>
        %parallel_loop3A_522 = arith.constant 4 : i32
        %parallel_loop3A_523 = arith.muli %parallel_loop3A_522, %parallel_loop3A_259 : i32
        %parallel_loop3A_524 = arith.constant 3 : i32
        %parallel_loop3A_525 = arith.addi %parallel_loop3A_523, %parallel_loop3A_524 : i32
        %parallel_loop3A_526 = arith.constant 0 : i32
        %parallel_loop3A_527 = arith.index_cast %parallel_loop3A_526 : i32 to index
        %parallel_loop3A_528 = arith.index_cast %parallel_loop3A_525 : i32 to index
        %parallel_loop3A_529 = arith.constant 64 : index
        %parallel_loop3A_530 = tpu.vector_load %arg8[%parallel_loop3A_527, %parallel_loop3A_528, %parallel_loop3A_529] {strides = array<i32>} : memref<2x256x128xf32, #tpu.memory_space<vmem>>, vector<1x1x16xf32>,
        %parallel_loop3A_531 = vector.shape_cast %parallel_loop3A_530 : vector<1x1x16xf32> to vector<16xf32>
        %parallel_loop3A_532 = arith.mulf %parallel_loop3A_271, %parallel_loop3A_531 : vector<16xf32>
        %parallel_loop3A_533 = arith.addf %parallel_loop3A_521, %parallel_loop3A_532 : vector<16xf32>
        %parallel_loop3A_534 = arith.addf %parallel_loop3A_510, %parallel_loop3A_533 : vector<16xf32>
        %parallel_loop3A_535 = arith.constant 0 : i32
        %parallel_loop3A_536 = arith.index_cast %parallel_loop3A_535 : i32 to index
        %parallel_loop3A_537 = arith.index_cast %parallel_loop3A_259 : i32 to index
        %parallel_loop3A_538 = arith.constant 64 : index
        %parallel_loop3A_539 = tpu.vector_load %arg9[%parallel_loop3A_536, %parallel_loop3A_537, %parallel_loop3A_538] {strides = array<i32>} : memref<2x64x128xf32, #tpu.memory_space<vmem>>, vector<1x1x16xf32>,
        %parallel_loop3A_540 = vector.shape_cast %parallel_loop3A_539 : vector<1x1x16xf32> to vector<16xf32>
        %parallel_loop3A_541 = vector.shape_cast %parallel_loop3A_534 : vector<16xf32> to vector<1x1x16xf32>
        tpu.vector_store %arg9[%parallel_loop3A_536, %parallel_loop3A_537, %parallel_loop3A_538], %parallel_loop3A_541 {strides = array<i32>} : memref<2x64x128xf32, #tpu.memory_space<vmem>>, vector<1x1x16xf32>,
        %parallel_loop3A_542 = arith.constant 4 : i32
        %parallel_loop3A_543 = arith.muli %parallel_loop3A_542, %parallel_loop3A_259 : i32
        %parallel_loop3A_544 = arith.constant 0 : i32
        %parallel_loop3A_545 = arith.addi %parallel_loop3A_543, %parallel_loop3A_544 : i32
        %parallel_loop3A_546 = arith.constant 0 : i32
        %parallel_loop3A_547 = arith.index_cast %parallel_loop3A_546 : i32 to index
        %parallel_loop3A_548 = arith.index_cast %parallel_loop3A_545 : i32 to index
        %parallel_loop3A_549 = arith.constant 80 : index
        %parallel_loop3A_550 = tpu.vector_load %arg8[%parallel_loop3A_547, %parallel_loop3A_548, %parallel_loop3A_549] {strides = array<i32>} : memref<2x256x128xf32, #tpu.memory_space<vmem>>, vector<1x1x16xf32>,
        %parallel_loop3A_551 = vector.shape_cast %parallel_loop3A_550 : vector<1x1x16xf32> to vector<16xf32>
        %parallel_loop3A_552 = arith.mulf %parallel_loop3A_262, %parallel_loop3A_551 : vector<16xf32>
        %parallel_loop3A_553 = arith.constant 4 : i32
        %parallel_loop3A_554 = arith.muli %parallel_loop3A_553, %parallel_loop3A_259 : i32
        %parallel_loop3A_555 = arith.constant 1 : i32
        %parallel_loop3A_556 = arith.addi %parallel_loop3A_554, %parallel_loop3A_555 : i32
        %parallel_loop3A_557 = arith.constant 0 : i32
        %parallel_loop3A_558 = arith.index_cast %parallel_loop3A_557 : i32 to index
        %parallel_loop3A_559 = arith.index_cast %parallel_loop3A_556 : i32 to index
        %parallel_loop3A_560 = arith.constant 80 : index
        %parallel_loop3A_561 = tpu.vector_load %arg8[%parallel_loop3A_558, %parallel_loop3A_559, %parallel_loop3A_560] {strides = array<i32>} : memref<2x256x128xf32, #tpu.memory_space<vmem>>, vector<1x1x16xf32>,
        %parallel_loop3A_562 = vector.shape_cast %parallel_loop3A_561 : vector<1x1x16xf32> to vector<16xf32>
        %parallel_loop3A_563 = arith.mulf %parallel_loop3A_265, %parallel_loop3A_562 : vector<16xf32>
        %parallel_loop3A_564 = arith.addf %parallel_loop3A_552, %parallel_loop3A_563 : vector<16xf32>
        %parallel_loop3A_565 = arith.constant 4 : i32
        %parallel_loop3A_566 = arith.muli %parallel_loop3A_565, %parallel_loop3A_259 : i32
        %parallel_loop3A_567 = arith.constant 2 : i32
        %parallel_loop3A_568 = arith.addi %parallel_loop3A_566, %parallel_loop3A_567 : i32
        %parallel_loop3A_569 = arith.constant 0 : i32
        %parallel_loop3A_570 = arith.index_cast %parallel_loop3A_569 : i32 to index
        %parallel_loop3A_571 = arith.index_cast %parallel_loop3A_568 : i32 to index
        %parallel_loop3A_572 = arith.constant 80 : index
        %parallel_loop3A_573 = tpu.vector_load %arg8[%parallel_loop3A_570, %parallel_loop3A_571, %parallel_loop3A_572] {strides = array<i32>} : memref<2x256x128xf32, #tpu.memory_space<vmem>>, vector<1x1x16xf32>,
        %parallel_loop3A_574 = vector.shape_cast %parallel_loop3A_573 : vector<1x1x16xf32> to vector<16xf32>
        %parallel_loop3A_575 = arith.mulf %parallel_loop3A_268, %parallel_loop3A_574 : vector<16xf32>
        %parallel_loop3A_576 = arith.constant 4 : i32
        %parallel_loop3A_577 = arith.muli %parallel_loop3A_576, %parallel_loop3A_259 : i32
        %parallel_loop3A_578 = arith.constant 3 : i32
        %parallel_loop3A_579 = arith.addi %parallel_loop3A_577, %parallel_loop3A_578 : i32
        %parallel_loop3A_580 = arith.constant 0 : i32
        %parallel_loop3A_581 = arith.index_cast %parallel_loop3A_580 : i32 to index
        %parallel_loop3A_582 = arith.index_cast %parallel_loop3A_579 : i32 to index
        %parallel_loop3A_583 = arith.constant 80 : index
        %parallel_loop3A_584 = tpu.vector_load %arg8[%parallel_loop3A_581, %parallel_loop3A_582, %parallel_loop3A_583] {strides = array<i32>} : memref<2x256x128xf32, #tpu.memory_space<vmem>>, vector<1x1x16xf32>,
        %parallel_loop3A_585 = vector.shape_cast %parallel_loop3A_584 : vector<1x1x16xf32> to vector<16xf32>
        %parallel_loop3A_586 = arith.mulf %parallel_loop3A_271, %parallel_loop3A_585 : vector<16xf32>
        %parallel_loop3A_587 = arith.addf %parallel_loop3A_575, %parallel_loop3A_586 : vector<16xf32>
        %parallel_loop3A_588 = arith.addf %parallel_loop3A_564, %parallel_loop3A_587 : vector<16xf32>
        %parallel_loop3A_589 = arith.constant 0 : i32
        %parallel_loop3A_590 = arith.index_cast %parallel_loop3A_589 : i32 to index
        %parallel_loop3A_591 = arith.index_cast %parallel_loop3A_259 : i32 to index
        %parallel_loop3A_592 = arith.constant 80 : index
        %parallel_loop3A_593 = tpu.vector_load %arg9[%parallel_loop3A_590, %parallel_loop3A_591, %parallel_loop3A_592] {strides = array<i32>} : memref<2x64x128xf32, #tpu.memory_space<vmem>>, vector<1x1x16xf32>,
        %parallel_loop3A_594 = vector.shape_cast %parallel_loop3A_593 : vector<1x1x16xf32> to vector<16xf32>
        %parallel_loop3A_595 = vector.shape_cast %parallel_loop3A_588 : vector<16xf32> to vector<1x1x16xf32>
        tpu.vector_store %arg9[%parallel_loop3A_590, %parallel_loop3A_591, %parallel_loop3A_592], %parallel_loop3A_595 {strides = array<i32>} : memref<2x64x128xf32, #tpu.memory_space<vmem>>, vector<1x1x16xf32>,
        %parallel_loop3A_596 = arith.constant 4 : i32
        %parallel_loop3A_597 = arith.muli %parallel_loop3A_596, %parallel_loop3A_259 : i32
        %parallel_loop3A_598 = arith.constant 0 : i32
        %parallel_loop3A_599 = arith.addi %parallel_loop3A_597, %parallel_loop3A_598 : i32
        %parallel_loop3A_600 = arith.constant 0 : i32
        %parallel_loop3A_601 = arith.index_cast %parallel_loop3A_600 : i32 to index
        %parallel_loop3A_602 = arith.index_cast %parallel_loop3A_599 : i32 to index
        %parallel_loop3A_603 = arith.constant 96 : index
        %parallel_loop3A_604 = tpu.vector_load %arg8[%parallel_loop3A_601, %parallel_loop3A_602, %parallel_loop3A_603] {strides = array<i32>} : memref<2x256x128xf32, #tpu.memory_space<vmem>>, vector<1x1x16xf32>,
        %parallel_loop3A_605 = vector.shape_cast %parallel_loop3A_604 : vector<1x1x16xf32> to vector<16xf32>
        %parallel_loop3A_606 = arith.mulf %parallel_loop3A_262, %parallel_loop3A_605 : vector<16xf32>
        %parallel_loop3A_607 = arith.constant 4 : i32
        %parallel_loop3A_608 = arith.muli %parallel_loop3A_607, %parallel_loop3A_259 : i32
        %parallel_loop3A_609 = arith.constant 1 : i32
        %parallel_loop3A_610 = arith.addi %parallel_loop3A_608, %parallel_loop3A_609 : i32
        %parallel_loop3A_611 = arith.constant 0 : i32
        %parallel_loop3A_612 = arith.index_cast %parallel_loop3A_611 : i32 to index
        %parallel_loop3A_613 = arith.index_cast %parallel_loop3A_610 : i32 to index
        %parallel_loop3A_614 = arith.constant 96 : index
        %parallel_loop3A_615 = tpu.vector_load %arg8[%parallel_loop3A_612, %parallel_loop3A_613, %parallel_loop3A_614] {strides = array<i32>} : memref<2x256x128xf32, #tpu.memory_space<vmem>>, vector<1x1x16xf32>,
        %parallel_loop3A_616 = vector.shape_cast %parallel_loop3A_615 : vector<1x1x16xf32> to vector<16xf32>
        %parallel_loop3A_617 = arith.mulf %parallel_loop3A_265, %parallel_loop3A_616 : vector<16xf32>
        %parallel_loop3A_618 = arith.addf %parallel_loop3A_606, %parallel_loop3A_617 : vector<16xf32>
        %parallel_loop3A_619 = arith.constant 4 : i32
        %parallel_loop3A_620 = arith.muli %parallel_loop3A_619, %parallel_loop3A_259 : i32
        %parallel_loop3A_621 = arith.constant 2 : i32
        %parallel_loop3A_622 = arith.addi %parallel_loop3A_620, %parallel_loop3A_621 : i32
        %parallel_loop3A_623 = arith.constant 0 : i32
        %parallel_loop3A_624 = arith.index_cast %parallel_loop3A_623 : i32 to index
        %parallel_loop3A_625 = arith.index_cast %parallel_loop3A_622 : i32 to index
        %parallel_loop3A_626 = arith.constant 96 : index
        %parallel_loop3A_627 = tpu.vector_load %arg8[%parallel_loop3A_624, %parallel_loop3A_625, %parallel_loop3A_626] {strides = array<i32>} : memref<2x256x128xf32, #tpu.memory_space<vmem>>, vector<1x1x16xf32>,
        %parallel_loop3A_628 = vector.shape_cast %parallel_loop3A_627 : vector<1x1x16xf32> to vector<16xf32>
        %parallel_loop3A_629 = arith.mulf %parallel_loop3A_268, %parallel_loop3A_628 : vector<16xf32>
        %parallel_loop3A_630 = arith.constant 4 : i32
        %parallel_loop3A_631 = arith.muli %parallel_loop3A_630, %parallel_loop3A_259 : i32
        %parallel_loop3A_632 = arith.constant 3 : i32
        %parallel_loop3A_633 = arith.addi %parallel_loop3A_631, %parallel_loop3A_632 : i32
        %parallel_loop3A_634 = arith.constant 0 : i32
        %parallel_loop3A_635 = arith.index_cast %parallel_loop3A_634 : i32 to index
        %parallel_loop3A_636 = arith.index_cast %parallel_loop3A_633 : i32 to index
        %parallel_loop3A_637 = arith.constant 96 : index
        %parallel_loop3A_638 = tpu.vector_load %arg8[%parallel_loop3A_635, %parallel_loop3A_636, %parallel_loop3A_637] {strides = array<i32>} : memref<2x256x128xf32, #tpu.memory_space<vmem>>, vector<1x1x16xf32>,
        %parallel_loop3A_639 = vector.shape_cast %parallel_loop3A_638 : vector<1x1x16xf32> to vector<16xf32>
        %parallel_loop3A_640 = arith.mulf %parallel_loop3A_271, %parallel_loop3A_639 : vector<16xf32>
        %parallel_loop3A_641 = arith.addf %parallel_loop3A_629, %parallel_loop3A_640 : vector<16xf32>
        %parallel_loop3A_642 = arith.addf %parallel_loop3A_618, %parallel_loop3A_641 : vector<16xf32>
        %parallel_loop3A_643 = arith.constant 0 : i32
        %parallel_loop3A_644 = arith.index_cast %parallel_loop3A_643 : i32 to index
        %parallel_loop3A_645 = arith.index_cast %parallel_loop3A_259 : i32 to index
        %parallel_loop3A_646 = arith.constant 96 : index
        %parallel_loop3A_647 = tpu.vector_load %arg9[%parallel_loop3A_644, %parallel_loop3A_645, %parallel_loop3A_646] {strides = array<i32>} : memref<2x64x128xf32, #tpu.memory_space<vmem>>, vector<1x1x16xf32>,
        %parallel_loop3A_648 = vector.shape_cast %parallel_loop3A_647 : vector<1x1x16xf32> to vector<16xf32>
        %parallel_loop3A_649 = vector.shape_cast %parallel_loop3A_642 : vector<16xf32> to vector<1x1x16xf32>
        tpu.vector_store %arg9[%parallel_loop3A_644, %parallel_loop3A_645, %parallel_loop3A_646], %parallel_loop3A_649 {strides = array<i32>} : memref<2x64x128xf32, #tpu.memory_space<vmem>>, vector<1x1x16xf32>,
        %parallel_loop3A_650 = arith.constant 4 : i32
        %parallel_loop3A_651 = arith.muli %parallel_loop3A_650, %parallel_loop3A_259 : i32
        %parallel_loop3A_652 = arith.constant 0 : i32
        %parallel_loop3A_653 = arith.addi %parallel_loop3A_651, %parallel_loop3A_652 : i32
        %parallel_loop3A_654 = arith.constant 0 : i32
        %parallel_loop3A_655 = arith.index_cast %parallel_loop3A_654 : i32 to index
        %parallel_loop3A_656 = arith.index_cast %parallel_loop3A_653 : i32 to index
        %parallel_loop3A_657 = arith.constant 112 : index
        %parallel_loop3A_658 = tpu.vector_load %arg8[%parallel_loop3A_655, %parallel_loop3A_656, %parallel_loop3A_657] {strides = array<i32>} : memref<2x256x128xf32, #tpu.memory_space<vmem>>, vector<1x1x16xf32>,
        %parallel_loop3A_659 = vector.shape_cast %parallel_loop3A_658 : vector<1x1x16xf32> to vector<16xf32>
        %parallel_loop3A_660 = arith.mulf %parallel_loop3A_262, %parallel_loop3A_659 : vector<16xf32>
        %parallel_loop3A_661 = arith.constant 4 : i32
        %parallel_loop3A_662 = arith.muli %parallel_loop3A_661, %parallel_loop3A_259 : i32
        %parallel_loop3A_663 = arith.constant 1 : i32
        %parallel_loop3A_664 = arith.addi %parallel_loop3A_662, %parallel_loop3A_663 : i32
        %parallel_loop3A_665 = arith.constant 0 : i32
        %parallel_loop3A_666 = arith.index_cast %parallel_loop3A_665 : i32 to index
        %parallel_loop3A_667 = arith.index_cast %parallel_loop3A_664 : i32 to index
        %parallel_loop3A_668 = arith.constant 112 : index
        %parallel_loop3A_669 = tpu.vector_load %arg8[%parallel_loop3A_666, %parallel_loop3A_667, %parallel_loop3A_668] {strides = array<i32>} : memref<2x256x128xf32, #tpu.memory_space<vmem>>, vector<1x1x16xf32>,
        %parallel_loop3A_670 = vector.shape_cast %parallel_loop3A_669 : vector<1x1x16xf32> to vector<16xf32>
        %parallel_loop3A_671 = arith.mulf %parallel_loop3A_265, %parallel_loop3A_670 : vector<16xf32>
        %parallel_loop3A_672 = arith.addf %parallel_loop3A_660, %parallel_loop3A_671 : vector<16xf32>
        %parallel_loop3A_673 = arith.constant 4 : i32
        %parallel_loop3A_674 = arith.muli %parallel_loop3A_673, %parallel_loop3A_259 : i32
        %parallel_loop3A_675 = arith.constant 2 : i32
        %parallel_loop3A_676 = arith.addi %parallel_loop3A_674, %parallel_loop3A_675 : i32
        %parallel_loop3A_677 = arith.constant 0 : i32
        %parallel_loop3A_678 = arith.index_cast %parallel_loop3A_677 : i32 to index
        %parallel_loop3A_679 = arith.index_cast %parallel_loop3A_676 : i32 to index
        %parallel_loop3A_680 = arith.constant 112 : index
        %parallel_loop3A_681 = tpu.vector_load %arg8[%parallel_loop3A_678, %parallel_loop3A_679, %parallel_loop3A_680] {strides = array<i32>} : memref<2x256x128xf32, #tpu.memory_space<vmem>>, vector<1x1x16xf32>,
        %parallel_loop3A_682 = vector.shape_cast %parallel_loop3A_681 : vector<1x1x16xf32> to vector<16xf32>
        %parallel_loop3A_683 = arith.mulf %parallel_loop3A_268, %parallel_loop3A_682 : vector<16xf32>
        %parallel_loop3A_684 = arith.constant 4 : i32
        %parallel_loop3A_685 = arith.muli %parallel_loop3A_684, %parallel_loop3A_259 : i32
        %parallel_loop3A_686 = arith.constant 3 : i32
        %parallel_loop3A_687 = arith.addi %parallel_loop3A_685, %parallel_loop3A_686 : i32
        %parallel_loop3A_688 = arith.constant 0 : i32
        %parallel_loop3A_689 = arith.index_cast %parallel_loop3A_688 : i32 to index
        %parallel_loop3A_690 = arith.index_cast %parallel_loop3A_687 : i32 to index
        %parallel_loop3A_691 = arith.constant 112 : index
        %parallel_loop3A_692 = tpu.vector_load %arg8[%parallel_loop3A_689, %parallel_loop3A_690, %parallel_loop3A_691] {strides = array<i32>} : memref<2x256x128xf32, #tpu.memory_space<vmem>>, vector<1x1x16xf32>,
        %parallel_loop3A_693 = vector.shape_cast %parallel_loop3A_692 : vector<1x1x16xf32> to vector<16xf32>
        %parallel_loop3A_694 = arith.mulf %parallel_loop3A_271, %parallel_loop3A_693 : vector<16xf32>
        %parallel_loop3A_695 = arith.addf %parallel_loop3A_683, %parallel_loop3A_694 : vector<16xf32>
        %parallel_loop3A_696 = arith.addf %parallel_loop3A_672, %parallel_loop3A_695 : vector<16xf32>
        %parallel_loop3A_697 = arith.constant 0 : i32
        %parallel_loop3A_698 = arith.index_cast %parallel_loop3A_697 : i32 to index
        %parallel_loop3A_699 = arith.index_cast %parallel_loop3A_259 : i32 to index
        %parallel_loop3A_700 = arith.constant 112 : index
        %parallel_loop3A_701 = tpu.vector_load %arg9[%parallel_loop3A_698, %parallel_loop3A_699, %parallel_loop3A_700] {strides = array<i32>} : memref<2x64x128xf32, #tpu.memory_space<vmem>>, vector<1x1x16xf32>,
        %parallel_loop3A_702 = vector.shape_cast %parallel_loop3A_701 : vector<1x1x16xf32> to vector<16xf32>
        %parallel_loop3A_703 = vector.shape_cast %parallel_loop3A_696 : vector<16xf32> to vector<1x1x16xf32>
        tpu.vector_store %arg9[%parallel_loop3A_698, %parallel_loop3A_699, %parallel_loop3A_700], %parallel_loop3A_703 {strides = array<i32>} : memref<2x64x128xf32, #tpu.memory_space<vmem>>, vector<1x1x16xf32>,
        %parallel_loop3A_704 = arith.constant 4 : i32
        %parallel_loop3A_705 = arith.muli %parallel_loop3A_204, %parallel_loop3A_704 : i32
        %parallel_loop3A_706 = arith.constant 1 : i32
        %parallel_loop3A_707 = arith.addi %parallel_loop3A_705, %parallel_loop3A_706 : i32
        %parallel_loop3A_708 = vector.extract_strided_slice %parallel_loop3A_255 {offsets = [4], sizes = [1], strides = [1]} : vector<16xf32> to vector<1xf32>
        %parallel_loop3A_709 = vector.extract %parallel_loop3A_708[0] : f32 from vector<1xf32>
        %parallel_loop3A_710 = vector.broadcast %parallel_loop3A_709 : f32 to vector<16xf32>
        %parallel_loop3A_711 = vector.extract_strided_slice %parallel_loop3A_255 {offsets = [5], sizes = [1], strides = [1]} : vector<16xf32> to vector<1xf32>
        %parallel_loop3A_712 = vector.extract %parallel_loop3A_711[0] : f32 from vector<1xf32>
        %parallel_loop3A_713 = vector.broadcast %parallel_loop3A_712 : f32 to vector<16xf32>
        %parallel_loop3A_714 = vector.extract_strided_slice %parallel_loop3A_255 {offsets = [6], sizes = [1], strides = [1]} : vector<16xf32> to vector<1xf32>
        %parallel_loop3A_715 = vector.extract %parallel_loop3A_714[0] : f32 from vector<1xf32>
        %parallel_loop3A_716 = vector.broadcast %parallel_loop3A_715 : f32 to vector<16xf32>
        %parallel_loop3A_717 = vector.extract_strided_slice %parallel_loop3A_255 {offsets = [7], sizes = [1], strides = [1]} : vector<16xf32> to vector<1xf32>
        %parallel_loop3A_718 = vector.extract %parallel_loop3A_717[0] : f32 from vector<1xf32>
        %parallel_loop3A_719 = vector.broadcast %parallel_loop3A_718 : f32 to vector<16xf32>
        %parallel_loop3A_720 = arith.constant 4 : i32
        %parallel_loop3A_721 = arith.muli %parallel_loop3A_720, %parallel_loop3A_707 : i32
        %parallel_loop3A_722 = arith.constant 0 : i32
        %parallel_loop3A_723 = arith.addi %parallel_loop3A_721, %parallel_loop3A_722 : i32
        %parallel_loop3A_724 = arith.constant 0 : i32
        %parallel_loop3A_725 = arith.index_cast %parallel_loop3A_724 : i32 to index
        %parallel_loop3A_726 = arith.index_cast %parallel_loop3A_723 : i32 to index
        %parallel_loop3A_727 = arith.constant 0 : index
        %parallel_loop3A_728 = tpu.vector_load %arg8[%parallel_loop3A_725, %parallel_loop3A_726, %parallel_loop3A_727] {strides = array<i32>} : memref<2x256x128xf32, #tpu.memory_space<vmem>>, vector<1x1x16xf32>,
        %parallel_loop3A_729 = vector.shape_cast %parallel_loop3A_728 : vector<1x1x16xf32> to vector<16xf32>
        %parallel_loop3A_730 = arith.mulf %parallel_loop3A_710, %parallel_loop3A_729 : vector<16xf32>
        %parallel_loop3A_731 = arith.constant 4 : i32
        %parallel_loop3A_732 = arith.muli %parallel_loop3A_731, %parallel_loop3A_707 : i32
        %parallel_loop3A_733 = arith.constant 1 : i32
        %parallel_loop3A_734 = arith.addi %parallel_loop3A_732, %parallel_loop3A_733 : i32
        %parallel_loop3A_735 = arith.constant 0 : i32
        %parallel_loop3A_736 = arith.index_cast %parallel_loop3A_735 : i32 to index
        %parallel_loop3A_737 = arith.index_cast %parallel_loop3A_734 : i32 to index
        %parallel_loop3A_738 = arith.constant 0 : index
        %parallel_loop3A_739 = tpu.vector_load %arg8[%parallel_loop3A_736, %parallel_loop3A_737, %parallel_loop3A_738] {strides = array<i32>} : memref<2x256x128xf32, #tpu.memory_space<vmem>>, vector<1x1x16xf32>,
        %parallel_loop3A_740 = vector.shape_cast %parallel_loop3A_739 : vector<1x1x16xf32> to vector<16xf32>
        %parallel_loop3A_741 = arith.mulf %parallel_loop3A_713, %parallel_loop3A_740 : vector<16xf32>
        %parallel_loop3A_742 = arith.addf %parallel_loop3A_730, %parallel_loop3A_741 : vector<16xf32>
        %parallel_loop3A_743 = arith.constant 4 : i32
        %parallel_loop3A_744 = arith.muli %parallel_loop3A_743, %parallel_loop3A_707 : i32
        %parallel_loop3A_745 = arith.constant 2 : i32
        %parallel_loop3A_746 = arith.addi %parallel_loop3A_744, %parallel_loop3A_745 : i32
        %parallel_loop3A_747 = arith.constant 0 : i32
        %parallel_loop3A_748 = arith.index_cast %parallel_loop3A_747 : i32 to index
        %parallel_loop3A_749 = arith.index_cast %parallel_loop3A_746 : i32 to index
        %parallel_loop3A_750 = arith.constant 0 : index
        %parallel_loop3A_751 = tpu.vector_load %arg8[%parallel_loop3A_748, %parallel_loop3A_749, %parallel_loop3A_750] {strides = array<i32>} : memref<2x256x128xf32, #tpu.memory_space<vmem>>, vector<1x1x16xf32>,
        %parallel_loop3A_752 = vector.shape_cast %parallel_loop3A_751 : vector<1x1x16xf32> to vector<16xf32>
        %parallel_loop3A_753 = arith.mulf %parallel_loop3A_716, %parallel_loop3A_752 : vector<16xf32>
        %parallel_loop3A_754 = arith.constant 4 : i32
        %parallel_loop3A_755 = arith.muli %parallel_loop3A_754, %parallel_loop3A_707 : i32
        %parallel_loop3A_756 = arith.constant 3 : i32
        %parallel_loop3A_757 = arith.addi %parallel_loop3A_755, %parallel_loop3A_756 : i32
        %parallel_loop3A_758 = arith.constant 0 : i32
        %parallel_loop3A_759 = arith.index_cast %parallel_loop3A_758 : i32 to index
        %parallel_loop3A_760 = arith.index_cast %parallel_loop3A_757 : i32 to index
        %parallel_loop3A_761 = arith.constant 0 : index
        %parallel_loop3A_762 = tpu.vector_load %arg8[%parallel_loop3A_759, %parallel_loop3A_760, %parallel_loop3A_761] {strides = array<i32>} : memref<2x256x128xf32, #tpu.memory_space<vmem>>, vector<1x1x16xf32>,
        %parallel_loop3A_763 = vector.shape_cast %parallel_loop3A_762 : vector<1x1x16xf32> to vector<16xf32>
        %parallel_loop3A_764 = arith.mulf %parallel_loop3A_719, %parallel_loop3A_763 : vector<16xf32>
        %parallel_loop3A_765 = arith.addf %parallel_loop3A_753, %parallel_loop3A_764 : vector<16xf32>
        %parallel_loop3A_766 = arith.addf %parallel_loop3A_742, %parallel_loop3A_765 : vector<16xf32>
        %parallel_loop3A_767 = arith.constant 0 : i32
        %parallel_loop3A_768 = arith.index_cast %parallel_loop3A_767 : i32 to index
        %parallel_loop3A_769 = arith.index_cast %parallel_loop3A_707 : i32 to index
        %parallel_loop3A_770 = arith.constant 0 : index
        %parallel_loop3A_771 = tpu.vector_load %arg9[%parallel_loop3A_768, %parallel_loop3A_769, %parallel_loop3A_770] {strides = array<i32>} : memref<2x64x128xf32, #tpu.memory_space<vmem>>, vector<1x1x16xf32>,
        %parallel_loop3A_772 = vector.shape_cast %parallel_loop3A_771 : vector<1x1x16xf32> to vector<16xf32>
        %parallel_loop3A_773 = vector.shape_cast %parallel_loop3A_766 : vector<16xf32> to vector<1x1x16xf32>
        tpu.vector_store %arg9[%parallel_loop3A_768, %parallel_loop3A_769, %parallel_loop3A_770], %parallel_loop3A_773 {strides = array<i32>} : memref<2x64x128xf32, #tpu.memory_space<vmem>>, vector<1x1x16xf32>,
        %parallel_loop3A_774 = arith.constant 4 : i32
        %parallel_loop3A_775 = arith.muli %parallel_loop3A_774, %parallel_loop3A_707 : i32
        %parallel_loop3A_776 = arith.constant 0 : i32
        %parallel_loop3A_777 = arith.addi %parallel_loop3A_775, %parallel_loop3A_776 : i32
        %parallel_loop3A_778 = arith.constant 0 : i32
        %parallel_loop3A_779 = arith.index_cast %parallel_loop3A_778 : i32 to index
        %parallel_loop3A_780 = arith.index_cast %parallel_loop3A_777 : i32 to index
        %parallel_loop3A_781 = arith.constant 16 : index
        %parallel_loop3A_782 = tpu.vector_load %arg8[%parallel_loop3A_779, %parallel_loop3A_780, %parallel_loop3A_781] {strides = array<i32>} : memref<2x256x128xf32, #tpu.memory_space<vmem>>, vector<1x1x16xf32>,
        %parallel_loop3A_783 = vector.shape_cast %parallel_loop3A_782 : vector<1x1x16xf32> to vector<16xf32>
        %parallel_loop3A_784 = arith.mulf %parallel_loop3A_710, %parallel_loop3A_783 : vector<16xf32>
        %parallel_loop3A_785 = arith.constant 4 : i32
        %parallel_loop3A_786 = arith.muli %parallel_loop3A_785, %parallel_loop3A_707 : i32
        %parallel_loop3A_787 = arith.constant 1 : i32
        %parallel_loop3A_788 = arith.addi %parallel_loop3A_786, %parallel_loop3A_787 : i32
        %parallel_loop3A_789 = arith.constant 0 : i32
        %parallel_loop3A_790 = arith.index_cast %parallel_loop3A_789 : i32 to index
        %parallel_loop3A_791 = arith.index_cast %parallel_loop3A_788 : i32 to index
        %parallel_loop3A_792 = arith.constant 16 : index
        %parallel_loop3A_793 = tpu.vector_load %arg8[%parallel_loop3A_790, %parallel_loop3A_791, %parallel_loop3A_792] {strides = array<i32>} : memref<2x256x128xf32, #tpu.memory_space<vmem>>, vector<1x1x16xf32>,
        %parallel_loop3A_794 = vector.shape_cast %parallel_loop3A_793 : vector<1x1x16xf32> to vector<16xf32>
        %parallel_loop3A_795 = arith.mulf %parallel_loop3A_713, %parallel_loop3A_794 : vector<16xf32>
        %parallel_loop3A_796 = arith.addf %parallel_loop3A_784, %parallel_loop3A_795 : vector<16xf32>
        %parallel_loop3A_797 = arith.constant 4 : i32
        %parallel_loop3A_798 = arith.muli %parallel_loop3A_797, %parallel_loop3A_707 : i32
        %parallel_loop3A_799 = arith.constant 2 : i32
        %parallel_loop3A_800 = arith.addi %parallel_loop3A_798, %parallel_loop3A_799 : i32
        %parallel_loop3A_801 = arith.constant 0 : i32
        %parallel_loop3A_802 = arith.index_cast %parallel_loop3A_801 : i32 to index
        %parallel_loop3A_803 = arith.index_cast %parallel_loop3A_800 : i32 to index
        %parallel_loop3A_804 = arith.constant 16 : index
        %parallel_loop3A_805 = tpu.vector_load %arg8[%parallel_loop3A_802, %parallel_loop3A_803, %parallel_loop3A_804] {strides = array<i32>} : memref<2x256x128xf32, #tpu.memory_space<vmem>>, vector<1x1x16xf32>,
        %parallel_loop3A_806 = vector.shape_cast %parallel_loop3A_805 : vector<1x1x16xf32> to vector<16xf32>
        %parallel_loop3A_807 = arith.mulf %parallel_loop3A_716, %parallel_loop3A_806 : vector<16xf32>
        %parallel_loop3A_808 = arith.constant 4 : i32
        %parallel_loop3A_809 = arith.muli %parallel_loop3A_808, %parallel_loop3A_707 : i32
        %parallel_loop3A_810 = arith.constant 3 : i32
        %parallel_loop3A_811 = arith.addi %parallel_loop3A_809, %parallel_loop3A_810 : i32
        %parallel_loop3A_812 = arith.constant 0 : i32
        %parallel_loop3A_813 = arith.index_cast %parallel_loop3A_812 : i32 to index
        %parallel_loop3A_814 = arith.index_cast %parallel_loop3A_811 : i32 to index
        %parallel_loop3A_815 = arith.constant 16 : index
        %parallel_loop3A_816 = tpu.vector_load %arg8[%parallel_loop3A_813, %parallel_loop3A_814, %parallel_loop3A_815] {strides = array<i32>} : memref<2x256x128xf32, #tpu.memory_space<vmem>>, vector<1x1x16xf32>,
        %parallel_loop3A_817 = vector.shape_cast %parallel_loop3A_816 : vector<1x1x16xf32> to vector<16xf32>
        %parallel_loop3A_818 = arith.mulf %parallel_loop3A_719, %parallel_loop3A_817 : vector<16xf32>
        %parallel_loop3A_819 = arith.addf %parallel_loop3A_807, %parallel_loop3A_818 : vector<16xf32>
        %parallel_loop3A_820 = arith.addf %parallel_loop3A_796, %parallel_loop3A_819 : vector<16xf32>
        %parallel_loop3A_821 = arith.constant 0 : i32
        %parallel_loop3A_822 = arith.index_cast %parallel_loop3A_821 : i32 to index
        %parallel_loop3A_823 = arith.index_cast %parallel_loop3A_707 : i32 to index
        %parallel_loop3A_824 = arith.constant 16 : index
        %parallel_loop3A_825 = tpu.vector_load %arg9[%parallel_loop3A_822, %parallel_loop3A_823, %parallel_loop3A_824] {strides = array<i32>} : memref<2x64x128xf32, #tpu.memory_space<vmem>>, vector<1x1x16xf32>,
        %parallel_loop3A_826 = vector.shape_cast %parallel_loop3A_825 : vector<1x1x16xf32> to vector<16xf32>
        %parallel_loop3A_827 = vector.shape_cast %parallel_loop3A_820 : vector<16xf32> to vector<1x1x16xf32>
        tpu.vector_store %arg9[%parallel_loop3A_822, %parallel_loop3A_823, %parallel_loop3A_824], %parallel_loop3A_827 {strides = array<i32>} : memref<2x64x128xf32, #tpu.memory_space<vmem>>, vector<1x1x16xf32>,
        %parallel_loop3A_828 = arith.constant 4 : i32
        %parallel_loop3A_829 = arith.muli %parallel_loop3A_828, %parallel_loop3A_707 : i32
        %parallel_loop3A_830 = arith.constant 0 : i32
        %parallel_loop3A_831 = arith.addi %parallel_loop3A_829, %parallel_loop3A_830 : i32
        %parallel_loop3A_832 = arith.constant 0 : i32
        %parallel_loop3A_833 = arith.index_cast %parallel_loop3A_832 : i32 to index
        %parallel_loop3A_834 = arith.index_cast %parallel_loop3A_831 : i32 to index
        %parallel_loop3A_835 = arith.constant 32 : index
        %parallel_loop3A_836 = tpu.vector_load %arg8[%parallel_loop3A_833, %parallel_loop3A_834, %parallel_loop3A_835] {strides = array<i32>} : memref<2x256x128xf32, #tpu.memory_space<vmem>>, vector<1x1x16xf32>,
        %parallel_loop3A_837 = vector.shape_cast %parallel_loop3A_836 : vector<1x1x16xf32> to vector<16xf32>
        %parallel_loop3A_838 = arith.mulf %parallel_loop3A_710, %parallel_loop3A_837 : vector<16xf32>
        %parallel_loop3A_839 = arith.constant 4 : i32
        %parallel_loop3A_840 = arith.muli %parallel_loop3A_839, %parallel_loop3A_707 : i32
        %parallel_loop3A_841 = arith.constant 1 : i32
        %parallel_loop3A_842 = arith.addi %parallel_loop3A_840, %parallel_loop3A_841 : i32
        %parallel_loop3A_843 = arith.constant 0 : i32
        %parallel_loop3A_844 = arith.index_cast %parallel_loop3A_843 : i32 to index
        %parallel_loop3A_845 = arith.index_cast %parallel_loop3A_842 : i32 to index
        %parallel_loop3A_846 = arith.constant 32 : index
        %parallel_loop3A_847 = tpu.vector_load %arg8[%parallel_loop3A_844, %parallel_loop3A_845, %parallel_loop3A_846] {strides = array<i32>} : memref<2x256x128xf32, #tpu.memory_space<vmem>>, vector<1x1x16xf32>,
        %parallel_loop3A_848 = vector.shape_cast %parallel_loop3A_847 : vector<1x1x16xf32> to vector<16xf32>
        %parallel_loop3A_849 = arith.mulf %parallel_loop3A_713, %parallel_loop3A_848 : vector<16xf32>
        %parallel_loop3A_850 = arith.addf %parallel_loop3A_838, %parallel_loop3A_849 : vector<16xf32>
        %parallel_loop3A_851 = arith.constant 4 : i32
        %parallel_loop3A_852 = arith.muli %parallel_loop3A_851, %parallel_loop3A_707 : i32
        %parallel_loop3A_853 = arith.constant 2 : i32
        %parallel_loop3A_854 = arith.addi %parallel_loop3A_852, %parallel_loop3A_853 : i32
        %parallel_loop3A_855 = arith.constant 0 : i32
        %parallel_loop3A_856 = arith.index_cast %parallel_loop3A_855 : i32 to index
        %parallel_loop3A_857 = arith.index_cast %parallel_loop3A_854 : i32 to index
        %parallel_loop3A_858 = arith.constant 32 : index
        %parallel_loop3A_859 = tpu.vector_load %arg8[%parallel_loop3A_856, %parallel_loop3A_857, %parallel_loop3A_858] {strides = array<i32>} : memref<2x256x128xf32, #tpu.memory_space<vmem>>, vector<1x1x16xf32>,
        %parallel_loop3A_860 = vector.shape_cast %parallel_loop3A_859 : vector<1x1x16xf32> to vector<16xf32>
        %parallel_loop3A_861 = arith.mulf %parallel_loop3A_716, %parallel_loop3A_860 : vector<16xf32>
        %parallel_loop3A_862 = arith.constant 4 : i32
        %parallel_loop3A_863 = arith.muli %parallel_loop3A_862, %parallel_loop3A_707 : i32
        %parallel_loop3A_864 = arith.constant 3 : i32
        %parallel_loop3A_865 = arith.addi %parallel_loop3A_863, %parallel_loop3A_864 : i32
        %parallel_loop3A_866 = arith.constant 0 : i32
        %parallel_loop3A_867 = arith.index_cast %parallel_loop3A_866 : i32 to index
        %parallel_loop3A_868 = arith.index_cast %parallel_loop3A_865 : i32 to index
        %parallel_loop3A_869 = arith.constant 32 : index
        %parallel_loop3A_870 = tpu.vector_load %arg8[%parallel_loop3A_867, %parallel_loop3A_868, %parallel_loop3A_869] {strides = array<i32>} : memref<2x256x128xf32, #tpu.memory_space<vmem>>, vector<1x1x16xf32>,
        %parallel_loop3A_871 = vector.shape_cast %parallel_loop3A_870 : vector<1x1x16xf32> to vector<16xf32>
        %parallel_loop3A_872 = arith.mulf %parallel_loop3A_719, %parallel_loop3A_871 : vector<16xf32>
        %parallel_loop3A_873 = arith.addf %parallel_loop3A_861, %parallel_loop3A_872 : vector<16xf32>
        %parallel_loop3A_874 = arith.addf %parallel_loop3A_850, %parallel_loop3A_873 : vector<16xf32>
        %parallel_loop3A_875 = arith.constant 0 : i32
        %parallel_loop3A_876 = arith.index_cast %parallel_loop3A_875 : i32 to index
        %parallel_loop3A_877 = arith.index_cast %parallel_loop3A_707 : i32 to index
        %parallel_loop3A_878 = arith.constant 32 : index
        %parallel_loop3A_879 = tpu.vector_load %arg9[%parallel_loop3A_876, %parallel_loop3A_877, %parallel_loop3A_878] {strides = array<i32>} : memref<2x64x128xf32, #tpu.memory_space<vmem>>, vector<1x1x16xf32>,
        %parallel_loop3A_880 = vector.shape_cast %parallel_loop3A_879 : vector<1x1x16xf32> to vector<16xf32>
        %parallel_loop3A_881 = vector.shape_cast %parallel_loop3A_874 : vector<16xf32> to vector<1x1x16xf32>
        tpu.vector_store %arg9[%parallel_loop3A_876, %parallel_loop3A_877, %parallel_loop3A_878], %parallel_loop3A_881 {strides = array<i32>} : memref<2x64x128xf32, #tpu.memory_space<vmem>>, vector<1x1x16xf32>,
        %parallel_loop3A_882 = arith.constant 4 : i32
        %parallel_loop3A_883 = arith.muli %parallel_loop3A_882, %parallel_loop3A_707 : i32
        %parallel_loop3A_884 = arith.constant 0 : i32
        %parallel_loop3A_885 = arith.addi %parallel_loop3A_883, %parallel_loop3A_884 : i32
        %parallel_loop3A_886 = arith.constant 0 : i32
        %parallel_loop3A_887 = arith.index_cast %parallel_loop3A_886 : i32 to index
        %parallel_loop3A_888 = arith.index_cast %parallel_loop3A_885 : i32 to index
        %parallel_loop3A_889 = arith.constant 48 : index
        %parallel_loop3A_890 = tpu.vector_load %arg8[%parallel_loop3A_887, %parallel_loop3A_888, %parallel_loop3A_889] {strides = array<i32>} : memref<2x256x128xf32, #tpu.memory_space<vmem>>, vector<1x1x16xf32>,
        %parallel_loop3A_891 = vector.shape_cast %parallel_loop3A_890 : vector<1x1x16xf32> to vector<16xf32>
        %parallel_loop3A_892 = arith.mulf %parallel_loop3A_710, %parallel_loop3A_891 : vector<16xf32>
        %parallel_loop3A_893 = arith.constant 4 : i32
        %parallel_loop3A_894 = arith.muli %parallel_loop3A_893, %parallel_loop3A_707 : i32
        %parallel_loop3A_895 = arith.constant 1 : i32
        %parallel_loop3A_896 = arith.addi %parallel_loop3A_894, %parallel_loop3A_895 : i32
        %parallel_loop3A_897 = arith.constant 0 : i32
        %parallel_loop3A_898 = arith.index_cast %parallel_loop3A_897 : i32 to index
        %parallel_loop3A_899 = arith.index_cast %parallel_loop3A_896 : i32 to index
        %parallel_loop3A_900 = arith.constant 48 : index
        %parallel_loop3A_901 = tpu.vector_load %arg8[%parallel_loop3A_898, %parallel_loop3A_899, %parallel_loop3A_900] {strides = array<i32>} : memref<2x256x128xf32, #tpu.memory_space<vmem>>, vector<1x1x16xf32>,
        %parallel_loop3A_902 = vector.shape_cast %parallel_loop3A_901 : vector<1x1x16xf32> to vector<16xf32>
        %parallel_loop3A_903 = arith.mulf %parallel_loop3A_713, %parallel_loop3A_902 : vector<16xf32>
        %parallel_loop3A_904 = arith.addf %parallel_loop3A_892, %parallel_loop3A_903 : vector<16xf32>
        %parallel_loop3A_905 = arith.constant 4 : i32
        %parallel_loop3A_906 = arith.muli %parallel_loop3A_905, %parallel_loop3A_707 : i32
        %parallel_loop3A_907 = arith.constant 2 : i32
        %parallel_loop3A_908 = arith.addi %parallel_loop3A_906, %parallel_loop3A_907 : i32
        %parallel_loop3A_909 = arith.constant 0 : i32
        %parallel_loop3A_910 = arith.index_cast %parallel_loop3A_909 : i32 to index
        %parallel_loop3A_911 = arith.index_cast %parallel_loop3A_908 : i32 to index
        %parallel_loop3A_912 = arith.constant 48 : index
        %parallel_loop3A_913 = tpu.vector_load %arg8[%parallel_loop3A_910, %parallel_loop3A_911, %parallel_loop3A_912] {strides = array<i32>} : memref<2x256x128xf32, #tpu.memory_space<vmem>>, vector<1x1x16xf32>,
        %parallel_loop3A_914 = vector.shape_cast %parallel_loop3A_913 : vector<1x1x16xf32> to vector<16xf32>
        %parallel_loop3A_915 = arith.mulf %parallel_loop3A_716, %parallel_loop3A_914 : vector<16xf32>
        %parallel_loop3A_916 = arith.constant 4 : i32
        %parallel_loop3A_917 = arith.muli %parallel_loop3A_916, %parallel_loop3A_707 : i32
        %parallel_loop3A_918 = arith.constant 3 : i32
        %parallel_loop3A_919 = arith.addi %parallel_loop3A_917, %parallel_loop3A_918 : i32
        %parallel_loop3A_920 = arith.constant 0 : i32
        %parallel_loop3A_921 = arith.index_cast %parallel_loop3A_920 : i32 to index
        %parallel_loop3A_922 = arith.index_cast %parallel_loop3A_919 : i32 to index
        %parallel_loop3A_923 = arith.constant 48 : index
        %parallel_loop3A_924 = tpu.vector_load %arg8[%parallel_loop3A_921, %parallel_loop3A_922, %parallel_loop3A_923] {strides = array<i32>} : memref<2x256x128xf32, #tpu.memory_space<vmem>>, vector<1x1x16xf32>,
        %parallel_loop3A_925 = vector.shape_cast %parallel_loop3A_924 : vector<1x1x16xf32> to vector<16xf32>
        %parallel_loop3A_926 = arith.mulf %parallel_loop3A_719, %parallel_loop3A_925 : vector<16xf32>
        %parallel_loop3A_927 = arith.addf %parallel_loop3A_915, %parallel_loop3A_926 : vector<16xf32>
        %parallel_loop3A_928 = arith.addf %parallel_loop3A_904, %parallel_loop3A_927 : vector<16xf32>
        %parallel_loop3A_929 = arith.constant 0 : i32
        %parallel_loop3A_930 = arith.index_cast %parallel_loop3A_929 : i32 to index
        %parallel_loop3A_931 = arith.index_cast %parallel_loop3A_707 : i32 to index
        %parallel_loop3A_932 = arith.constant 48 : index
        %parallel_loop3A_933 = tpu.vector_load %arg9[%parallel_loop3A_930, %parallel_loop3A_931, %parallel_loop3A_932] {strides = array<i32>} : memref<2x64x128xf32, #tpu.memory_space<vmem>>, vector<1x1x16xf32>,
        %parallel_loop3A_934 = vector.shape_cast %parallel_loop3A_933 : vector<1x1x16xf32> to vector<16xf32>
        %parallel_loop3A_935 = vector.shape_cast %parallel_loop3A_928 : vector<16xf32> to vector<1x1x16xf32>
        tpu.vector_store %arg9[%parallel_loop3A_930, %parallel_loop3A_931, %parallel_loop3A_932], %parallel_loop3A_935 {strides = array<i32>} : memref<2x64x128xf32, #tpu.memory_space<vmem>>, vector<1x1x16xf32>,
        %parallel_loop3A_936 = arith.constant 4 : i32
        %parallel_loop3A_937 = arith.muli %parallel_loop3A_936, %parallel_loop3A_707 : i32
        %parallel_loop3A_938 = arith.constant 0 : i32
        %parallel_loop3A_939 = arith.addi %parallel_loop3A_937, %parallel_loop3A_938 : i32
        %parallel_loop3A_940 = arith.constant 0 : i32
        %parallel_loop3A_941 = arith.index_cast %parallel_loop3A_940 : i32 to index
        %parallel_loop3A_942 = arith.index_cast %parallel_loop3A_939 : i32 to index
        %parallel_loop3A_943 = arith.constant 64 : index
        %parallel_loop3A_944 = tpu.vector_load %arg8[%parallel_loop3A_941, %parallel_loop3A_942, %parallel_loop3A_943] {strides = array<i32>} : memref<2x256x128xf32, #tpu.memory_space<vmem>>, vector<1x1x16xf32>,
        %parallel_loop3A_945 = vector.shape_cast %parallel_loop3A_944 : vector<1x1x16xf32> to vector<16xf32>
        %parallel_loop3A_946 = arith.mulf %parallel_loop3A_710, %parallel_loop3A_945 : vector<16xf32>
        %parallel_loop3A_947 = arith.constant 4 : i32
        %parallel_loop3A_948 = arith.muli %parallel_loop3A_947, %parallel_loop3A_707 : i32
        %parallel_loop3A_949 = arith.constant 1 : i32
        %parallel_loop3A_950 = arith.addi %parallel_loop3A_948, %parallel_loop3A_949 : i32
        %parallel_loop3A_951 = arith.constant 0 : i32
        %parallel_loop3A_952 = arith.index_cast %parallel_loop3A_951 : i32 to index
        %parallel_loop3A_953 = arith.index_cast %parallel_loop3A_950 : i32 to index
        %parallel_loop3A_954 = arith.constant 64 : index
        %parallel_loop3A_955 = tpu.vector_load %arg8[%parallel_loop3A_952, %parallel_loop3A_953, %parallel_loop3A_954] {strides = array<i32>} : memref<2x256x128xf32, #tpu.memory_space<vmem>>, vector<1x1x16xf32>,
        %parallel_loop3A_956 = vector.shape_cast %parallel_loop3A_955 : vector<1x1x16xf32> to vector<16xf32>
        %parallel_loop3A_957 = arith.mulf %parallel_loop3A_713, %parallel_loop3A_956 : vector<16xf32>
        %parallel_loop3A_958 = arith.addf %parallel_loop3A_946, %parallel_loop3A_957 : vector<16xf32>
        %parallel_loop3A_959 = arith.constant 4 : i32
        %parallel_loop3A_960 = arith.muli %parallel_loop3A_959, %parallel_loop3A_707 : i32
        %parallel_loop3A_961 = arith.constant 2 : i32
        %parallel_loop3A_962 = arith.addi %parallel_loop3A_960, %parallel_loop3A_961 : i32
        %parallel_loop3A_963 = arith.constant 0 : i32
        %parallel_loop3A_964 = arith.index_cast %parallel_loop3A_963 : i32 to index
        %parallel_loop3A_965 = arith.index_cast %parallel_loop3A_962 : i32 to index
        %parallel_loop3A_966 = arith.constant 64 : index
        %parallel_loop3A_967 = tpu.vector_load %arg8[%parallel_loop3A_964, %parallel_loop3A_965, %parallel_loop3A_966] {strides = array<i32>} : memref<2x256x128xf32, #tpu.memory_space<vmem>>, vector<1x1x16xf32>,
        %parallel_loop3A_968 = vector.shape_cast %parallel_loop3A_967 : vector<1x1x16xf32> to vector<16xf32>
        %parallel_loop3A_969 = arith.mulf %parallel_loop3A_716, %parallel_loop3A_968 : vector<16xf32>
        %parallel_loop3A_970 = arith.constant 4 : i32
        %parallel_loop3A_971 = arith.muli %parallel_loop3A_970, %parallel_loop3A_707 : i32
        %parallel_loop3A_972 = arith.constant 3 : i32
        %parallel_loop3A_973 = arith.addi %parallel_loop3A_971, %parallel_loop3A_972 : i32
        %parallel_loop3A_974 = arith.constant 0 : i32
        %parallel_loop3A_975 = arith.index_cast %parallel_loop3A_974 : i32 to index
        %parallel_loop3A_976 = arith.index_cast %parallel_loop3A_973 : i32 to index
        %parallel_loop3A_977 = arith.constant 64 : index
        %parallel_loop3A_978 = tpu.vector_load %arg8[%parallel_loop3A_975, %parallel_loop3A_976, %parallel_loop3A_977] {strides = array<i32>} : memref<2x256x128xf32, #tpu.memory_space<vmem>>, vector<1x1x16xf32>,
        %parallel_loop3A_979 = vector.shape_cast %parallel_loop3A_978 : vector<1x1x16xf32> to vector<16xf32>
        %parallel_loop3A_980 = arith.mulf %parallel_loop3A_719, %parallel_loop3A_979 : vector<16xf32>
        %parallel_loop3A_981 = arith.addf %parallel_loop3A_969, %parallel_loop3A_980 : vector<16xf32>
        %parallel_loop3A_982 = arith.addf %parallel_loop3A_958, %parallel_loop3A_981 : vector<16xf32>
        %parallel_loop3A_983 = arith.constant 0 : i32
        %parallel_loop3A_984 = arith.index_cast %parallel_loop3A_983 : i32 to index
        %parallel_loop3A_985 = arith.index_cast %parallel_loop3A_707 : i32 to index
        %parallel_loop3A_986 = arith.constant 64 : index
        %parallel_loop3A_987 = tpu.vector_load %arg9[%parallel_loop3A_984, %parallel_loop3A_985, %parallel_loop3A_986] {strides = array<i32>} : memref<2x64x128xf32, #tpu.memory_space<vmem>>, vector<1x1x16xf32>,
        %parallel_loop3A_988 = vector.shape_cast %parallel_loop3A_987 : vector<1x1x16xf32> to vector<16xf32>
        %parallel_loop3A_989 = vector.shape_cast %parallel_loop3A_982 : vector<16xf32> to vector<1x1x16xf32>
        tpu.vector_store %arg9[%parallel_loop3A_984, %parallel_loop3A_985, %parallel_loop3A_986], %parallel_loop3A_989 {strides = array<i32>} : memref<2x64x128xf32, #tpu.memory_space<vmem>>, vector<1x1x16xf32>,
        %parallel_loop3A_990 = arith.constant 4 : i32
        %parallel_loop3A_991 = arith.muli %parallel_loop3A_990, %parallel_loop3A_707 : i32
        %parallel_loop3A_992 = arith.constant 0 : i32
        %parallel_loop3A_993 = arith.addi %parallel_loop3A_991, %parallel_loop3A_992 : i32
        %parallel_loop3A_994 = arith.constant 0 : i32
        %parallel_loop3A_995 = arith.index_cast %parallel_loop3A_994 : i32 to index
        %parallel_loop3A_996 = arith.index_cast %parallel_loop3A_993 : i32 to index
        %parallel_loop3A_997 = arith.constant 80 : index
        %parallel_loop3A_998 = tpu.vector_load %arg8[%parallel_loop3A_995, %parallel_loop3A_996, %parallel_loop3A_997] {strides = array<i32>} : memref<2x256x128xf32, #tpu.memory_space<vmem>>, vector<1x1x16xf32>,
        %parallel_loop3A_999 = vector.shape_cast %parallel_loop3A_998 : vector<1x1x16xf32> to vector<16xf32>
        %parallel_loop3A_1000 = arith.mulf %parallel_loop3A_710, %parallel_loop3A_999 : vector<16xf32>
        %parallel_loop3A_1001 = arith.constant 4 : i32
        %parallel_loop3A_1002 = arith.muli %parallel_loop3A_1001, %parallel_loop3A_707 : i32
        %parallel_loop3A_1003 = arith.constant 1 : i32
        %parallel_loop3A_1004 = arith.addi %parallel_loop3A_1002, %parallel_loop3A_1003 : i32
        %parallel_loop3A_1005 = arith.constant 0 : i32
        %parallel_loop3A_1006 = arith.index_cast %parallel_loop3A_1005 : i32 to index
        %parallel_loop3A_1007 = arith.index_cast %parallel_loop3A_1004 : i32 to index
        %parallel_loop3A_1008 = arith.constant 80 : index
        %parallel_loop3A_1009 = tpu.vector_load %arg8[%parallel_loop3A_1006, %parallel_loop3A_1007, %parallel_loop3A_1008] {strides = array<i32>} : memref<2x256x128xf32, #tpu.memory_space<vmem>>, vector<1x1x16xf32>,
        %parallel_loop3A_1010 = vector.shape_cast %parallel_loop3A_1009 : vector<1x1x16xf32> to vector<16xf32>
        %parallel_loop3A_1011 = arith.mulf %parallel_loop3A_713, %parallel_loop3A_1010 : vector<16xf32>
        %parallel_loop3A_1012 = arith.addf %parallel_loop3A_1000, %parallel_loop3A_1011 : vector<16xf32>
        %parallel_loop3A_1013 = arith.constant 4 : i32
        %parallel_loop3A_1014 = arith.muli %parallel_loop3A_1013, %parallel_loop3A_707 : i32
        %parallel_loop3A_1015 = arith.constant 2 : i32
        %parallel_loop3A_1016 = arith.addi %parallel_loop3A_1014, %parallel_loop3A_1015 : i32
        %parallel_loop3A_1017 = arith.constant 0 : i32
        %parallel_loop3A_1018 = arith.index_cast %parallel_loop3A_1017 : i32 to index
        %parallel_loop3A_1019 = arith.index_cast %parallel_loop3A_1016 : i32 to index
        %parallel_loop3A_1020 = arith.constant 80 : index
        %parallel_loop3A_1021 = tpu.vector_load %arg8[%parallel_loop3A_1018, %parallel_loop3A_1019, %parallel_loop3A_1020] {strides = array<i32>} : memref<2x256x128xf32, #tpu.memory_space<vmem>>, vector<1x1x16xf32>,
        %parallel_loop3A_1022 = vector.shape_cast %parallel_loop3A_1021 : vector<1x1x16xf32> to vector<16xf32>
        %parallel_loop3A_1023 = arith.mulf %parallel_loop3A_716, %parallel_loop3A_1022 : vector<16xf32>
        %parallel_loop3A_1024 = arith.constant 4 : i32
        %parallel_loop3A_1025 = arith.muli %parallel_loop3A_1024, %parallel_loop3A_707 : i32
        %parallel_loop3A_1026 = arith.constant 3 : i32
        %parallel_loop3A_1027 = arith.addi %parallel_loop3A_1025, %parallel_loop3A_1026 : i32
        %parallel_loop3A_1028 = arith.constant 0 : i32
        %parallel_loop3A_1029 = arith.index_cast %parallel_loop3A_1028 : i32 to index
        %parallel_loop3A_1030 = arith.index_cast %parallel_loop3A_1027 : i32 to index
        %parallel_loop3A_1031 = arith.constant 80 : index
        %parallel_loop3A_1032 = tpu.vector_load %arg8[%parallel_loop3A_1029, %parallel_loop3A_1030, %parallel_loop3A_1031] {strides = array<i32>} : memref<2x256x128xf32, #tpu.memory_space<vmem>>, vector<1x1x16xf32>,
        %parallel_loop3A_1033 = vector.shape_cast %parallel_loop3A_1032 : vector<1x1x16xf32> to vector<16xf32>
        %parallel_loop3A_1034 = arith.mulf %parallel_loop3A_719, %parallel_loop3A_1033 : vector<16xf32>
        %parallel_loop3A_1035 = arith.addf %parallel_loop3A_1023, %parallel_loop3A_1034 : vector<16xf32>
        %parallel_loop3A_1036 = arith.addf %parallel_loop3A_1012, %parallel_loop3A_1035 : vector<16xf32>
        %parallel_loop3A_1037 = arith.constant 0 : i32
        %parallel_loop3A_1038 = arith.index_cast %parallel_loop3A_1037 : i32 to index
        %parallel_loop3A_1039 = arith.index_cast %parallel_loop3A_707 : i32 to index
        %parallel_loop3A_1040 = arith.constant 80 : index
        %parallel_loop3A_1041 = tpu.vector_load %arg9[%parallel_loop3A_1038, %parallel_loop3A_1039, %parallel_loop3A_1040] {strides = array<i32>} : memref<2x64x128xf32, #tpu.memory_space<vmem>>, vector<1x1x16xf32>,
        %parallel_loop3A_1042 = vector.shape_cast %parallel_loop3A_1041 : vector<1x1x16xf32> to vector<16xf32>
        %parallel_loop3A_1043 = vector.shape_cast %parallel_loop3A_1036 : vector<16xf32> to vector<1x1x16xf32>
        tpu.vector_store %arg9[%parallel_loop3A_1038, %parallel_loop3A_1039, %parallel_loop3A_1040], %parallel_loop3A_1043 {strides = array<i32>} : memref<2x64x128xf32, #tpu.memory_space<vmem>>, vector<1x1x16xf32>,
        %parallel_loop3A_1044 = arith.constant 4 : i32
        %parallel_loop3A_1045 = arith.muli %parallel_loop3A_1044, %parallel_loop3A_707 : i32
        %parallel_loop3A_1046 = arith.constant 0 : i32
        %parallel_loop3A_1047 = arith.addi %parallel_loop3A_1045, %parallel_loop3A_1046 : i32
        %parallel_loop3A_1048 = arith.constant 0 : i32
        %parallel_loop3A_1049 = arith.index_cast %parallel_loop3A_1048 : i32 to index
        %parallel_loop3A_1050 = arith.index_cast %parallel_loop3A_1047 : i32 to index
        %parallel_loop3A_1051 = arith.constant 96 : index
        %parallel_loop3A_1052 = tpu.vector_load %arg8[%parallel_loop3A_1049, %parallel_loop3A_1050, %parallel_loop3A_1051] {strides = array<i32>} : memref<2x256x128xf32, #tpu.memory_space<vmem>>, vector<1x1x16xf32>,
        %parallel_loop3A_1053 = vector.shape_cast %parallel_loop3A_1052 : vector<1x1x16xf32> to vector<16xf32>
        %parallel_loop3A_1054 = arith.mulf %parallel_loop3A_710, %parallel_loop3A_1053 : vector<16xf32>
        %parallel_loop3A_1055 = arith.constant 4 : i32
        %parallel_loop3A_1056 = arith.muli %parallel_loop3A_1055, %parallel_loop3A_707 : i32
        %parallel_loop3A_1057 = arith.constant 1 : i32
        %parallel_loop3A_1058 = arith.addi %parallel_loop3A_1056, %parallel_loop3A_1057 : i32
        %parallel_loop3A_1059 = arith.constant 0 : i32
        %parallel_loop3A_1060 = arith.index_cast %parallel_loop3A_1059 : i32 to index
        %parallel_loop3A_1061 = arith.index_cast %parallel_loop3A_1058 : i32 to index
        %parallel_loop3A_1062 = arith.constant 96 : index
        %parallel_loop3A_1063 = tpu.vector_load %arg8[%parallel_loop3A_1060, %parallel_loop3A_1061, %parallel_loop3A_1062] {strides = array<i32>} : memref<2x256x128xf32, #tpu.memory_space<vmem>>, vector<1x1x16xf32>,
        %parallel_loop3A_1064 = vector.shape_cast %parallel_loop3A_1063 : vector<1x1x16xf32> to vector<16xf32>
        %parallel_loop3A_1065 = arith.mulf %parallel_loop3A_713, %parallel_loop3A_1064 : vector<16xf32>
        %parallel_loop3A_1066 = arith.addf %parallel_loop3A_1054, %parallel_loop3A_1065 : vector<16xf32>
        %parallel_loop3A_1067 = arith.constant 4 : i32
        %parallel_loop3A_1068 = arith.muli %parallel_loop3A_1067, %parallel_loop3A_707 : i32
        %parallel_loop3A_1069 = arith.constant 2 : i32
        %parallel_loop3A_1070 = arith.addi %parallel_loop3A_1068, %parallel_loop3A_1069 : i32
        %parallel_loop3A_1071 = arith.constant 0 : i32
        %parallel_loop3A_1072 = arith.index_cast %parallel_loop3A_1071 : i32 to index
        %parallel_loop3A_1073 = arith.index_cast %parallel_loop3A_1070 : i32 to index
        %parallel_loop3A_1074 = arith.constant 96 : index
        %parallel_loop3A_1075 = tpu.vector_load %arg8[%parallel_loop3A_1072, %parallel_loop3A_1073, %parallel_loop3A_1074] {strides = array<i32>} : memref<2x256x128xf32, #tpu.memory_space<vmem>>, vector<1x1x16xf32>,
        %parallel_loop3A_1076 = vector.shape_cast %parallel_loop3A_1075 : vector<1x1x16xf32> to vector<16xf32>
        %parallel_loop3A_1077 = arith.mulf %parallel_loop3A_716, %parallel_loop3A_1076 : vector<16xf32>
        %parallel_loop3A_1078 = arith.constant 4 : i32
        %parallel_loop3A_1079 = arith.muli %parallel_loop3A_1078, %parallel_loop3A_707 : i32
        %parallel_loop3A_1080 = arith.constant 3 : i32
        %parallel_loop3A_1081 = arith.addi %parallel_loop3A_1079, %parallel_loop3A_1080 : i32
        %parallel_loop3A_1082 = arith.constant 0 : i32
        %parallel_loop3A_1083 = arith.index_cast %parallel_loop3A_1082 : i32 to index
        %parallel_loop3A_1084 = arith.index_cast %parallel_loop3A_1081 : i32 to index
        %parallel_loop3A_1085 = arith.constant 96 : index
        %parallel_loop3A_1086 = tpu.vector_load %arg8[%parallel_loop3A_1083, %parallel_loop3A_1084, %parallel_loop3A_1085] {strides = array<i32>} : memref<2x256x128xf32, #tpu.memory_space<vmem>>, vector<1x1x16xf32>,
        %parallel_loop3A_1087 = vector.shape_cast %parallel_loop3A_1086 : vector<1x1x16xf32> to vector<16xf32>
        %parallel_loop3A_1088 = arith.mulf %parallel_loop3A_719, %parallel_loop3A_1087 : vector<16xf32>
        %parallel_loop3A_1089 = arith.addf %parallel_loop3A_1077, %parallel_loop3A_1088 : vector<16xf32>
        %parallel_loop3A_1090 = arith.addf %parallel_loop3A_1066, %parallel_loop3A_1089 : vector<16xf32>
        %parallel_loop3A_1091 = arith.constant 0 : i32
        %parallel_loop3A_1092 = arith.index_cast %parallel_loop3A_1091 : i32 to index
        %parallel_loop3A_1093 = arith.index_cast %parallel_loop3A_707 : i32 to index
        %parallel_loop3A_1094 = arith.constant 96 : index
        %parallel_loop3A_1095 = tpu.vector_load %arg9[%parallel_loop3A_1092, %parallel_loop3A_1093, %parallel_loop3A_1094] {strides = array<i32>} : memref<2x64x128xf32, #tpu.memory_space<vmem>>, vector<1x1x16xf32>,
        %parallel_loop3A_1096 = vector.shape_cast %parallel_loop3A_1095 : vector<1x1x16xf32> to vector<16xf32>
        %parallel_loop3A_1097 = vector.shape_cast %parallel_loop3A_1090 : vector<16xf32> to vector<1x1x16xf32>
        tpu.vector_store %arg9[%parallel_loop3A_1092, %parallel_loop3A_1093, %parallel_loop3A_1094], %parallel_loop3A_1097 {strides = array<i32>} : memref<2x64x128xf32, #tpu.memory_space<vmem>>, vector<1x1x16xf32>,
        %parallel_loop3A_1098 = arith.constant 4 : i32
        %parallel_loop3A_1099 = arith.muli %parallel_loop3A_1098, %parallel_loop3A_707 : i32
        %parallel_loop3A_1100 = arith.constant 0 : i32
        %parallel_loop3A_1101 = arith.addi %parallel_loop3A_1099, %parallel_loop3A_1100 : i32
        %parallel_loop3A_1102 = arith.constant 0 : i32
        %parallel_loop3A_1103 = arith.index_cast %parallel_loop3A_1102 : i32 to index
        %parallel_loop3A_1104 = arith.index_cast %parallel_loop3A_1101 : i32 to index
        %parallel_loop3A_1105 = arith.constant 112 : index
        %parallel_loop3A_1106 = tpu.vector_load %arg8[%parallel_loop3A_1103, %parallel_loop3A_1104, %parallel_loop3A_1105] {strides = array<i32>} : memref<2x256x128xf32, #tpu.memory_space<vmem>>, vector<1x1x16xf32>,
        %parallel_loop3A_1107 = vector.shape_cast %parallel_loop3A_1106 : vector<1x1x16xf32> to vector<16xf32>
        %parallel_loop3A_1108 = arith.mulf %parallel_loop3A_710, %parallel_loop3A_1107 : vector<16xf32>
        %parallel_loop3A_1109 = arith.constant 4 : i32
        %parallel_loop3A_1110 = arith.muli %parallel_loop3A_1109, %parallel_loop3A_707 : i32
        %parallel_loop3A_1111 = arith.constant 1 : i32
        %parallel_loop3A_1112 = arith.addi %parallel_loop3A_1110, %parallel_loop3A_1111 : i32
        %parallel_loop3A_1113 = arith.constant 0 : i32
        %parallel_loop3A_1114 = arith.index_cast %parallel_loop3A_1113 : i32 to index
        %parallel_loop3A_1115 = arith.index_cast %parallel_loop3A_1112 : i32 to index
        %parallel_loop3A_1116 = arith.constant 112 : index
        %parallel_loop3A_1117 = tpu.vector_load %arg8[%parallel_loop3A_1114, %parallel_loop3A_1115, %parallel_loop3A_1116] {strides = array<i32>} : memref<2x256x128xf32, #tpu.memory_space<vmem>>, vector<1x1x16xf32>,
        %parallel_loop3A_1118 = vector.shape_cast %parallel_loop3A_1117 : vector<1x1x16xf32> to vector<16xf32>
        %parallel_loop3A_1119 = arith.mulf %parallel_loop3A_713, %parallel_loop3A_1118 : vector<16xf32>
        %parallel_loop3A_1120 = arith.addf %parallel_loop3A_1108, %parallel_loop3A_1119 : vector<16xf32>
        %parallel_loop3A_1121 = arith.constant 4 : i32
        %parallel_loop3A_1122 = arith.muli %parallel_loop3A_1121, %parallel_loop3A_707 : i32
        %parallel_loop3A_1123 = arith.constant 2 : i32
        %parallel_loop3A_1124 = arith.addi %parallel_loop3A_1122, %parallel_loop3A_1123 : i32
        %parallel_loop3A_1125 = arith.constant 0 : i32
        %parallel_loop3A_1126 = arith.index_cast %parallel_loop3A_1125 : i32 to index
        %parallel_loop3A_1127 = arith.index_cast %parallel_loop3A_1124 : i32 to index
        %parallel_loop3A_1128 = arith.constant 112 : index
        %parallel_loop3A_1129 = tpu.vector_load %arg8[%parallel_loop3A_1126, %parallel_loop3A_1127, %parallel_loop3A_1128] {strides = array<i32>} : memref<2x256x128xf32, #tpu.memory_space<vmem>>, vector<1x1x16xf32>,
        %parallel_loop3A_1130 = vector.shape_cast %parallel_loop3A_1129 : vector<1x1x16xf32> to vector<16xf32>
        %parallel_loop3A_1131 = arith.mulf %parallel_loop3A_716, %parallel_loop3A_1130 : vector<16xf32>
        %parallel_loop3A_1132 = arith.constant 4 : i32
        %parallel_loop3A_1133 = arith.muli %parallel_loop3A_1132, %parallel_loop3A_707 : i32
        %parallel_loop3A_1134 = arith.constant 3 : i32
        %parallel_loop3A_1135 = arith.addi %parallel_loop3A_1133, %parallel_loop3A_1134 : i32
        %parallel_loop3A_1136 = arith.constant 0 : i32
        %parallel_loop3A_1137 = arith.index_cast %parallel_loop3A_1136 : i32 to index
        %parallel_loop3A_1138 = arith.index_cast %parallel_loop3A_1135 : i32 to index
        %parallel_loop3A_1139 = arith.constant 112 : index
        %parallel_loop3A_1140 = tpu.vector_load %arg8[%parallel_loop3A_1137, %parallel_loop3A_1138, %parallel_loop3A_1139] {strides = array<i32>} : memref<2x256x128xf32, #tpu.memory_space<vmem>>, vector<1x1x16xf32>,
        %parallel_loop3A_1141 = vector.shape_cast %parallel_loop3A_1140 : vector<1x1x16xf32> to vector<16xf32>
        %parallel_loop3A_1142 = arith.mulf %parallel_loop3A_719, %parallel_loop3A_1141 : vector<16xf32>
        %parallel_loop3A_1143 = arith.addf %parallel_loop3A_1131, %parallel_loop3A_1142 : vector<16xf32>
        %parallel_loop3A_1144 = arith.addf %parallel_loop3A_1120, %parallel_loop3A_1143 : vector<16xf32>
        %parallel_loop3A_1145 = arith.constant 0 : i32
        %parallel_loop3A_1146 = arith.index_cast %parallel_loop3A_1145 : i32 to index
        %parallel_loop3A_1147 = arith.index_cast %parallel_loop3A_707 : i32 to index
        %parallel_loop3A_1148 = arith.constant 112 : index
        %parallel_loop3A_1149 = tpu.vector_load %arg9[%parallel_loop3A_1146, %parallel_loop3A_1147, %parallel_loop3A_1148] {strides = array<i32>} : memref<2x64x128xf32, #tpu.memory_space<vmem>>, vector<1x1x16xf32>,
        %parallel_loop3A_1150 = vector.shape_cast %parallel_loop3A_1149 : vector<1x1x16xf32> to vector<16xf32>
        %parallel_loop3A_1151 = vector.shape_cast %parallel_loop3A_1144 : vector<16xf32> to vector<1x1x16xf32>
        tpu.vector_store %arg9[%parallel_loop3A_1146, %parallel_loop3A_1147, %parallel_loop3A_1148], %parallel_loop3A_1151 {strides = array<i32>} : memref<2x64x128xf32, #tpu.memory_space<vmem>>, vector<1x1x16xf32>,
        %parallel_loop3A_1152 = arith.constant 4 : i32
        %parallel_loop3A_1153 = arith.muli %parallel_loop3A_204, %parallel_loop3A_1152 : i32
        %parallel_loop3A_1154 = arith.constant 2 : i32
        %parallel_loop3A_1155 = arith.addi %parallel_loop3A_1153, %parallel_loop3A_1154 : i32
        %parallel_loop3A_1156 = vector.extract_strided_slice %parallel_loop3A_255 {offsets = [8], sizes = [1], strides = [1]} : vector<16xf32> to vector<1xf32>
        %parallel_loop3A_1157 = vector.extract %parallel_loop3A_1156[0] : f32 from vector<1xf32>
        %parallel_loop3A_1158 = vector.broadcast %parallel_loop3A_1157 : f32 to vector<16xf32>
        %parallel_loop3A_1159 = vector.extract_strided_slice %parallel_loop3A_255 {offsets = [9], sizes = [1], strides = [1]} : vector<16xf32> to vector<1xf32>
        %parallel_loop3A_1160 = vector.extract %parallel_loop3A_1159[0] : f32 from vector<1xf32>
        %parallel_loop3A_1161 = vector.broadcast %parallel_loop3A_1160 : f32 to vector<16xf32>
        %parallel_loop3A_1162 = vector.extract_strided_slice %parallel_loop3A_255 {offsets = [10], sizes = [1], strides = [1]} : vector<16xf32> to vector<1xf32>
        %parallel_loop3A_1163 = vector.extract %parallel_loop3A_1162[0] : f32 from vector<1xf32>
        %parallel_loop3A_1164 = vector.broadcast %parallel_loop3A_1163 : f32 to vector<16xf32>
        %parallel_loop3A_1165 = vector.extract_strided_slice %parallel_loop3A_255 {offsets = [11], sizes = [1], strides = [1]} : vector<16xf32> to vector<1xf32>
        %parallel_loop3A_1166 = vector.extract %parallel_loop3A_1165[0] : f32 from vector<1xf32>
        %parallel_loop3A_1167 = vector.broadcast %parallel_loop3A_1166 : f32 to vector<16xf32>
        %parallel_loop3A_1168 = arith.constant 4 : i32
        %parallel_loop3A_1169 = arith.muli %parallel_loop3A_1168, %parallel_loop3A_1155 : i32
        %parallel_loop3A_1170 = arith.constant 0 : i32
        %parallel_loop3A_1171 = arith.addi %parallel_loop3A_1169, %parallel_loop3A_1170 : i32
        %parallel_loop3A_1172 = arith.constant 0 : i32
        %parallel_loop3A_1173 = arith.index_cast %parallel_loop3A_1172 : i32 to index
        %parallel_loop3A_1174 = arith.index_cast %parallel_loop3A_1171 : i32 to index
        %parallel_loop3A_1175 = arith.constant 0 : index
        %parallel_loop3A_1176 = tpu.vector_load %arg8[%parallel_loop3A_1173, %parallel_loop3A_1174, %parallel_loop3A_1175] {strides = array<i32>} : memref<2x256x128xf32, #tpu.memory_space<vmem>>, vector<1x1x16xf32>,
        %parallel_loop3A_1177 = vector.shape_cast %parallel_loop3A_1176 : vector<1x1x16xf32> to vector<16xf32>
        %parallel_loop3A_1178 = arith.mulf %parallel_loop3A_1158, %parallel_loop3A_1177 : vector<16xf32>
        %parallel_loop3A_1179 = arith.constant 4 : i32
        %parallel_loop3A_1180 = arith.muli %parallel_loop3A_1179, %parallel_loop3A_1155 : i32
        %parallel_loop3A_1181 = arith.constant 1 : i32
        %parallel_loop3A_1182 = arith.addi %parallel_loop3A_1180, %parallel_loop3A_1181 : i32
        %parallel_loop3A_1183 = arith.constant 0 : i32
        %parallel_loop3A_1184 = arith.index_cast %parallel_loop3A_1183 : i32 to index
        %parallel_loop3A_1185 = arith.index_cast %parallel_loop3A_1182 : i32 to index
        %parallel_loop3A_1186 = arith.constant 0 : index
        %parallel_loop3A_1187 = tpu.vector_load %arg8[%parallel_loop3A_1184, %parallel_loop3A_1185, %parallel_loop3A_1186] {strides = array<i32>} : memref<2x256x128xf32, #tpu.memory_space<vmem>>, vector<1x1x16xf32>,
        %parallel_loop3A_1188 = vector.shape_cast %parallel_loop3A_1187 : vector<1x1x16xf32> to vector<16xf32>
        %parallel_loop3A_1189 = arith.mulf %parallel_loop3A_1161, %parallel_loop3A_1188 : vector<16xf32>
        %parallel_loop3A_1190 = arith.addf %parallel_loop3A_1178, %parallel_loop3A_1189 : vector<16xf32>
        %parallel_loop3A_1191 = arith.constant 4 : i32
        %parallel_loop3A_1192 = arith.muli %parallel_loop3A_1191, %parallel_loop3A_1155 : i32
        %parallel_loop3A_1193 = arith.constant 2 : i32
        %parallel_loop3A_1194 = arith.addi %parallel_loop3A_1192, %parallel_loop3A_1193 : i32
        %parallel_loop3A_1195 = arith.constant 0 : i32
        %parallel_loop3A_1196 = arith.index_cast %parallel_loop3A_1195 : i32 to index
        %parallel_loop3A_1197 = arith.index_cast %parallel_loop3A_1194 : i32 to index
        %parallel_loop3A_1198 = arith.constant 0 : index
        %parallel_loop3A_1199 = tpu.vector_load %arg8[%parallel_loop3A_1196, %parallel_loop3A_1197, %parallel_loop3A_1198] {strides = array<i32>} : memref<2x256x128xf32, #tpu.memory_space<vmem>>, vector<1x1x16xf32>,
        %parallel_loop3A_1200 = vector.shape_cast %parallel_loop3A_1199 : vector<1x1x16xf32> to vector<16xf32>
        %parallel_loop3A_1201 = arith.mulf %parallel_loop3A_1164, %parallel_loop3A_1200 : vector<16xf32>
        %parallel_loop3A_1202 = arith.constant 4 : i32
        %parallel_loop3A_1203 = arith.muli %parallel_loop3A_1202, %parallel_loop3A_1155 : i32
        %parallel_loop3A_1204 = arith.constant 3 : i32
        %parallel_loop3A_1205 = arith.addi %parallel_loop3A_1203, %parallel_loop3A_1204 : i32
        %parallel_loop3A_1206 = arith.constant 0 : i32
        %parallel_loop3A_1207 = arith.index_cast %parallel_loop3A_1206 : i32 to index
        %parallel_loop3A_1208 = arith.index_cast %parallel_loop3A_1205 : i32 to index
        %parallel_loop3A_1209 = arith.constant 0 : index
        %parallel_loop3A_1210 = tpu.vector_load %arg8[%parallel_loop3A_1207, %parallel_loop3A_1208, %parallel_loop3A_1209] {strides = array<i32>} : memref<2x256x128xf32, #tpu.memory_space<vmem>>, vector<1x1x16xf32>,
        %parallel_loop3A_1211 = vector.shape_cast %parallel_loop3A_1210 : vector<1x1x16xf32> to vector<16xf32>
        %parallel_loop3A_1212 = arith.mulf %parallel_loop3A_1167, %parallel_loop3A_1211 : vector<16xf32>
        %parallel_loop3A_1213 = arith.addf %parallel_loop3A_1201, %parallel_loop3A_1212 : vector<16xf32>
        %parallel_loop3A_1214 = arith.addf %parallel_loop3A_1190, %parallel_loop3A_1213 : vector<16xf32>
        %parallel_loop3A_1215 = arith.constant 0 : i32
        %parallel_loop3A_1216 = arith.index_cast %parallel_loop3A_1215 : i32 to index
        %parallel_loop3A_1217 = arith.index_cast %parallel_loop3A_1155 : i32 to index
        %parallel_loop3A_1218 = arith.constant 0 : index
        %parallel_loop3A_1219 = tpu.vector_load %arg9[%parallel_loop3A_1216, %parallel_loop3A_1217, %parallel_loop3A_1218] {strides = array<i32>} : memref<2x64x128xf32, #tpu.memory_space<vmem>>, vector<1x1x16xf32>,
        %parallel_loop3A_1220 = vector.shape_cast %parallel_loop3A_1219 : vector<1x1x16xf32> to vector<16xf32>
        %parallel_loop3A_1221 = vector.shape_cast %parallel_loop3A_1214 : vector<16xf32> to vector<1x1x16xf32>
        tpu.vector_store %arg9[%parallel_loop3A_1216, %parallel_loop3A_1217, %parallel_loop3A_1218], %parallel_loop3A_1221 {strides = array<i32>} : memref<2x64x128xf32, #tpu.memory_space<vmem>>, vector<1x1x16xf32>,
        %parallel_loop3A_1222 = arith.constant 4 : i32
        %parallel_loop3A_1223 = arith.muli %parallel_loop3A_1222, %parallel_loop3A_1155 : i32
        %parallel_loop3A_1224 = arith.constant 0 : i32
        %parallel_loop3A_1225 = arith.addi %parallel_loop3A_1223, %parallel_loop3A_1224 : i32
        %parallel_loop3A_1226 = arith.constant 0 : i32
        %parallel_loop3A_1227 = arith.index_cast %parallel_loop3A_1226 : i32 to index
        %parallel_loop3A_1228 = arith.index_cast %parallel_loop3A_1225 : i32 to index
        %parallel_loop3A_1229 = arith.constant 16 : index
        %parallel_loop3A_1230 = tpu.vector_load %arg8[%parallel_loop3A_1227, %parallel_loop3A_1228, %parallel_loop3A_1229] {strides = array<i32>} : memref<2x256x128xf32, #tpu.memory_space<vmem>>, vector<1x1x16xf32>,
        %parallel_loop3A_1231 = vector.shape_cast %parallel_loop3A_1230 : vector<1x1x16xf32> to vector<16xf32>
        %parallel_loop3A_1232 = arith.mulf %parallel_loop3A_1158, %parallel_loop3A_1231 : vector<16xf32>
        %parallel_loop3A_1233 = arith.constant 4 : i32
        %parallel_loop3A_1234 = arith.muli %parallel_loop3A_1233, %parallel_loop3A_1155 : i32
        %parallel_loop3A_1235 = arith.constant 1 : i32
        %parallel_loop3A_1236 = arith.addi %parallel_loop3A_1234, %parallel_loop3A_1235 : i32
        %parallel_loop3A_1237 = arith.constant 0 : i32
        %parallel_loop3A_1238 = arith.index_cast %parallel_loop3A_1237 : i32 to index
        %parallel_loop3A_1239 = arith.index_cast %parallel_loop3A_1236 : i32 to index
        %parallel_loop3A_1240 = arith.constant 16 : index
        %parallel_loop3A_1241 = tpu.vector_load %arg8[%parallel_loop3A_1238, %parallel_loop3A_1239, %parallel_loop3A_1240] {strides = array<i32>} : memref<2x256x128xf32, #tpu.memory_space<vmem>>, vector<1x1x16xf32>,
        %parallel_loop3A_1242 = vector.shape_cast %parallel_loop3A_1241 : vector<1x1x16xf32> to vector<16xf32>
        %parallel_loop3A_1243 = arith.mulf %parallel_loop3A_1161, %parallel_loop3A_1242 : vector<16xf32>
        %parallel_loop3A_1244 = arith.addf %parallel_loop3A_1232, %parallel_loop3A_1243 : vector<16xf32>
        %parallel_loop3A_1245 = arith.constant 4 : i32
        %parallel_loop3A_1246 = arith.muli %parallel_loop3A_1245, %parallel_loop3A_1155 : i32
        %parallel_loop3A_1247 = arith.constant 2 : i32
        %parallel_loop3A_1248 = arith.addi %parallel_loop3A_1246, %parallel_loop3A_1247 : i32
        %parallel_loop3A_1249 = arith.constant 0 : i32
        %parallel_loop3A_1250 = arith.index_cast %parallel_loop3A_1249 : i32 to index
        %parallel_loop3A_1251 = arith.index_cast %parallel_loop3A_1248 : i32 to index
        %parallel_loop3A_1252 = arith.constant 16 : index
        %parallel_loop3A_1253 = tpu.vector_load %arg8[%parallel_loop3A_1250, %parallel_loop3A_1251, %parallel_loop3A_1252] {strides = array<i32>} : memref<2x256x128xf32, #tpu.memory_space<vmem>>, vector<1x1x16xf32>,
        %parallel_loop3A_1254 = vector.shape_cast %parallel_loop3A_1253 : vector<1x1x16xf32> to vector<16xf32>
        %parallel_loop3A_1255 = arith.mulf %parallel_loop3A_1164, %parallel_loop3A_1254 : vector<16xf32>
        %parallel_loop3A_1256 = arith.constant 4 : i32
        %parallel_loop3A_1257 = arith.muli %parallel_loop3A_1256, %parallel_loop3A_1155 : i32
        %parallel_loop3A_1258 = arith.constant 3 : i32
        %parallel_loop3A_1259 = arith.addi %parallel_loop3A_1257, %parallel_loop3A_1258 : i32
        %parallel_loop3A_1260 = arith.constant 0 : i32
        %parallel_loop3A_1261 = arith.index_cast %parallel_loop3A_1260 : i32 to index
        %parallel_loop3A_1262 = arith.index_cast %parallel_loop3A_1259 : i32 to index
        %parallel_loop3A_1263 = arith.constant 16 : index
        %parallel_loop3A_1264 = tpu.vector_load %arg8[%parallel_loop3A_1261, %parallel_loop3A_1262, %parallel_loop3A_1263] {strides = array<i32>} : memref<2x256x128xf32, #tpu.memory_space<vmem>>, vector<1x1x16xf32>,
        %parallel_loop3A_1265 = vector.shape_cast %parallel_loop3A_1264 : vector<1x1x16xf32> to vector<16xf32>
        %parallel_loop3A_1266 = arith.mulf %parallel_loop3A_1167, %parallel_loop3A_1265 : vector<16xf32>
        %parallel_loop3A_1267 = arith.addf %parallel_loop3A_1255, %parallel_loop3A_1266 : vector<16xf32>
        %parallel_loop3A_1268 = arith.addf %parallel_loop3A_1244, %parallel_loop3A_1267 : vector<16xf32>
        %parallel_loop3A_1269 = arith.constant 0 : i32
        %parallel_loop3A_1270 = arith.index_cast %parallel_loop3A_1269 : i32 to index
        %parallel_loop3A_1271 = arith.index_cast %parallel_loop3A_1155 : i32 to index
        %parallel_loop3A_1272 = arith.constant 16 : index
        %parallel_loop3A_1273 = tpu.vector_load %arg9[%parallel_loop3A_1270, %parallel_loop3A_1271, %parallel_loop3A_1272] {strides = array<i32>} : memref<2x64x128xf32, #tpu.memory_space<vmem>>, vector<1x1x16xf32>,
        %parallel_loop3A_1274 = vector.shape_cast %parallel_loop3A_1273 : vector<1x1x16xf32> to vector<16xf32>
        %parallel_loop3A_1275 = vector.shape_cast %parallel_loop3A_1268 : vector<16xf32> to vector<1x1x16xf32>
        tpu.vector_store %arg9[%parallel_loop3A_1270, %parallel_loop3A_1271, %parallel_loop3A_1272], %parallel_loop3A_1275 {strides = array<i32>} : memref<2x64x128xf32, #tpu.memory_space<vmem>>, vector<1x1x16xf32>,
        %parallel_loop3A_1276 = arith.constant 4 : i32
        %parallel_loop3A_1277 = arith.muli %parallel_loop3A_1276, %parallel_loop3A_1155 : i32
        %parallel_loop3A_1278 = arith.constant 0 : i32
        %parallel_loop3A_1279 = arith.addi %parallel_loop3A_1277, %parallel_loop3A_1278 : i32
        %parallel_loop3A_1280 = arith.constant 0 : i32
        %parallel_loop3A_1281 = arith.index_cast %parallel_loop3A_1280 : i32 to index
        %parallel_loop3A_1282 = arith.index_cast %parallel_loop3A_1279 : i32 to index
        %parallel_loop3A_1283 = arith.constant 32 : index
        %parallel_loop3A_1284 = tpu.vector_load %arg8[%parallel_loop3A_1281, %parallel_loop3A_1282, %parallel_loop3A_1283] {strides = array<i32>} : memref<2x256x128xf32, #tpu.memory_space<vmem>>, vector<1x1x16xf32>,
        %parallel_loop3A_1285 = vector.shape_cast %parallel_loop3A_1284 : vector<1x1x16xf32> to vector<16xf32>
        %parallel_loop3A_1286 = arith.mulf %parallel_loop3A_1158, %parallel_loop3A_1285 : vector<16xf32>
        %parallel_loop3A_1287 = arith.constant 4 : i32
        %parallel_loop3A_1288 = arith.muli %parallel_loop3A_1287, %parallel_loop3A_1155 : i32
        %parallel_loop3A_1289 = arith.constant 1 : i32
        %parallel_loop3A_1290 = arith.addi %parallel_loop3A_1288, %parallel_loop3A_1289 : i32
        %parallel_loop3A_1291 = arith.constant 0 : i32
        %parallel_loop3A_1292 = arith.index_cast %parallel_loop3A_1291 : i32 to index
        %parallel_loop3A_1293 = arith.index_cast %parallel_loop3A_1290 : i32 to index
        %parallel_loop3A_1294 = arith.constant 32 : index
        %parallel_loop3A_1295 = tpu.vector_load %arg8[%parallel_loop3A_1292, %parallel_loop3A_1293, %parallel_loop3A_1294] {strides = array<i32>} : memref<2x256x128xf32, #tpu.memory_space<vmem>>, vector<1x1x16xf32>,
        %parallel_loop3A_1296 = vector.shape_cast %parallel_loop3A_1295 : vector<1x1x16xf32> to vector<16xf32>
        %parallel_loop3A_1297 = arith.mulf %parallel_loop3A_1161, %parallel_loop3A_1296 : vector<16xf32>
        %parallel_loop3A_1298 = arith.addf %parallel_loop3A_1286, %parallel_loop3A_1297 : vector<16xf32>
        %parallel_loop3A_1299 = arith.constant 4 : i32
        %parallel_loop3A_1300 = arith.muli %parallel_loop3A_1299, %parallel_loop3A_1155 : i32
        %parallel_loop3A_1301 = arith.constant 2 : i32
        %parallel_loop3A_1302 = arith.addi %parallel_loop3A_1300, %parallel_loop3A_1301 : i32
        %parallel_loop3A_1303 = arith.constant 0 : i32
        %parallel_loop3A_1304 = arith.index_cast %parallel_loop3A_1303 : i32 to index
        %parallel_loop3A_1305 = arith.index_cast %parallel_loop3A_1302 : i32 to index
        %parallel_loop3A_1306 = arith.constant 32 : index
        %parallel_loop3A_1307 = tpu.vector_load %arg8[%parallel_loop3A_1304, %parallel_loop3A_1305, %parallel_loop3A_1306] {strides = array<i32>} : memref<2x256x128xf32, #tpu.memory_space<vmem>>, vector<1x1x16xf32>,
        %parallel_loop3A_1308 = vector.shape_cast %parallel_loop3A_1307 : vector<1x1x16xf32> to vector<16xf32>
        %parallel_loop3A_1309 = arith.mulf %parallel_loop3A_1164, %parallel_loop3A_1308 : vector<16xf32>
        %parallel_loop3A_1310 = arith.constant 4 : i32
        %parallel_loop3A_1311 = arith.muli %parallel_loop3A_1310, %parallel_loop3A_1155 : i32
        %parallel_loop3A_1312 = arith.constant 3 : i32
        %parallel_loop3A_1313 = arith.addi %parallel_loop3A_1311, %parallel_loop3A_1312 : i32
        %parallel_loop3A_1314 = arith.constant 0 : i32
        %parallel_loop3A_1315 = arith.index_cast %parallel_loop3A_1314 : i32 to index
        %parallel_loop3A_1316 = arith.index_cast %parallel_loop3A_1313 : i32 to index
        %parallel_loop3A_1317 = arith.constant 32 : index
        %parallel_loop3A_1318 = tpu.vector_load %arg8[%parallel_loop3A_1315, %parallel_loop3A_1316, %parallel_loop3A_1317] {strides = array<i32>} : memref<2x256x128xf32, #tpu.memory_space<vmem>>, vector<1x1x16xf32>,
        %parallel_loop3A_1319 = vector.shape_cast %parallel_loop3A_1318 : vector<1x1x16xf32> to vector<16xf32>
        %parallel_loop3A_1320 = arith.mulf %parallel_loop3A_1167, %parallel_loop3A_1319 : vector<16xf32>
        %parallel_loop3A_1321 = arith.addf %parallel_loop3A_1309, %parallel_loop3A_1320 : vector<16xf32>
        %parallel_loop3A_1322 = arith.addf %parallel_loop3A_1298, %parallel_loop3A_1321 : vector<16xf32>
        %parallel_loop3A_1323 = arith.constant 0 : i32
        %parallel_loop3A_1324 = arith.index_cast %parallel_loop3A_1323 : i32 to index
        %parallel_loop3A_1325 = arith.index_cast %parallel_loop3A_1155 : i32 to index
        %parallel_loop3A_1326 = arith.constant 32 : index
        %parallel_loop3A_1327 = tpu.vector_load %arg9[%parallel_loop3A_1324, %parallel_loop3A_1325, %parallel_loop3A_1326] {strides = array<i32>} : memref<2x64x128xf32, #tpu.memory_space<vmem>>, vector<1x1x16xf32>,
        %parallel_loop3A_1328 = vector.shape_cast %parallel_loop3A_1327 : vector<1x1x16xf32> to vector<16xf32>
        %parallel_loop3A_1329 = vector.shape_cast %parallel_loop3A_1322 : vector<16xf32> to vector<1x1x16xf32>
        tpu.vector_store %arg9[%parallel_loop3A_1324, %parallel_loop3A_1325, %parallel_loop3A_1326], %parallel_loop3A_1329 {strides = array<i32>} : memref<2x64x128xf32, #tpu.memory_space<vmem>>, vector<1x1x16xf32>,
        %parallel_loop3A_1330 = arith.constant 4 : i32
        %parallel_loop3A_1331 = arith.muli %parallel_loop3A_1330, %parallel_loop3A_1155 : i32
        %parallel_loop3A_1332 = arith.constant 0 : i32
        %parallel_loop3A_1333 = arith.addi %parallel_loop3A_1331, %parallel_loop3A_1332 : i32
        %parallel_loop3A_1334 = arith.constant 0 : i32
        %parallel_loop3A_1335 = arith.index_cast %parallel_loop3A_1334 : i32 to index
        %parallel_loop3A_1336 = arith.index_cast %parallel_loop3A_1333 : i32 to index
        %parallel_loop3A_1337 = arith.constant 48 : index
        %parallel_loop3A_1338 = tpu.vector_load %arg8[%parallel_loop3A_1335, %parallel_loop3A_1336, %parallel_loop3A_1337] {strides = array<i32>} : memref<2x256x128xf32, #tpu.memory_space<vmem>>, vector<1x1x16xf32>,
        %parallel_loop3A_1339 = vector.shape_cast %parallel_loop3A_1338 : vector<1x1x16xf32> to vector<16xf32>
        %parallel_loop3A_1340 = arith.mulf %parallel_loop3A_1158, %parallel_loop3A_1339 : vector<16xf32>
        %parallel_loop3A_1341 = arith.constant 4 : i32
        %parallel_loop3A_1342 = arith.muli %parallel_loop3A_1341, %parallel_loop3A_1155 : i32
        %parallel_loop3A_1343 = arith.constant 1 : i32
        %parallel_loop3A_1344 = arith.addi %parallel_loop3A_1342, %parallel_loop3A_1343 : i32
        %parallel_loop3A_1345 = arith.constant 0 : i32
        %parallel_loop3A_1346 = arith.index_cast %parallel_loop3A_1345 : i32 to index
        %parallel_loop3A_1347 = arith.index_cast %parallel_loop3A_1344 : i32 to index
        %parallel_loop3A_1348 = arith.constant 48 : index
        %parallel_loop3A_1349 = tpu.vector_load %arg8[%parallel_loop3A_1346, %parallel_loop3A_1347, %parallel_loop3A_1348] {strides = array<i32>} : memref<2x256x128xf32, #tpu.memory_space<vmem>>, vector<1x1x16xf32>,
        %parallel_loop3A_1350 = vector.shape_cast %parallel_loop3A_1349 : vector<1x1x16xf32> to vector<16xf32>
        %parallel_loop3A_1351 = arith.mulf %parallel_loop3A_1161, %parallel_loop3A_1350 : vector<16xf32>
        %parallel_loop3A_1352 = arith.addf %parallel_loop3A_1340, %parallel_loop3A_1351 : vector<16xf32>
        %parallel_loop3A_1353 = arith.constant 4 : i32
        %parallel_loop3A_1354 = arith.muli %parallel_loop3A_1353, %parallel_loop3A_1155 : i32
        %parallel_loop3A_1355 = arith.constant 2 : i32
        %parallel_loop3A_1356 = arith.addi %parallel_loop3A_1354, %parallel_loop3A_1355 : i32
        %parallel_loop3A_1357 = arith.constant 0 : i32
        %parallel_loop3A_1358 = arith.index_cast %parallel_loop3A_1357 : i32 to index
        %parallel_loop3A_1359 = arith.index_cast %parallel_loop3A_1356 : i32 to index
        %parallel_loop3A_1360 = arith.constant 48 : index
        %parallel_loop3A_1361 = tpu.vector_load %arg8[%parallel_loop3A_1358, %parallel_loop3A_1359, %parallel_loop3A_1360] {strides = array<i32>} : memref<2x256x128xf32, #tpu.memory_space<vmem>>, vector<1x1x16xf32>,
        %parallel_loop3A_1362 = vector.shape_cast %parallel_loop3A_1361 : vector<1x1x16xf32> to vector<16xf32>
        %parallel_loop3A_1363 = arith.mulf %parallel_loop3A_1164, %parallel_loop3A_1362 : vector<16xf32>
        %parallel_loop3A_1364 = arith.constant 4 : i32
        %parallel_loop3A_1365 = arith.muli %parallel_loop3A_1364, %parallel_loop3A_1155 : i32
        %parallel_loop3A_1366 = arith.constant 3 : i32
        %parallel_loop3A_1367 = arith.addi %parallel_loop3A_1365, %parallel_loop3A_1366 : i32
        %parallel_loop3A_1368 = arith.constant 0 : i32
        %parallel_loop3A_1369 = arith.index_cast %parallel_loop3A_1368 : i32 to index
        %parallel_loop3A_1370 = arith.index_cast %parallel_loop3A_1367 : i32 to index
        %parallel_loop3A_1371 = arith.constant 48 : index
        %parallel_loop3A_1372 = tpu.vector_load %arg8[%parallel_loop3A_1369, %parallel_loop3A_1370, %parallel_loop3A_1371] {strides = array<i32>} : memref<2x256x128xf32, #tpu.memory_space<vmem>>, vector<1x1x16xf32>,
        %parallel_loop3A_1373 = vector.shape_cast %parallel_loop3A_1372 : vector<1x1x16xf32> to vector<16xf32>
        %parallel_loop3A_1374 = arith.mulf %parallel_loop3A_1167, %parallel_loop3A_1373 : vector<16xf32>
        %parallel_loop3A_1375 = arith.addf %parallel_loop3A_1363, %parallel_loop3A_1374 : vector<16xf32>
        %parallel_loop3A_1376 = arith.addf %parallel_loop3A_1352, %parallel_loop3A_1375 : vector<16xf32>
        %parallel_loop3A_1377 = arith.constant 0 : i32
        %parallel_loop3A_1378 = arith.index_cast %parallel_loop3A_1377 : i32 to index
        %parallel_loop3A_1379 = arith.index_cast %parallel_loop3A_1155 : i32 to index
        %parallel_loop3A_1380 = arith.constant 48 : index
        %parallel_loop3A_1381 = tpu.vector_load %arg9[%parallel_loop3A_1378, %parallel_loop3A_1379, %parallel_loop3A_1380] {strides = array<i32>} : memref<2x64x128xf32, #tpu.memory_space<vmem>>, vector<1x1x16xf32>,
        %parallel_loop3A_1382 = vector.shape_cast %parallel_loop3A_1381 : vector<1x1x16xf32> to vector<16xf32>
        %parallel_loop3A_1383 = vector.shape_cast %parallel_loop3A_1376 : vector<16xf32> to vector<1x1x16xf32>
        tpu.vector_store %arg9[%parallel_loop3A_1378, %parallel_loop3A_1379, %parallel_loop3A_1380], %parallel_loop3A_1383 {strides = array<i32>} : memref<2x64x128xf32, #tpu.memory_space<vmem>>, vector<1x1x16xf32>,
        %parallel_loop3A_1384 = arith.constant 4 : i32
        %parallel_loop3A_1385 = arith.muli %parallel_loop3A_1384, %parallel_loop3A_1155 : i32
        %parallel_loop3A_1386 = arith.constant 0 : i32
        %parallel_loop3A_1387 = arith.addi %parallel_loop3A_1385, %parallel_loop3A_1386 : i32
        %parallel_loop3A_1388 = arith.constant 0 : i32
        %parallel_loop3A_1389 = arith.index_cast %parallel_loop3A_1388 : i32 to index
        %parallel_loop3A_1390 = arith.index_cast %parallel_loop3A_1387 : i32 to index
        %parallel_loop3A_1391 = arith.constant 64 : index
        %parallel_loop3A_1392 = tpu.vector_load %arg8[%parallel_loop3A_1389, %parallel_loop3A_1390, %parallel_loop3A_1391] {strides = array<i32>} : memref<2x256x128xf32, #tpu.memory_space<vmem>>, vector<1x1x16xf32>,
        %parallel_loop3A_1393 = vector.shape_cast %parallel_loop3A_1392 : vector<1x1x16xf32> to vector<16xf32>
        %parallel_loop3A_1394 = arith.mulf %parallel_loop3A_1158, %parallel_loop3A_1393 : vector<16xf32>
        %parallel_loop3A_1395 = arith.constant 4 : i32
        %parallel_loop3A_1396 = arith.muli %parallel_loop3A_1395, %parallel_loop3A_1155 : i32
        %parallel_loop3A_1397 = arith.constant 1 : i32
        %parallel_loop3A_1398 = arith.addi %parallel_loop3A_1396, %parallel_loop3A_1397 : i32
        %parallel_loop3A_1399 = arith.constant 0 : i32
        %parallel_loop3A_1400 = arith.index_cast %parallel_loop3A_1399 : i32 to index
        %parallel_loop3A_1401 = arith.index_cast %parallel_loop3A_1398 : i32 to index
        %parallel_loop3A_1402 = arith.constant 64 : index
        %parallel_loop3A_1403 = tpu.vector_load %arg8[%parallel_loop3A_1400, %parallel_loop3A_1401, %parallel_loop3A_1402] {strides = array<i32>} : memref<2x256x128xf32, #tpu.memory_space<vmem>>, vector<1x1x16xf32>,
        %parallel_loop3A_1404 = vector.shape_cast %parallel_loop3A_1403 : vector<1x1x16xf32> to vector<16xf32>
        %parallel_loop3A_1405 = arith.mulf %parallel_loop3A_1161, %parallel_loop3A_1404 : vector<16xf32>
        %parallel_loop3A_1406 = arith.addf %parallel_loop3A_1394, %parallel_loop3A_1405 : vector<16xf32>
        %parallel_loop3A_1407 = arith.constant 4 : i32
        %parallel_loop3A_1408 = arith.muli %parallel_loop3A_1407, %parallel_loop3A_1155 : i32
        %parallel_loop3A_1409 = arith.constant 2 : i32
        %parallel_loop3A_1410 = arith.addi %parallel_loop3A_1408, %parallel_loop3A_1409 : i32
        %parallel_loop3A_1411 = arith.constant 0 : i32
        %parallel_loop3A_1412 = arith.index_cast %parallel_loop3A_1411 : i32 to index
        %parallel_loop3A_1413 = arith.index_cast %parallel_loop3A_1410 : i32 to index
        %parallel_loop3A_1414 = arith.constant 64 : index
        %parallel_loop3A_1415 = tpu.vector_load %arg8[%parallel_loop3A_1412, %parallel_loop3A_1413, %parallel_loop3A_1414] {strides = array<i32>} : memref<2x256x128xf32, #tpu.memory_space<vmem>>, vector<1x1x16xf32>,
        %parallel_loop3A_1416 = vector.shape_cast %parallel_loop3A_1415 : vector<1x1x16xf32> to vector<16xf32>
        %parallel_loop3A_1417 = arith.mulf %parallel_loop3A_1164, %parallel_loop3A_1416 : vector<16xf32>
        %parallel_loop3A_1418 = arith.constant 4 : i32
        %parallel_loop3A_1419 = arith.muli %parallel_loop3A_1418, %parallel_loop3A_1155 : i32
        %parallel_loop3A_1420 = arith.constant 3 : i32
        %parallel_loop3A_1421 = arith.addi %parallel_loop3A_1419, %parallel_loop3A_1420 : i32
        %parallel_loop3A_1422 = arith.constant 0 : i32
        %parallel_loop3A_1423 = arith.index_cast %parallel_loop3A_1422 : i32 to index
        %parallel_loop3A_1424 = arith.index_cast %parallel_loop3A_1421 : i32 to index
        %parallel_loop3A_1425 = arith.constant 64 : index
        %parallel_loop3A_1426 = tpu.vector_load %arg8[%parallel_loop3A_1423, %parallel_loop3A_1424, %parallel_loop3A_1425] {strides = array<i32>} : memref<2x256x128xf32, #tpu.memory_space<vmem>>, vector<1x1x16xf32>,
        %parallel_loop3A_1427 = vector.shape_cast %parallel_loop3A_1426 : vector<1x1x16xf32> to vector<16xf32>
        %parallel_loop3A_1428 = arith.mulf %parallel_loop3A_1167, %parallel_loop3A_1427 : vector<16xf32>
        %parallel_loop3A_1429 = arith.addf %parallel_loop3A_1417, %parallel_loop3A_1428 : vector<16xf32>
        %parallel_loop3A_1430 = arith.addf %parallel_loop3A_1406, %parallel_loop3A_1429 : vector<16xf32>
        %parallel_loop3A_1431 = arith.constant 0 : i32
        %parallel_loop3A_1432 = arith.index_cast %parallel_loop3A_1431 : i32 to index
        %parallel_loop3A_1433 = arith.index_cast %parallel_loop3A_1155 : i32 to index
        %parallel_loop3A_1434 = arith.constant 64 : index
        %parallel_loop3A_1435 = tpu.vector_load %arg9[%parallel_loop3A_1432, %parallel_loop3A_1433, %parallel_loop3A_1434] {strides = array<i32>} : memref<2x64x128xf32, #tpu.memory_space<vmem>>, vector<1x1x16xf32>,
        %parallel_loop3A_1436 = vector.shape_cast %parallel_loop3A_1435 : vector<1x1x16xf32> to vector<16xf32>
        %parallel_loop3A_1437 = vector.shape_cast %parallel_loop3A_1430 : vector<16xf32> to vector<1x1x16xf32>
        tpu.vector_store %arg9[%parallel_loop3A_1432, %parallel_loop3A_1433, %parallel_loop3A_1434], %parallel_loop3A_1437 {strides = array<i32>} : memref<2x64x128xf32, #tpu.memory_space<vmem>>, vector<1x1x16xf32>,
        %parallel_loop3A_1438 = arith.constant 4 : i32
        %parallel_loop3A_1439 = arith.muli %parallel_loop3A_1438, %parallel_loop3A_1155 : i32
        %parallel_loop3A_1440 = arith.constant 0 : i32
        %parallel_loop3A_1441 = arith.addi %parallel_loop3A_1439, %parallel_loop3A_1440 : i32
        %parallel_loop3A_1442 = arith.constant 0 : i32
        %parallel_loop3A_1443 = arith.index_cast %parallel_loop3A_1442 : i32 to index
        %parallel_loop3A_1444 = arith.index_cast %parallel_loop3A_1441 : i32 to index
        %parallel_loop3A_1445 = arith.constant 80 : index
        %parallel_loop3A_1446 = tpu.vector_load %arg8[%parallel_loop3A_1443, %parallel_loop3A_1444, %parallel_loop3A_1445] {strides = array<i32>} : memref<2x256x128xf32, #tpu.memory_space<vmem>>, vector<1x1x16xf32>,
        %parallel_loop3A_1447 = vector.shape_cast %parallel_loop3A_1446 : vector<1x1x16xf32> to vector<16xf32>
        %parallel_loop3A_1448 = arith.mulf %parallel_loop3A_1158, %parallel_loop3A_1447 : vector<16xf32>
        %parallel_loop3A_1449 = arith.constant 4 : i32
        %parallel_loop3A_1450 = arith.muli %parallel_loop3A_1449, %parallel_loop3A_1155 : i32
        %parallel_loop3A_1451 = arith.constant 1 : i32
        %parallel_loop3A_1452 = arith.addi %parallel_loop3A_1450, %parallel_loop3A_1451 : i32
        %parallel_loop3A_1453 = arith.constant 0 : i32
        %parallel_loop3A_1454 = arith.index_cast %parallel_loop3A_1453 : i32 to index
        %parallel_loop3A_1455 = arith.index_cast %parallel_loop3A_1452 : i32 to index
        %parallel_loop3A_1456 = arith.constant 80 : index
        %parallel_loop3A_1457 = tpu.vector_load %arg8[%parallel_loop3A_1454, %parallel_loop3A_1455, %parallel_loop3A_1456] {strides = array<i32>} : memref<2x256x128xf32, #tpu.memory_space<vmem>>, vector<1x1x16xf32>,
        %parallel_loop3A_1458 = vector.shape_cast %parallel_loop3A_1457 : vector<1x1x16xf32> to vector<16xf32>
        %parallel_loop3A_1459 = arith.mulf %parallel_loop3A_1161, %parallel_loop3A_1458 : vector<16xf32>
        %parallel_loop3A_1460 = arith.addf %parallel_loop3A_1448, %parallel_loop3A_1459 : vector<16xf32>
        %parallel_loop3A_1461 = arith.constant 4 : i32
        %parallel_loop3A_1462 = arith.muli %parallel_loop3A_1461, %parallel_loop3A_1155 : i32
        %parallel_loop3A_1463 = arith.constant 2 : i32
        %parallel_loop3A_1464 = arith.addi %parallel_loop3A_1462, %parallel_loop3A_1463 : i32
        %parallel_loop3A_1465 = arith.constant 0 : i32
        %parallel_loop3A_1466 = arith.index_cast %parallel_loop3A_1465 : i32 to index
        %parallel_loop3A_1467 = arith.index_cast %parallel_loop3A_1464 : i32 to index
        %parallel_loop3A_1468 = arith.constant 80 : index
        %parallel_loop3A_1469 = tpu.vector_load %arg8[%parallel_loop3A_1466, %parallel_loop3A_1467, %parallel_loop3A_1468] {strides = array<i32>} : memref<2x256x128xf32, #tpu.memory_space<vmem>>, vector<1x1x16xf32>,
        %parallel_loop3A_1470 = vector.shape_cast %parallel_loop3A_1469 : vector<1x1x16xf32> to vector<16xf32>
        %parallel_loop3A_1471 = arith.mulf %parallel_loop3A_1164, %parallel_loop3A_1470 : vector<16xf32>
        %parallel_loop3A_1472 = arith.constant 4 : i32
        %parallel_loop3A_1473 = arith.muli %parallel_loop3A_1472, %parallel_loop3A_1155 : i32
        %parallel_loop3A_1474 = arith.constant 3 : i32
        %parallel_loop3A_1475 = arith.addi %parallel_loop3A_1473, %parallel_loop3A_1474 : i32
        %parallel_loop3A_1476 = arith.constant 0 : i32
        %parallel_loop3A_1477 = arith.index_cast %parallel_loop3A_1476 : i32 to index
        %parallel_loop3A_1478 = arith.index_cast %parallel_loop3A_1475 : i32 to index
        %parallel_loop3A_1479 = arith.constant 80 : index
        %parallel_loop3A_1480 = tpu.vector_load %arg8[%parallel_loop3A_1477, %parallel_loop3A_1478, %parallel_loop3A_1479] {strides = array<i32>} : memref<2x256x128xf32, #tpu.memory_space<vmem>>, vector<1x1x16xf32>,
        %parallel_loop3A_1481 = vector.shape_cast %parallel_loop3A_1480 : vector<1x1x16xf32> to vector<16xf32>
        %parallel_loop3A_1482 = arith.mulf %parallel_loop3A_1167, %parallel_loop3A_1481 : vector<16xf32>
        %parallel_loop3A_1483 = arith.addf %parallel_loop3A_1471, %parallel_loop3A_1482 : vector<16xf32>
        %parallel_loop3A_1484 = arith.addf %parallel_loop3A_1460, %parallel_loop3A_1483 : vector<16xf32>
        %parallel_loop3A_1485 = arith.constant 0 : i32
        %parallel_loop3A_1486 = arith.index_cast %parallel_loop3A_1485 : i32 to index
        %parallel_loop3A_1487 = arith.index_cast %parallel_loop3A_1155 : i32 to index
        %parallel_loop3A_1488 = arith.constant 80 : index
        %parallel_loop3A_1489 = tpu.vector_load %arg9[%parallel_loop3A_1486, %parallel_loop3A_1487, %parallel_loop3A_1488] {strides = array<i32>} : memref<2x64x128xf32, #tpu.memory_space<vmem>>, vector<1x1x16xf32>,
        %parallel_loop3A_1490 = vector.shape_cast %parallel_loop3A_1489 : vector<1x1x16xf32> to vector<16xf32>
        %parallel_loop3A_1491 = vector.shape_cast %parallel_loop3A_1484 : vector<16xf32> to vector<1x1x16xf32>
        tpu.vector_store %arg9[%parallel_loop3A_1486, %parallel_loop3A_1487, %parallel_loop3A_1488], %parallel_loop3A_1491 {strides = array<i32>} : memref<2x64x128xf32, #tpu.memory_space<vmem>>, vector<1x1x16xf32>,
        %parallel_loop3A_1492 = arith.constant 4 : i32
        %parallel_loop3A_1493 = arith.muli %parallel_loop3A_1492, %parallel_loop3A_1155 : i32
        %parallel_loop3A_1494 = arith.constant 0 : i32
        %parallel_loop3A_1495 = arith.addi %parallel_loop3A_1493, %parallel_loop3A_1494 : i32
        %parallel_loop3A_1496 = arith.constant 0 : i32
        %parallel_loop3A_1497 = arith.index_cast %parallel_loop3A_1496 : i32 to index
        %parallel_loop3A_1498 = arith.index_cast %parallel_loop3A_1495 : i32 to index
        %parallel_loop3A_1499 = arith.constant 96 : index
        %parallel_loop3A_1500 = tpu.vector_load %arg8[%parallel_loop3A_1497, %parallel_loop3A_1498, %parallel_loop3A_1499] {strides = array<i32>} : memref<2x256x128xf32, #tpu.memory_space<vmem>>, vector<1x1x16xf32>,
        %parallel_loop3A_1501 = vector.shape_cast %parallel_loop3A_1500 : vector<1x1x16xf32> to vector<16xf32>
        %parallel_loop3A_1502 = arith.mulf %parallel_loop3A_1158, %parallel_loop3A_1501 : vector<16xf32>
        %parallel_loop3A_1503 = arith.constant 4 : i32
        %parallel_loop3A_1504 = arith.muli %parallel_loop3A_1503, %parallel_loop3A_1155 : i32
        %parallel_loop3A_1505 = arith.constant 1 : i32
        %parallel_loop3A_1506 = arith.addi %parallel_loop3A_1504, %parallel_loop3A_1505 : i32
        %parallel_loop3A_1507 = arith.constant 0 : i32
        %parallel_loop3A_1508 = arith.index_cast %parallel_loop3A_1507 : i32 to index
        %parallel_loop3A_1509 = arith.index_cast %parallel_loop3A_1506 : i32 to index
        %parallel_loop3A_1510 = arith.constant 96 : index
        %parallel_loop3A_1511 = tpu.vector_load %arg8[%parallel_loop3A_1508, %parallel_loop3A_1509, %parallel_loop3A_1510] {strides = array<i32>} : memref<2x256x128xf32, #tpu.memory_space<vmem>>, vector<1x1x16xf32>,
        %parallel_loop3A_1512 = vector.shape_cast %parallel_loop3A_1511 : vector<1x1x16xf32> to vector<16xf32>
        %parallel_loop3A_1513 = arith.mulf %parallel_loop3A_1161, %parallel_loop3A_1512 : vector<16xf32>
        %parallel_loop3A_1514 = arith.addf %parallel_loop3A_1502, %parallel_loop3A_1513 : vector<16xf32>
        %parallel_loop3A_1515 = arith.constant 4 : i32
        %parallel_loop3A_1516 = arith.muli %parallel_loop3A_1515, %parallel_loop3A_1155 : i32
        %parallel_loop3A_1517 = arith.constant 2 : i32
        %parallel_loop3A_1518 = arith.addi %parallel_loop3A_1516, %parallel_loop3A_1517 : i32
        %parallel_loop3A_1519 = arith.constant 0 : i32
        %parallel_loop3A_1520 = arith.index_cast %parallel_loop3A_1519 : i32 to index
        %parallel_loop3A_1521 = arith.index_cast %parallel_loop3A_1518 : i32 to index
        %parallel_loop3A_1522 = arith.constant 96 : index
        %parallel_loop3A_1523 = tpu.vector_load %arg8[%parallel_loop3A_1520, %parallel_loop3A_1521, %parallel_loop3A_1522] {strides = array<i32>} : memref<2x256x128xf32, #tpu.memory_space<vmem>>, vector<1x1x16xf32>,
        %parallel_loop3A_1524 = vector.shape_cast %parallel_loop3A_1523 : vector<1x1x16xf32> to vector<16xf32>
        %parallel_loop3A_1525 = arith.mulf %parallel_loop3A_1164, %parallel_loop3A_1524 : vector<16xf32>
        %parallel_loop3A_1526 = arith.constant 4 : i32
        %parallel_loop3A_1527 = arith.muli %parallel_loop3A_1526, %parallel_loop3A_1155 : i32
        %parallel_loop3A_1528 = arith.constant 3 : i32
        %parallel_loop3A_1529 = arith.addi %parallel_loop3A_1527, %parallel_loop3A_1528 : i32
        %parallel_loop3A_1530 = arith.constant 0 : i32
        %parallel_loop3A_1531 = arith.index_cast %parallel_loop3A_1530 : i32 to index
        %parallel_loop3A_1532 = arith.index_cast %parallel_loop3A_1529 : i32 to index
        %parallel_loop3A_1533 = arith.constant 96 : index
        %parallel_loop3A_1534 = tpu.vector_load %arg8[%parallel_loop3A_1531, %parallel_loop3A_1532, %parallel_loop3A_1533] {strides = array<i32>} : memref<2x256x128xf32, #tpu.memory_space<vmem>>, vector<1x1x16xf32>,
        %parallel_loop3A_1535 = vector.shape_cast %parallel_loop3A_1534 : vector<1x1x16xf32> to vector<16xf32>
        %parallel_loop3A_1536 = arith.mulf %parallel_loop3A_1167, %parallel_loop3A_1535 : vector<16xf32>
        %parallel_loop3A_1537 = arith.addf %parallel_loop3A_1525, %parallel_loop3A_1536 : vector<16xf32>
        %parallel_loop3A_1538 = arith.addf %parallel_loop3A_1514, %parallel_loop3A_1537 : vector<16xf32>
        %parallel_loop3A_1539 = arith.constant 0 : i32
        %parallel_loop3A_1540 = arith.index_cast %parallel_loop3A_1539 : i32 to index
        %parallel_loop3A_1541 = arith.index_cast %parallel_loop3A_1155 : i32 to index
        %parallel_loop3A_1542 = arith.constant 96 : index
        %parallel_loop3A_1543 = tpu.vector_load %arg9[%parallel_loop3A_1540, %parallel_loop3A_1541, %parallel_loop3A_1542] {strides = array<i32>} : memref<2x64x128xf32, #tpu.memory_space<vmem>>, vector<1x1x16xf32>,
        %parallel_loop3A_1544 = vector.shape_cast %parallel_loop3A_1543 : vector<1x1x16xf32> to vector<16xf32>
        %parallel_loop3A_1545 = vector.shape_cast %parallel_loop3A_1538 : vector<16xf32> to vector<1x1x16xf32>
        tpu.vector_store %arg9[%parallel_loop3A_1540, %parallel_loop3A_1541, %parallel_loop3A_1542], %parallel_loop3A_1545 {strides = array<i32>} : memref<2x64x128xf32, #tpu.memory_space<vmem>>, vector<1x1x16xf32>,
        %parallel_loop3A_1546 = arith.constant 4 : i32
        %parallel_loop3A_1547 = arith.muli %parallel_loop3A_1546, %parallel_loop3A_1155 : i32
        %parallel_loop3A_1548 = arith.constant 0 : i32
        %parallel_loop3A_1549 = arith.addi %parallel_loop3A_1547, %parallel_loop3A_1548 : i32
        %parallel_loop3A_1550 = arith.constant 0 : i32
        %parallel_loop3A_1551 = arith.index_cast %parallel_loop3A_1550 : i32 to index
        %parallel_loop3A_1552 = arith.index_cast %parallel_loop3A_1549 : i32 to index
        %parallel_loop3A_1553 = arith.constant 112 : index
        %parallel_loop3A_1554 = tpu.vector_load %arg8[%parallel_loop3A_1551, %parallel_loop3A_1552, %parallel_loop3A_1553] {strides = array<i32>} : memref<2x256x128xf32, #tpu.memory_space<vmem>>, vector<1x1x16xf32>,
        %parallel_loop3A_1555 = vector.shape_cast %parallel_loop3A_1554 : vector<1x1x16xf32> to vector<16xf32>
        %parallel_loop3A_1556 = arith.mulf %parallel_loop3A_1158, %parallel_loop3A_1555 : vector<16xf32>
        %parallel_loop3A_1557 = arith.constant 4 : i32
        %parallel_loop3A_1558 = arith.muli %parallel_loop3A_1557, %parallel_loop3A_1155 : i32
        %parallel_loop3A_1559 = arith.constant 1 : i32
        %parallel_loop3A_1560 = arith.addi %parallel_loop3A_1558, %parallel_loop3A_1559 : i32
        %parallel_loop3A_1561 = arith.constant 0 : i32
        %parallel_loop3A_1562 = arith.index_cast %parallel_loop3A_1561 : i32 to index
        %parallel_loop3A_1563 = arith.index_cast %parallel_loop3A_1560 : i32 to index
        %parallel_loop3A_1564 = arith.constant 112 : index
        %parallel_loop3A_1565 = tpu.vector_load %arg8[%parallel_loop3A_1562, %parallel_loop3A_1563, %parallel_loop3A_1564] {strides = array<i32>} : memref<2x256x128xf32, #tpu.memory_space<vmem>>, vector<1x1x16xf32>,
        %parallel_loop3A_1566 = vector.shape_cast %parallel_loop3A_1565 : vector<1x1x16xf32> to vector<16xf32>
        %parallel_loop3A_1567 = arith.mulf %parallel_loop3A_1161, %parallel_loop3A_1566 : vector<16xf32>
        %parallel_loop3A_1568 = arith.addf %parallel_loop3A_1556, %parallel_loop3A_1567 : vector<16xf32>
        %parallel_loop3A_1569 = arith.constant 4 : i32
        %parallel_loop3A_1570 = arith.muli %parallel_loop3A_1569, %parallel_loop3A_1155 : i32
        %parallel_loop3A_1571 = arith.constant 2 : i32
        %parallel_loop3A_1572 = arith.addi %parallel_loop3A_1570, %parallel_loop3A_1571 : i32
        %parallel_loop3A_1573 = arith.constant 0 : i32
        %parallel_loop3A_1574 = arith.index_cast %parallel_loop3A_1573 : i32 to index
        %parallel_loop3A_1575 = arith.index_cast %parallel_loop3A_1572 : i32 to index
        %parallel_loop3A_1576 = arith.constant 112 : index
        %parallel_loop3A_1577 = tpu.vector_load %arg8[%parallel_loop3A_1574, %parallel_loop3A_1575, %parallel_loop3A_1576] {strides = array<i32>} : memref<2x256x128xf32, #tpu.memory_space<vmem>>, vector<1x1x16xf32>,
        %parallel_loop3A_1578 = vector.shape_cast %parallel_loop3A_1577 : vector<1x1x16xf32> to vector<16xf32>
        %parallel_loop3A_1579 = arith.mulf %parallel_loop3A_1164, %parallel_loop3A_1578 : vector<16xf32>
        %parallel_loop3A_1580 = arith.constant 4 : i32
        %parallel_loop3A_1581 = arith.muli %parallel_loop3A_1580, %parallel_loop3A_1155 : i32
        %parallel_loop3A_1582 = arith.constant 3 : i32
        %parallel_loop3A_1583 = arith.addi %parallel_loop3A_1581, %parallel_loop3A_1582 : i32
        %parallel_loop3A_1584 = arith.constant 0 : i32
        %parallel_loop3A_1585 = arith.index_cast %parallel_loop3A_1584 : i32 to index
        %parallel_loop3A_1586 = arith.index_cast %parallel_loop3A_1583 : i32 to index
        %parallel_loop3A_1587 = arith.constant 112 : index
        %parallel_loop3A_1588 = tpu.vector_load %arg8[%parallel_loop3A_1585, %parallel_loop3A_1586, %parallel_loop3A_1587] {strides = array<i32>} : memref<2x256x128xf32, #tpu.memory_space<vmem>>, vector<1x1x16xf32>,
        %parallel_loop3A_1589 = vector.shape_cast %parallel_loop3A_1588 : vector<1x1x16xf32> to vector<16xf32>
        %parallel_loop3A_1590 = arith.mulf %parallel_loop3A_1167, %parallel_loop3A_1589 : vector<16xf32>
        %parallel_loop3A_1591 = arith.addf %parallel_loop3A_1579, %parallel_loop3A_1590 : vector<16xf32>
        %parallel_loop3A_1592 = arith.addf %parallel_loop3A_1568, %parallel_loop3A_1591 : vector<16xf32>
        %parallel_loop3A_1593 = arith.constant 0 : i32
        %parallel_loop3A_1594 = arith.index_cast %parallel_loop3A_1593 : i32 to index
        %parallel_loop3A_1595 = arith.index_cast %parallel_loop3A_1155 : i32 to index
        %parallel_loop3A_1596 = arith.constant 112 : index
        %parallel_loop3A_1597 = tpu.vector_load %arg9[%parallel_loop3A_1594, %parallel_loop3A_1595, %parallel_loop3A_1596] {strides = array<i32>} : memref<2x64x128xf32, #tpu.memory_space<vmem>>, vector<1x1x16xf32>,
        %parallel_loop3A_1598 = vector.shape_cast %parallel_loop3A_1597 : vector<1x1x16xf32> to vector<16xf32>
        %parallel_loop3A_1599 = vector.shape_cast %parallel_loop3A_1592 : vector<16xf32> to vector<1x1x16xf32>
        tpu.vector_store %arg9[%parallel_loop3A_1594, %parallel_loop3A_1595, %parallel_loop3A_1596], %parallel_loop3A_1599 {strides = array<i32>} : memref<2x64x128xf32, #tpu.memory_space<vmem>>, vector<1x1x16xf32>,
        %parallel_loop3A_1600 = arith.constant 4 : i32
        %parallel_loop3A_1601 = arith.muli %parallel_loop3A_204, %parallel_loop3A_1600 : i32
        %parallel_loop3A_1602 = arith.constant 3 : i32
        %parallel_loop3A_1603 = arith.addi %parallel_loop3A_1601, %parallel_loop3A_1602 : i32
        %parallel_loop3A_1604 = vector.extract_strided_slice %parallel_loop3A_255 {offsets = [12], sizes = [1], strides = [1]} : vector<16xf32> to vector<1xf32>
        %parallel_loop3A_1605 = vector.extract %parallel_loop3A_1604[0] : f32 from vector<1xf32>
        %parallel_loop3A_1606 = vector.broadcast %parallel_loop3A_1605 : f32 to vector<16xf32>
        %parallel_loop3A_1607 = vector.extract_strided_slice %parallel_loop3A_255 {offsets = [13], sizes = [1], strides = [1]} : vector<16xf32> to vector<1xf32>
        %parallel_loop3A_1608 = vector.extract %parallel_loop3A_1607[0] : f32 from vector<1xf32>
        %parallel_loop3A_1609 = vector.broadcast %parallel_loop3A_1608 : f32 to vector<16xf32>
        %parallel_loop3A_1610 = vector.extract_strided_slice %parallel_loop3A_255 {offsets = [14], sizes = [1], strides = [1]} : vector<16xf32> to vector<1xf32>
        %parallel_loop3A_1611 = vector.extract %parallel_loop3A_1610[0] : f32 from vector<1xf32>
        %parallel_loop3A_1612 = vector.broadcast %parallel_loop3A_1611 : f32 to vector<16xf32>
        %parallel_loop3A_1613 = vector.extract_strided_slice %parallel_loop3A_255 {offsets = [15], sizes = [1], strides = [1]} : vector<16xf32> to vector<1xf32>
        %parallel_loop3A_1614 = vector.extract %parallel_loop3A_1613[0] : f32 from vector<1xf32>
        %parallel_loop3A_1615 = vector.broadcast %parallel_loop3A_1614 : f32 to vector<16xf32>
        %parallel_loop3A_1616 = arith.constant 4 : i32
        %parallel_loop3A_1617 = arith.muli %parallel_loop3A_1616, %parallel_loop3A_1603 : i32
        %parallel_loop3A_1618 = arith.constant 0 : i32
        %parallel_loop3A_1619 = arith.addi %parallel_loop3A_1617, %parallel_loop3A_1618 : i32
        %parallel_loop3A_1620 = arith.constant 0 : i32
        %parallel_loop3A_1621 = arith.index_cast %parallel_loop3A_1620 : i32 to index
        %parallel_loop3A_1622 = arith.index_cast %parallel_loop3A_1619 : i32 to index
        %parallel_loop3A_1623 = arith.constant 0 : index
        %parallel_loop3A_1624 = tpu.vector_load %arg8[%parallel_loop3A_1621, %parallel_loop3A_1622, %parallel_loop3A_1623] {strides = array<i32>} : memref<2x256x128xf32, #tpu.memory_space<vmem>>, vector<1x1x16xf32>,
        %parallel_loop3A_1625 = vector.shape_cast %parallel_loop3A_1624 : vector<1x1x16xf32> to vector<16xf32>
        %parallel_loop3A_1626 = arith.mulf %parallel_loop3A_1606, %parallel_loop3A_1625 : vector<16xf32>
        %parallel_loop3A_1627 = arith.constant 4 : i32
        %parallel_loop3A_1628 = arith.muli %parallel_loop3A_1627, %parallel_loop3A_1603 : i32
        %parallel_loop3A_1629 = arith.constant 1 : i32
        %parallel_loop3A_1630 = arith.addi %parallel_loop3A_1628, %parallel_loop3A_1629 : i32
        %parallel_loop3A_1631 = arith.constant 0 : i32
        %parallel_loop3A_1632 = arith.index_cast %parallel_loop3A_1631 : i32 to index
        %parallel_loop3A_1633 = arith.index_cast %parallel_loop3A_1630 : i32 to index
        %parallel_loop3A_1634 = arith.constant 0 : index
        %parallel_loop3A_1635 = tpu.vector_load %arg8[%parallel_loop3A_1632, %parallel_loop3A_1633, %parallel_loop3A_1634] {strides = array<i32>} : memref<2x256x128xf32, #tpu.memory_space<vmem>>, vector<1x1x16xf32>,
        %parallel_loop3A_1636 = vector.shape_cast %parallel_loop3A_1635 : vector<1x1x16xf32> to vector<16xf32>
        %parallel_loop3A_1637 = arith.mulf %parallel_loop3A_1609, %parallel_loop3A_1636 : vector<16xf32>
        %parallel_loop3A_1638 = arith.addf %parallel_loop3A_1626, %parallel_loop3A_1637 : vector<16xf32>
        %parallel_loop3A_1639 = arith.constant 4 : i32
        %parallel_loop3A_1640 = arith.muli %parallel_loop3A_1639, %parallel_loop3A_1603 : i32
        %parallel_loop3A_1641 = arith.constant 2 : i32
        %parallel_loop3A_1642 = arith.addi %parallel_loop3A_1640, %parallel_loop3A_1641 : i32
        %parallel_loop3A_1643 = arith.constant 0 : i32
        %parallel_loop3A_1644 = arith.index_cast %parallel_loop3A_1643 : i32 to index
        %parallel_loop3A_1645 = arith.index_cast %parallel_loop3A_1642 : i32 to index
        %parallel_loop3A_1646 = arith.constant 0 : index
        %parallel_loop3A_1647 = tpu.vector_load %arg8[%parallel_loop3A_1644, %parallel_loop3A_1645, %parallel_loop3A_1646] {strides = array<i32>} : memref<2x256x128xf32, #tpu.memory_space<vmem>>, vector<1x1x16xf32>,
        %parallel_loop3A_1648 = vector.shape_cast %parallel_loop3A_1647 : vector<1x1x16xf32> to vector<16xf32>
        %parallel_loop3A_1649 = arith.mulf %parallel_loop3A_1612, %parallel_loop3A_1648 : vector<16xf32>
        %parallel_loop3A_1650 = arith.constant 4 : i32
        %parallel_loop3A_1651 = arith.muli %parallel_loop3A_1650, %parallel_loop3A_1603 : i32
        %parallel_loop3A_1652 = arith.constant 3 : i32
        %parallel_loop3A_1653 = arith.addi %parallel_loop3A_1651, %parallel_loop3A_1652 : i32
        %parallel_loop3A_1654 = arith.constant 0 : i32
        %parallel_loop3A_1655 = arith.index_cast %parallel_loop3A_1654 : i32 to index
        %parallel_loop3A_1656 = arith.index_cast %parallel_loop3A_1653 : i32 to index
        %parallel_loop3A_1657 = arith.constant 0 : index
        %parallel_loop3A_1658 = tpu.vector_load %arg8[%parallel_loop3A_1655, %parallel_loop3A_1656, %parallel_loop3A_1657] {strides = array<i32>} : memref<2x256x128xf32, #tpu.memory_space<vmem>>, vector<1x1x16xf32>,
        %parallel_loop3A_1659 = vector.shape_cast %parallel_loop3A_1658 : vector<1x1x16xf32> to vector<16xf32>
        %parallel_loop3A_1660 = arith.mulf %parallel_loop3A_1615, %parallel_loop3A_1659 : vector<16xf32>
        %parallel_loop3A_1661 = arith.addf %parallel_loop3A_1649, %parallel_loop3A_1660 : vector<16xf32>
        %parallel_loop3A_1662 = arith.addf %parallel_loop3A_1638, %parallel_loop3A_1661 : vector<16xf32>
        %parallel_loop3A_1663 = arith.constant 0 : i32
        %parallel_loop3A_1664 = arith.index_cast %parallel_loop3A_1663 : i32 to index
        %parallel_loop3A_1665 = arith.index_cast %parallel_loop3A_1603 : i32 to index
        %parallel_loop3A_1666 = arith.constant 0 : index
        %parallel_loop3A_1667 = tpu.vector_load %arg9[%parallel_loop3A_1664, %parallel_loop3A_1665, %parallel_loop3A_1666] {strides = array<i32>} : memref<2x64x128xf32, #tpu.memory_space<vmem>>, vector<1x1x16xf32>,
        %parallel_loop3A_1668 = vector.shape_cast %parallel_loop3A_1667 : vector<1x1x16xf32> to vector<16xf32>
        %parallel_loop3A_1669 = vector.shape_cast %parallel_loop3A_1662 : vector<16xf32> to vector<1x1x16xf32>
        tpu.vector_store %arg9[%parallel_loop3A_1664, %parallel_loop3A_1665, %parallel_loop3A_1666], %parallel_loop3A_1669 {strides = array<i32>} : memref<2x64x128xf32, #tpu.memory_space<vmem>>, vector<1x1x16xf32>,
        %parallel_loop3A_1670 = arith.constant 4 : i32
        %parallel_loop3A_1671 = arith.muli %parallel_loop3A_1670, %parallel_loop3A_1603 : i32
        %parallel_loop3A_1672 = arith.constant 0 : i32
        %parallel_loop3A_1673 = arith.addi %parallel_loop3A_1671, %parallel_loop3A_1672 : i32
        %parallel_loop3A_1674 = arith.constant 0 : i32
        %parallel_loop3A_1675 = arith.index_cast %parallel_loop3A_1674 : i32 to index
        %parallel_loop3A_1676 = arith.index_cast %parallel_loop3A_1673 : i32 to index
        %parallel_loop3A_1677 = arith.constant 16 : index
        %parallel_loop3A_1678 = tpu.vector_load %arg8[%parallel_loop3A_1675, %parallel_loop3A_1676, %parallel_loop3A_1677] {strides = array<i32>} : memref<2x256x128xf32, #tpu.memory_space<vmem>>, vector<1x1x16xf32>,
        %parallel_loop3A_1679 = vector.shape_cast %parallel_loop3A_1678 : vector<1x1x16xf32> to vector<16xf32>
        %parallel_loop3A_1680 = arith.mulf %parallel_loop3A_1606, %parallel_loop3A_1679 : vector<16xf32>
        %parallel_loop3A_1681 = arith.constant 4 : i32
        %parallel_loop3A_1682 = arith.muli %parallel_loop3A_1681, %parallel_loop3A_1603 : i32
        %parallel_loop3A_1683 = arith.constant 1 : i32
        %parallel_loop3A_1684 = arith.addi %parallel_loop3A_1682, %parallel_loop3A_1683 : i32
        %parallel_loop3A_1685 = arith.constant 0 : i32
        %parallel_loop3A_1686 = arith.index_cast %parallel_loop3A_1685 : i32 to index
        %parallel_loop3A_1687 = arith.index_cast %parallel_loop3A_1684 : i32 to index
        %parallel_loop3A_1688 = arith.constant 16 : index
        %parallel_loop3A_1689 = tpu.vector_load %arg8[%parallel_loop3A_1686, %parallel_loop3A_1687, %parallel_loop3A_1688] {strides = array<i32>} : memref<2x256x128xf32, #tpu.memory_space<vmem>>, vector<1x1x16xf32>,
        %parallel_loop3A_1690 = vector.shape_cast %parallel_loop3A_1689 : vector<1x1x16xf32> to vector<16xf32>
        %parallel_loop3A_1691 = arith.mulf %parallel_loop3A_1609, %parallel_loop3A_1690 : vector<16xf32>
        %parallel_loop3A_1692 = arith.addf %parallel_loop3A_1680, %parallel_loop3A_1691 : vector<16xf32>
        %parallel_loop3A_1693 = arith.constant 4 : i32
        %parallel_loop3A_1694 = arith.muli %parallel_loop3A_1693, %parallel_loop3A_1603 : i32
        %parallel_loop3A_1695 = arith.constant 2 : i32
        %parallel_loop3A_1696 = arith.addi %parallel_loop3A_1694, %parallel_loop3A_1695 : i32
        %parallel_loop3A_1697 = arith.constant 0 : i32
        %parallel_loop3A_1698 = arith.index_cast %parallel_loop3A_1697 : i32 to index
        %parallel_loop3A_1699 = arith.index_cast %parallel_loop3A_1696 : i32 to index
        %parallel_loop3A_1700 = arith.constant 16 : index
        %parallel_loop3A_1701 = tpu.vector_load %arg8[%parallel_loop3A_1698, %parallel_loop3A_1699, %parallel_loop3A_1700] {strides = array<i32>} : memref<2x256x128xf32, #tpu.memory_space<vmem>>, vector<1x1x16xf32>,
        %parallel_loop3A_1702 = vector.shape_cast %parallel_loop3A_1701 : vector<1x1x16xf32> to vector<16xf32>
        %parallel_loop3A_1703 = arith.mulf %parallel_loop3A_1612, %parallel_loop3A_1702 : vector<16xf32>
        %parallel_loop3A_1704 = arith.constant 4 : i32
        %parallel_loop3A_1705 = arith.muli %parallel_loop3A_1704, %parallel_loop3A_1603 : i32
        %parallel_loop3A_1706 = arith.constant 3 : i32
        %parallel_loop3A_1707 = arith.addi %parallel_loop3A_1705, %parallel_loop3A_1706 : i32
        %parallel_loop3A_1708 = arith.constant 0 : i32
        %parallel_loop3A_1709 = arith.index_cast %parallel_loop3A_1708 : i32 to index
        %parallel_loop3A_1710 = arith.index_cast %parallel_loop3A_1707 : i32 to index
        %parallel_loop3A_1711 = arith.constant 16 : index
        %parallel_loop3A_1712 = tpu.vector_load %arg8[%parallel_loop3A_1709, %parallel_loop3A_1710, %parallel_loop3A_1711] {strides = array<i32>} : memref<2x256x128xf32, #tpu.memory_space<vmem>>, vector<1x1x16xf32>,
        %parallel_loop3A_1713 = vector.shape_cast %parallel_loop3A_1712 : vector<1x1x16xf32> to vector<16xf32>
        %parallel_loop3A_1714 = arith.mulf %parallel_loop3A_1615, %parallel_loop3A_1713 : vector<16xf32>
        %parallel_loop3A_1715 = arith.addf %parallel_loop3A_1703, %parallel_loop3A_1714 : vector<16xf32>
        %parallel_loop3A_1716 = arith.addf %parallel_loop3A_1692, %parallel_loop3A_1715 : vector<16xf32>
        %parallel_loop3A_1717 = arith.constant 0 : i32
        %parallel_loop3A_1718 = arith.index_cast %parallel_loop3A_1717 : i32 to index
        %parallel_loop3A_1719 = arith.index_cast %parallel_loop3A_1603 : i32 to index
        %parallel_loop3A_1720 = arith.constant 16 : index
        %parallel_loop3A_1721 = tpu.vector_load %arg9[%parallel_loop3A_1718, %parallel_loop3A_1719, %parallel_loop3A_1720] {strides = array<i32>} : memref<2x64x128xf32, #tpu.memory_space<vmem>>, vector<1x1x16xf32>,
        %parallel_loop3A_1722 = vector.shape_cast %parallel_loop3A_1721 : vector<1x1x16xf32> to vector<16xf32>
        %parallel_loop3A_1723 = vector.shape_cast %parallel_loop3A_1716 : vector<16xf32> to vector<1x1x16xf32>
        tpu.vector_store %arg9[%parallel_loop3A_1718, %parallel_loop3A_1719, %parallel_loop3A_1720], %parallel_loop3A_1723 {strides = array<i32>} : memref<2x64x128xf32, #tpu.memory_space<vmem>>, vector<1x1x16xf32>,
        %parallel_loop3A_1724 = arith.constant 4 : i32
        %parallel_loop3A_1725 = arith.muli %parallel_loop3A_1724, %parallel_loop3A_1603 : i32
        %parallel_loop3A_1726 = arith.constant 0 : i32
        %parallel_loop3A_1727 = arith.addi %parallel_loop3A_1725, %parallel_loop3A_1726 : i32
        %parallel_loop3A_1728 = arith.constant 0 : i32
        %parallel_loop3A_1729 = arith.index_cast %parallel_loop3A_1728 : i32 to index
        %parallel_loop3A_1730 = arith.index_cast %parallel_loop3A_1727 : i32 to index
        %parallel_loop3A_1731 = arith.constant 32 : index
        %parallel_loop3A_1732 = tpu.vector_load %arg8[%parallel_loop3A_1729, %parallel_loop3A_1730, %parallel_loop3A_1731] {strides = array<i32>} : memref<2x256x128xf32, #tpu.memory_space<vmem>>, vector<1x1x16xf32>,
        %parallel_loop3A_1733 = vector.shape_cast %parallel_loop3A_1732 : vector<1x1x16xf32> to vector<16xf32>
        %parallel_loop3A_1734 = arith.mulf %parallel_loop3A_1606, %parallel_loop3A_1733 : vector<16xf32>
        %parallel_loop3A_1735 = arith.constant 4 : i32
        %parallel_loop3A_1736 = arith.muli %parallel_loop3A_1735, %parallel_loop3A_1603 : i32
        %parallel_loop3A_1737 = arith.constant 1 : i32
        %parallel_loop3A_1738 = arith.addi %parallel_loop3A_1736, %parallel_loop3A_1737 : i32
        %parallel_loop3A_1739 = arith.constant 0 : i32
        %parallel_loop3A_1740 = arith.index_cast %parallel_loop3A_1739 : i32 to index
        %parallel_loop3A_1741 = arith.index_cast %parallel_loop3A_1738 : i32 to index
        %parallel_loop3A_1742 = arith.constant 32 : index
        %parallel_loop3A_1743 = tpu.vector_load %arg8[%parallel_loop3A_1740, %parallel_loop3A_1741, %parallel_loop3A_1742] {strides = array<i32>} : memref<2x256x128xf32, #tpu.memory_space<vmem>>, vector<1x1x16xf32>,
        %parallel_loop3A_1744 = vector.shape_cast %parallel_loop3A_1743 : vector<1x1x16xf32> to vector<16xf32>
        %parallel_loop3A_1745 = arith.mulf %parallel_loop3A_1609, %parallel_loop3A_1744 : vector<16xf32>
        %parallel_loop3A_1746 = arith.addf %parallel_loop3A_1734, %parallel_loop3A_1745 : vector<16xf32>
        %parallel_loop3A_1747 = arith.constant 4 : i32
        %parallel_loop3A_1748 = arith.muli %parallel_loop3A_1747, %parallel_loop3A_1603 : i32
        %parallel_loop3A_1749 = arith.constant 2 : i32
        %parallel_loop3A_1750 = arith.addi %parallel_loop3A_1748, %parallel_loop3A_1749 : i32
        %parallel_loop3A_1751 = arith.constant 0 : i32
        %parallel_loop3A_1752 = arith.index_cast %parallel_loop3A_1751 : i32 to index
        %parallel_loop3A_1753 = arith.index_cast %parallel_loop3A_1750 : i32 to index
        %parallel_loop3A_1754 = arith.constant 32 : index
        %parallel_loop3A_1755 = tpu.vector_load %arg8[%parallel_loop3A_1752, %parallel_loop3A_1753, %parallel_loop3A_1754] {strides = array<i32>} : memref<2x256x128xf32, #tpu.memory_space<vmem>>, vector<1x1x16xf32>,
        %parallel_loop3A_1756 = vector.shape_cast %parallel_loop3A_1755 : vector<1x1x16xf32> to vector<16xf32>
        %parallel_loop3A_1757 = arith.mulf %parallel_loop3A_1612, %parallel_loop3A_1756 : vector<16xf32>
        %parallel_loop3A_1758 = arith.constant 4 : i32
        %parallel_loop3A_1759 = arith.muli %parallel_loop3A_1758, %parallel_loop3A_1603 : i32
        %parallel_loop3A_1760 = arith.constant 3 : i32
        %parallel_loop3A_1761 = arith.addi %parallel_loop3A_1759, %parallel_loop3A_1760 : i32
        %parallel_loop3A_1762 = arith.constant 0 : i32
        %parallel_loop3A_1763 = arith.index_cast %parallel_loop3A_1762 : i32 to index
        %parallel_loop3A_1764 = arith.index_cast %parallel_loop3A_1761 : i32 to index
        %parallel_loop3A_1765 = arith.constant 32 : index
        %parallel_loop3A_1766 = tpu.vector_load %arg8[%parallel_loop3A_1763, %parallel_loop3A_1764, %parallel_loop3A_1765] {strides = array<i32>} : memref<2x256x128xf32, #tpu.memory_space<vmem>>, vector<1x1x16xf32>,
        %parallel_loop3A_1767 = vector.shape_cast %parallel_loop3A_1766 : vector<1x1x16xf32> to vector<16xf32>
        %parallel_loop3A_1768 = arith.mulf %parallel_loop3A_1615, %parallel_loop3A_1767 : vector<16xf32>
        %parallel_loop3A_1769 = arith.addf %parallel_loop3A_1757, %parallel_loop3A_1768 : vector<16xf32>
        %parallel_loop3A_1770 = arith.addf %parallel_loop3A_1746, %parallel_loop3A_1769 : vector<16xf32>
        %parallel_loop3A_1771 = arith.constant 0 : i32
        %parallel_loop3A_1772 = arith.index_cast %parallel_loop3A_1771 : i32 to index
        %parallel_loop3A_1773 = arith.index_cast %parallel_loop3A_1603 : i32 to index
        %parallel_loop3A_1774 = arith.constant 32 : index
        %parallel_loop3A_1775 = tpu.vector_load %arg9[%parallel_loop3A_1772, %parallel_loop3A_1773, %parallel_loop3A_1774] {strides = array<i32>} : memref<2x64x128xf32, #tpu.memory_space<vmem>>, vector<1x1x16xf32>,
        %parallel_loop3A_1776 = vector.shape_cast %parallel_loop3A_1775 : vector<1x1x16xf32> to vector<16xf32>
        %parallel_loop3A_1777 = vector.shape_cast %parallel_loop3A_1770 : vector<16xf32> to vector<1x1x16xf32>
        tpu.vector_store %arg9[%parallel_loop3A_1772, %parallel_loop3A_1773, %parallel_loop3A_1774], %parallel_loop3A_1777 {strides = array<i32>} : memref<2x64x128xf32, #tpu.memory_space<vmem>>, vector<1x1x16xf32>,
        %parallel_loop3A_1778 = arith.constant 4 : i32
        %parallel_loop3A_1779 = arith.muli %parallel_loop3A_1778, %parallel_loop3A_1603 : i32
        %parallel_loop3A_1780 = arith.constant 0 : i32
        %parallel_loop3A_1781 = arith.addi %parallel_loop3A_1779, %parallel_loop3A_1780 : i32
        %parallel_loop3A_1782 = arith.constant 0 : i32
        %parallel_loop3A_1783 = arith.index_cast %parallel_loop3A_1782 : i32 to index
        %parallel_loop3A_1784 = arith.index_cast %parallel_loop3A_1781 : i32 to index
        %parallel_loop3A_1785 = arith.constant 48 : index
        %parallel_loop3A_1786 = tpu.vector_load %arg8[%parallel_loop3A_1783, %parallel_loop3A_1784, %parallel_loop3A_1785] {strides = array<i32>} : memref<2x256x128xf32, #tpu.memory_space<vmem>>, vector<1x1x16xf32>,
        %parallel_loop3A_1787 = vector.shape_cast %parallel_loop3A_1786 : vector<1x1x16xf32> to vector<16xf32>
        %parallel_loop3A_1788 = arith.mulf %parallel_loop3A_1606, %parallel_loop3A_1787 : vector<16xf32>
        %parallel_loop3A_1789 = arith.constant 4 : i32
        %parallel_loop3A_1790 = arith.muli %parallel_loop3A_1789, %parallel_loop3A_1603 : i32
        %parallel_loop3A_1791 = arith.constant 1 : i32
        %parallel_loop3A_1792 = arith.addi %parallel_loop3A_1790, %parallel_loop3A_1791 : i32
        %parallel_loop3A_1793 = arith.constant 0 : i32
        %parallel_loop3A_1794 = arith.index_cast %parallel_loop3A_1793 : i32 to index
        %parallel_loop3A_1795 = arith.index_cast %parallel_loop3A_1792 : i32 to index
        %parallel_loop3A_1796 = arith.constant 48 : index
        %parallel_loop3A_1797 = tpu.vector_load %arg8[%parallel_loop3A_1794, %parallel_loop3A_1795, %parallel_loop3A_1796] {strides = array<i32>} : memref<2x256x128xf32, #tpu.memory_space<vmem>>, vector<1x1x16xf32>,
        %parallel_loop3A_1798 = vector.shape_cast %parallel_loop3A_1797 : vector<1x1x16xf32> to vector<16xf32>
        %parallel_loop3A_1799 = arith.mulf %parallel_loop3A_1609, %parallel_loop3A_1798 : vector<16xf32>
        %parallel_loop3A_1800 = arith.addf %parallel_loop3A_1788, %parallel_loop3A_1799 : vector<16xf32>
        %parallel_loop3A_1801 = arith.constant 4 : i32
        %parallel_loop3A_1802 = arith.muli %parallel_loop3A_1801, %parallel_loop3A_1603 : i32
        %parallel_loop3A_1803 = arith.constant 2 : i32
        %parallel_loop3A_1804 = arith.addi %parallel_loop3A_1802, %parallel_loop3A_1803 : i32
        %parallel_loop3A_1805 = arith.constant 0 : i32
        %parallel_loop3A_1806 = arith.index_cast %parallel_loop3A_1805 : i32 to index
        %parallel_loop3A_1807 = arith.index_cast %parallel_loop3A_1804 : i32 to index
        %parallel_loop3A_1808 = arith.constant 48 : index
        %parallel_loop3A_1809 = tpu.vector_load %arg8[%parallel_loop3A_1806, %parallel_loop3A_1807, %parallel_loop3A_1808] {strides = array<i32>} : memref<2x256x128xf32, #tpu.memory_space<vmem>>, vector<1x1x16xf32>,
        %parallel_loop3A_1810 = vector.shape_cast %parallel_loop3A_1809 : vector<1x1x16xf32> to vector<16xf32>
        %parallel_loop3A_1811 = arith.mulf %parallel_loop3A_1612, %parallel_loop3A_1810 : vector<16xf32>
        %parallel_loop3A_1812 = arith.constant 4 : i32
        %parallel_loop3A_1813 = arith.muli %parallel_loop3A_1812, %parallel_loop3A_1603 : i32
        %parallel_loop3A_1814 = arith.constant 3 : i32
        %parallel_loop3A_1815 = arith.addi %parallel_loop3A_1813, %parallel_loop3A_1814 : i32
        %parallel_loop3A_1816 = arith.constant 0 : i32
        %parallel_loop3A_1817 = arith.index_cast %parallel_loop3A_1816 : i32 to index
        %parallel_loop3A_1818 = arith.index_cast %parallel_loop3A_1815 : i32 to index
        %parallel_loop3A_1819 = arith.constant 48 : index
        %parallel_loop3A_1820 = tpu.vector_load %arg8[%parallel_loop3A_1817, %parallel_loop3A_1818, %parallel_loop3A_1819] {strides = array<i32>} : memref<2x256x128xf32, #tpu.memory_space<vmem>>, vector<1x1x16xf32>,
        %parallel_loop3A_1821 = vector.shape_cast %parallel_loop3A_1820 : vector<1x1x16xf32> to vector<16xf32>
        %parallel_loop3A_1822 = arith.mulf %parallel_loop3A_1615, %parallel_loop3A_1821 : vector<16xf32>
        %parallel_loop3A_1823 = arith.addf %parallel_loop3A_1811, %parallel_loop3A_1822 : vector<16xf32>
        %parallel_loop3A_1824 = arith.addf %parallel_loop3A_1800, %parallel_loop3A_1823 : vector<16xf32>
        %parallel_loop3A_1825 = arith.constant 0 : i32
        %parallel_loop3A_1826 = arith.index_cast %parallel_loop3A_1825 : i32 to index
        %parallel_loop3A_1827 = arith.index_cast %parallel_loop3A_1603 : i32 to index
        %parallel_loop3A_1828 = arith.constant 48 : index
        %parallel_loop3A_1829 = tpu.vector_load %arg9[%parallel_loop3A_1826, %parallel_loop3A_1827, %parallel_loop3A_1828] {strides = array<i32>} : memref<2x64x128xf32, #tpu.memory_space<vmem>>, vector<1x1x16xf32>,
        %parallel_loop3A_1830 = vector.shape_cast %parallel_loop3A_1829 : vector<1x1x16xf32> to vector<16xf32>
        %parallel_loop3A_1831 = vector.shape_cast %parallel_loop3A_1824 : vector<16xf32> to vector<1x1x16xf32>
        tpu.vector_store %arg9[%parallel_loop3A_1826, %parallel_loop3A_1827, %parallel_loop3A_1828], %parallel_loop3A_1831 {strides = array<i32>} : memref<2x64x128xf32, #tpu.memory_space<vmem>>, vector<1x1x16xf32>,
        %parallel_loop3A_1832 = arith.constant 4 : i32
        %parallel_loop3A_1833 = arith.muli %parallel_loop3A_1832, %parallel_loop3A_1603 : i32
        %parallel_loop3A_1834 = arith.constant 0 : i32
        %parallel_loop3A_1835 = arith.addi %parallel_loop3A_1833, %parallel_loop3A_1834 : i32
        %parallel_loop3A_1836 = arith.constant 0 : i32
        %parallel_loop3A_1837 = arith.index_cast %parallel_loop3A_1836 : i32 to index
        %parallel_loop3A_1838 = arith.index_cast %parallel_loop3A_1835 : i32 to index
        %parallel_loop3A_1839 = arith.constant 64 : index
        %parallel_loop3A_1840 = tpu.vector_load %arg8[%parallel_loop3A_1837, %parallel_loop3A_1838, %parallel_loop3A_1839] {strides = array<i32>} : memref<2x256x128xf32, #tpu.memory_space<vmem>>, vector<1x1x16xf32>,
        %parallel_loop3A_1841 = vector.shape_cast %parallel_loop3A_1840 : vector<1x1x16xf32> to vector<16xf32>
        %parallel_loop3A_1842 = arith.mulf %parallel_loop3A_1606, %parallel_loop3A_1841 : vector<16xf32>
        %parallel_loop3A_1843 = arith.constant 4 : i32
        %parallel_loop3A_1844 = arith.muli %parallel_loop3A_1843, %parallel_loop3A_1603 : i32
        %parallel_loop3A_1845 = arith.constant 1 : i32
        %parallel_loop3A_1846 = arith.addi %parallel_loop3A_1844, %parallel_loop3A_1845 : i32
        %parallel_loop3A_1847 = arith.constant 0 : i32
        %parallel_loop3A_1848 = arith.index_cast %parallel_loop3A_1847 : i32 to index
        %parallel_loop3A_1849 = arith.index_cast %parallel_loop3A_1846 : i32 to index
        %parallel_loop3A_1850 = arith.constant 64 : index
        %parallel_loop3A_1851 = tpu.vector_load %arg8[%parallel_loop3A_1848, %parallel_loop3A_1849, %parallel_loop3A_1850] {strides = array<i32>} : memref<2x256x128xf32, #tpu.memory_space<vmem>>, vector<1x1x16xf32>,
        %parallel_loop3A_1852 = vector.shape_cast %parallel_loop3A_1851 : vector<1x1x16xf32> to vector<16xf32>
        %parallel_loop3A_1853 = arith.mulf %parallel_loop3A_1609, %parallel_loop3A_1852 : vector<16xf32>
        %parallel_loop3A_1854 = arith.addf %parallel_loop3A_1842, %parallel_loop3A_1853 : vector<16xf32>
        %parallel_loop3A_1855 = arith.constant 4 : i32
        %parallel_loop3A_1856 = arith.muli %parallel_loop3A_1855, %parallel_loop3A_1603 : i32
        %parallel_loop3A_1857 = arith.constant 2 : i32
        %parallel_loop3A_1858 = arith.addi %parallel_loop3A_1856, %parallel_loop3A_1857 : i32
        %parallel_loop3A_1859 = arith.constant 0 : i32
        %parallel_loop3A_1860 = arith.index_cast %parallel_loop3A_1859 : i32 to index
        %parallel_loop3A_1861 = arith.index_cast %parallel_loop3A_1858 : i32 to index
        %parallel_loop3A_1862 = arith.constant 64 : index
        %parallel_loop3A_1863 = tpu.vector_load %arg8[%parallel_loop3A_1860, %parallel_loop3A_1861, %parallel_loop3A_1862] {strides = array<i32>} : memref<2x256x128xf32, #tpu.memory_space<vmem>>, vector<1x1x16xf32>,
        %parallel_loop3A_1864 = vector.shape_cast %parallel_loop3A_1863 : vector<1x1x16xf32> to vector<16xf32>
        %parallel_loop3A_1865 = arith.mulf %parallel_loop3A_1612, %parallel_loop3A_1864 : vector<16xf32>
        %parallel_loop3A_1866 = arith.constant 4 : i32
        %parallel_loop3A_1867 = arith.muli %parallel_loop3A_1866, %parallel_loop3A_1603 : i32
        %parallel_loop3A_1868 = arith.constant 3 : i32
        %parallel_loop3A_1869 = arith.addi %parallel_loop3A_1867, %parallel_loop3A_1868 : i32
        %parallel_loop3A_1870 = arith.constant 0 : i32
        %parallel_loop3A_1871 = arith.index_cast %parallel_loop3A_1870 : i32 to index
        %parallel_loop3A_1872 = arith.index_cast %parallel_loop3A_1869 : i32 to index
        %parallel_loop3A_1873 = arith.constant 64 : index
        %parallel_loop3A_1874 = tpu.vector_load %arg8[%parallel_loop3A_1871, %parallel_loop3A_1872, %parallel_loop3A_1873] {strides = array<i32>} : memref<2x256x128xf32, #tpu.memory_space<vmem>>, vector<1x1x16xf32>,
        %parallel_loop3A_1875 = vector.shape_cast %parallel_loop3A_1874 : vector<1x1x16xf32> to vector<16xf32>
        %parallel_loop3A_1876 = arith.mulf %parallel_loop3A_1615, %parallel_loop3A_1875 : vector<16xf32>
        %parallel_loop3A_1877 = arith.addf %parallel_loop3A_1865, %parallel_loop3A_1876 : vector<16xf32>
        %parallel_loop3A_1878 = arith.addf %parallel_loop3A_1854, %parallel_loop3A_1877 : vector<16xf32>
        %parallel_loop3A_1879 = arith.constant 0 : i32
        %parallel_loop3A_1880 = arith.index_cast %parallel_loop3A_1879 : i32 to index
        %parallel_loop3A_1881 = arith.index_cast %parallel_loop3A_1603 : i32 to index
        %parallel_loop3A_1882 = arith.constant 64 : index
        %parallel_loop3A_1883 = tpu.vector_load %arg9[%parallel_loop3A_1880, %parallel_loop3A_1881, %parallel_loop3A_1882] {strides = array<i32>} : memref<2x64x128xf32, #tpu.memory_space<vmem>>, vector<1x1x16xf32>,
        %parallel_loop3A_1884 = vector.shape_cast %parallel_loop3A_1883 : vector<1x1x16xf32> to vector<16xf32>
        %parallel_loop3A_1885 = vector.shape_cast %parallel_loop3A_1878 : vector<16xf32> to vector<1x1x16xf32>
        tpu.vector_store %arg9[%parallel_loop3A_1880, %parallel_loop3A_1881, %parallel_loop3A_1882], %parallel_loop3A_1885 {strides = array<i32>} : memref<2x64x128xf32, #tpu.memory_space<vmem>>, vector<1x1x16xf32>,
        %parallel_loop3A_1886 = arith.constant 4 : i32
        %parallel_loop3A_1887 = arith.muli %parallel_loop3A_1886, %parallel_loop3A_1603 : i32
        %parallel_loop3A_1888 = arith.constant 0 : i32
        %parallel_loop3A_1889 = arith.addi %parallel_loop3A_1887, %parallel_loop3A_1888 : i32
        %parallel_loop3A_1890 = arith.constant 0 : i32
        %parallel_loop3A_1891 = arith.index_cast %parallel_loop3A_1890 : i32 to index
        %parallel_loop3A_1892 = arith.index_cast %parallel_loop3A_1889 : i32 to index
        %parallel_loop3A_1893 = arith.constant 80 : index
        %parallel_loop3A_1894 = tpu.vector_load %arg8[%parallel_loop3A_1891, %parallel_loop3A_1892, %parallel_loop3A_1893] {strides = array<i32>} : memref<2x256x128xf32, #tpu.memory_space<vmem>>, vector<1x1x16xf32>,
        %parallel_loop3A_1895 = vector.shape_cast %parallel_loop3A_1894 : vector<1x1x16xf32> to vector<16xf32>
        %parallel_loop3A_1896 = arith.mulf %parallel_loop3A_1606, %parallel_loop3A_1895 : vector<16xf32>
        %parallel_loop3A_1897 = arith.constant 4 : i32
        %parallel_loop3A_1898 = arith.muli %parallel_loop3A_1897, %parallel_loop3A_1603 : i32
        %parallel_loop3A_1899 = arith.constant 1 : i32
        %parallel_loop3A_1900 = arith.addi %parallel_loop3A_1898, %parallel_loop3A_1899 : i32
        %parallel_loop3A_1901 = arith.constant 0 : i32
        %parallel_loop3A_1902 = arith.index_cast %parallel_loop3A_1901 : i32 to index
        %parallel_loop3A_1903 = arith.index_cast %parallel_loop3A_1900 : i32 to index
        %parallel_loop3A_1904 = arith.constant 80 : index
        %parallel_loop3A_1905 = tpu.vector_load %arg8[%parallel_loop3A_1902, %parallel_loop3A_1903, %parallel_loop3A_1904] {strides = array<i32>} : memref<2x256x128xf32, #tpu.memory_space<vmem>>, vector<1x1x16xf32>,
        %parallel_loop3A_1906 = vector.shape_cast %parallel_loop3A_1905 : vector<1x1x16xf32> to vector<16xf32>
        %parallel_loop3A_1907 = arith.mulf %parallel_loop3A_1609, %parallel_loop3A_1906 : vector<16xf32>
        %parallel_loop3A_1908 = arith.addf %parallel_loop3A_1896, %parallel_loop3A_1907 : vector<16xf32>
        %parallel_loop3A_1909 = arith.constant 4 : i32
        %parallel_loop3A_1910 = arith.muli %parallel_loop3A_1909, %parallel_loop3A_1603 : i32
        %parallel_loop3A_1911 = arith.constant 2 : i32
        %parallel_loop3A_1912 = arith.addi %parallel_loop3A_1910, %parallel_loop3A_1911 : i32
        %parallel_loop3A_1913 = arith.constant 0 : i32
        %parallel_loop3A_1914 = arith.index_cast %parallel_loop3A_1913 : i32 to index
        %parallel_loop3A_1915 = arith.index_cast %parallel_loop3A_1912 : i32 to index
        %parallel_loop3A_1916 = arith.constant 80 : index
        %parallel_loop3A_1917 = tpu.vector_load %arg8[%parallel_loop3A_1914, %parallel_loop3A_1915, %parallel_loop3A_1916] {strides = array<i32>} : memref<2x256x128xf32, #tpu.memory_space<vmem>>, vector<1x1x16xf32>,
        %parallel_loop3A_1918 = vector.shape_cast %parallel_loop3A_1917 : vector<1x1x16xf32> to vector<16xf32>
        %parallel_loop3A_1919 = arith.mulf %parallel_loop3A_1612, %parallel_loop3A_1918 : vector<16xf32>
        %parallel_loop3A_1920 = arith.constant 4 : i32
        %parallel_loop3A_1921 = arith.muli %parallel_loop3A_1920, %parallel_loop3A_1603 : i32
        %parallel_loop3A_1922 = arith.constant 3 : i32
        %parallel_loop3A_1923 = arith.addi %parallel_loop3A_1921, %parallel_loop3A_1922 : i32
        %parallel_loop3A_1924 = arith.constant 0 : i32
        %parallel_loop3A_1925 = arith.index_cast %parallel_loop3A_1924 : i32 to index
        %parallel_loop3A_1926 = arith.index_cast %parallel_loop3A_1923 : i32 to index
        %parallel_loop3A_1927 = arith.constant 80 : index
        %parallel_loop3A_1928 = tpu.vector_load %arg8[%parallel_loop3A_1925, %parallel_loop3A_1926, %parallel_loop3A_1927] {strides = array<i32>} : memref<2x256x128xf32, #tpu.memory_space<vmem>>, vector<1x1x16xf32>,
        %parallel_loop3A_1929 = vector.shape_cast %parallel_loop3A_1928 : vector<1x1x16xf32> to vector<16xf32>
        %parallel_loop3A_1930 = arith.mulf %parallel_loop3A_1615, %parallel_loop3A_1929 : vector<16xf32>
        %parallel_loop3A_1931 = arith.addf %parallel_loop3A_1919, %parallel_loop3A_1930 : vector<16xf32>
        %parallel_loop3A_1932 = arith.addf %parallel_loop3A_1908, %parallel_loop3A_1931 : vector<16xf32>
        %parallel_loop3A_1933 = arith.constant 0 : i32
        %parallel_loop3A_1934 = arith.index_cast %parallel_loop3A_1933 : i32 to index
        %parallel_loop3A_1935 = arith.index_cast %parallel_loop3A_1603 : i32 to index
        %parallel_loop3A_1936 = arith.constant 80 : index
        %parallel_loop3A_1937 = tpu.vector_load %arg9[%parallel_loop3A_1934, %parallel_loop3A_1935, %parallel_loop3A_1936] {strides = array<i32>} : memref<2x64x128xf32, #tpu.memory_space<vmem>>, vector<1x1x16xf32>,
        %parallel_loop3A_1938 = vector.shape_cast %parallel_loop3A_1937 : vector<1x1x16xf32> to vector<16xf32>
        %parallel_loop3A_1939 = vector.shape_cast %parallel_loop3A_1932 : vector<16xf32> to vector<1x1x16xf32>
        tpu.vector_store %arg9[%parallel_loop3A_1934, %parallel_loop3A_1935, %parallel_loop3A_1936], %parallel_loop3A_1939 {strides = array<i32>} : memref<2x64x128xf32, #tpu.memory_space<vmem>>, vector<1x1x16xf32>,
        %parallel_loop3A_1940 = arith.constant 4 : i32
        %parallel_loop3A_1941 = arith.muli %parallel_loop3A_1940, %parallel_loop3A_1603 : i32
        %parallel_loop3A_1942 = arith.constant 0 : i32
        %parallel_loop3A_1943 = arith.addi %parallel_loop3A_1941, %parallel_loop3A_1942 : i32
        %parallel_loop3A_1944 = arith.constant 0 : i32
        %parallel_loop3A_1945 = arith.index_cast %parallel_loop3A_1944 : i32 to index
        %parallel_loop3A_1946 = arith.index_cast %parallel_loop3A_1943 : i32 to index
        %parallel_loop3A_1947 = arith.constant 96 : index
        %parallel_loop3A_1948 = tpu.vector_load %arg8[%parallel_loop3A_1945, %parallel_loop3A_1946, %parallel_loop3A_1947] {strides = array<i32>} : memref<2x256x128xf32, #tpu.memory_space<vmem>>, vector<1x1x16xf32>,
        %parallel_loop3A_1949 = vector.shape_cast %parallel_loop3A_1948 : vector<1x1x16xf32> to vector<16xf32>
        %parallel_loop3A_1950 = arith.mulf %parallel_loop3A_1606, %parallel_loop3A_1949 : vector<16xf32>
        %parallel_loop3A_1951 = arith.constant 4 : i32
        %parallel_loop3A_1952 = arith.muli %parallel_loop3A_1951, %parallel_loop3A_1603 : i32
        %parallel_loop3A_1953 = arith.constant 1 : i32
        %parallel_loop3A_1954 = arith.addi %parallel_loop3A_1952, %parallel_loop3A_1953 : i32
        %parallel_loop3A_1955 = arith.constant 0 : i32
        %parallel_loop3A_1956 = arith.index_cast %parallel_loop3A_1955 : i32 to index
        %parallel_loop3A_1957 = arith.index_cast %parallel_loop3A_1954 : i32 to index
        %parallel_loop3A_1958 = arith.constant 96 : index
        %parallel_loop3A_1959 = tpu.vector_load %arg8[%parallel_loop3A_1956, %parallel_loop3A_1957, %parallel_loop3A_1958] {strides = array<i32>} : memref<2x256x128xf32, #tpu.memory_space<vmem>>, vector<1x1x16xf32>,
        %parallel_loop3A_1960 = vector.shape_cast %parallel_loop3A_1959 : vector<1x1x16xf32> to vector<16xf32>
        %parallel_loop3A_1961 = arith.mulf %parallel_loop3A_1609, %parallel_loop3A_1960 : vector<16xf32>
        %parallel_loop3A_1962 = arith.addf %parallel_loop3A_1950, %parallel_loop3A_1961 : vector<16xf32>
        %parallel_loop3A_1963 = arith.constant 4 : i32
        %parallel_loop3A_1964 = arith.muli %parallel_loop3A_1963, %parallel_loop3A_1603 : i32
        %parallel_loop3A_1965 = arith.constant 2 : i32
        %parallel_loop3A_1966 = arith.addi %parallel_loop3A_1964, %parallel_loop3A_1965 : i32
        %parallel_loop3A_1967 = arith.constant 0 : i32
        %parallel_loop3A_1968 = arith.index_cast %parallel_loop3A_1967 : i32 to index
        %parallel_loop3A_1969 = arith.index_cast %parallel_loop3A_1966 : i32 to index
        %parallel_loop3A_1970 = arith.constant 96 : index
        %parallel_loop3A_1971 = tpu.vector_load %arg8[%parallel_loop3A_1968, %parallel_loop3A_1969, %parallel_loop3A_1970] {strides = array<i32>} : memref<2x256x128xf32, #tpu.memory_space<vmem>>, vector<1x1x16xf32>,
        %parallel_loop3A_1972 = vector.shape_cast %parallel_loop3A_1971 : vector<1x1x16xf32> to vector<16xf32>
        %parallel_loop3A_1973 = arith.mulf %parallel_loop3A_1612, %parallel_loop3A_1972 : vector<16xf32>
        %parallel_loop3A_1974 = arith.constant 4 : i32
        %parallel_loop3A_1975 = arith.muli %parallel_loop3A_1974, %parallel_loop3A_1603 : i32
        %parallel_loop3A_1976 = arith.constant 3 : i32
        %parallel_loop3A_1977 = arith.addi %parallel_loop3A_1975, %parallel_loop3A_1976 : i32
        %parallel_loop3A_1978 = arith.constant 0 : i32
        %parallel_loop3A_1979 = arith.index_cast %parallel_loop3A_1978 : i32 to index
        %parallel_loop3A_1980 = arith.index_cast %parallel_loop3A_1977 : i32 to index
        %parallel_loop3A_1981 = arith.constant 96 : index
        %parallel_loop3A_1982 = tpu.vector_load %arg8[%parallel_loop3A_1979, %parallel_loop3A_1980, %parallel_loop3A_1981] {strides = array<i32>} : memref<2x256x128xf32, #tpu.memory_space<vmem>>, vector<1x1x16xf32>,
        %parallel_loop3A_1983 = vector.shape_cast %parallel_loop3A_1982 : vector<1x1x16xf32> to vector<16xf32>
        %parallel_loop3A_1984 = arith.mulf %parallel_loop3A_1615, %parallel_loop3A_1983 : vector<16xf32>
        %parallel_loop3A_1985 = arith.addf %parallel_loop3A_1973, %parallel_loop3A_1984 : vector<16xf32>
        %parallel_loop3A_1986 = arith.addf %parallel_loop3A_1962, %parallel_loop3A_1985 : vector<16xf32>
        %parallel_loop3A_1987 = arith.constant 0 : i32
        %parallel_loop3A_1988 = arith.index_cast %parallel_loop3A_1987 : i32 to index
        %parallel_loop3A_1989 = arith.index_cast %parallel_loop3A_1603 : i32 to index
        %parallel_loop3A_1990 = arith.constant 96 : index
        %parallel_loop3A_1991 = tpu.vector_load %arg9[%parallel_loop3A_1988, %parallel_loop3A_1989, %parallel_loop3A_1990] {strides = array<i32>} : memref<2x64x128xf32, #tpu.memory_space<vmem>>, vector<1x1x16xf32>,
        %parallel_loop3A_1992 = vector.shape_cast %parallel_loop3A_1991 : vector<1x1x16xf32> to vector<16xf32>
        %parallel_loop3A_1993 = vector.shape_cast %parallel_loop3A_1986 : vector<16xf32> to vector<1x1x16xf32>
        tpu.vector_store %arg9[%parallel_loop3A_1988, %parallel_loop3A_1989, %parallel_loop3A_1990], %parallel_loop3A_1993 {strides = array<i32>} : memref<2x64x128xf32, #tpu.memory_space<vmem>>, vector<1x1x16xf32>,
        %parallel_loop3A_1994 = arith.constant 4 : i32
        %parallel_loop3A_1995 = arith.muli %parallel_loop3A_1994, %parallel_loop3A_1603 : i32
        %parallel_loop3A_1996 = arith.constant 0 : i32
        %parallel_loop3A_1997 = arith.addi %parallel_loop3A_1995, %parallel_loop3A_1996 : i32
        %parallel_loop3A_1998 = arith.constant 0 : i32
        %parallel_loop3A_1999 = arith.index_cast %parallel_loop3A_1998 : i32 to index
        %parallel_loop3A_2000 = arith.index_cast %parallel_loop3A_1997 : i32 to index
        %parallel_loop3A_2001 = arith.constant 112 : index
        %parallel_loop3A_2002 = tpu.vector_load %arg8[%parallel_loop3A_1999, %parallel_loop3A_2000, %parallel_loop3A_2001] {strides = array<i32>} : memref<2x256x128xf32, #tpu.memory_space<vmem>>, vector<1x1x16xf32>,
        %parallel_loop3A_2003 = vector.shape_cast %parallel_loop3A_2002 : vector<1x1x16xf32> to vector<16xf32>
        %parallel_loop3A_2004 = arith.mulf %parallel_loop3A_1606, %parallel_loop3A_2003 : vector<16xf32>
        %parallel_loop3A_2005 = arith.constant 4 : i32
        %parallel_loop3A_2006 = arith.muli %parallel_loop3A_2005, %parallel_loop3A_1603 : i32
        %parallel_loop3A_2007 = arith.constant 1 : i32
        %parallel_loop3A_2008 = arith.addi %parallel_loop3A_2006, %parallel_loop3A_2007 : i32
        %parallel_loop3A_2009 = arith.constant 0 : i32
        %parallel_loop3A_2010 = arith.index_cast %parallel_loop3A_2009 : i32 to index
        %parallel_loop3A_2011 = arith.index_cast %parallel_loop3A_2008 : i32 to index
        %parallel_loop3A_2012 = arith.constant 112 : index
        %parallel_loop3A_2013 = tpu.vector_load %arg8[%parallel_loop3A_2010, %parallel_loop3A_2011, %parallel_loop3A_2012] {strides = array<i32>} : memref<2x256x128xf32, #tpu.memory_space<vmem>>, vector<1x1x16xf32>,
        %parallel_loop3A_2014 = vector.shape_cast %parallel_loop3A_2013 : vector<1x1x16xf32> to vector<16xf32>
        %parallel_loop3A_2015 = arith.mulf %parallel_loop3A_1609, %parallel_loop3A_2014 : vector<16xf32>
        %parallel_loop3A_2016 = arith.addf %parallel_loop3A_2004, %parallel_loop3A_2015 : vector<16xf32>
        %parallel_loop3A_2017 = arith.constant 4 : i32
        %parallel_loop3A_2018 = arith.muli %parallel_loop3A_2017, %parallel_loop3A_1603 : i32
        %parallel_loop3A_2019 = arith.constant 2 : i32
        %parallel_loop3A_2020 = arith.addi %parallel_loop3A_2018, %parallel_loop3A_2019 : i32
        %parallel_loop3A_2021 = arith.constant 0 : i32
        %parallel_loop3A_2022 = arith.index_cast %parallel_loop3A_2021 : i32 to index
        %parallel_loop3A_2023 = arith.index_cast %parallel_loop3A_2020 : i32 to index
        %parallel_loop3A_2024 = arith.constant 112 : index
        %parallel_loop3A_2025 = tpu.vector_load %arg8[%parallel_loop3A_2022, %parallel_loop3A_2023, %parallel_loop3A_2024] {strides = array<i32>} : memref<2x256x128xf32, #tpu.memory_space<vmem>>, vector<1x1x16xf32>,
        %parallel_loop3A_2026 = vector.shape_cast %parallel_loop3A_2025 : vector<1x1x16xf32> to vector<16xf32>
        %parallel_loop3A_2027 = arith.mulf %parallel_loop3A_1612, %parallel_loop3A_2026 : vector<16xf32>
        %parallel_loop3A_2028 = arith.constant 4 : i32
        %parallel_loop3A_2029 = arith.muli %parallel_loop3A_2028, %parallel_loop3A_1603 : i32
        %parallel_loop3A_2030 = arith.constant 3 : i32
        %parallel_loop3A_2031 = arith.addi %parallel_loop3A_2029, %parallel_loop3A_2030 : i32
        %parallel_loop3A_2032 = arith.constant 0 : i32
        %parallel_loop3A_2033 = arith.index_cast %parallel_loop3A_2032 : i32 to index
        %parallel_loop3A_2034 = arith.index_cast %parallel_loop3A_2031 : i32 to index
        %parallel_loop3A_2035 = arith.constant 112 : index
        %parallel_loop3A_2036 = tpu.vector_load %arg8[%parallel_loop3A_2033, %parallel_loop3A_2034, %parallel_loop3A_2035] {strides = array<i32>} : memref<2x256x128xf32, #tpu.memory_space<vmem>>, vector<1x1x16xf32>,
        %parallel_loop3A_2037 = vector.shape_cast %parallel_loop3A_2036 : vector<1x1x16xf32> to vector<16xf32>
        %parallel_loop3A_2038 = arith.mulf %parallel_loop3A_1615, %parallel_loop3A_2037 : vector<16xf32>
        %parallel_loop3A_2039 = arith.addf %parallel_loop3A_2027, %parallel_loop3A_2038 : vector<16xf32>
        %parallel_loop3A_2040 = arith.addf %parallel_loop3A_2016, %parallel_loop3A_2039 : vector<16xf32>
        %parallel_loop3A_2041 = arith.constant 0 : i32
        %parallel_loop3A_2042 = arith.index_cast %parallel_loop3A_2041 : i32 to index
        %parallel_loop3A_2043 = arith.index_cast %parallel_loop3A_1603 : i32 to index
        %parallel_loop3A_2044 = arith.constant 112 : index
        %parallel_loop3A_2045 = tpu.vector_load %arg9[%parallel_loop3A_2042, %parallel_loop3A_2043, %parallel_loop3A_2044] {strides = array<i32>} : memref<2x64x128xf32, #tpu.memory_space<vmem>>, vector<1x1x16xf32>,
        %parallel_loop3A_2046 = vector.shape_cast %parallel_loop3A_2045 : vector<1x1x16xf32> to vector<16xf32>
        %parallel_loop3A_2047 = vector.shape_cast %parallel_loop3A_2040 : vector<16xf32> to vector<1x1x16xf32>
        tpu.vector_store %arg9[%parallel_loop3A_2042, %parallel_loop3A_2043, %parallel_loop3A_2044], %parallel_loop3A_2047 {strides = array<i32>} : memref<2x64x128xf32, #tpu.memory_space<vmem>>, vector<1x1x16xf32>,
      } {sc.loop_unroll_factor = 2 : i64, sc.parallel_access}
      %add3A_117 = arith.constant 2 : i32
      %add3A_118 = arith.addi %add3A_82, %add3A_117 : i32
      %lt3A = arith.constant 32 : i32
      %lt3A_119 = arith.cmpi slt, %add3A_118, %lt3A : i32
      %convert_element_type3A_120 = arith.extui %lt3A_119 : i1 to i32
      %cond3A_121 = arith.constant 0 : i32
      %cond3A_122 = arith.cmpi ne, %convert_element_type3A_120, %cond3A_121 : i32
      scf.if %cond3A_122 {
        %add3A_204 = arith.constant 2 : i32
        %add3A_205 = arith.addi %add3A_82, %add3A_204 : i32
        %mul3A_206 = arith.constant 2 : i32
        %mul3A_207 = arith.muli %mul3A_206, %add3A_205 : i32
        %add3A_208 = arith.constant 0 : i32
        %add3A_209 = arith.addi %mul3A_207, %add3A_208 : i32
        %mul3A_210 = arith.constant 128 : i32
        %mul3A_211 = arith.muli %add3A_209, %mul3A_210 : i32
        %dma_start3A_212 = arith.constant 0 : i32
        %dma_start3A_213 = arith.constant 0 : i32
        %dma_start3A_214 = arith.constant 0 : i32
        %dma_start3A_215 = tpu.memref_slice %arg8[%dma_start3A_212, %dma_start3A_213, %dma_start3A_214] : memref<2x256x128xf32, #tpu.memory_space<vmem>> -> memref<1x128x128xf32, #tpu.memory_space<vmem>>
        %dma_start3A_216 = tpu.memref_squeeze %dma_start3A_215 : memref<1x128x128xf32, #tpu.memory_space<vmem>> -> memref<128x128xf32, #tpu.memory_space<vmem>>
        %dma_start3A_217 = tpu.memref_slice %arg6[%mul3A_211] : memref<8192xi32, #tpu.memory_space<vmem>> -> memref<128xi32, #tpu.memory_space<vmem>>
        %dma_start3A_218 = arith.constant 0 : i32
        %dma_start3A_219 = arith.constant 0 : i32
        %dma_start3A_220 = tpu.memref_slice %arg2[%dma_start3A_218, %dma_start3A_219] : memref<196608x128xf32, #tpu.memory_space<hbm>> -> memref<196608x128xf32, #tpu.memory_space<hbm>>
        tpu.enqueue_indirect_dma source(%dma_start3A_220 : memref<196608x128xf32, #tpu.memory_space<hbm>>) target(%dma_start3A_216 : memref<128x128xf32, #tpu.memory_space<vmem>>) offsets(%dma_start3A_217 : memref<128xi32, #tpu.memory_space<vmem>>) semaphore(%arg10 : memref<!tpu.dma_semaphore, #tpu.memory_space<semaphore_mem>>)
        %mul3A_221 = arith.constant 2 : i32
        %mul3A_222 = arith.muli %mul3A_221, %add3A_205 : i32
        %add3A_223 = arith.constant 1 : i32
        %add3A_224 = arith.addi %mul3A_222, %add3A_223 : i32
        %mul3A_225 = arith.constant 128 : i32
        %mul3A_226 = arith.muli %add3A_224, %mul3A_225 : i32
        %dma_start3A_227 = arith.constant 0 : i32
        %dma_start3A_228 = arith.constant 128 : i32
        %dma_start3A_229 = arith.constant 0 : i32
        %dma_start3A_230 = tpu.memref_slice %arg8[%dma_start3A_227, %dma_start3A_228, %dma_start3A_229] : memref<2x256x128xf32, #tpu.memory_space<vmem>> -> memref<1x128x128xf32, #tpu.memory_space<vmem>>
        %dma_start3A_231 = tpu.memref_squeeze %dma_start3A_230 : memref<1x128x128xf32, #tpu.memory_space<vmem>> -> memref<128x128xf32, #tpu.memory_space<vmem>>
        %dma_start3A_232 = tpu.memref_slice %arg6[%mul3A_226] : memref<8192xi32, #tpu.memory_space<vmem>> -> memref<128xi32, #tpu.memory_space<vmem>>
        %dma_start3A_233 = arith.constant 0 : i32
        %dma_start3A_234 = arith.constant 0 : i32
        %dma_start3A_235 = tpu.memref_slice %arg2[%dma_start3A_233, %dma_start3A_234] : memref<196608x128xf32, #tpu.memory_space<hbm>> -> memref<196608x128xf32, #tpu.memory_space<hbm>>
        tpu.enqueue_indirect_dma source(%dma_start3A_235 : memref<196608x128xf32, #tpu.memory_space<hbm>>) target(%dma_start3A_231 : memref<128x128xf32, #tpu.memory_space<vmem>>) offsets(%dma_start3A_232 : memref<128xi32, #tpu.memory_space<vmem>>) semaphore(%arg10 : memref<!tpu.dma_semaphore, #tpu.memory_space<semaphore_mem>>)
      } else {
      }
      %mul3A_123 = arith.constant 64 : i32
      %mul3A_124 = arith.muli %add3A_82, %mul3A_123 : i32
      %add3A_125 = arith.addi %mul3A_2, %mul3A_124 : i32
      %dma_start3A_126 = arith.constant 0 : i32
      %dma_start3A_127 = arith.constant 0 : i32
      %dma_start3A_128 = arith.constant 0 : i32
      %dma_start3A_129 = tpu.memref_slice %arg9[%dma_start3A_126, %dma_start3A_127, %dma_start3A_128] : memref<2x64x128xf32, #tpu.memory_space<vmem>> -> memref<1x64x128xf32, #tpu.memory_space<vmem>>
      %dma_start3A_130 = tpu.memref_squeeze %dma_start3A_129 : memref<1x64x128xf32, #tpu.memory_space<vmem>> -> memref<64x128xf32, #tpu.memory_space<vmem>>
      %dma_start3A_131 = arith.constant 0 : i32
      %dma_start3A_132 = tpu.memref_slice %arg5[%add3A_125, %dma_start3A_131] : memref<65536x128xf32, #tpu.memory_space<hbm>> -> memref<64x128xf32, #tpu.memory_space<hbm>>
      %dma_start3A_133 = arith.constant 0 : i32
      %dma_start3A_134 = tpu.memref_slice %arg5[%add3A_125, %dma_start3A_133] : memref<65536x128xf32, #tpu.memory_space<hbm>> -> memref<64x128xf32, #tpu.memory_space<hbm>>
      %dma_start3A_135 = arith.constant 0 : i32
      %dma_start3A_136 = arith.constant 0 : i32
      %dma_start3A_137 = tpu.memref_slice %arg9[%dma_start3A_126, %dma_start3A_135, %dma_start3A_136] : memref<2x64x128xf32, #tpu.memory_space<vmem>> -> memref<1x64x128xf32, #tpu.memory_space<vmem>>
      %dma_start3A_138 = tpu.memref_squeeze %dma_start3A_137 : memref<1x64x128xf32, #tpu.memory_space<vmem>> -> memref<64x128xf32, #tpu.memory_space<vmem>>
      tpu.enqueue_dma source(%dma_start3A_138 : memref<64x128xf32, #tpu.memory_space<vmem>>) target(%dma_start3A_134 : memref<64x128xf32, #tpu.memory_space<hbm>>) target_semaphore(%arg12 : memref<!tpu.dma_semaphore, #tpu.memory_space<semaphore_mem>>)
      %mul3A_139 = arith.constant 2 : i32
      %mul3A_140 = arith.muli %mul3A_139, %scan3A_78 : i32
      %add3A_141 = arith.constant 1 : i32
      %add3A_142 = arith.addi %mul3A_140, %add3A_141 : i32
      %mul3A_143 = arith.constant 2 : i32
      %mul3A_144 = arith.muli %mul3A_143, %add3A_142 : i32
      %add3A_145 = arith.constant 0 : i32
      %add3A_146 = arith.addi %mul3A_144, %add3A_145 : i32
      %mul3A_147 = arith.constant 128 : i32
      %mul3A_148 = arith.muli %add3A_146, %mul3A_147 : i32
      %dma_wait3A_149 = arith.constant 1 : i32
      %dma_wait3A_150 = arith.constant 0 : i32
      %dma_wait3A_151 = arith.constant 0 : i32
      %dma_wait3A_152 = tpu.memref_slice %arg8[%dma_wait3A_149, %dma_wait3A_150, %dma_wait3A_151] : memref<2x256x128xf32, #tpu.memory_space<vmem>> -> memref<1x128x128xf32, #tpu.memory_space<vmem>>
      %dma_wait3A_153 = tpu.memref_squeeze %dma_wait3A_152 : memref<1x128x128xf32, #tpu.memory_space<vmem>> -> memref<128x128xf32, #tpu.memory_space<vmem>>
      %dma_wait3A_154 = tpu.memref_slice %arg6[%mul3A_148] : memref<8192xi32, #tpu.memory_space<vmem>> -> memref<128xi32, #tpu.memory_space<vmem>>
      %dma_wait3A_155 = arith.constant 0 : i32
      %dma_wait3A_156 = arith.constant 0 : i32
      %dma_wait3A_157 = tpu.memref_slice %arg2[%dma_wait3A_155, %dma_wait3A_156] : memref<196608x128xf32, #tpu.memory_space<hbm>> -> memref<196608x128xf32, #tpu.memory_space<hbm>>
      tpu.wait_indirect_dma semaphore(%arg11 : memref<!tpu.dma_semaphore, #tpu.memory_space<semaphore_mem>>) src(%dma_wait3A_157 : memref<196608x128xf32, #tpu.memory_space<hbm>>) dst(%dma_wait3A_153 : memref<128x128xf32, #tpu.memory_space<vmem>>)
      %mul3A_158 = arith.constant 2 : i32
      %mul3A_159 = arith.muli %mul3A_158, %add3A_142 : i32
      %add3A_160 = arith.constant 1 : i32
      %add3A_161 = arith.addi %mul3A_159, %add3A_160 : i32
      %mul3A_162 = arith.constant 128 : i32
      %mul3A_163 = arith.muli %add3A_161, %mul3A_162 : i32
      %dma_wait3A_164 = arith.constant 1 : i32
      %dma_wait3A_165 = arith.constant 128 : i32
      %dma_wait3A_166 = arith.constant 0 : i32
      %dma_wait3A_167 = tpu.memref_slice %arg8[%dma_wait3A_164, %dma_wait3A_165, %dma_wait3A_166] : memref<2x256x128xf32, #tpu.memory_space<vmem>> -> memref<1x128x128xf32, #tpu.memory_space<vmem>>
      %dma_wait3A_168 = tpu.memref_squeeze %dma_wait3A_167 : memref<1x128x128xf32, #tpu.memory_space<vmem>> -> memref<128x128xf32, #tpu.memory_space<vmem>>
      %dma_wait3A_169 = tpu.memref_slice %arg6[%mul3A_163] : memref<8192xi32, #tpu.memory_space<vmem>> -> memref<128xi32, #tpu.memory_space<vmem>>
      %dma_wait3A_170 = arith.constant 0 : i32
      %dma_wait3A_171 = arith.constant 0 : i32
      %dma_wait3A_172 = tpu.memref_slice %arg2[%dma_wait3A_170, %dma_wait3A_171] : memref<196608x128xf32, #tpu.memory_space<hbm>> -> memref<196608x128xf32, #tpu.memory_space<hbm>>
      tpu.wait_indirect_dma semaphore(%arg11 : memref<!tpu.dma_semaphore, #tpu.memory_space<semaphore_mem>>) src(%dma_wait3A_172 : memref<196608x128xf32, #tpu.memory_space<hbm>>) dst(%dma_wait3A_168 : memref<128x128xf32, #tpu.memory_space<vmem>>)
      %ge3A_173 = arith.constant 1 : i32
      %ge3A_174 = arith.cmpi sge, %scan3A_78, %ge3A_173 : i32
      %convert_element_type3A_175 = arith.extui %ge3A_174 : i1 to i32
      %cond3A_176 = arith.constant 0 : i32
      %cond3A_177 = arith.cmpi ne, %convert_element_type3A_175, %cond3A_176 : i32
      scf.if %cond3A_177 {
        %sub3A = arith.constant 2 : i32
        %sub3A_204 = arith.subi %add3A_142, %sub3A : i32
        %mul3A_205 = arith.constant 64 : i32
        %mul3A_206 = arith.muli %sub3A_204, %mul3A_205 : i32
        %add3A_207 = arith.addi %mul3A_2, %mul3A_206 : i32
        %dma_wait3A_208 = arith.constant 1 : i32
        %dma_wait3A_209 = arith.constant 0 : i32
        %dma_wait3A_210 = arith.constant 0 : i32
        %dma_wait3A_211 = tpu.memref_slice %arg9[%dma_wait3A_208, %dma_wait3A_209, %dma_wait3A_210] : memref<2x64x128xf32, #tpu.memory_space<vmem>> -> memref<1x64x128xf32, #tpu.memory_space<vmem>>
        %dma_wait3A_212 = tpu.memref_squeeze %dma_wait3A_211 : memref<1x64x128xf32, #tpu.memory_space<vmem>> -> memref<64x128xf32, #tpu.memory_space<vmem>>
        %dma_wait3A_213 = arith.constant 0 : i32
        %dma_wait3A_214 = tpu.memref_slice %arg5[%add3A_207, %dma_wait3A_213] : memref<65536x128xf32, #tpu.memory_space<hbm>> -> memref<64x128xf32, #tpu.memory_space<hbm>>
        %dma_wait3A_215 = arith.constant 0 : i32
        %dma_wait3A_216 = tpu.memref_slice %arg5[%add3A_207, %dma_wait3A_215] : memref<65536x128xf32, #tpu.memory_space<hbm>> -> memref<64x128xf32, #tpu.memory_space<hbm>>
        %dma_wait3A_217 = arith.constant 0 : i32
        %dma_wait3A_218 = arith.constant 0 : i32
        %dma_wait3A_219 = tpu.memref_slice %arg9[%dma_wait3A_208, %dma_wait3A_217, %dma_wait3A_218] : memref<2x64x128xf32, #tpu.memory_space<vmem>> -> memref<1x64x128xf32, #tpu.memory_space<vmem>>
        %dma_wait3A_220 = tpu.memref_squeeze %dma_wait3A_219 : memref<1x64x128xf32, #tpu.memory_space<vmem>> -> memref<64x128xf32, #tpu.memory_space<vmem>>
        tpu.wait_dma2 semaphore(%arg13 : memref<!tpu.dma_semaphore, #tpu.memory_space<semaphore_mem>>) src(%dma_wait3A_220 : memref<64x128xf32, #tpu.memory_space<vmem>>) dst(%dma_wait3A_216 : memref<64x128xf32, #tpu.memory_space<hbm>>)
      } else {
      }
      %parallel_loop3A_178 = arith.constant 0 : i32
      %parallel_loop3A_179 = arith.constant 16 : i32
      %parallel_loop3A_180 = arith.constant 1 : i32
      scf.for %parallel_loop3A_204 = %parallel_loop3A_178 to %parallel_loop3A_179 step %parallel_loop3A_180  : i32 {
        %parallel_loop3A_205 = arith.constant 2 : i32
        %parallel_loop3A_206 = arith.muli %parallel_loop3A_205, %add3A_142 : i32
        %parallel_loop3A_207 = arith.constant 8 : i32
        %parallel_loop3A_208 = arith.divsi %parallel_loop3A_204, %parallel_loop3A_207 : i32
        %parallel_loop3A_209 = arith.constant 0 : i32
        %parallel_loop3A_210 = arith.cmpi sgt, %parallel_loop3A_204, %parallel_loop3A_209 : i32
        %parallel_loop3A_211 = arith.extui %parallel_loop3A_210 : i1 to i32
        %parallel_loop3A_212 = arith.constant 0 : i32
        %parallel_loop3A_213 = arith.cmpi slt, %parallel_loop3A_204, %parallel_loop3A_212 : i32
        %parallel_loop3A_214 = arith.extui %parallel_loop3A_213 : i1 to i32
        %parallel_loop3A_215 = arith.subi %parallel_loop3A_211, %parallel_loop3A_214 : i32
        %parallel_loop3A_216 = arith.constant 0 : i32
        %parallel_loop3A_217 = arith.cmpi sgt, %parallel_loop3A_207, %parallel_loop3A_216 : i32
        %parallel_loop3A_218 = arith.extui %parallel_loop3A_217 : i1 to i32
        %parallel_loop3A_219 = arith.constant 0 : i32
        %parallel_loop3A_220 = arith.cmpi slt, %parallel_loop3A_207, %parallel_loop3A_219 : i32
        %parallel_loop3A_221 = arith.extui %parallel_loop3A_220 : i1 to i32
        %parallel_loop3A_222 = arith.subi %parallel_loop3A_218, %parallel_loop3A_221 : i32
        %parallel_loop3A_223 = arith.cmpi ne, %parallel_loop3A_215, %parallel_loop3A_222 : i32
        %parallel_loop3A_224 = arith.remsi %parallel_loop3A_204, %parallel_loop3A_207 : i32
        %parallel_loop3A_225 = arith.constant 0 : i32
        %parallel_loop3A_226 = arith.cmpi ne, %parallel_loop3A_224, %parallel_loop3A_225 : i32
        %parallel_loop3A_227 = arith.andi %parallel_loop3A_223, %parallel_loop3A_226 : i1
        %parallel_loop3A_228 = arith.constant 1 : i32
        %parallel_loop3A_229 = arith.subi %parallel_loop3A_208, %parallel_loop3A_228 : i32
        %parallel_loop3A_230 = arith.select %parallel_loop3A_227, %parallel_loop3A_229, %parallel_loop3A_208 : i32
        %parallel_loop3A_231 = arith.addi %parallel_loop3A_206, %parallel_loop3A_230 : i32
        %parallel_loop3A_232 = arith.constant 128 : i32
        %parallel_loop3A_233 = arith.muli %parallel_loop3A_231, %parallel_loop3A_232 : i32
        %parallel_loop3A_234 = arith.constant 8 : i32
        %parallel_loop3A_235 = arith.constant 0 : i32
        %parallel_loop3A_236 = arith.cmpi eq, %parallel_loop3A_234, %parallel_loop3A_235 : i32
        %parallel_loop3A_237 = arith.constant 1 : i32
        %parallel_loop3A_238 = arith.select %parallel_loop3A_236, %parallel_loop3A_237, %parallel_loop3A_234 : i32
        %parallel_loop3A_239 = arith.remsi %parallel_loop3A_204, %parallel_loop3A_238 : i32
        %parallel_loop3A_240 = arith.constant 0 : i32
        %parallel_loop3A_241 = arith.cmpi ne, %parallel_loop3A_239, %parallel_loop3A_240 : i32
        %parallel_loop3A_242 = arith.constant 0 : i32
        %parallel_loop3A_243 = arith.cmpi slt, %parallel_loop3A_239, %parallel_loop3A_242 : i32
        %parallel_loop3A_244 = arith.constant 0 : i32
        %parallel_loop3A_245 = arith.cmpi slt, %parallel_loop3A_238, %parallel_loop3A_244 : i32
        %parallel_loop3A_246 = arith.xori %parallel_loop3A_243, %parallel_loop3A_245 : i1
        %parallel_loop3A_247 = arith.andi %parallel_loop3A_246, %parallel_loop3A_241 : i1
        %parallel_loop3A_248 = arith.addi %parallel_loop3A_239, %parallel_loop3A_238 : i32
        %parallel_loop3A_249 = arith.select %parallel_loop3A_247, %parallel_loop3A_248, %parallel_loop3A_239 : i32
        %parallel_loop3A_250 = arith.constant 16 : i32
        %parallel_loop3A_251 = arith.muli %parallel_loop3A_249, %parallel_loop3A_250 : i32
        %parallel_loop3A_252 = arith.addi %parallel_loop3A_233, %parallel_loop3A_251 : i32
        %parallel_loop3A_253 = arith.index_cast %parallel_loop3A_252 : i32 to index
        %parallel_loop3A_254 = tpu.vector_load %arg7[%parallel_loop3A_253] {strides = array<i32>} : memref<8192xf32, #tpu.memory_space<vmem>>, vector<16xf32>,
        %parallel_loop3A_255 = vector.shape_cast %parallel_loop3A_254 : vector<16xf32> to vector<16xf32>
        %parallel_loop3A_256 = arith.constant 4 : i32
        %parallel_loop3A_257 = arith.muli %parallel_loop3A_204, %parallel_loop3A_256 : i32
        %parallel_loop3A_258 = arith.constant 0 : i32
        %parallel_loop3A_259 = arith.addi %parallel_loop3A_257, %parallel_loop3A_258 : i32
        %parallel_loop3A_260 = vector.extract_strided_slice %parallel_loop3A_255 {offsets = [0], sizes = [1], strides = [1]} : vector<16xf32> to vector<1xf32>
        %parallel_loop3A_261 = vector.extract %parallel_loop3A_260[0] : f32 from vector<1xf32>
        %parallel_loop3A_262 = vector.broadcast %parallel_loop3A_261 : f32 to vector<16xf32>
        %parallel_loop3A_263 = vector.extract_strided_slice %parallel_loop3A_255 {offsets = [1], sizes = [1], strides = [1]} : vector<16xf32> to vector<1xf32>
        %parallel_loop3A_264 = vector.extract %parallel_loop3A_263[0] : f32 from vector<1xf32>
        %parallel_loop3A_265 = vector.broadcast %parallel_loop3A_264 : f32 to vector<16xf32>
        %parallel_loop3A_266 = vector.extract_strided_slice %parallel_loop3A_255 {offsets = [2], sizes = [1], strides = [1]} : vector<16xf32> to vector<1xf32>
        %parallel_loop3A_267 = vector.extract %parallel_loop3A_266[0] : f32 from vector<1xf32>
        %parallel_loop3A_268 = vector.broadcast %parallel_loop3A_267 : f32 to vector<16xf32>
        %parallel_loop3A_269 = vector.extract_strided_slice %parallel_loop3A_255 {offsets = [3], sizes = [1], strides = [1]} : vector<16xf32> to vector<1xf32>
        %parallel_loop3A_270 = vector.extract %parallel_loop3A_269[0] : f32 from vector<1xf32>
        %parallel_loop3A_271 = vector.broadcast %parallel_loop3A_270 : f32 to vector<16xf32>
        %parallel_loop3A_272 = arith.constant 4 : i32
        %parallel_loop3A_273 = arith.muli %parallel_loop3A_272, %parallel_loop3A_259 : i32
        %parallel_loop3A_274 = arith.constant 0 : i32
        %parallel_loop3A_275 = arith.addi %parallel_loop3A_273, %parallel_loop3A_274 : i32
        %parallel_loop3A_276 = arith.constant 1 : i32
        %parallel_loop3A_277 = arith.index_cast %parallel_loop3A_276 : i32 to index
        %parallel_loop3A_278 = arith.index_cast %parallel_loop3A_275 : i32 to index
        %parallel_loop3A_279 = arith.constant 0 : index
        %parallel_loop3A_280 = tpu.vector_load %arg8[%parallel_loop3A_277, %parallel_loop3A_278, %parallel_loop3A_279] {strides = array<i32>} : memref<2x256x128xf32, #tpu.memory_space<vmem>>, vector<1x1x16xf32>,
        %parallel_loop3A_281 = vector.shape_cast %parallel_loop3A_280 : vector<1x1x16xf32> to vector<16xf32>
        %parallel_loop3A_282 = arith.mulf %parallel_loop3A_262, %parallel_loop3A_281 : vector<16xf32>
        %parallel_loop3A_283 = arith.constant 4 : i32
        %parallel_loop3A_284 = arith.muli %parallel_loop3A_283, %parallel_loop3A_259 : i32
        %parallel_loop3A_285 = arith.constant 1 : i32
        %parallel_loop3A_286 = arith.addi %parallel_loop3A_284, %parallel_loop3A_285 : i32
        %parallel_loop3A_287 = arith.constant 1 : i32
        %parallel_loop3A_288 = arith.index_cast %parallel_loop3A_287 : i32 to index
        %parallel_loop3A_289 = arith.index_cast %parallel_loop3A_286 : i32 to index
        %parallel_loop3A_290 = arith.constant 0 : index
        %parallel_loop3A_291 = tpu.vector_load %arg8[%parallel_loop3A_288, %parallel_loop3A_289, %parallel_loop3A_290] {strides = array<i32>} : memref<2x256x128xf32, #tpu.memory_space<vmem>>, vector<1x1x16xf32>,
        %parallel_loop3A_292 = vector.shape_cast %parallel_loop3A_291 : vector<1x1x16xf32> to vector<16xf32>
        %parallel_loop3A_293 = arith.mulf %parallel_loop3A_265, %parallel_loop3A_292 : vector<16xf32>
        %parallel_loop3A_294 = arith.addf %parallel_loop3A_282, %parallel_loop3A_293 : vector<16xf32>
        %parallel_loop3A_295 = arith.constant 4 : i32
        %parallel_loop3A_296 = arith.muli %parallel_loop3A_295, %parallel_loop3A_259 : i32
        %parallel_loop3A_297 = arith.constant 2 : i32
        %parallel_loop3A_298 = arith.addi %parallel_loop3A_296, %parallel_loop3A_297 : i32
        %parallel_loop3A_299 = arith.constant 1 : i32
        %parallel_loop3A_300 = arith.index_cast %parallel_loop3A_299 : i32 to index
        %parallel_loop3A_301 = arith.index_cast %parallel_loop3A_298 : i32 to index
        %parallel_loop3A_302 = arith.constant 0 : index
        %parallel_loop3A_303 = tpu.vector_load %arg8[%parallel_loop3A_300, %parallel_loop3A_301, %parallel_loop3A_302] {strides = array<i32>} : memref<2x256x128xf32, #tpu.memory_space<vmem>>, vector<1x1x16xf32>,
        %parallel_loop3A_304 = vector.shape_cast %parallel_loop3A_303 : vector<1x1x16xf32> to vector<16xf32>
        %parallel_loop3A_305 = arith.mulf %parallel_loop3A_268, %parallel_loop3A_304 : vector<16xf32>
        %parallel_loop3A_306 = arith.constant 4 : i32
        %parallel_loop3A_307 = arith.muli %parallel_loop3A_306, %parallel_loop3A_259 : i32
        %parallel_loop3A_308 = arith.constant 3 : i32
        %parallel_loop3A_309 = arith.addi %parallel_loop3A_307, %parallel_loop3A_308 : i32
        %parallel_loop3A_310 = arith.constant 1 : i32
        %parallel_loop3A_311 = arith.index_cast %parallel_loop3A_310 : i32 to index
        %parallel_loop3A_312 = arith.index_cast %parallel_loop3A_309 : i32 to index
        %parallel_loop3A_313 = arith.constant 0 : index
        %parallel_loop3A_314 = tpu.vector_load %arg8[%parallel_loop3A_311, %parallel_loop3A_312, %parallel_loop3A_313] {strides = array<i32>} : memref<2x256x128xf32, #tpu.memory_space<vmem>>, vector<1x1x16xf32>,
        %parallel_loop3A_315 = vector.shape_cast %parallel_loop3A_314 : vector<1x1x16xf32> to vector<16xf32>
        %parallel_loop3A_316 = arith.mulf %parallel_loop3A_271, %parallel_loop3A_315 : vector<16xf32>
        %parallel_loop3A_317 = arith.addf %parallel_loop3A_305, %parallel_loop3A_316 : vector<16xf32>
        %parallel_loop3A_318 = arith.addf %parallel_loop3A_294, %parallel_loop3A_317 : vector<16xf32>
        %parallel_loop3A_319 = arith.constant 1 : i32
        %parallel_loop3A_320 = arith.index_cast %parallel_loop3A_319 : i32 to index
        %parallel_loop3A_321 = arith.index_cast %parallel_loop3A_259 : i32 to index
        %parallel_loop3A_322 = arith.constant 0 : index
        %parallel_loop3A_323 = tpu.vector_load %arg9[%parallel_loop3A_320, %parallel_loop3A_321, %parallel_loop3A_322] {strides = array<i32>} : memref<2x64x128xf32, #tpu.memory_space<vmem>>, vector<1x1x16xf32>,
        %parallel_loop3A_324 = vector.shape_cast %parallel_loop3A_323 : vector<1x1x16xf32> to vector<16xf32>
        %parallel_loop3A_325 = vector.shape_cast %parallel_loop3A_318 : vector<16xf32> to vector<1x1x16xf32>
        tpu.vector_store %arg9[%parallel_loop3A_320, %parallel_loop3A_321, %parallel_loop3A_322], %parallel_loop3A_325 {strides = array<i32>} : memref<2x64x128xf32, #tpu.memory_space<vmem>>, vector<1x1x16xf32>,
        %parallel_loop3A_326 = arith.constant 4 : i32
        %parallel_loop3A_327 = arith.muli %parallel_loop3A_326, %parallel_loop3A_259 : i32
        %parallel_loop3A_328 = arith.constant 0 : i32
        %parallel_loop3A_329 = arith.addi %parallel_loop3A_327, %parallel_loop3A_328 : i32
        %parallel_loop3A_330 = arith.constant 1 : i32
        %parallel_loop3A_331 = arith.index_cast %parallel_loop3A_330 : i32 to index
        %parallel_loop3A_332 = arith.index_cast %parallel_loop3A_329 : i32 to index
        %parallel_loop3A_333 = arith.constant 16 : index
        %parallel_loop3A_334 = tpu.vector_load %arg8[%parallel_loop3A_331, %parallel_loop3A_332, %parallel_loop3A_333] {strides = array<i32>} : memref<2x256x128xf32, #tpu.memory_space<vmem>>, vector<1x1x16xf32>,
        %parallel_loop3A_335 = vector.shape_cast %parallel_loop3A_334 : vector<1x1x16xf32> to vector<16xf32>
        %parallel_loop3A_336 = arith.mulf %parallel_loop3A_262, %parallel_loop3A_335 : vector<16xf32>
        %parallel_loop3A_337 = arith.constant 4 : i32
        %parallel_loop3A_338 = arith.muli %parallel_loop3A_337, %parallel_loop3A_259 : i32
        %parallel_loop3A_339 = arith.constant 1 : i32
        %parallel_loop3A_340 = arith.addi %parallel_loop3A_338, %parallel_loop3A_339 : i32
        %parallel_loop3A_341 = arith.constant 1 : i32
        %parallel_loop3A_342 = arith.index_cast %parallel_loop3A_341 : i32 to index
        %parallel_loop3A_343 = arith.index_cast %parallel_loop3A_340 : i32 to index
        %parallel_loop3A_344 = arith.constant 16 : index
        %parallel_loop3A_345 = tpu.vector_load %arg8[%parallel_loop3A_342, %parallel_loop3A_343, %parallel_loop3A_344] {strides = array<i32>} : memref<2x256x128xf32, #tpu.memory_space<vmem>>, vector<1x1x16xf32>,
        %parallel_loop3A_346 = vector.shape_cast %parallel_loop3A_345 : vector<1x1x16xf32> to vector<16xf32>
        %parallel_loop3A_347 = arith.mulf %parallel_loop3A_265, %parallel_loop3A_346 : vector<16xf32>
        %parallel_loop3A_348 = arith.addf %parallel_loop3A_336, %parallel_loop3A_347 : vector<16xf32>
        %parallel_loop3A_349 = arith.constant 4 : i32
        %parallel_loop3A_350 = arith.muli %parallel_loop3A_349, %parallel_loop3A_259 : i32
        %parallel_loop3A_351 = arith.constant 2 : i32
        %parallel_loop3A_352 = arith.addi %parallel_loop3A_350, %parallel_loop3A_351 : i32
        %parallel_loop3A_353 = arith.constant 1 : i32
        %parallel_loop3A_354 = arith.index_cast %parallel_loop3A_353 : i32 to index
        %parallel_loop3A_355 = arith.index_cast %parallel_loop3A_352 : i32 to index
        %parallel_loop3A_356 = arith.constant 16 : index
        %parallel_loop3A_357 = tpu.vector_load %arg8[%parallel_loop3A_354, %parallel_loop3A_355, %parallel_loop3A_356] {strides = array<i32>} : memref<2x256x128xf32, #tpu.memory_space<vmem>>, vector<1x1x16xf32>,
        %parallel_loop3A_358 = vector.shape_cast %parallel_loop3A_357 : vector<1x1x16xf32> to vector<16xf32>
        %parallel_loop3A_359 = arith.mulf %parallel_loop3A_268, %parallel_loop3A_358 : vector<16xf32>
        %parallel_loop3A_360 = arith.constant 4 : i32
        %parallel_loop3A_361 = arith.muli %parallel_loop3A_360, %parallel_loop3A_259 : i32
        %parallel_loop3A_362 = arith.constant 3 : i32
        %parallel_loop3A_363 = arith.addi %parallel_loop3A_361, %parallel_loop3A_362 : i32
        %parallel_loop3A_364 = arith.constant 1 : i32
        %parallel_loop3A_365 = arith.index_cast %parallel_loop3A_364 : i32 to index
        %parallel_loop3A_366 = arith.index_cast %parallel_loop3A_363 : i32 to index
        %parallel_loop3A_367 = arith.constant 16 : index
        %parallel_loop3A_368 = tpu.vector_load %arg8[%parallel_loop3A_365, %parallel_loop3A_366, %parallel_loop3A_367] {strides = array<i32>} : memref<2x256x128xf32, #tpu.memory_space<vmem>>, vector<1x1x16xf32>,
        %parallel_loop3A_369 = vector.shape_cast %parallel_loop3A_368 : vector<1x1x16xf32> to vector<16xf32>
        %parallel_loop3A_370 = arith.mulf %parallel_loop3A_271, %parallel_loop3A_369 : vector<16xf32>
        %parallel_loop3A_371 = arith.addf %parallel_loop3A_359, %parallel_loop3A_370 : vector<16xf32>
        %parallel_loop3A_372 = arith.addf %parallel_loop3A_348, %parallel_loop3A_371 : vector<16xf32>
        %parallel_loop3A_373 = arith.constant 1 : i32
        %parallel_loop3A_374 = arith.index_cast %parallel_loop3A_373 : i32 to index
        %parallel_loop3A_375 = arith.index_cast %parallel_loop3A_259 : i32 to index
        %parallel_loop3A_376 = arith.constant 16 : index
        %parallel_loop3A_377 = tpu.vector_load %arg9[%parallel_loop3A_374, %parallel_loop3A_375, %parallel_loop3A_376] {strides = array<i32>} : memref<2x64x128xf32, #tpu.memory_space<vmem>>, vector<1x1x16xf32>,
        %parallel_loop3A_378 = vector.shape_cast %parallel_loop3A_377 : vector<1x1x16xf32> to vector<16xf32>
        %parallel_loop3A_379 = vector.shape_cast %parallel_loop3A_372 : vector<16xf32> to vector<1x1x16xf32>
        tpu.vector_store %arg9[%parallel_loop3A_374, %parallel_loop3A_375, %parallel_loop3A_376], %parallel_loop3A_379 {strides = array<i32>} : memref<2x64x128xf32, #tpu.memory_space<vmem>>, vector<1x1x16xf32>,
        %parallel_loop3A_380 = arith.constant 4 : i32
        %parallel_loop3A_381 = arith.muli %parallel_loop3A_380, %parallel_loop3A_259 : i32
        %parallel_loop3A_382 = arith.constant 0 : i32
        %parallel_loop3A_383 = arith.addi %parallel_loop3A_381, %parallel_loop3A_382 : i32
        %parallel_loop3A_384 = arith.constant 1 : i32
        %parallel_loop3A_385 = arith.index_cast %parallel_loop3A_384 : i32 to index
        %parallel_loop3A_386 = arith.index_cast %parallel_loop3A_383 : i32 to index
        %parallel_loop3A_387 = arith.constant 32 : index
        %parallel_loop3A_388 = tpu.vector_load %arg8[%parallel_loop3A_385, %parallel_loop3A_386, %parallel_loop3A_387] {strides = array<i32>} : memref<2x256x128xf32, #tpu.memory_space<vmem>>, vector<1x1x16xf32>,
        %parallel_loop3A_389 = vector.shape_cast %parallel_loop3A_388 : vector<1x1x16xf32> to vector<16xf32>
        %parallel_loop3A_390 = arith.mulf %parallel_loop3A_262, %parallel_loop3A_389 : vector<16xf32>
        %parallel_loop3A_391 = arith.constant 4 : i32
        %parallel_loop3A_392 = arith.muli %parallel_loop3A_391, %parallel_loop3A_259 : i32
        %parallel_loop3A_393 = arith.constant 1 : i32
        %parallel_loop3A_394 = arith.addi %parallel_loop3A_392, %parallel_loop3A_393 : i32
        %parallel_loop3A_395 = arith.constant 1 : i32
        %parallel_loop3A_396 = arith.index_cast %parallel_loop3A_395 : i32 to index
        %parallel_loop3A_397 = arith.index_cast %parallel_loop3A_394 : i32 to index
        %parallel_loop3A_398 = arith.constant 32 : index
        %parallel_loop3A_399 = tpu.vector_load %arg8[%parallel_loop3A_396, %parallel_loop3A_397, %parallel_loop3A_398] {strides = array<i32>} : memref<2x256x128xf32, #tpu.memory_space<vmem>>, vector<1x1x16xf32>,
        %parallel_loop3A_400 = vector.shape_cast %parallel_loop3A_399 : vector<1x1x16xf32> to vector<16xf32>
        %parallel_loop3A_401 = arith.mulf %parallel_loop3A_265, %parallel_loop3A_400 : vector<16xf32>
        %parallel_loop3A_402 = arith.addf %parallel_loop3A_390, %parallel_loop3A_401 : vector<16xf32>
        %parallel_loop3A_403 = arith.constant 4 : i32
        %parallel_loop3A_404 = arith.muli %parallel_loop3A_403, %parallel_loop3A_259 : i32
        %parallel_loop3A_405 = arith.constant 2 : i32
        %parallel_loop3A_406 = arith.addi %parallel_loop3A_404, %parallel_loop3A_405 : i32
        %parallel_loop3A_407 = arith.constant 1 : i32
        %parallel_loop3A_408 = arith.index_cast %parallel_loop3A_407 : i32 to index
        %parallel_loop3A_409 = arith.index_cast %parallel_loop3A_406 : i32 to index
        %parallel_loop3A_410 = arith.constant 32 : index
        %parallel_loop3A_411 = tpu.vector_load %arg8[%parallel_loop3A_408, %parallel_loop3A_409, %parallel_loop3A_410] {strides = array<i32>} : memref<2x256x128xf32, #tpu.memory_space<vmem>>, vector<1x1x16xf32>,
        %parallel_loop3A_412 = vector.shape_cast %parallel_loop3A_411 : vector<1x1x16xf32> to vector<16xf32>
        %parallel_loop3A_413 = arith.mulf %parallel_loop3A_268, %parallel_loop3A_412 : vector<16xf32>
        %parallel_loop3A_414 = arith.constant 4 : i32
        %parallel_loop3A_415 = arith.muli %parallel_loop3A_414, %parallel_loop3A_259 : i32
        %parallel_loop3A_416 = arith.constant 3 : i32
        %parallel_loop3A_417 = arith.addi %parallel_loop3A_415, %parallel_loop3A_416 : i32
        %parallel_loop3A_418 = arith.constant 1 : i32
        %parallel_loop3A_419 = arith.index_cast %parallel_loop3A_418 : i32 to index
        %parallel_loop3A_420 = arith.index_cast %parallel_loop3A_417 : i32 to index
        %parallel_loop3A_421 = arith.constant 32 : index
        %parallel_loop3A_422 = tpu.vector_load %arg8[%parallel_loop3A_419, %parallel_loop3A_420, %parallel_loop3A_421] {strides = array<i32>} : memref<2x256x128xf32, #tpu.memory_space<vmem>>, vector<1x1x16xf32>,
        %parallel_loop3A_423 = vector.shape_cast %parallel_loop3A_422 : vector<1x1x16xf32> to vector<16xf32>
        %parallel_loop3A_424 = arith.mulf %parallel_loop3A_271, %parallel_loop3A_423 : vector<16xf32>
        %parallel_loop3A_425 = arith.addf %parallel_loop3A_413, %parallel_loop3A_424 : vector<16xf32>
        %parallel_loop3A_426 = arith.addf %parallel_loop3A_402, %parallel_loop3A_425 : vector<16xf32>
        %parallel_loop3A_427 = arith.constant 1 : i32
        %parallel_loop3A_428 = arith.index_cast %parallel_loop3A_427 : i32 to index
        %parallel_loop3A_429 = arith.index_cast %parallel_loop3A_259 : i32 to index
        %parallel_loop3A_430 = arith.constant 32 : index
        %parallel_loop3A_431 = tpu.vector_load %arg9[%parallel_loop3A_428, %parallel_loop3A_429, %parallel_loop3A_430] {strides = array<i32>} : memref<2x64x128xf32, #tpu.memory_space<vmem>>, vector<1x1x16xf32>,
        %parallel_loop3A_432 = vector.shape_cast %parallel_loop3A_431 : vector<1x1x16xf32> to vector<16xf32>
        %parallel_loop3A_433 = vector.shape_cast %parallel_loop3A_426 : vector<16xf32> to vector<1x1x16xf32>
        tpu.vector_store %arg9[%parallel_loop3A_428, %parallel_loop3A_429, %parallel_loop3A_430], %parallel_loop3A_433 {strides = array<i32>} : memref<2x64x128xf32, #tpu.memory_space<vmem>>, vector<1x1x16xf32>,
        %parallel_loop3A_434 = arith.constant 4 : i32
        %parallel_loop3A_435 = arith.muli %parallel_loop3A_434, %parallel_loop3A_259 : i32
        %parallel_loop3A_436 = arith.constant 0 : i32
        %parallel_loop3A_437 = arith.addi %parallel_loop3A_435, %parallel_loop3A_436 : i32
        %parallel_loop3A_438 = arith.constant 1 : i32
        %parallel_loop3A_439 = arith.index_cast %parallel_loop3A_438 : i32 to index
        %parallel_loop3A_440 = arith.index_cast %parallel_loop3A_437 : i32 to index
        %parallel_loop3A_441 = arith.constant 48 : index
        %parallel_loop3A_442 = tpu.vector_load %arg8[%parallel_loop3A_439, %parallel_loop3A_440, %parallel_loop3A_441] {strides = array<i32>} : memref<2x256x128xf32, #tpu.memory_space<vmem>>, vector<1x1x16xf32>,
        %parallel_loop3A_443 = vector.shape_cast %parallel_loop3A_442 : vector<1x1x16xf32> to vector<16xf32>
        %parallel_loop3A_444 = arith.mulf %parallel_loop3A_262, %parallel_loop3A_443 : vector<16xf32>
        %parallel_loop3A_445 = arith.constant 4 : i32
        %parallel_loop3A_446 = arith.muli %parallel_loop3A_445, %parallel_loop3A_259 : i32
        %parallel_loop3A_447 = arith.constant 1 : i32
        %parallel_loop3A_448 = arith.addi %parallel_loop3A_446, %parallel_loop3A_447 : i32
        %parallel_loop3A_449 = arith.constant 1 : i32
        %parallel_loop3A_450 = arith.index_cast %parallel_loop3A_449 : i32 to index
        %parallel_loop3A_451 = arith.index_cast %parallel_loop3A_448 : i32 to index
        %parallel_loop3A_452 = arith.constant 48 : index
        %parallel_loop3A_453 = tpu.vector_load %arg8[%parallel_loop3A_450, %parallel_loop3A_451, %parallel_loop3A_452] {strides = array<i32>} : memref<2x256x128xf32, #tpu.memory_space<vmem>>, vector<1x1x16xf32>,
        %parallel_loop3A_454 = vector.shape_cast %parallel_loop3A_453 : vector<1x1x16xf32> to vector<16xf32>
        %parallel_loop3A_455 = arith.mulf %parallel_loop3A_265, %parallel_loop3A_454 : vector<16xf32>
        %parallel_loop3A_456 = arith.addf %parallel_loop3A_444, %parallel_loop3A_455 : vector<16xf32>
        %parallel_loop3A_457 = arith.constant 4 : i32
        %parallel_loop3A_458 = arith.muli %parallel_loop3A_457, %parallel_loop3A_259 : i32
        %parallel_loop3A_459 = arith.constant 2 : i32
        %parallel_loop3A_460 = arith.addi %parallel_loop3A_458, %parallel_loop3A_459 : i32
        %parallel_loop3A_461 = arith.constant 1 : i32
        %parallel_loop3A_462 = arith.index_cast %parallel_loop3A_461 : i32 to index
        %parallel_loop3A_463 = arith.index_cast %parallel_loop3A_460 : i32 to index
        %parallel_loop3A_464 = arith.constant 48 : index
        %parallel_loop3A_465 = tpu.vector_load %arg8[%parallel_loop3A_462, %parallel_loop3A_463, %parallel_loop3A_464] {strides = array<i32>} : memref<2x256x128xf32, #tpu.memory_space<vmem>>, vector<1x1x16xf32>,
        %parallel_loop3A_466 = vector.shape_cast %parallel_loop3A_465 : vector<1x1x16xf32> to vector<16xf32>
        %parallel_loop3A_467 = arith.mulf %parallel_loop3A_268, %parallel_loop3A_466 : vector<16xf32>
        %parallel_loop3A_468 = arith.constant 4 : i32
        %parallel_loop3A_469 = arith.muli %parallel_loop3A_468, %parallel_loop3A_259 : i32
        %parallel_loop3A_470 = arith.constant 3 : i32
        %parallel_loop3A_471 = arith.addi %parallel_loop3A_469, %parallel_loop3A_470 : i32
        %parallel_loop3A_472 = arith.constant 1 : i32
        %parallel_loop3A_473 = arith.index_cast %parallel_loop3A_472 : i32 to index
        %parallel_loop3A_474 = arith.index_cast %parallel_loop3A_471 : i32 to index
        %parallel_loop3A_475 = arith.constant 48 : index
        %parallel_loop3A_476 = tpu.vector_load %arg8[%parallel_loop3A_473, %parallel_loop3A_474, %parallel_loop3A_475] {strides = array<i32>} : memref<2x256x128xf32, #tpu.memory_space<vmem>>, vector<1x1x16xf32>,
        %parallel_loop3A_477 = vector.shape_cast %parallel_loop3A_476 : vector<1x1x16xf32> to vector<16xf32>
        %parallel_loop3A_478 = arith.mulf %parallel_loop3A_271, %parallel_loop3A_477 : vector<16xf32>
        %parallel_loop3A_479 = arith.addf %parallel_loop3A_467, %parallel_loop3A_478 : vector<16xf32>
        %parallel_loop3A_480 = arith.addf %parallel_loop3A_456, %parallel_loop3A_479 : vector<16xf32>
        %parallel_loop3A_481 = arith.constant 1 : i32
        %parallel_loop3A_482 = arith.index_cast %parallel_loop3A_481 : i32 to index
        %parallel_loop3A_483 = arith.index_cast %parallel_loop3A_259 : i32 to index
        %parallel_loop3A_484 = arith.constant 48 : index
        %parallel_loop3A_485 = tpu.vector_load %arg9[%parallel_loop3A_482, %parallel_loop3A_483, %parallel_loop3A_484] {strides = array<i32>} : memref<2x64x128xf32, #tpu.memory_space<vmem>>, vector<1x1x16xf32>,
        %parallel_loop3A_486 = vector.shape_cast %parallel_loop3A_485 : vector<1x1x16xf32> to vector<16xf32>
        %parallel_loop3A_487 = vector.shape_cast %parallel_loop3A_480 : vector<16xf32> to vector<1x1x16xf32>
        tpu.vector_store %arg9[%parallel_loop3A_482, %parallel_loop3A_483, %parallel_loop3A_484], %parallel_loop3A_487 {strides = array<i32>} : memref<2x64x128xf32, #tpu.memory_space<vmem>>, vector<1x1x16xf32>,
        %parallel_loop3A_488 = arith.constant 4 : i32
        %parallel_loop3A_489 = arith.muli %parallel_loop3A_488, %parallel_loop3A_259 : i32
        %parallel_loop3A_490 = arith.constant 0 : i32
        %parallel_loop3A_491 = arith.addi %parallel_loop3A_489, %parallel_loop3A_490 : i32
        %parallel_loop3A_492 = arith.constant 1 : i32
        %parallel_loop3A_493 = arith.index_cast %parallel_loop3A_492 : i32 to index
        %parallel_loop3A_494 = arith.index_cast %parallel_loop3A_491 : i32 to index
        %parallel_loop3A_495 = arith.constant 64 : index
        %parallel_loop3A_496 = tpu.vector_load %arg8[%parallel_loop3A_493, %parallel_loop3A_494, %parallel_loop3A_495] {strides = array<i32>} : memref<2x256x128xf32, #tpu.memory_space<vmem>>, vector<1x1x16xf32>,
        %parallel_loop3A_497 = vector.shape_cast %parallel_loop3A_496 : vector<1x1x16xf32> to vector<16xf32>
        %parallel_loop3A_498 = arith.mulf %parallel_loop3A_262, %parallel_loop3A_497 : vector<16xf32>
        %parallel_loop3A_499 = arith.constant 4 : i32
        %parallel_loop3A_500 = arith.muli %parallel_loop3A_499, %parallel_loop3A_259 : i32
        %parallel_loop3A_501 = arith.constant 1 : i32
        %parallel_loop3A_502 = arith.addi %parallel_loop3A_500, %parallel_loop3A_501 : i32
        %parallel_loop3A_503 = arith.constant 1 : i32
        %parallel_loop3A_504 = arith.index_cast %parallel_loop3A_503 : i32 to index
        %parallel_loop3A_505 = arith.index_cast %parallel_loop3A_502 : i32 to index
        %parallel_loop3A_506 = arith.constant 64 : index
        %parallel_loop3A_507 = tpu.vector_load %arg8[%parallel_loop3A_504, %parallel_loop3A_505, %parallel_loop3A_506] {strides = array<i32>} : memref<2x256x128xf32, #tpu.memory_space<vmem>>, vector<1x1x16xf32>,
        %parallel_loop3A_508 = vector.shape_cast %parallel_loop3A_507 : vector<1x1x16xf32> to vector<16xf32>
        %parallel_loop3A_509 = arith.mulf %parallel_loop3A_265, %parallel_loop3A_508 : vector<16xf32>
        %parallel_loop3A_510 = arith.addf %parallel_loop3A_498, %parallel_loop3A_509 : vector<16xf32>
        %parallel_loop3A_511 = arith.constant 4 : i32
        %parallel_loop3A_512 = arith.muli %parallel_loop3A_511, %parallel_loop3A_259 : i32
        %parallel_loop3A_513 = arith.constant 2 : i32
        %parallel_loop3A_514 = arith.addi %parallel_loop3A_512, %parallel_loop3A_513 : i32
        %parallel_loop3A_515 = arith.constant 1 : i32
        %parallel_loop3A_516 = arith.index_cast %parallel_loop3A_515 : i32 to index
        %parallel_loop3A_517 = arith.index_cast %parallel_loop3A_514 : i32 to index
        %parallel_loop3A_518 = arith.constant 64 : index
        %parallel_loop3A_519 = tpu.vector_load %arg8[%parallel_loop3A_516, %parallel_loop3A_517, %parallel_loop3A_518] {strides = array<i32>} : memref<2x256x128xf32, #tpu.memory_space<vmem>>, vector<1x1x16xf32>,
        %parallel_loop3A_520 = vector.shape_cast %parallel_loop3A_519 : vector<1x1x16xf32> to vector<16xf32>
        %parallel_loop3A_521 = arith.mulf %parallel_loop3A_268, %parallel_loop3A_520 : vector<16xf32>
        %parallel_loop3A_522 = arith.constant 4 : i32
        %parallel_loop3A_523 = arith.muli %parallel_loop3A_522, %parallel_loop3A_259 : i32
        %parallel_loop3A_524 = arith.constant 3 : i32
        %parallel_loop3A_525 = arith.addi %parallel_loop3A_523, %parallel_loop3A_524 : i32
        %parallel_loop3A_526 = arith.constant 1 : i32
        %parallel_loop3A_527 = arith.index_cast %parallel_loop3A_526 : i32 to index
        %parallel_loop3A_528 = arith.index_cast %parallel_loop3A_525 : i32 to index
        %parallel_loop3A_529 = arith.constant 64 : index
        %parallel_loop3A_530 = tpu.vector_load %arg8[%parallel_loop3A_527, %parallel_loop3A_528, %parallel_loop3A_529] {strides = array<i32>} : memref<2x256x128xf32, #tpu.memory_space<vmem>>, vector<1x1x16xf32>,
        %parallel_loop3A_531 = vector.shape_cast %parallel_loop3A_530 : vector<1x1x16xf32> to vector<16xf32>
        %parallel_loop3A_532 = arith.mulf %parallel_loop3A_271, %parallel_loop3A_531 : vector<16xf32>
        %parallel_loop3A_533 = arith.addf %parallel_loop3A_521, %parallel_loop3A_532 : vector<16xf32>
        %parallel_loop3A_534 = arith.addf %parallel_loop3A_510, %parallel_loop3A_533 : vector<16xf32>
        %parallel_loop3A_535 = arith.constant 1 : i32
        %parallel_loop3A_536 = arith.index_cast %parallel_loop3A_535 : i32 to index
        %parallel_loop3A_537 = arith.index_cast %parallel_loop3A_259 : i32 to index
        %parallel_loop3A_538 = arith.constant 64 : index
        %parallel_loop3A_539 = tpu.vector_load %arg9[%parallel_loop3A_536, %parallel_loop3A_537, %parallel_loop3A_538] {strides = array<i32>} : memref<2x64x128xf32, #tpu.memory_space<vmem>>, vector<1x1x16xf32>,
        %parallel_loop3A_540 = vector.shape_cast %parallel_loop3A_539 : vector<1x1x16xf32> to vector<16xf32>
        %parallel_loop3A_541 = vector.shape_cast %parallel_loop3A_534 : vector<16xf32> to vector<1x1x16xf32>
        tpu.vector_store %arg9[%parallel_loop3A_536, %parallel_loop3A_537, %parallel_loop3A_538], %parallel_loop3A_541 {strides = array<i32>} : memref<2x64x128xf32, #tpu.memory_space<vmem>>, vector<1x1x16xf32>,
        %parallel_loop3A_542 = arith.constant 4 : i32
        %parallel_loop3A_543 = arith.muli %parallel_loop3A_542, %parallel_loop3A_259 : i32
        %parallel_loop3A_544 = arith.constant 0 : i32
        %parallel_loop3A_545 = arith.addi %parallel_loop3A_543, %parallel_loop3A_544 : i32
        %parallel_loop3A_546 = arith.constant 1 : i32
        %parallel_loop3A_547 = arith.index_cast %parallel_loop3A_546 : i32 to index
        %parallel_loop3A_548 = arith.index_cast %parallel_loop3A_545 : i32 to index
        %parallel_loop3A_549 = arith.constant 80 : index
        %parallel_loop3A_550 = tpu.vector_load %arg8[%parallel_loop3A_547, %parallel_loop3A_548, %parallel_loop3A_549] {strides = array<i32>} : memref<2x256x128xf32, #tpu.memory_space<vmem>>, vector<1x1x16xf32>,
        %parallel_loop3A_551 = vector.shape_cast %parallel_loop3A_550 : vector<1x1x16xf32> to vector<16xf32>
        %parallel_loop3A_552 = arith.mulf %parallel_loop3A_262, %parallel_loop3A_551 : vector<16xf32>
        %parallel_loop3A_553 = arith.constant 4 : i32
        %parallel_loop3A_554 = arith.muli %parallel_loop3A_553, %parallel_loop3A_259 : i32
        %parallel_loop3A_555 = arith.constant 1 : i32
        %parallel_loop3A_556 = arith.addi %parallel_loop3A_554, %parallel_loop3A_555 : i32
        %parallel_loop3A_557 = arith.constant 1 : i32
        %parallel_loop3A_558 = arith.index_cast %parallel_loop3A_557 : i32 to index
        %parallel_loop3A_559 = arith.index_cast %parallel_loop3A_556 : i32 to index
        %parallel_loop3A_560 = arith.constant 80 : index
        %parallel_loop3A_561 = tpu.vector_load %arg8[%parallel_loop3A_558, %parallel_loop3A_559, %parallel_loop3A_560] {strides = array<i32>} : memref<2x256x128xf32, #tpu.memory_space<vmem>>, vector<1x1x16xf32>,
        %parallel_loop3A_562 = vector.shape_cast %parallel_loop3A_561 : vector<1x1x16xf32> to vector<16xf32>
        %parallel_loop3A_563 = arith.mulf %parallel_loop3A_265, %parallel_loop3A_562 : vector<16xf32>
        %parallel_loop3A_564 = arith.addf %parallel_loop3A_552, %parallel_loop3A_563 : vector<16xf32>
        %parallel_loop3A_565 = arith.constant 4 : i32
        %parallel_loop3A_566 = arith.muli %parallel_loop3A_565, %parallel_loop3A_259 : i32
        %parallel_loop3A_567 = arith.constant 2 : i32
        %parallel_loop3A_568 = arith.addi %parallel_loop3A_566, %parallel_loop3A_567 : i32
        %parallel_loop3A_569 = arith.constant 1 : i32
        %parallel_loop3A_570 = arith.index_cast %parallel_loop3A_569 : i32 to index
        %parallel_loop3A_571 = arith.index_cast %parallel_loop3A_568 : i32 to index
        %parallel_loop3A_572 = arith.constant 80 : index
        %parallel_loop3A_573 = tpu.vector_load %arg8[%parallel_loop3A_570, %parallel_loop3A_571, %parallel_loop3A_572] {strides = array<i32>} : memref<2x256x128xf32, #tpu.memory_space<vmem>>, vector<1x1x16xf32>,
        %parallel_loop3A_574 = vector.shape_cast %parallel_loop3A_573 : vector<1x1x16xf32> to vector<16xf32>
        %parallel_loop3A_575 = arith.mulf %parallel_loop3A_268, %parallel_loop3A_574 : vector<16xf32>
        %parallel_loop3A_576 = arith.constant 4 : i32
        %parallel_loop3A_577 = arith.muli %parallel_loop3A_576, %parallel_loop3A_259 : i32
        %parallel_loop3A_578 = arith.constant 3 : i32
        %parallel_loop3A_579 = arith.addi %parallel_loop3A_577, %parallel_loop3A_578 : i32
        %parallel_loop3A_580 = arith.constant 1 : i32
        %parallel_loop3A_581 = arith.index_cast %parallel_loop3A_580 : i32 to index
        %parallel_loop3A_582 = arith.index_cast %parallel_loop3A_579 : i32 to index
        %parallel_loop3A_583 = arith.constant 80 : index
        %parallel_loop3A_584 = tpu.vector_load %arg8[%parallel_loop3A_581, %parallel_loop3A_582, %parallel_loop3A_583] {strides = array<i32>} : memref<2x256x128xf32, #tpu.memory_space<vmem>>, vector<1x1x16xf32>,
        %parallel_loop3A_585 = vector.shape_cast %parallel_loop3A_584 : vector<1x1x16xf32> to vector<16xf32>
        %parallel_loop3A_586 = arith.mulf %parallel_loop3A_271, %parallel_loop3A_585 : vector<16xf32>
        %parallel_loop3A_587 = arith.addf %parallel_loop3A_575, %parallel_loop3A_586 : vector<16xf32>
        %parallel_loop3A_588 = arith.addf %parallel_loop3A_564, %parallel_loop3A_587 : vector<16xf32>
        %parallel_loop3A_589 = arith.constant 1 : i32
        %parallel_loop3A_590 = arith.index_cast %parallel_loop3A_589 : i32 to index
        %parallel_loop3A_591 = arith.index_cast %parallel_loop3A_259 : i32 to index
        %parallel_loop3A_592 = arith.constant 80 : index
        %parallel_loop3A_593 = tpu.vector_load %arg9[%parallel_loop3A_590, %parallel_loop3A_591, %parallel_loop3A_592] {strides = array<i32>} : memref<2x64x128xf32, #tpu.memory_space<vmem>>, vector<1x1x16xf32>,
        %parallel_loop3A_594 = vector.shape_cast %parallel_loop3A_593 : vector<1x1x16xf32> to vector<16xf32>
        %parallel_loop3A_595 = vector.shape_cast %parallel_loop3A_588 : vector<16xf32> to vector<1x1x16xf32>
        tpu.vector_store %arg9[%parallel_loop3A_590, %parallel_loop3A_591, %parallel_loop3A_592], %parallel_loop3A_595 {strides = array<i32>} : memref<2x64x128xf32, #tpu.memory_space<vmem>>, vector<1x1x16xf32>,
        %parallel_loop3A_596 = arith.constant 4 : i32
        %parallel_loop3A_597 = arith.muli %parallel_loop3A_596, %parallel_loop3A_259 : i32
        %parallel_loop3A_598 = arith.constant 0 : i32
        %parallel_loop3A_599 = arith.addi %parallel_loop3A_597, %parallel_loop3A_598 : i32
        %parallel_loop3A_600 = arith.constant 1 : i32
        %parallel_loop3A_601 = arith.index_cast %parallel_loop3A_600 : i32 to index
        %parallel_loop3A_602 = arith.index_cast %parallel_loop3A_599 : i32 to index
        %parallel_loop3A_603 = arith.constant 96 : index
        %parallel_loop3A_604 = tpu.vector_load %arg8[%parallel_loop3A_601, %parallel_loop3A_602, %parallel_loop3A_603] {strides = array<i32>} : memref<2x256x128xf32, #tpu.memory_space<vmem>>, vector<1x1x16xf32>,
        %parallel_loop3A_605 = vector.shape_cast %parallel_loop3A_604 : vector<1x1x16xf32> to vector<16xf32>
        %parallel_loop3A_606 = arith.mulf %parallel_loop3A_262, %parallel_loop3A_605 : vector<16xf32>
        %parallel_loop3A_607 = arith.constant 4 : i32
        %parallel_loop3A_608 = arith.muli %parallel_loop3A_607, %parallel_loop3A_259 : i32
        %parallel_loop3A_609 = arith.constant 1 : i32
        %parallel_loop3A_610 = arith.addi %parallel_loop3A_608, %parallel_loop3A_609 : i32
        %parallel_loop3A_611 = arith.constant 1 : i32
        %parallel_loop3A_612 = arith.index_cast %parallel_loop3A_611 : i32 to index
        %parallel_loop3A_613 = arith.index_cast %parallel_loop3A_610 : i32 to index
        %parallel_loop3A_614 = arith.constant 96 : index
        %parallel_loop3A_615 = tpu.vector_load %arg8[%parallel_loop3A_612, %parallel_loop3A_613, %parallel_loop3A_614] {strides = array<i32>} : memref<2x256x128xf32, #tpu.memory_space<vmem>>, vector<1x1x16xf32>,
        %parallel_loop3A_616 = vector.shape_cast %parallel_loop3A_615 : vector<1x1x16xf32> to vector<16xf32>
        %parallel_loop3A_617 = arith.mulf %parallel_loop3A_265, %parallel_loop3A_616 : vector<16xf32>
        %parallel_loop3A_618 = arith.addf %parallel_loop3A_606, %parallel_loop3A_617 : vector<16xf32>
        %parallel_loop3A_619 = arith.constant 4 : i32
        %parallel_loop3A_620 = arith.muli %parallel_loop3A_619, %parallel_loop3A_259 : i32
        %parallel_loop3A_621 = arith.constant 2 : i32
        %parallel_loop3A_622 = arith.addi %parallel_loop3A_620, %parallel_loop3A_621 : i32
        %parallel_loop3A_623 = arith.constant 1 : i32
        %parallel_loop3A_624 = arith.index_cast %parallel_loop3A_623 : i32 to index
        %parallel_loop3A_625 = arith.index_cast %parallel_loop3A_622 : i32 to index
        %parallel_loop3A_626 = arith.constant 96 : index
        %parallel_loop3A_627 = tpu.vector_load %arg8[%parallel_loop3A_624, %parallel_loop3A_625, %parallel_loop3A_626] {strides = array<i32>} : memref<2x256x128xf32, #tpu.memory_space<vmem>>, vector<1x1x16xf32>,
        %parallel_loop3A_628 = vector.shape_cast %parallel_loop3A_627 : vector<1x1x16xf32> to vector<16xf32>
        %parallel_loop3A_629 = arith.mulf %parallel_loop3A_268, %parallel_loop3A_628 : vector<16xf32>
        %parallel_loop3A_630 = arith.constant 4 : i32
        %parallel_loop3A_631 = arith.muli %parallel_loop3A_630, %parallel_loop3A_259 : i32
        %parallel_loop3A_632 = arith.constant 3 : i32
        %parallel_loop3A_633 = arith.addi %parallel_loop3A_631, %parallel_loop3A_632 : i32
        %parallel_loop3A_634 = arith.constant 1 : i32
        %parallel_loop3A_635 = arith.index_cast %parallel_loop3A_634 : i32 to index
        %parallel_loop3A_636 = arith.index_cast %parallel_loop3A_633 : i32 to index
        %parallel_loop3A_637 = arith.constant 96 : index
        %parallel_loop3A_638 = tpu.vector_load %arg8[%parallel_loop3A_635, %parallel_loop3A_636, %parallel_loop3A_637] {strides = array<i32>} : memref<2x256x128xf32, #tpu.memory_space<vmem>>, vector<1x1x16xf32>,
        %parallel_loop3A_639 = vector.shape_cast %parallel_loop3A_638 : vector<1x1x16xf32> to vector<16xf32>
        %parallel_loop3A_640 = arith.mulf %parallel_loop3A_271, %parallel_loop3A_639 : vector<16xf32>
        %parallel_loop3A_641 = arith.addf %parallel_loop3A_629, %parallel_loop3A_640 : vector<16xf32>
        %parallel_loop3A_642 = arith.addf %parallel_loop3A_618, %parallel_loop3A_641 : vector<16xf32>
        %parallel_loop3A_643 = arith.constant 1 : i32
        %parallel_loop3A_644 = arith.index_cast %parallel_loop3A_643 : i32 to index
        %parallel_loop3A_645 = arith.index_cast %parallel_loop3A_259 : i32 to index
        %parallel_loop3A_646 = arith.constant 96 : index
        %parallel_loop3A_647 = tpu.vector_load %arg9[%parallel_loop3A_644, %parallel_loop3A_645, %parallel_loop3A_646] {strides = array<i32>} : memref<2x64x128xf32, #tpu.memory_space<vmem>>, vector<1x1x16xf32>,
        %parallel_loop3A_648 = vector.shape_cast %parallel_loop3A_647 : vector<1x1x16xf32> to vector<16xf32>
        %parallel_loop3A_649 = vector.shape_cast %parallel_loop3A_642 : vector<16xf32> to vector<1x1x16xf32>
        tpu.vector_store %arg9[%parallel_loop3A_644, %parallel_loop3A_645, %parallel_loop3A_646], %parallel_loop3A_649 {strides = array<i32>} : memref<2x64x128xf32, #tpu.memory_space<vmem>>, vector<1x1x16xf32>,
        %parallel_loop3A_650 = arith.constant 4 : i32
        %parallel_loop3A_651 = arith.muli %parallel_loop3A_650, %parallel_loop3A_259 : i32
        %parallel_loop3A_652 = arith.constant 0 : i32
        %parallel_loop3A_653 = arith.addi %parallel_loop3A_651, %parallel_loop3A_652 : i32
        %parallel_loop3A_654 = arith.constant 1 : i32
        %parallel_loop3A_655 = arith.index_cast %parallel_loop3A_654 : i32 to index
        %parallel_loop3A_656 = arith.index_cast %parallel_loop3A_653 : i32 to index
        %parallel_loop3A_657 = arith.constant 112 : index
        %parallel_loop3A_658 = tpu.vector_load %arg8[%parallel_loop3A_655, %parallel_loop3A_656, %parallel_loop3A_657] {strides = array<i32>} : memref<2x256x128xf32, #tpu.memory_space<vmem>>, vector<1x1x16xf32>,
        %parallel_loop3A_659 = vector.shape_cast %parallel_loop3A_658 : vector<1x1x16xf32> to vector<16xf32>
        %parallel_loop3A_660 = arith.mulf %parallel_loop3A_262, %parallel_loop3A_659 : vector<16xf32>
        %parallel_loop3A_661 = arith.constant 4 : i32
        %parallel_loop3A_662 = arith.muli %parallel_loop3A_661, %parallel_loop3A_259 : i32
        %parallel_loop3A_663 = arith.constant 1 : i32
        %parallel_loop3A_664 = arith.addi %parallel_loop3A_662, %parallel_loop3A_663 : i32
        %parallel_loop3A_665 = arith.constant 1 : i32
        %parallel_loop3A_666 = arith.index_cast %parallel_loop3A_665 : i32 to index
        %parallel_loop3A_667 = arith.index_cast %parallel_loop3A_664 : i32 to index
        %parallel_loop3A_668 = arith.constant 112 : index
        %parallel_loop3A_669 = tpu.vector_load %arg8[%parallel_loop3A_666, %parallel_loop3A_667, %parallel_loop3A_668] {strides = array<i32>} : memref<2x256x128xf32, #tpu.memory_space<vmem>>, vector<1x1x16xf32>,
        %parallel_loop3A_670 = vector.shape_cast %parallel_loop3A_669 : vector<1x1x16xf32> to vector<16xf32>
        %parallel_loop3A_671 = arith.mulf %parallel_loop3A_265, %parallel_loop3A_670 : vector<16xf32>
        %parallel_loop3A_672 = arith.addf %parallel_loop3A_660, %parallel_loop3A_671 : vector<16xf32>
        %parallel_loop3A_673 = arith.constant 4 : i32
        %parallel_loop3A_674 = arith.muli %parallel_loop3A_673, %parallel_loop3A_259 : i32
        %parallel_loop3A_675 = arith.constant 2 : i32
        %parallel_loop3A_676 = arith.addi %parallel_loop3A_674, %parallel_loop3A_675 : i32
        %parallel_loop3A_677 = arith.constant 1 : i32
        %parallel_loop3A_678 = arith.index_cast %parallel_loop3A_677 : i32 to index
        %parallel_loop3A_679 = arith.index_cast %parallel_loop3A_676 : i32 to index
        %parallel_loop3A_680 = arith.constant 112 : index
        %parallel_loop3A_681 = tpu.vector_load %arg8[%parallel_loop3A_678, %parallel_loop3A_679, %parallel_loop3A_680] {strides = array<i32>} : memref<2x256x128xf32, #tpu.memory_space<vmem>>, vector<1x1x16xf32>,
        %parallel_loop3A_682 = vector.shape_cast %parallel_loop3A_681 : vector<1x1x16xf32> to vector<16xf32>
        %parallel_loop3A_683 = arith.mulf %parallel_loop3A_268, %parallel_loop3A_682 : vector<16xf32>
        %parallel_loop3A_684 = arith.constant 4 : i32
        %parallel_loop3A_685 = arith.muli %parallel_loop3A_684, %parallel_loop3A_259 : i32
        %parallel_loop3A_686 = arith.constant 3 : i32
        %parallel_loop3A_687 = arith.addi %parallel_loop3A_685, %parallel_loop3A_686 : i32
        %parallel_loop3A_688 = arith.constant 1 : i32
        %parallel_loop3A_689 = arith.index_cast %parallel_loop3A_688 : i32 to index
        %parallel_loop3A_690 = arith.index_cast %parallel_loop3A_687 : i32 to index
        %parallel_loop3A_691 = arith.constant 112 : index
        %parallel_loop3A_692 = tpu.vector_load %arg8[%parallel_loop3A_689, %parallel_loop3A_690, %parallel_loop3A_691] {strides = array<i32>} : memref<2x256x128xf32, #tpu.memory_space<vmem>>, vector<1x1x16xf32>,
        %parallel_loop3A_693 = vector.shape_cast %parallel_loop3A_692 : vector<1x1x16xf32> to vector<16xf32>
        %parallel_loop3A_694 = arith.mulf %parallel_loop3A_271, %parallel_loop3A_693 : vector<16xf32>
        %parallel_loop3A_695 = arith.addf %parallel_loop3A_683, %parallel_loop3A_694 : vector<16xf32>
        %parallel_loop3A_696 = arith.addf %parallel_loop3A_672, %parallel_loop3A_695 : vector<16xf32>
        %parallel_loop3A_697 = arith.constant 1 : i32
        %parallel_loop3A_698 = arith.index_cast %parallel_loop3A_697 : i32 to index
        %parallel_loop3A_699 = arith.index_cast %parallel_loop3A_259 : i32 to index
        %parallel_loop3A_700 = arith.constant 112 : index
        %parallel_loop3A_701 = tpu.vector_load %arg9[%parallel_loop3A_698, %parallel_loop3A_699, %parallel_loop3A_700] {strides = array<i32>} : memref<2x64x128xf32, #tpu.memory_space<vmem>>, vector<1x1x16xf32>,
        %parallel_loop3A_702 = vector.shape_cast %parallel_loop3A_701 : vector<1x1x16xf32> to vector<16xf32>
        %parallel_loop3A_703 = vector.shape_cast %parallel_loop3A_696 : vector<16xf32> to vector<1x1x16xf32>
        tpu.vector_store %arg9[%parallel_loop3A_698, %parallel_loop3A_699, %parallel_loop3A_700], %parallel_loop3A_703 {strides = array<i32>} : memref<2x64x128xf32, #tpu.memory_space<vmem>>, vector<1x1x16xf32>,
        %parallel_loop3A_704 = arith.constant 4 : i32
        %parallel_loop3A_705 = arith.muli %parallel_loop3A_204, %parallel_loop3A_704 : i32
        %parallel_loop3A_706 = arith.constant 1 : i32
        %parallel_loop3A_707 = arith.addi %parallel_loop3A_705, %parallel_loop3A_706 : i32
        %parallel_loop3A_708 = vector.extract_strided_slice %parallel_loop3A_255 {offsets = [4], sizes = [1], strides = [1]} : vector<16xf32> to vector<1xf32>
        %parallel_loop3A_709 = vector.extract %parallel_loop3A_708[0] : f32 from vector<1xf32>
        %parallel_loop3A_710 = vector.broadcast %parallel_loop3A_709 : f32 to vector<16xf32>
        %parallel_loop3A_711 = vector.extract_strided_slice %parallel_loop3A_255 {offsets = [5], sizes = [1], strides = [1]} : vector<16xf32> to vector<1xf32>
        %parallel_loop3A_712 = vector.extract %parallel_loop3A_711[0] : f32 from vector<1xf32>
        %parallel_loop3A_713 = vector.broadcast %parallel_loop3A_712 : f32 to vector<16xf32>
        %parallel_loop3A_714 = vector.extract_strided_slice %parallel_loop3A_255 {offsets = [6], sizes = [1], strides = [1]} : vector<16xf32> to vector<1xf32>
        %parallel_loop3A_715 = vector.extract %parallel_loop3A_714[0] : f32 from vector<1xf32>
        %parallel_loop3A_716 = vector.broadcast %parallel_loop3A_715 : f32 to vector<16xf32>
        %parallel_loop3A_717 = vector.extract_strided_slice %parallel_loop3A_255 {offsets = [7], sizes = [1], strides = [1]} : vector<16xf32> to vector<1xf32>
        %parallel_loop3A_718 = vector.extract %parallel_loop3A_717[0] : f32 from vector<1xf32>
        %parallel_loop3A_719 = vector.broadcast %parallel_loop3A_718 : f32 to vector<16xf32>
        %parallel_loop3A_720 = arith.constant 4 : i32
        %parallel_loop3A_721 = arith.muli %parallel_loop3A_720, %parallel_loop3A_707 : i32
        %parallel_loop3A_722 = arith.constant 0 : i32
        %parallel_loop3A_723 = arith.addi %parallel_loop3A_721, %parallel_loop3A_722 : i32
        %parallel_loop3A_724 = arith.constant 1 : i32
        %parallel_loop3A_725 = arith.index_cast %parallel_loop3A_724 : i32 to index
        %parallel_loop3A_726 = arith.index_cast %parallel_loop3A_723 : i32 to index
        %parallel_loop3A_727 = arith.constant 0 : index
        %parallel_loop3A_728 = tpu.vector_load %arg8[%parallel_loop3A_725, %parallel_loop3A_726, %parallel_loop3A_727] {strides = array<i32>} : memref<2x256x128xf32, #tpu.memory_space<vmem>>, vector<1x1x16xf32>,
        %parallel_loop3A_729 = vector.shape_cast %parallel_loop3A_728 : vector<1x1x16xf32> to vector<16xf32>
        %parallel_loop3A_730 = arith.mulf %parallel_loop3A_710, %parallel_loop3A_729 : vector<16xf32>
        %parallel_loop3A_731 = arith.constant 4 : i32
        %parallel_loop3A_732 = arith.muli %parallel_loop3A_731, %parallel_loop3A_707 : i32
        %parallel_loop3A_733 = arith.constant 1 : i32
        %parallel_loop3A_734 = arith.addi %parallel_loop3A_732, %parallel_loop3A_733 : i32
        %parallel_loop3A_735 = arith.constant 1 : i32
        %parallel_loop3A_736 = arith.index_cast %parallel_loop3A_735 : i32 to index
        %parallel_loop3A_737 = arith.index_cast %parallel_loop3A_734 : i32 to index
        %parallel_loop3A_738 = arith.constant 0 : index
        %parallel_loop3A_739 = tpu.vector_load %arg8[%parallel_loop3A_736, %parallel_loop3A_737, %parallel_loop3A_738] {strides = array<i32>} : memref<2x256x128xf32, #tpu.memory_space<vmem>>, vector<1x1x16xf32>,
        %parallel_loop3A_740 = vector.shape_cast %parallel_loop3A_739 : vector<1x1x16xf32> to vector<16xf32>
        %parallel_loop3A_741 = arith.mulf %parallel_loop3A_713, %parallel_loop3A_740 : vector<16xf32>
        %parallel_loop3A_742 = arith.addf %parallel_loop3A_730, %parallel_loop3A_741 : vector<16xf32>
        %parallel_loop3A_743 = arith.constant 4 : i32
        %parallel_loop3A_744 = arith.muli %parallel_loop3A_743, %parallel_loop3A_707 : i32
        %parallel_loop3A_745 = arith.constant 2 : i32
        %parallel_loop3A_746 = arith.addi %parallel_loop3A_744, %parallel_loop3A_745 : i32
        %parallel_loop3A_747 = arith.constant 1 : i32
        %parallel_loop3A_748 = arith.index_cast %parallel_loop3A_747 : i32 to index
        %parallel_loop3A_749 = arith.index_cast %parallel_loop3A_746 : i32 to index
        %parallel_loop3A_750 = arith.constant 0 : index
        %parallel_loop3A_751 = tpu.vector_load %arg8[%parallel_loop3A_748, %parallel_loop3A_749, %parallel_loop3A_750] {strides = array<i32>} : memref<2x256x128xf32, #tpu.memory_space<vmem>>, vector<1x1x16xf32>,
        %parallel_loop3A_752 = vector.shape_cast %parallel_loop3A_751 : vector<1x1x16xf32> to vector<16xf32>
        %parallel_loop3A_753 = arith.mulf %parallel_loop3A_716, %parallel_loop3A_752 : vector<16xf32>
        %parallel_loop3A_754 = arith.constant 4 : i32
        %parallel_loop3A_755 = arith.muli %parallel_loop3A_754, %parallel_loop3A_707 : i32
        %parallel_loop3A_756 = arith.constant 3 : i32
        %parallel_loop3A_757 = arith.addi %parallel_loop3A_755, %parallel_loop3A_756 : i32
        %parallel_loop3A_758 = arith.constant 1 : i32
        %parallel_loop3A_759 = arith.index_cast %parallel_loop3A_758 : i32 to index
        %parallel_loop3A_760 = arith.index_cast %parallel_loop3A_757 : i32 to index
        %parallel_loop3A_761 = arith.constant 0 : index
        %parallel_loop3A_762 = tpu.vector_load %arg8[%parallel_loop3A_759, %parallel_loop3A_760, %parallel_loop3A_761] {strides = array<i32>} : memref<2x256x128xf32, #tpu.memory_space<vmem>>, vector<1x1x16xf32>,
        %parallel_loop3A_763 = vector.shape_cast %parallel_loop3A_762 : vector<1x1x16xf32> to vector<16xf32>
        %parallel_loop3A_764 = arith.mulf %parallel_loop3A_719, %parallel_loop3A_763 : vector<16xf32>
        %parallel_loop3A_765 = arith.addf %parallel_loop3A_753, %parallel_loop3A_764 : vector<16xf32>
        %parallel_loop3A_766 = arith.addf %parallel_loop3A_742, %parallel_loop3A_765 : vector<16xf32>
        %parallel_loop3A_767 = arith.constant 1 : i32
        %parallel_loop3A_768 = arith.index_cast %parallel_loop3A_767 : i32 to index
        %parallel_loop3A_769 = arith.index_cast %parallel_loop3A_707 : i32 to index
        %parallel_loop3A_770 = arith.constant 0 : index
        %parallel_loop3A_771 = tpu.vector_load %arg9[%parallel_loop3A_768, %parallel_loop3A_769, %parallel_loop3A_770] {strides = array<i32>} : memref<2x64x128xf32, #tpu.memory_space<vmem>>, vector<1x1x16xf32>,
        %parallel_loop3A_772 = vector.shape_cast %parallel_loop3A_771 : vector<1x1x16xf32> to vector<16xf32>
        %parallel_loop3A_773 = vector.shape_cast %parallel_loop3A_766 : vector<16xf32> to vector<1x1x16xf32>
        tpu.vector_store %arg9[%parallel_loop3A_768, %parallel_loop3A_769, %parallel_loop3A_770], %parallel_loop3A_773 {strides = array<i32>} : memref<2x64x128xf32, #tpu.memory_space<vmem>>, vector<1x1x16xf32>,
        %parallel_loop3A_774 = arith.constant 4 : i32
        %parallel_loop3A_775 = arith.muli %parallel_loop3A_774, %parallel_loop3A_707 : i32
        %parallel_loop3A_776 = arith.constant 0 : i32
        %parallel_loop3A_777 = arith.addi %parallel_loop3A_775, %parallel_loop3A_776 : i32
        %parallel_loop3A_778 = arith.constant 1 : i32
        %parallel_loop3A_779 = arith.index_cast %parallel_loop3A_778 : i32 to index
        %parallel_loop3A_780 = arith.index_cast %parallel_loop3A_777 : i32 to index
        %parallel_loop3A_781 = arith.constant 16 : index
        %parallel_loop3A_782 = tpu.vector_load %arg8[%parallel_loop3A_779, %parallel_loop3A_780, %parallel_loop3A_781] {strides = array<i32>} : memref<2x256x128xf32, #tpu.memory_space<vmem>>, vector<1x1x16xf32>,
        %parallel_loop3A_783 = vector.shape_cast %parallel_loop3A_782 : vector<1x1x16xf32> to vector<16xf32>
        %parallel_loop3A_784 = arith.mulf %parallel_loop3A_710, %parallel_loop3A_783 : vector<16xf32>
        %parallel_loop3A_785 = arith.constant 4 : i32
        %parallel_loop3A_786 = arith.muli %parallel_loop3A_785, %parallel_loop3A_707 : i32
        %parallel_loop3A_787 = arith.constant 1 : i32
        %parallel_loop3A_788 = arith.addi %parallel_loop3A_786, %parallel_loop3A_787 : i32
        %parallel_loop3A_789 = arith.constant 1 : i32
        %parallel_loop3A_790 = arith.index_cast %parallel_loop3A_789 : i32 to index
        %parallel_loop3A_791 = arith.index_cast %parallel_loop3A_788 : i32 to index
        %parallel_loop3A_792 = arith.constant 16 : index
        %parallel_loop3A_793 = tpu.vector_load %arg8[%parallel_loop3A_790, %parallel_loop3A_791, %parallel_loop3A_792] {strides = array<i32>} : memref<2x256x128xf32, #tpu.memory_space<vmem>>, vector<1x1x16xf32>,
        %parallel_loop3A_794 = vector.shape_cast %parallel_loop3A_793 : vector<1x1x16xf32> to vector<16xf32>
        %parallel_loop3A_795 = arith.mulf %parallel_loop3A_713, %parallel_loop3A_794 : vector<16xf32>
        %parallel_loop3A_796 = arith.addf %parallel_loop3A_784, %parallel_loop3A_795 : vector<16xf32>
        %parallel_loop3A_797 = arith.constant 4 : i32
        %parallel_loop3A_798 = arith.muli %parallel_loop3A_797, %parallel_loop3A_707 : i32
        %parallel_loop3A_799 = arith.constant 2 : i32
        %parallel_loop3A_800 = arith.addi %parallel_loop3A_798, %parallel_loop3A_799 : i32
        %parallel_loop3A_801 = arith.constant 1 : i32
        %parallel_loop3A_802 = arith.index_cast %parallel_loop3A_801 : i32 to index
        %parallel_loop3A_803 = arith.index_cast %parallel_loop3A_800 : i32 to index
        %parallel_loop3A_804 = arith.constant 16 : index
        %parallel_loop3A_805 = tpu.vector_load %arg8[%parallel_loop3A_802, %parallel_loop3A_803, %parallel_loop3A_804] {strides = array<i32>} : memref<2x256x128xf32, #tpu.memory_space<vmem>>, vector<1x1x16xf32>,
        %parallel_loop3A_806 = vector.shape_cast %parallel_loop3A_805 : vector<1x1x16xf32> to vector<16xf32>
        %parallel_loop3A_807 = arith.mulf %parallel_loop3A_716, %parallel_loop3A_806 : vector<16xf32>
        %parallel_loop3A_808 = arith.constant 4 : i32
        %parallel_loop3A_809 = arith.muli %parallel_loop3A_808, %parallel_loop3A_707 : i32
        %parallel_loop3A_810 = arith.constant 3 : i32
        %parallel_loop3A_811 = arith.addi %parallel_loop3A_809, %parallel_loop3A_810 : i32
        %parallel_loop3A_812 = arith.constant 1 : i32
        %parallel_loop3A_813 = arith.index_cast %parallel_loop3A_812 : i32 to index
        %parallel_loop3A_814 = arith.index_cast %parallel_loop3A_811 : i32 to index
        %parallel_loop3A_815 = arith.constant 16 : index
        %parallel_loop3A_816 = tpu.vector_load %arg8[%parallel_loop3A_813, %parallel_loop3A_814, %parallel_loop3A_815] {strides = array<i32>} : memref<2x256x128xf32, #tpu.memory_space<vmem>>, vector<1x1x16xf32>,
        %parallel_loop3A_817 = vector.shape_cast %parallel_loop3A_816 : vector<1x1x16xf32> to vector<16xf32>
        %parallel_loop3A_818 = arith.mulf %parallel_loop3A_719, %parallel_loop3A_817 : vector<16xf32>
        %parallel_loop3A_819 = arith.addf %parallel_loop3A_807, %parallel_loop3A_818 : vector<16xf32>
        %parallel_loop3A_820 = arith.addf %parallel_loop3A_796, %parallel_loop3A_819 : vector<16xf32>
        %parallel_loop3A_821 = arith.constant 1 : i32
        %parallel_loop3A_822 = arith.index_cast %parallel_loop3A_821 : i32 to index
        %parallel_loop3A_823 = arith.index_cast %parallel_loop3A_707 : i32 to index
        %parallel_loop3A_824 = arith.constant 16 : index
        %parallel_loop3A_825 = tpu.vector_load %arg9[%parallel_loop3A_822, %parallel_loop3A_823, %parallel_loop3A_824] {strides = array<i32>} : memref<2x64x128xf32, #tpu.memory_space<vmem>>, vector<1x1x16xf32>,
        %parallel_loop3A_826 = vector.shape_cast %parallel_loop3A_825 : vector<1x1x16xf32> to vector<16xf32>
        %parallel_loop3A_827 = vector.shape_cast %parallel_loop3A_820 : vector<16xf32> to vector<1x1x16xf32>
        tpu.vector_store %arg9[%parallel_loop3A_822, %parallel_loop3A_823, %parallel_loop3A_824], %parallel_loop3A_827 {strides = array<i32>} : memref<2x64x128xf32, #tpu.memory_space<vmem>>, vector<1x1x16xf32>,
        %parallel_loop3A_828 = arith.constant 4 : i32
        %parallel_loop3A_829 = arith.muli %parallel_loop3A_828, %parallel_loop3A_707 : i32
        %parallel_loop3A_830 = arith.constant 0 : i32
        %parallel_loop3A_831 = arith.addi %parallel_loop3A_829, %parallel_loop3A_830 : i32
        %parallel_loop3A_832 = arith.constant 1 : i32
        %parallel_loop3A_833 = arith.index_cast %parallel_loop3A_832 : i32 to index
        %parallel_loop3A_834 = arith.index_cast %parallel_loop3A_831 : i32 to index
        %parallel_loop3A_835 = arith.constant 32 : index
        %parallel_loop3A_836 = tpu.vector_load %arg8[%parallel_loop3A_833, %parallel_loop3A_834, %parallel_loop3A_835] {strides = array<i32>} : memref<2x256x128xf32, #tpu.memory_space<vmem>>, vector<1x1x16xf32>,
        %parallel_loop3A_837 = vector.shape_cast %parallel_loop3A_836 : vector<1x1x16xf32> to vector<16xf32>
        %parallel_loop3A_838 = arith.mulf %parallel_loop3A_710, %parallel_loop3A_837 : vector<16xf32>
        %parallel_loop3A_839 = arith.constant 4 : i32
        %parallel_loop3A_840 = arith.muli %parallel_loop3A_839, %parallel_loop3A_707 : i32
        %parallel_loop3A_841 = arith.constant 1 : i32
        %parallel_loop3A_842 = arith.addi %parallel_loop3A_840, %parallel_loop3A_841 : i32
        %parallel_loop3A_843 = arith.constant 1 : i32
        %parallel_loop3A_844 = arith.index_cast %parallel_loop3A_843 : i32 to index
        %parallel_loop3A_845 = arith.index_cast %parallel_loop3A_842 : i32 to index
        %parallel_loop3A_846 = arith.constant 32 : index
        %parallel_loop3A_847 = tpu.vector_load %arg8[%parallel_loop3A_844, %parallel_loop3A_845, %parallel_loop3A_846] {strides = array<i32>} : memref<2x256x128xf32, #tpu.memory_space<vmem>>, vector<1x1x16xf32>,
        %parallel_loop3A_848 = vector.shape_cast %parallel_loop3A_847 : vector<1x1x16xf32> to vector<16xf32>
        %parallel_loop3A_849 = arith.mulf %parallel_loop3A_713, %parallel_loop3A_848 : vector<16xf32>
        %parallel_loop3A_850 = arith.addf %parallel_loop3A_838, %parallel_loop3A_849 : vector<16xf32>
        %parallel_loop3A_851 = arith.constant 4 : i32
        %parallel_loop3A_852 = arith.muli %parallel_loop3A_851, %parallel_loop3A_707 : i32
        %parallel_loop3A_853 = arith.constant 2 : i32
        %parallel_loop3A_854 = arith.addi %parallel_loop3A_852, %parallel_loop3A_853 : i32
        %parallel_loop3A_855 = arith.constant 1 : i32
        %parallel_loop3A_856 = arith.index_cast %parallel_loop3A_855 : i32 to index
        %parallel_loop3A_857 = arith.index_cast %parallel_loop3A_854 : i32 to index
        %parallel_loop3A_858 = arith.constant 32 : index
        %parallel_loop3A_859 = tpu.vector_load %arg8[%parallel_loop3A_856, %parallel_loop3A_857, %parallel_loop3A_858] {strides = array<i32>} : memref<2x256x128xf32, #tpu.memory_space<vmem>>, vector<1x1x16xf32>,
        %parallel_loop3A_860 = vector.shape_cast %parallel_loop3A_859 : vector<1x1x16xf32> to vector<16xf32>
        %parallel_loop3A_861 = arith.mulf %parallel_loop3A_716, %parallel_loop3A_860 : vector<16xf32>
        %parallel_loop3A_862 = arith.constant 4 : i32
        %parallel_loop3A_863 = arith.muli %parallel_loop3A_862, %parallel_loop3A_707 : i32
        %parallel_loop3A_864 = arith.constant 3 : i32
        %parallel_loop3A_865 = arith.addi %parallel_loop3A_863, %parallel_loop3A_864 : i32
        %parallel_loop3A_866 = arith.constant 1 : i32
        %parallel_loop3A_867 = arith.index_cast %parallel_loop3A_866 : i32 to index
        %parallel_loop3A_868 = arith.index_cast %parallel_loop3A_865 : i32 to index
        %parallel_loop3A_869 = arith.constant 32 : index
        %parallel_loop3A_870 = tpu.vector_load %arg8[%parallel_loop3A_867, %parallel_loop3A_868, %parallel_loop3A_869] {strides = array<i32>} : memref<2x256x128xf32, #tpu.memory_space<vmem>>, vector<1x1x16xf32>,
        %parallel_loop3A_871 = vector.shape_cast %parallel_loop3A_870 : vector<1x1x16xf32> to vector<16xf32>
        %parallel_loop3A_872 = arith.mulf %parallel_loop3A_719, %parallel_loop3A_871 : vector<16xf32>
        %parallel_loop3A_873 = arith.addf %parallel_loop3A_861, %parallel_loop3A_872 : vector<16xf32>
        %parallel_loop3A_874 = arith.addf %parallel_loop3A_850, %parallel_loop3A_873 : vector<16xf32>
        %parallel_loop3A_875 = arith.constant 1 : i32
        %parallel_loop3A_876 = arith.index_cast %parallel_loop3A_875 : i32 to index
        %parallel_loop3A_877 = arith.index_cast %parallel_loop3A_707 : i32 to index
        %parallel_loop3A_878 = arith.constant 32 : index
        %parallel_loop3A_879 = tpu.vector_load %arg9[%parallel_loop3A_876, %parallel_loop3A_877, %parallel_loop3A_878] {strides = array<i32>} : memref<2x64x128xf32, #tpu.memory_space<vmem>>, vector<1x1x16xf32>,
        %parallel_loop3A_880 = vector.shape_cast %parallel_loop3A_879 : vector<1x1x16xf32> to vector<16xf32>
        %parallel_loop3A_881 = vector.shape_cast %parallel_loop3A_874 : vector<16xf32> to vector<1x1x16xf32>
        tpu.vector_store %arg9[%parallel_loop3A_876, %parallel_loop3A_877, %parallel_loop3A_878], %parallel_loop3A_881 {strides = array<i32>} : memref<2x64x128xf32, #tpu.memory_space<vmem>>, vector<1x1x16xf32>,
        %parallel_loop3A_882 = arith.constant 4 : i32
        %parallel_loop3A_883 = arith.muli %parallel_loop3A_882, %parallel_loop3A_707 : i32
        %parallel_loop3A_884 = arith.constant 0 : i32
        %parallel_loop3A_885 = arith.addi %parallel_loop3A_883, %parallel_loop3A_884 : i32
        %parallel_loop3A_886 = arith.constant 1 : i32
        %parallel_loop3A_887 = arith.index_cast %parallel_loop3A_886 : i32 to index
        %parallel_loop3A_888 = arith.index_cast %parallel_loop3A_885 : i32 to index
        %parallel_loop3A_889 = arith.constant 48 : index
        %parallel_loop3A_890 = tpu.vector_load %arg8[%parallel_loop3A_887, %parallel_loop3A_888, %parallel_loop3A_889] {strides = array<i32>} : memref<2x256x128xf32, #tpu.memory_space<vmem>>, vector<1x1x16xf32>,
        %parallel_loop3A_891 = vector.shape_cast %parallel_loop3A_890 : vector<1x1x16xf32> to vector<16xf32>
        %parallel_loop3A_892 = arith.mulf %parallel_loop3A_710, %parallel_loop3A_891 : vector<16xf32>
        %parallel_loop3A_893 = arith.constant 4 : i32
        %parallel_loop3A_894 = arith.muli %parallel_loop3A_893, %parallel_loop3A_707 : i32
        %parallel_loop3A_895 = arith.constant 1 : i32
        %parallel_loop3A_896 = arith.addi %parallel_loop3A_894, %parallel_loop3A_895 : i32
        %parallel_loop3A_897 = arith.constant 1 : i32
        %parallel_loop3A_898 = arith.index_cast %parallel_loop3A_897 : i32 to index
        %parallel_loop3A_899 = arith.index_cast %parallel_loop3A_896 : i32 to index
        %parallel_loop3A_900 = arith.constant 48 : index
        %parallel_loop3A_901 = tpu.vector_load %arg8[%parallel_loop3A_898, %parallel_loop3A_899, %parallel_loop3A_900] {strides = array<i32>} : memref<2x256x128xf32, #tpu.memory_space<vmem>>, vector<1x1x16xf32>,
        %parallel_loop3A_902 = vector.shape_cast %parallel_loop3A_901 : vector<1x1x16xf32> to vector<16xf32>
        %parallel_loop3A_903 = arith.mulf %parallel_loop3A_713, %parallel_loop3A_902 : vector<16xf32>
        %parallel_loop3A_904 = arith.addf %parallel_loop3A_892, %parallel_loop3A_903 : vector<16xf32>
        %parallel_loop3A_905 = arith.constant 4 : i32
        %parallel_loop3A_906 = arith.muli %parallel_loop3A_905, %parallel_loop3A_707 : i32
        %parallel_loop3A_907 = arith.constant 2 : i32
        %parallel_loop3A_908 = arith.addi %parallel_loop3A_906, %parallel_loop3A_907 : i32
        %parallel_loop3A_909 = arith.constant 1 : i32
        %parallel_loop3A_910 = arith.index_cast %parallel_loop3A_909 : i32 to index
        %parallel_loop3A_911 = arith.index_cast %parallel_loop3A_908 : i32 to index
        %parallel_loop3A_912 = arith.constant 48 : index
        %parallel_loop3A_913 = tpu.vector_load %arg8[%parallel_loop3A_910, %parallel_loop3A_911, %parallel_loop3A_912] {strides = array<i32>} : memref<2x256x128xf32, #tpu.memory_space<vmem>>, vector<1x1x16xf32>,
        %parallel_loop3A_914 = vector.shape_cast %parallel_loop3A_913 : vector<1x1x16xf32> to vector<16xf32>
        %parallel_loop3A_915 = arith.mulf %parallel_loop3A_716, %parallel_loop3A_914 : vector<16xf32>
        %parallel_loop3A_916 = arith.constant 4 : i32
        %parallel_loop3A_917 = arith.muli %parallel_loop3A_916, %parallel_loop3A_707 : i32
        %parallel_loop3A_918 = arith.constant 3 : i32
        %parallel_loop3A_919 = arith.addi %parallel_loop3A_917, %parallel_loop3A_918 : i32
        %parallel_loop3A_920 = arith.constant 1 : i32
        %parallel_loop3A_921 = arith.index_cast %parallel_loop3A_920 : i32 to index
        %parallel_loop3A_922 = arith.index_cast %parallel_loop3A_919 : i32 to index
        %parallel_loop3A_923 = arith.constant 48 : index
        %parallel_loop3A_924 = tpu.vector_load %arg8[%parallel_loop3A_921, %parallel_loop3A_922, %parallel_loop3A_923] {strides = array<i32>} : memref<2x256x128xf32, #tpu.memory_space<vmem>>, vector<1x1x16xf32>,
        %parallel_loop3A_925 = vector.shape_cast %parallel_loop3A_924 : vector<1x1x16xf32> to vector<16xf32>
        %parallel_loop3A_926 = arith.mulf %parallel_loop3A_719, %parallel_loop3A_925 : vector<16xf32>
        %parallel_loop3A_927 = arith.addf %parallel_loop3A_915, %parallel_loop3A_926 : vector<16xf32>
        %parallel_loop3A_928 = arith.addf %parallel_loop3A_904, %parallel_loop3A_927 : vector<16xf32>
        %parallel_loop3A_929 = arith.constant 1 : i32
        %parallel_loop3A_930 = arith.index_cast %parallel_loop3A_929 : i32 to index
        %parallel_loop3A_931 = arith.index_cast %parallel_loop3A_707 : i32 to index
        %parallel_loop3A_932 = arith.constant 48 : index
        %parallel_loop3A_933 = tpu.vector_load %arg9[%parallel_loop3A_930, %parallel_loop3A_931, %parallel_loop3A_932] {strides = array<i32>} : memref<2x64x128xf32, #tpu.memory_space<vmem>>, vector<1x1x16xf32>,
        %parallel_loop3A_934 = vector.shape_cast %parallel_loop3A_933 : vector<1x1x16xf32> to vector<16xf32>
        %parallel_loop3A_935 = vector.shape_cast %parallel_loop3A_928 : vector<16xf32> to vector<1x1x16xf32>
        tpu.vector_store %arg9[%parallel_loop3A_930, %parallel_loop3A_931, %parallel_loop3A_932], %parallel_loop3A_935 {strides = array<i32>} : memref<2x64x128xf32, #tpu.memory_space<vmem>>, vector<1x1x16xf32>,
        %parallel_loop3A_936 = arith.constant 4 : i32
        %parallel_loop3A_937 = arith.muli %parallel_loop3A_936, %parallel_loop3A_707 : i32
        %parallel_loop3A_938 = arith.constant 0 : i32
        %parallel_loop3A_939 = arith.addi %parallel_loop3A_937, %parallel_loop3A_938 : i32
        %parallel_loop3A_940 = arith.constant 1 : i32
        %parallel_loop3A_941 = arith.index_cast %parallel_loop3A_940 : i32 to index
        %parallel_loop3A_942 = arith.index_cast %parallel_loop3A_939 : i32 to index
        %parallel_loop3A_943 = arith.constant 64 : index
        %parallel_loop3A_944 = tpu.vector_load %arg8[%parallel_loop3A_941, %parallel_loop3A_942, %parallel_loop3A_943] {strides = array<i32>} : memref<2x256x128xf32, #tpu.memory_space<vmem>>, vector<1x1x16xf32>,
        %parallel_loop3A_945 = vector.shape_cast %parallel_loop3A_944 : vector<1x1x16xf32> to vector<16xf32>
        %parallel_loop3A_946 = arith.mulf %parallel_loop3A_710, %parallel_loop3A_945 : vector<16xf32>
        %parallel_loop3A_947 = arith.constant 4 : i32
        %parallel_loop3A_948 = arith.muli %parallel_loop3A_947, %parallel_loop3A_707 : i32
        %parallel_loop3A_949 = arith.constant 1 : i32
        %parallel_loop3A_950 = arith.addi %parallel_loop3A_948, %parallel_loop3A_949 : i32
        %parallel_loop3A_951 = arith.constant 1 : i32
        %parallel_loop3A_952 = arith.index_cast %parallel_loop3A_951 : i32 to index
        %parallel_loop3A_953 = arith.index_cast %parallel_loop3A_950 : i32 to index
        %parallel_loop3A_954 = arith.constant 64 : index
        %parallel_loop3A_955 = tpu.vector_load %arg8[%parallel_loop3A_952, %parallel_loop3A_953, %parallel_loop3A_954] {strides = array<i32>} : memref<2x256x128xf32, #tpu.memory_space<vmem>>, vector<1x1x16xf32>,
        %parallel_loop3A_956 = vector.shape_cast %parallel_loop3A_955 : vector<1x1x16xf32> to vector<16xf32>
        %parallel_loop3A_957 = arith.mulf %parallel_loop3A_713, %parallel_loop3A_956 : vector<16xf32>
        %parallel_loop3A_958 = arith.addf %parallel_loop3A_946, %parallel_loop3A_957 : vector<16xf32>
        %parallel_loop3A_959 = arith.constant 4 : i32
        %parallel_loop3A_960 = arith.muli %parallel_loop3A_959, %parallel_loop3A_707 : i32
        %parallel_loop3A_961 = arith.constant 2 : i32
        %parallel_loop3A_962 = arith.addi %parallel_loop3A_960, %parallel_loop3A_961 : i32
        %parallel_loop3A_963 = arith.constant 1 : i32
        %parallel_loop3A_964 = arith.index_cast %parallel_loop3A_963 : i32 to index
        %parallel_loop3A_965 = arith.index_cast %parallel_loop3A_962 : i32 to index
        %parallel_loop3A_966 = arith.constant 64 : index
        %parallel_loop3A_967 = tpu.vector_load %arg8[%parallel_loop3A_964, %parallel_loop3A_965, %parallel_loop3A_966] {strides = array<i32>} : memref<2x256x128xf32, #tpu.memory_space<vmem>>, vector<1x1x16xf32>,
        %parallel_loop3A_968 = vector.shape_cast %parallel_loop3A_967 : vector<1x1x16xf32> to vector<16xf32>
        %parallel_loop3A_969 = arith.mulf %parallel_loop3A_716, %parallel_loop3A_968 : vector<16xf32>
        %parallel_loop3A_970 = arith.constant 4 : i32
        %parallel_loop3A_971 = arith.muli %parallel_loop3A_970, %parallel_loop3A_707 : i32
        %parallel_loop3A_972 = arith.constant 3 : i32
        %parallel_loop3A_973 = arith.addi %parallel_loop3A_971, %parallel_loop3A_972 : i32
        %parallel_loop3A_974 = arith.constant 1 : i32
        %parallel_loop3A_975 = arith.index_cast %parallel_loop3A_974 : i32 to index
        %parallel_loop3A_976 = arith.index_cast %parallel_loop3A_973 : i32 to index
        %parallel_loop3A_977 = arith.constant 64 : index
        %parallel_loop3A_978 = tpu.vector_load %arg8[%parallel_loop3A_975, %parallel_loop3A_976, %parallel_loop3A_977] {strides = array<i32>} : memref<2x256x128xf32, #tpu.memory_space<vmem>>, vector<1x1x16xf32>,
        %parallel_loop3A_979 = vector.shape_cast %parallel_loop3A_978 : vector<1x1x16xf32> to vector<16xf32>
        %parallel_loop3A_980 = arith.mulf %parallel_loop3A_719, %parallel_loop3A_979 : vector<16xf32>
        %parallel_loop3A_981 = arith.addf %parallel_loop3A_969, %parallel_loop3A_980 : vector<16xf32>
        %parallel_loop3A_982 = arith.addf %parallel_loop3A_958, %parallel_loop3A_981 : vector<16xf32>
        %parallel_loop3A_983 = arith.constant 1 : i32
        %parallel_loop3A_984 = arith.index_cast %parallel_loop3A_983 : i32 to index
        %parallel_loop3A_985 = arith.index_cast %parallel_loop3A_707 : i32 to index
        %parallel_loop3A_986 = arith.constant 64 : index
        %parallel_loop3A_987 = tpu.vector_load %arg9[%parallel_loop3A_984, %parallel_loop3A_985, %parallel_loop3A_986] {strides = array<i32>} : memref<2x64x128xf32, #tpu.memory_space<vmem>>, vector<1x1x16xf32>,
        %parallel_loop3A_988 = vector.shape_cast %parallel_loop3A_987 : vector<1x1x16xf32> to vector<16xf32>
        %parallel_loop3A_989 = vector.shape_cast %parallel_loop3A_982 : vector<16xf32> to vector<1x1x16xf32>
        tpu.vector_store %arg9[%parallel_loop3A_984, %parallel_loop3A_985, %parallel_loop3A_986], %parallel_loop3A_989 {strides = array<i32>} : memref<2x64x128xf32, #tpu.memory_space<vmem>>, vector<1x1x16xf32>,
        %parallel_loop3A_990 = arith.constant 4 : i32
        %parallel_loop3A_991 = arith.muli %parallel_loop3A_990, %parallel_loop3A_707 : i32
        %parallel_loop3A_992 = arith.constant 0 : i32
        %parallel_loop3A_993 = arith.addi %parallel_loop3A_991, %parallel_loop3A_992 : i32
        %parallel_loop3A_994 = arith.constant 1 : i32
        %parallel_loop3A_995 = arith.index_cast %parallel_loop3A_994 : i32 to index
        %parallel_loop3A_996 = arith.index_cast %parallel_loop3A_993 : i32 to index
        %parallel_loop3A_997 = arith.constant 80 : index
        %parallel_loop3A_998 = tpu.vector_load %arg8[%parallel_loop3A_995, %parallel_loop3A_996, %parallel_loop3A_997] {strides = array<i32>} : memref<2x256x128xf32, #tpu.memory_space<vmem>>, vector<1x1x16xf32>,
        %parallel_loop3A_999 = vector.shape_cast %parallel_loop3A_998 : vector<1x1x16xf32> to vector<16xf32>
        %parallel_loop3A_1000 = arith.mulf %parallel_loop3A_710, %parallel_loop3A_999 : vector<16xf32>
        %parallel_loop3A_1001 = arith.constant 4 : i32
        %parallel_loop3A_1002 = arith.muli %parallel_loop3A_1001, %parallel_loop3A_707 : i32
        %parallel_loop3A_1003 = arith.constant 1 : i32
        %parallel_loop3A_1004 = arith.addi %parallel_loop3A_1002, %parallel_loop3A_1003 : i32
        %parallel_loop3A_1005 = arith.constant 1 : i32
        %parallel_loop3A_1006 = arith.index_cast %parallel_loop3A_1005 : i32 to index
        %parallel_loop3A_1007 = arith.index_cast %parallel_loop3A_1004 : i32 to index
        %parallel_loop3A_1008 = arith.constant 80 : index
        %parallel_loop3A_1009 = tpu.vector_load %arg8[%parallel_loop3A_1006, %parallel_loop3A_1007, %parallel_loop3A_1008] {strides = array<i32>} : memref<2x256x128xf32, #tpu.memory_space<vmem>>, vector<1x1x16xf32>,
        %parallel_loop3A_1010 = vector.shape_cast %parallel_loop3A_1009 : vector<1x1x16xf32> to vector<16xf32>
        %parallel_loop3A_1011 = arith.mulf %parallel_loop3A_713, %parallel_loop3A_1010 : vector<16xf32>
        %parallel_loop3A_1012 = arith.addf %parallel_loop3A_1000, %parallel_loop3A_1011 : vector<16xf32>
        %parallel_loop3A_1013 = arith.constant 4 : i32
        %parallel_loop3A_1014 = arith.muli %parallel_loop3A_1013, %parallel_loop3A_707 : i32
        %parallel_loop3A_1015 = arith.constant 2 : i32
        %parallel_loop3A_1016 = arith.addi %parallel_loop3A_1014, %parallel_loop3A_1015 : i32
        %parallel_loop3A_1017 = arith.constant 1 : i32
        %parallel_loop3A_1018 = arith.index_cast %parallel_loop3A_1017 : i32 to index
        %parallel_loop3A_1019 = arith.index_cast %parallel_loop3A_1016 : i32 to index
        %parallel_loop3A_1020 = arith.constant 80 : index
        %parallel_loop3A_1021 = tpu.vector_load %arg8[%parallel_loop3A_1018, %parallel_loop3A_1019, %parallel_loop3A_1020] {strides = array<i32>} : memref<2x256x128xf32, #tpu.memory_space<vmem>>, vector<1x1x16xf32>,
        %parallel_loop3A_1022 = vector.shape_cast %parallel_loop3A_1021 : vector<1x1x16xf32> to vector<16xf32>
        %parallel_loop3A_1023 = arith.mulf %parallel_loop3A_716, %parallel_loop3A_1022 : vector<16xf32>
        %parallel_loop3A_1024 = arith.constant 4 : i32
        %parallel_loop3A_1025 = arith.muli %parallel_loop3A_1024, %parallel_loop3A_707 : i32
        %parallel_loop3A_1026 = arith.constant 3 : i32
        %parallel_loop3A_1027 = arith.addi %parallel_loop3A_1025, %parallel_loop3A_1026 : i32
        %parallel_loop3A_1028 = arith.constant 1 : i32
        %parallel_loop3A_1029 = arith.index_cast %parallel_loop3A_1028 : i32 to index
        %parallel_loop3A_1030 = arith.index_cast %parallel_loop3A_1027 : i32 to index
        %parallel_loop3A_1031 = arith.constant 80 : index
        %parallel_loop3A_1032 = tpu.vector_load %arg8[%parallel_loop3A_1029, %parallel_loop3A_1030, %parallel_loop3A_1031] {strides = array<i32>} : memref<2x256x128xf32, #tpu.memory_space<vmem>>, vector<1x1x16xf32>,
        %parallel_loop3A_1033 = vector.shape_cast %parallel_loop3A_1032 : vector<1x1x16xf32> to vector<16xf32>
        %parallel_loop3A_1034 = arith.mulf %parallel_loop3A_719, %parallel_loop3A_1033 : vector<16xf32>
        %parallel_loop3A_1035 = arith.addf %parallel_loop3A_1023, %parallel_loop3A_1034 : vector<16xf32>
        %parallel_loop3A_1036 = arith.addf %parallel_loop3A_1012, %parallel_loop3A_1035 : vector<16xf32>
        %parallel_loop3A_1037 = arith.constant 1 : i32
        %parallel_loop3A_1038 = arith.index_cast %parallel_loop3A_1037 : i32 to index
        %parallel_loop3A_1039 = arith.index_cast %parallel_loop3A_707 : i32 to index
        %parallel_loop3A_1040 = arith.constant 80 : index
        %parallel_loop3A_1041 = tpu.vector_load %arg9[%parallel_loop3A_1038, %parallel_loop3A_1039, %parallel_loop3A_1040] {strides = array<i32>} : memref<2x64x128xf32, #tpu.memory_space<vmem>>, vector<1x1x16xf32>,
        %parallel_loop3A_1042 = vector.shape_cast %parallel_loop3A_1041 : vector<1x1x16xf32> to vector<16xf32>
        %parallel_loop3A_1043 = vector.shape_cast %parallel_loop3A_1036 : vector<16xf32> to vector<1x1x16xf32>
        tpu.vector_store %arg9[%parallel_loop3A_1038, %parallel_loop3A_1039, %parallel_loop3A_1040], %parallel_loop3A_1043 {strides = array<i32>} : memref<2x64x128xf32, #tpu.memory_space<vmem>>, vector<1x1x16xf32>,
        %parallel_loop3A_1044 = arith.constant 4 : i32
        %parallel_loop3A_1045 = arith.muli %parallel_loop3A_1044, %parallel_loop3A_707 : i32
        %parallel_loop3A_1046 = arith.constant 0 : i32
        %parallel_loop3A_1047 = arith.addi %parallel_loop3A_1045, %parallel_loop3A_1046 : i32
        %parallel_loop3A_1048 = arith.constant 1 : i32
        %parallel_loop3A_1049 = arith.index_cast %parallel_loop3A_1048 : i32 to index
        %parallel_loop3A_1050 = arith.index_cast %parallel_loop3A_1047 : i32 to index
        %parallel_loop3A_1051 = arith.constant 96 : index
        %parallel_loop3A_1052 = tpu.vector_load %arg8[%parallel_loop3A_1049, %parallel_loop3A_1050, %parallel_loop3A_1051] {strides = array<i32>} : memref<2x256x128xf32, #tpu.memory_space<vmem>>, vector<1x1x16xf32>,
        %parallel_loop3A_1053 = vector.shape_cast %parallel_loop3A_1052 : vector<1x1x16xf32> to vector<16xf32>
        %parallel_loop3A_1054 = arith.mulf %parallel_loop3A_710, %parallel_loop3A_1053 : vector<16xf32>
        %parallel_loop3A_1055 = arith.constant 4 : i32
        %parallel_loop3A_1056 = arith.muli %parallel_loop3A_1055, %parallel_loop3A_707 : i32
        %parallel_loop3A_1057 = arith.constant 1 : i32
        %parallel_loop3A_1058 = arith.addi %parallel_loop3A_1056, %parallel_loop3A_1057 : i32
        %parallel_loop3A_1059 = arith.constant 1 : i32
        %parallel_loop3A_1060 = arith.index_cast %parallel_loop3A_1059 : i32 to index
        %parallel_loop3A_1061 = arith.index_cast %parallel_loop3A_1058 : i32 to index
        %parallel_loop3A_1062 = arith.constant 96 : index
        %parallel_loop3A_1063 = tpu.vector_load %arg8[%parallel_loop3A_1060, %parallel_loop3A_1061, %parallel_loop3A_1062] {strides = array<i32>} : memref<2x256x128xf32, #tpu.memory_space<vmem>>, vector<1x1x16xf32>,
        %parallel_loop3A_1064 = vector.shape_cast %parallel_loop3A_1063 : vector<1x1x16xf32> to vector<16xf32>
        %parallel_loop3A_1065 = arith.mulf %parallel_loop3A_713, %parallel_loop3A_1064 : vector<16xf32>
        %parallel_loop3A_1066 = arith.addf %parallel_loop3A_1054, %parallel_loop3A_1065 : vector<16xf32>
        %parallel_loop3A_1067 = arith.constant 4 : i32
        %parallel_loop3A_1068 = arith.muli %parallel_loop3A_1067, %parallel_loop3A_707 : i32
        %parallel_loop3A_1069 = arith.constant 2 : i32
        %parallel_loop3A_1070 = arith.addi %parallel_loop3A_1068, %parallel_loop3A_1069 : i32
        %parallel_loop3A_1071 = arith.constant 1 : i32
        %parallel_loop3A_1072 = arith.index_cast %parallel_loop3A_1071 : i32 to index
        %parallel_loop3A_1073 = arith.index_cast %parallel_loop3A_1070 : i32 to index
        %parallel_loop3A_1074 = arith.constant 96 : index
        %parallel_loop3A_1075 = tpu.vector_load %arg8[%parallel_loop3A_1072, %parallel_loop3A_1073, %parallel_loop3A_1074] {strides = array<i32>} : memref<2x256x128xf32, #tpu.memory_space<vmem>>, vector<1x1x16xf32>,
        %parallel_loop3A_1076 = vector.shape_cast %parallel_loop3A_1075 : vector<1x1x16xf32> to vector<16xf32>
        %parallel_loop3A_1077 = arith.mulf %parallel_loop3A_716, %parallel_loop3A_1076 : vector<16xf32>
        %parallel_loop3A_1078 = arith.constant 4 : i32
        %parallel_loop3A_1079 = arith.muli %parallel_loop3A_1078, %parallel_loop3A_707 : i32
        %parallel_loop3A_1080 = arith.constant 3 : i32
        %parallel_loop3A_1081 = arith.addi %parallel_loop3A_1079, %parallel_loop3A_1080 : i32
        %parallel_loop3A_1082 = arith.constant 1 : i32
        %parallel_loop3A_1083 = arith.index_cast %parallel_loop3A_1082 : i32 to index
        %parallel_loop3A_1084 = arith.index_cast %parallel_loop3A_1081 : i32 to index
        %parallel_loop3A_1085 = arith.constant 96 : index
        %parallel_loop3A_1086 = tpu.vector_load %arg8[%parallel_loop3A_1083, %parallel_loop3A_1084, %parallel_loop3A_1085] {strides = array<i32>} : memref<2x256x128xf32, #tpu.memory_space<vmem>>, vector<1x1x16xf32>,
        %parallel_loop3A_1087 = vector.shape_cast %parallel_loop3A_1086 : vector<1x1x16xf32> to vector<16xf32>
        %parallel_loop3A_1088 = arith.mulf %parallel_loop3A_719, %parallel_loop3A_1087 : vector<16xf32>
        %parallel_loop3A_1089 = arith.addf %parallel_loop3A_1077, %parallel_loop3A_1088 : vector<16xf32>
        %parallel_loop3A_1090 = arith.addf %parallel_loop3A_1066, %parallel_loop3A_1089 : vector<16xf32>
        %parallel_loop3A_1091 = arith.constant 1 : i32
        %parallel_loop3A_1092 = arith.index_cast %parallel_loop3A_1091 : i32 to index
        %parallel_loop3A_1093 = arith.index_cast %parallel_loop3A_707 : i32 to index
        %parallel_loop3A_1094 = arith.constant 96 : index
        %parallel_loop3A_1095 = tpu.vector_load %arg9[%parallel_loop3A_1092, %parallel_loop3A_1093, %parallel_loop3A_1094] {strides = array<i32>} : memref<2x64x128xf32, #tpu.memory_space<vmem>>, vector<1x1x16xf32>,
        %parallel_loop3A_1096 = vector.shape_cast %parallel_loop3A_1095 : vector<1x1x16xf32> to vector<16xf32>
        %parallel_loop3A_1097 = vector.shape_cast %parallel_loop3A_1090 : vector<16xf32> to vector<1x1x16xf32>
        tpu.vector_store %arg9[%parallel_loop3A_1092, %parallel_loop3A_1093, %parallel_loop3A_1094], %parallel_loop3A_1097 {strides = array<i32>} : memref<2x64x128xf32, #tpu.memory_space<vmem>>, vector<1x1x16xf32>,
        %parallel_loop3A_1098 = arith.constant 4 : i32
        %parallel_loop3A_1099 = arith.muli %parallel_loop3A_1098, %parallel_loop3A_707 : i32
        %parallel_loop3A_1100 = arith.constant 0 : i32
        %parallel_loop3A_1101 = arith.addi %parallel_loop3A_1099, %parallel_loop3A_1100 : i32
        %parallel_loop3A_1102 = arith.constant 1 : i32
        %parallel_loop3A_1103 = arith.index_cast %parallel_loop3A_1102 : i32 to index
        %parallel_loop3A_1104 = arith.index_cast %parallel_loop3A_1101 : i32 to index
        %parallel_loop3A_1105 = arith.constant 112 : index
        %parallel_loop3A_1106 = tpu.vector_load %arg8[%parallel_loop3A_1103, %parallel_loop3A_1104, %parallel_loop3A_1105] {strides = array<i32>} : memref<2x256x128xf32, #tpu.memory_space<vmem>>, vector<1x1x16xf32>,
        %parallel_loop3A_1107 = vector.shape_cast %parallel_loop3A_1106 : vector<1x1x16xf32> to vector<16xf32>
        %parallel_loop3A_1108 = arith.mulf %parallel_loop3A_710, %parallel_loop3A_1107 : vector<16xf32>
        %parallel_loop3A_1109 = arith.constant 4 : i32
        %parallel_loop3A_1110 = arith.muli %parallel_loop3A_1109, %parallel_loop3A_707 : i32
        %parallel_loop3A_1111 = arith.constant 1 : i32
        %parallel_loop3A_1112 = arith.addi %parallel_loop3A_1110, %parallel_loop3A_1111 : i32
        %parallel_loop3A_1113 = arith.constant 1 : i32
        %parallel_loop3A_1114 = arith.index_cast %parallel_loop3A_1113 : i32 to index
        %parallel_loop3A_1115 = arith.index_cast %parallel_loop3A_1112 : i32 to index
        %parallel_loop3A_1116 = arith.constant 112 : index
        %parallel_loop3A_1117 = tpu.vector_load %arg8[%parallel_loop3A_1114, %parallel_loop3A_1115, %parallel_loop3A_1116] {strides = array<i32>} : memref<2x256x128xf32, #tpu.memory_space<vmem>>, vector<1x1x16xf32>,
        %parallel_loop3A_1118 = vector.shape_cast %parallel_loop3A_1117 : vector<1x1x16xf32> to vector<16xf32>
        %parallel_loop3A_1119 = arith.mulf %parallel_loop3A_713, %parallel_loop3A_1118 : vector<16xf32>
        %parallel_loop3A_1120 = arith.addf %parallel_loop3A_1108, %parallel_loop3A_1119 : vector<16xf32>
        %parallel_loop3A_1121 = arith.constant 4 : i32
        %parallel_loop3A_1122 = arith.muli %parallel_loop3A_1121, %parallel_loop3A_707 : i32
        %parallel_loop3A_1123 = arith.constant 2 : i32
        %parallel_loop3A_1124 = arith.addi %parallel_loop3A_1122, %parallel_loop3A_1123 : i32
        %parallel_loop3A_1125 = arith.constant 1 : i32
        %parallel_loop3A_1126 = arith.index_cast %parallel_loop3A_1125 : i32 to index
        %parallel_loop3A_1127 = arith.index_cast %parallel_loop3A_1124 : i32 to index
        %parallel_loop3A_1128 = arith.constant 112 : index
        %parallel_loop3A_1129 = tpu.vector_load %arg8[%parallel_loop3A_1126, %parallel_loop3A_1127, %parallel_loop3A_1128] {strides = array<i32>} : memref<2x256x128xf32, #tpu.memory_space<vmem>>, vector<1x1x16xf32>,
        %parallel_loop3A_1130 = vector.shape_cast %parallel_loop3A_1129 : vector<1x1x16xf32> to vector<16xf32>
        %parallel_loop3A_1131 = arith.mulf %parallel_loop3A_716, %parallel_loop3A_1130 : vector<16xf32>
        %parallel_loop3A_1132 = arith.constant 4 : i32
        %parallel_loop3A_1133 = arith.muli %parallel_loop3A_1132, %parallel_loop3A_707 : i32
        %parallel_loop3A_1134 = arith.constant 3 : i32
        %parallel_loop3A_1135 = arith.addi %parallel_loop3A_1133, %parallel_loop3A_1134 : i32
        %parallel_loop3A_1136 = arith.constant 1 : i32
        %parallel_loop3A_1137 = arith.index_cast %parallel_loop3A_1136 : i32 to index
        %parallel_loop3A_1138 = arith.index_cast %parallel_loop3A_1135 : i32 to index
        %parallel_loop3A_1139 = arith.constant 112 : index
        %parallel_loop3A_1140 = tpu.vector_load %arg8[%parallel_loop3A_1137, %parallel_loop3A_1138, %parallel_loop3A_1139] {strides = array<i32>} : memref<2x256x128xf32, #tpu.memory_space<vmem>>, vector<1x1x16xf32>,
        %parallel_loop3A_1141 = vector.shape_cast %parallel_loop3A_1140 : vector<1x1x16xf32> to vector<16xf32>
        %parallel_loop3A_1142 = arith.mulf %parallel_loop3A_719, %parallel_loop3A_1141 : vector<16xf32>
        %parallel_loop3A_1143 = arith.addf %parallel_loop3A_1131, %parallel_loop3A_1142 : vector<16xf32>
        %parallel_loop3A_1144 = arith.addf %parallel_loop3A_1120, %parallel_loop3A_1143 : vector<16xf32>
        %parallel_loop3A_1145 = arith.constant 1 : i32
        %parallel_loop3A_1146 = arith.index_cast %parallel_loop3A_1145 : i32 to index
        %parallel_loop3A_1147 = arith.index_cast %parallel_loop3A_707 : i32 to index
        %parallel_loop3A_1148 = arith.constant 112 : index
        %parallel_loop3A_1149 = tpu.vector_load %arg9[%parallel_loop3A_1146, %parallel_loop3A_1147, %parallel_loop3A_1148] {strides = array<i32>} : memref<2x64x128xf32, #tpu.memory_space<vmem>>, vector<1x1x16xf32>,
        %parallel_loop3A_1150 = vector.shape_cast %parallel_loop3A_1149 : vector<1x1x16xf32> to vector<16xf32>
        %parallel_loop3A_1151 = vector.shape_cast %parallel_loop3A_1144 : vector<16xf32> to vector<1x1x16xf32>
        tpu.vector_store %arg9[%parallel_loop3A_1146, %parallel_loop3A_1147, %parallel_loop3A_1148], %parallel_loop3A_1151 {strides = array<i32>} : memref<2x64x128xf32, #tpu.memory_space<vmem>>, vector<1x1x16xf32>,
        %parallel_loop3A_1152 = arith.constant 4 : i32
        %parallel_loop3A_1153 = arith.muli %parallel_loop3A_204, %parallel_loop3A_1152 : i32
        %parallel_loop3A_1154 = arith.constant 2 : i32
        %parallel_loop3A_1155 = arith.addi %parallel_loop3A_1153, %parallel_loop3A_1154 : i32
        %parallel_loop3A_1156 = vector.extract_strided_slice %parallel_loop3A_255 {offsets = [8], sizes = [1], strides = [1]} : vector<16xf32> to vector<1xf32>
        %parallel_loop3A_1157 = vector.extract %parallel_loop3A_1156[0] : f32 from vector<1xf32>
        %parallel_loop3A_1158 = vector.broadcast %parallel_loop3A_1157 : f32 to vector<16xf32>
        %parallel_loop3A_1159 = vector.extract_strided_slice %parallel_loop3A_255 {offsets = [9], sizes = [1], strides = [1]} : vector<16xf32> to vector<1xf32>
        %parallel_loop3A_1160 = vector.extract %parallel_loop3A_1159[0] : f32 from vector<1xf32>
        %parallel_loop3A_1161 = vector.broadcast %parallel_loop3A_1160 : f32 to vector<16xf32>
        %parallel_loop3A_1162 = vector.extract_strided_slice %parallel_loop3A_255 {offsets = [10], sizes = [1], strides = [1]} : vector<16xf32> to vector<1xf32>
        %parallel_loop3A_1163 = vector.extract %parallel_loop3A_1162[0] : f32 from vector<1xf32>
        %parallel_loop3A_1164 = vector.broadcast %parallel_loop3A_1163 : f32 to vector<16xf32>
        %parallel_loop3A_1165 = vector.extract_strided_slice %parallel_loop3A_255 {offsets = [11], sizes = [1], strides = [1]} : vector<16xf32> to vector<1xf32>
        %parallel_loop3A_1166 = vector.extract %parallel_loop3A_1165[0] : f32 from vector<1xf32>
        %parallel_loop3A_1167 = vector.broadcast %parallel_loop3A_1166 : f32 to vector<16xf32>
        %parallel_loop3A_1168 = arith.constant 4 : i32
        %parallel_loop3A_1169 = arith.muli %parallel_loop3A_1168, %parallel_loop3A_1155 : i32
        %parallel_loop3A_1170 = arith.constant 0 : i32
        %parallel_loop3A_1171 = arith.addi %parallel_loop3A_1169, %parallel_loop3A_1170 : i32
        %parallel_loop3A_1172 = arith.constant 1 : i32
        %parallel_loop3A_1173 = arith.index_cast %parallel_loop3A_1172 : i32 to index
        %parallel_loop3A_1174 = arith.index_cast %parallel_loop3A_1171 : i32 to index
        %parallel_loop3A_1175 = arith.constant 0 : index
        %parallel_loop3A_1176 = tpu.vector_load %arg8[%parallel_loop3A_1173, %parallel_loop3A_1174, %parallel_loop3A_1175] {strides = array<i32>} : memref<2x256x128xf32, #tpu.memory_space<vmem>>, vector<1x1x16xf32>,
        %parallel_loop3A_1177 = vector.shape_cast %parallel_loop3A_1176 : vector<1x1x16xf32> to vector<16xf32>
        %parallel_loop3A_1178 = arith.mulf %parallel_loop3A_1158, %parallel_loop3A_1177 : vector<16xf32>
        %parallel_loop3A_1179 = arith.constant 4 : i32
        %parallel_loop3A_1180 = arith.muli %parallel_loop3A_1179, %parallel_loop3A_1155 : i32
        %parallel_loop3A_1181 = arith.constant 1 : i32
        %parallel_loop3A_1182 = arith.addi %parallel_loop3A_1180, %parallel_loop3A_1181 : i32
        %parallel_loop3A_1183 = arith.constant 1 : i32
        %parallel_loop3A_1184 = arith.index_cast %parallel_loop3A_1183 : i32 to index
        %parallel_loop3A_1185 = arith.index_cast %parallel_loop3A_1182 : i32 to index
        %parallel_loop3A_1186 = arith.constant 0 : index
        %parallel_loop3A_1187 = tpu.vector_load %arg8[%parallel_loop3A_1184, %parallel_loop3A_1185, %parallel_loop3A_1186] {strides = array<i32>} : memref<2x256x128xf32, #tpu.memory_space<vmem>>, vector<1x1x16xf32>,
        %parallel_loop3A_1188 = vector.shape_cast %parallel_loop3A_1187 : vector<1x1x16xf32> to vector<16xf32>
        %parallel_loop3A_1189 = arith.mulf %parallel_loop3A_1161, %parallel_loop3A_1188 : vector<16xf32>
        %parallel_loop3A_1190 = arith.addf %parallel_loop3A_1178, %parallel_loop3A_1189 : vector<16xf32>
        %parallel_loop3A_1191 = arith.constant 4 : i32
        %parallel_loop3A_1192 = arith.muli %parallel_loop3A_1191, %parallel_loop3A_1155 : i32
        %parallel_loop3A_1193 = arith.constant 2 : i32
        %parallel_loop3A_1194 = arith.addi %parallel_loop3A_1192, %parallel_loop3A_1193 : i32
        %parallel_loop3A_1195 = arith.constant 1 : i32
        %parallel_loop3A_1196 = arith.index_cast %parallel_loop3A_1195 : i32 to index
        %parallel_loop3A_1197 = arith.index_cast %parallel_loop3A_1194 : i32 to index
        %parallel_loop3A_1198 = arith.constant 0 : index
        %parallel_loop3A_1199 = tpu.vector_load %arg8[%parallel_loop3A_1196, %parallel_loop3A_1197, %parallel_loop3A_1198] {strides = array<i32>} : memref<2x256x128xf32, #tpu.memory_space<vmem>>, vector<1x1x16xf32>,
        %parallel_loop3A_1200 = vector.shape_cast %parallel_loop3A_1199 : vector<1x1x16xf32> to vector<16xf32>
        %parallel_loop3A_1201 = arith.mulf %parallel_loop3A_1164, %parallel_loop3A_1200 : vector<16xf32>
        %parallel_loop3A_1202 = arith.constant 4 : i32
        %parallel_loop3A_1203 = arith.muli %parallel_loop3A_1202, %parallel_loop3A_1155 : i32
        %parallel_loop3A_1204 = arith.constant 3 : i32
        %parallel_loop3A_1205 = arith.addi %parallel_loop3A_1203, %parallel_loop3A_1204 : i32
        %parallel_loop3A_1206 = arith.constant 1 : i32
        %parallel_loop3A_1207 = arith.index_cast %parallel_loop3A_1206 : i32 to index
        %parallel_loop3A_1208 = arith.index_cast %parallel_loop3A_1205 : i32 to index
        %parallel_loop3A_1209 = arith.constant 0 : index
        %parallel_loop3A_1210 = tpu.vector_load %arg8[%parallel_loop3A_1207, %parallel_loop3A_1208, %parallel_loop3A_1209] {strides = array<i32>} : memref<2x256x128xf32, #tpu.memory_space<vmem>>, vector<1x1x16xf32>,
        %parallel_loop3A_1211 = vector.shape_cast %parallel_loop3A_1210 : vector<1x1x16xf32> to vector<16xf32>
        %parallel_loop3A_1212 = arith.mulf %parallel_loop3A_1167, %parallel_loop3A_1211 : vector<16xf32>
        %parallel_loop3A_1213 = arith.addf %parallel_loop3A_1201, %parallel_loop3A_1212 : vector<16xf32>
        %parallel_loop3A_1214 = arith.addf %parallel_loop3A_1190, %parallel_loop3A_1213 : vector<16xf32>
        %parallel_loop3A_1215 = arith.constant 1 : i32
        %parallel_loop3A_1216 = arith.index_cast %parallel_loop3A_1215 : i32 to index
        %parallel_loop3A_1217 = arith.index_cast %parallel_loop3A_1155 : i32 to index
        %parallel_loop3A_1218 = arith.constant 0 : index
        %parallel_loop3A_1219 = tpu.vector_load %arg9[%parallel_loop3A_1216, %parallel_loop3A_1217, %parallel_loop3A_1218] {strides = array<i32>} : memref<2x64x128xf32, #tpu.memory_space<vmem>>, vector<1x1x16xf32>,
        %parallel_loop3A_1220 = vector.shape_cast %parallel_loop3A_1219 : vector<1x1x16xf32> to vector<16xf32>
        %parallel_loop3A_1221 = vector.shape_cast %parallel_loop3A_1214 : vector<16xf32> to vector<1x1x16xf32>
        tpu.vector_store %arg9[%parallel_loop3A_1216, %parallel_loop3A_1217, %parallel_loop3A_1218], %parallel_loop3A_1221 {strides = array<i32>} : memref<2x64x128xf32, #tpu.memory_space<vmem>>, vector<1x1x16xf32>,
        %parallel_loop3A_1222 = arith.constant 4 : i32
        %parallel_loop3A_1223 = arith.muli %parallel_loop3A_1222, %parallel_loop3A_1155 : i32
        %parallel_loop3A_1224 = arith.constant 0 : i32
        %parallel_loop3A_1225 = arith.addi %parallel_loop3A_1223, %parallel_loop3A_1224 : i32
        %parallel_loop3A_1226 = arith.constant 1 : i32
        %parallel_loop3A_1227 = arith.index_cast %parallel_loop3A_1226 : i32 to index
        %parallel_loop3A_1228 = arith.index_cast %parallel_loop3A_1225 : i32 to index
        %parallel_loop3A_1229 = arith.constant 16 : index
        %parallel_loop3A_1230 = tpu.vector_load %arg8[%parallel_loop3A_1227, %parallel_loop3A_1228, %parallel_loop3A_1229] {strides = array<i32>} : memref<2x256x128xf32, #tpu.memory_space<vmem>>, vector<1x1x16xf32>,
        %parallel_loop3A_1231 = vector.shape_cast %parallel_loop3A_1230 : vector<1x1x16xf32> to vector<16xf32>
        %parallel_loop3A_1232 = arith.mulf %parallel_loop3A_1158, %parallel_loop3A_1231 : vector<16xf32>
        %parallel_loop3A_1233 = arith.constant 4 : i32
        %parallel_loop3A_1234 = arith.muli %parallel_loop3A_1233, %parallel_loop3A_1155 : i32
        %parallel_loop3A_1235 = arith.constant 1 : i32
        %parallel_loop3A_1236 = arith.addi %parallel_loop3A_1234, %parallel_loop3A_1235 : i32
        %parallel_loop3A_1237 = arith.constant 1 : i32
        %parallel_loop3A_1238 = arith.index_cast %parallel_loop3A_1237 : i32 to index
        %parallel_loop3A_1239 = arith.index_cast %parallel_loop3A_1236 : i32 to index
        %parallel_loop3A_1240 = arith.constant 16 : index
        %parallel_loop3A_1241 = tpu.vector_load %arg8[%parallel_loop3A_1238, %parallel_loop3A_1239, %parallel_loop3A_1240] {strides = array<i32>} : memref<2x256x128xf32, #tpu.memory_space<vmem>>, vector<1x1x16xf32>,
        %parallel_loop3A_1242 = vector.shape_cast %parallel_loop3A_1241 : vector<1x1x16xf32> to vector<16xf32>
        %parallel_loop3A_1243 = arith.mulf %parallel_loop3A_1161, %parallel_loop3A_1242 : vector<16xf32>
        %parallel_loop3A_1244 = arith.addf %parallel_loop3A_1232, %parallel_loop3A_1243 : vector<16xf32>
        %parallel_loop3A_1245 = arith.constant 4 : i32
        %parallel_loop3A_1246 = arith.muli %parallel_loop3A_1245, %parallel_loop3A_1155 : i32
        %parallel_loop3A_1247 = arith.constant 2 : i32
        %parallel_loop3A_1248 = arith.addi %parallel_loop3A_1246, %parallel_loop3A_1247 : i32
        %parallel_loop3A_1249 = arith.constant 1 : i32
        %parallel_loop3A_1250 = arith.index_cast %parallel_loop3A_1249 : i32 to index
        %parallel_loop3A_1251 = arith.index_cast %parallel_loop3A_1248 : i32 to index
        %parallel_loop3A_1252 = arith.constant 16 : index
        %parallel_loop3A_1253 = tpu.vector_load %arg8[%parallel_loop3A_1250, %parallel_loop3A_1251, %parallel_loop3A_1252] {strides = array<i32>} : memref<2x256x128xf32, #tpu.memory_space<vmem>>, vector<1x1x16xf32>,
        %parallel_loop3A_1254 = vector.shape_cast %parallel_loop3A_1253 : vector<1x1x16xf32> to vector<16xf32>
        %parallel_loop3A_1255 = arith.mulf %parallel_loop3A_1164, %parallel_loop3A_1254 : vector<16xf32>
        %parallel_loop3A_1256 = arith.constant 4 : i32
        %parallel_loop3A_1257 = arith.muli %parallel_loop3A_1256, %parallel_loop3A_1155 : i32
        %parallel_loop3A_1258 = arith.constant 3 : i32
        %parallel_loop3A_1259 = arith.addi %parallel_loop3A_1257, %parallel_loop3A_1258 : i32
        %parallel_loop3A_1260 = arith.constant 1 : i32
        %parallel_loop3A_1261 = arith.index_cast %parallel_loop3A_1260 : i32 to index
        %parallel_loop3A_1262 = arith.index_cast %parallel_loop3A_1259 : i32 to index
        %parallel_loop3A_1263 = arith.constant 16 : index
        %parallel_loop3A_1264 = tpu.vector_load %arg8[%parallel_loop3A_1261, %parallel_loop3A_1262, %parallel_loop3A_1263] {strides = array<i32>} : memref<2x256x128xf32, #tpu.memory_space<vmem>>, vector<1x1x16xf32>,
        %parallel_loop3A_1265 = vector.shape_cast %parallel_loop3A_1264 : vector<1x1x16xf32> to vector<16xf32>
        %parallel_loop3A_1266 = arith.mulf %parallel_loop3A_1167, %parallel_loop3A_1265 : vector<16xf32>
        %parallel_loop3A_1267 = arith.addf %parallel_loop3A_1255, %parallel_loop3A_1266 : vector<16xf32>
        %parallel_loop3A_1268 = arith.addf %parallel_loop3A_1244, %parallel_loop3A_1267 : vector<16xf32>
        %parallel_loop3A_1269 = arith.constant 1 : i32
        %parallel_loop3A_1270 = arith.index_cast %parallel_loop3A_1269 : i32 to index
        %parallel_loop3A_1271 = arith.index_cast %parallel_loop3A_1155 : i32 to index
        %parallel_loop3A_1272 = arith.constant 16 : index
        %parallel_loop3A_1273 = tpu.vector_load %arg9[%parallel_loop3A_1270, %parallel_loop3A_1271, %parallel_loop3A_1272] {strides = array<i32>} : memref<2x64x128xf32, #tpu.memory_space<vmem>>, vector<1x1x16xf32>,
        %parallel_loop3A_1274 = vector.shape_cast %parallel_loop3A_1273 : vector<1x1x16xf32> to vector<16xf32>
        %parallel_loop3A_1275 = vector.shape_cast %parallel_loop3A_1268 : vector<16xf32> to vector<1x1x16xf32>
        tpu.vector_store %arg9[%parallel_loop3A_1270, %parallel_loop3A_1271, %parallel_loop3A_1272], %parallel_loop3A_1275 {strides = array<i32>} : memref<2x64x128xf32, #tpu.memory_space<vmem>>, vector<1x1x16xf32>,
        %parallel_loop3A_1276 = arith.constant 4 : i32
        %parallel_loop3A_1277 = arith.muli %parallel_loop3A_1276, %parallel_loop3A_1155 : i32
        %parallel_loop3A_1278 = arith.constant 0 : i32
        %parallel_loop3A_1279 = arith.addi %parallel_loop3A_1277, %parallel_loop3A_1278 : i32
        %parallel_loop3A_1280 = arith.constant 1 : i32
        %parallel_loop3A_1281 = arith.index_cast %parallel_loop3A_1280 : i32 to index
        %parallel_loop3A_1282 = arith.index_cast %parallel_loop3A_1279 : i32 to index
        %parallel_loop3A_1283 = arith.constant 32 : index
        %parallel_loop3A_1284 = tpu.vector_load %arg8[%parallel_loop3A_1281, %parallel_loop3A_1282, %parallel_loop3A_1283] {strides = array<i32>} : memref<2x256x128xf32, #tpu.memory_space<vmem>>, vector<1x1x16xf32>,
        %parallel_loop3A_1285 = vector.shape_cast %parallel_loop3A_1284 : vector<1x1x16xf32> to vector<16xf32>
        %parallel_loop3A_1286 = arith.mulf %parallel_loop3A_1158, %parallel_loop3A_1285 : vector<16xf32>
        %parallel_loop3A_1287 = arith.constant 4 : i32
        %parallel_loop3A_1288 = arith.muli %parallel_loop3A_1287, %parallel_loop3A_1155 : i32
        %parallel_loop3A_1289 = arith.constant 1 : i32
        %parallel_loop3A_1290 = arith.addi %parallel_loop3A_1288, %parallel_loop3A_1289 : i32
        %parallel_loop3A_1291 = arith.constant 1 : i32
        %parallel_loop3A_1292 = arith.index_cast %parallel_loop3A_1291 : i32 to index
        %parallel_loop3A_1293 = arith.index_cast %parallel_loop3A_1290 : i32 to index
        %parallel_loop3A_1294 = arith.constant 32 : index
        %parallel_loop3A_1295 = tpu.vector_load %arg8[%parallel_loop3A_1292, %parallel_loop3A_1293, %parallel_loop3A_1294] {strides = array<i32>} : memref<2x256x128xf32, #tpu.memory_space<vmem>>, vector<1x1x16xf32>,
        %parallel_loop3A_1296 = vector.shape_cast %parallel_loop3A_1295 : vector<1x1x16xf32> to vector<16xf32>
        %parallel_loop3A_1297 = arith.mulf %parallel_loop3A_1161, %parallel_loop3A_1296 : vector<16xf32>
        %parallel_loop3A_1298 = arith.addf %parallel_loop3A_1286, %parallel_loop3A_1297 : vector<16xf32>
        %parallel_loop3A_1299 = arith.constant 4 : i32
        %parallel_loop3A_1300 = arith.muli %parallel_loop3A_1299, %parallel_loop3A_1155 : i32
        %parallel_loop3A_1301 = arith.constant 2 : i32
        %parallel_loop3A_1302 = arith.addi %parallel_loop3A_1300, %parallel_loop3A_1301 : i32
        %parallel_loop3A_1303 = arith.constant 1 : i32
        %parallel_loop3A_1304 = arith.index_cast %parallel_loop3A_1303 : i32 to index
        %parallel_loop3A_1305 = arith.index_cast %parallel_loop3A_1302 : i32 to index
        %parallel_loop3A_1306 = arith.constant 32 : index
        %parallel_loop3A_1307 = tpu.vector_load %arg8[%parallel_loop3A_1304, %parallel_loop3A_1305, %parallel_loop3A_1306] {strides = array<i32>} : memref<2x256x128xf32, #tpu.memory_space<vmem>>, vector<1x1x16xf32>,
        %parallel_loop3A_1308 = vector.shape_cast %parallel_loop3A_1307 : vector<1x1x16xf32> to vector<16xf32>
        %parallel_loop3A_1309 = arith.mulf %parallel_loop3A_1164, %parallel_loop3A_1308 : vector<16xf32>
        %parallel_loop3A_1310 = arith.constant 4 : i32
        %parallel_loop3A_1311 = arith.muli %parallel_loop3A_1310, %parallel_loop3A_1155 : i32
        %parallel_loop3A_1312 = arith.constant 3 : i32
        %parallel_loop3A_1313 = arith.addi %parallel_loop3A_1311, %parallel_loop3A_1312 : i32
        %parallel_loop3A_1314 = arith.constant 1 : i32
        %parallel_loop3A_1315 = arith.index_cast %parallel_loop3A_1314 : i32 to index
        %parallel_loop3A_1316 = arith.index_cast %parallel_loop3A_1313 : i32 to index
        %parallel_loop3A_1317 = arith.constant 32 : index
        %parallel_loop3A_1318 = tpu.vector_load %arg8[%parallel_loop3A_1315, %parallel_loop3A_1316, %parallel_loop3A_1317] {strides = array<i32>} : memref<2x256x128xf32, #tpu.memory_space<vmem>>, vector<1x1x16xf32>,
        %parallel_loop3A_1319 = vector.shape_cast %parallel_loop3A_1318 : vector<1x1x16xf32> to vector<16xf32>
        %parallel_loop3A_1320 = arith.mulf %parallel_loop3A_1167, %parallel_loop3A_1319 : vector<16xf32>
        %parallel_loop3A_1321 = arith.addf %parallel_loop3A_1309, %parallel_loop3A_1320 : vector<16xf32>
        %parallel_loop3A_1322 = arith.addf %parallel_loop3A_1298, %parallel_loop3A_1321 : vector<16xf32>
        %parallel_loop3A_1323 = arith.constant 1 : i32
        %parallel_loop3A_1324 = arith.index_cast %parallel_loop3A_1323 : i32 to index
        %parallel_loop3A_1325 = arith.index_cast %parallel_loop3A_1155 : i32 to index
        %parallel_loop3A_1326 = arith.constant 32 : index
        %parallel_loop3A_1327 = tpu.vector_load %arg9[%parallel_loop3A_1324, %parallel_loop3A_1325, %parallel_loop3A_1326] {strides = array<i32>} : memref<2x64x128xf32, #tpu.memory_space<vmem>>, vector<1x1x16xf32>,
        %parallel_loop3A_1328 = vector.shape_cast %parallel_loop3A_1327 : vector<1x1x16xf32> to vector<16xf32>
        %parallel_loop3A_1329 = vector.shape_cast %parallel_loop3A_1322 : vector<16xf32> to vector<1x1x16xf32>
        tpu.vector_store %arg9[%parallel_loop3A_1324, %parallel_loop3A_1325, %parallel_loop3A_1326], %parallel_loop3A_1329 {strides = array<i32>} : memref<2x64x128xf32, #tpu.memory_space<vmem>>, vector<1x1x16xf32>,
        %parallel_loop3A_1330 = arith.constant 4 : i32
        %parallel_loop3A_1331 = arith.muli %parallel_loop3A_1330, %parallel_loop3A_1155 : i32
        %parallel_loop3A_1332 = arith.constant 0 : i32
        %parallel_loop3A_1333 = arith.addi %parallel_loop3A_1331, %parallel_loop3A_1332 : i32
        %parallel_loop3A_1334 = arith.constant 1 : i32
        %parallel_loop3A_1335 = arith.index_cast %parallel_loop3A_1334 : i32 to index
        %parallel_loop3A_1336 = arith.index_cast %parallel_loop3A_1333 : i32 to index
        %parallel_loop3A_1337 = arith.constant 48 : index
        %parallel_loop3A_1338 = tpu.vector_load %arg8[%parallel_loop3A_1335, %parallel_loop3A_1336, %parallel_loop3A_1337] {strides = array<i32>} : memref<2x256x128xf32, #tpu.memory_space<vmem>>, vector<1x1x16xf32>,
        %parallel_loop3A_1339 = vector.shape_cast %parallel_loop3A_1338 : vector<1x1x16xf32> to vector<16xf32>
        %parallel_loop3A_1340 = arith.mulf %parallel_loop3A_1158, %parallel_loop3A_1339 : vector<16xf32>
        %parallel_loop3A_1341 = arith.constant 4 : i32
        %parallel_loop3A_1342 = arith.muli %parallel_loop3A_1341, %parallel_loop3A_1155 : i32
        %parallel_loop3A_1343 = arith.constant 1 : i32
        %parallel_loop3A_1344 = arith.addi %parallel_loop3A_1342, %parallel_loop3A_1343 : i32
        %parallel_loop3A_1345 = arith.constant 1 : i32
        %parallel_loop3A_1346 = arith.index_cast %parallel_loop3A_1345 : i32 to index
        %parallel_loop3A_1347 = arith.index_cast %parallel_loop3A_1344 : i32 to index
        %parallel_loop3A_1348 = arith.constant 48 : index
        %parallel_loop3A_1349 = tpu.vector_load %arg8[%parallel_loop3A_1346, %parallel_loop3A_1347, %parallel_loop3A_1348] {strides = array<i32>} : memref<2x256x128xf32, #tpu.memory_space<vmem>>, vector<1x1x16xf32>,
        %parallel_loop3A_1350 = vector.shape_cast %parallel_loop3A_1349 : vector<1x1x16xf32> to vector<16xf32>
        %parallel_loop3A_1351 = arith.mulf %parallel_loop3A_1161, %parallel_loop3A_1350 : vector<16xf32>
        %parallel_loop3A_1352 = arith.addf %parallel_loop3A_1340, %parallel_loop3A_1351 : vector<16xf32>
        %parallel_loop3A_1353 = arith.constant 4 : i32
        %parallel_loop3A_1354 = arith.muli %parallel_loop3A_1353, %parallel_loop3A_1155 : i32
        %parallel_loop3A_1355 = arith.constant 2 : i32
        %parallel_loop3A_1356 = arith.addi %parallel_loop3A_1354, %parallel_loop3A_1355 : i32
        %parallel_loop3A_1357 = arith.constant 1 : i32
        %parallel_loop3A_1358 = arith.index_cast %parallel_loop3A_1357 : i32 to index
        %parallel_loop3A_1359 = arith.index_cast %parallel_loop3A_1356 : i32 to index
        %parallel_loop3A_1360 = arith.constant 48 : index
        %parallel_loop3A_1361 = tpu.vector_load %arg8[%parallel_loop3A_1358, %parallel_loop3A_1359, %parallel_loop3A_1360] {strides = array<i32>} : memref<2x256x128xf32, #tpu.memory_space<vmem>>, vector<1x1x16xf32>,
        %parallel_loop3A_1362 = vector.shape_cast %parallel_loop3A_1361 : vector<1x1x16xf32> to vector<16xf32>
        %parallel_loop3A_1363 = arith.mulf %parallel_loop3A_1164, %parallel_loop3A_1362 : vector<16xf32>
        %parallel_loop3A_1364 = arith.constant 4 : i32
        %parallel_loop3A_1365 = arith.muli %parallel_loop3A_1364, %parallel_loop3A_1155 : i32
        %parallel_loop3A_1366 = arith.constant 3 : i32
        %parallel_loop3A_1367 = arith.addi %parallel_loop3A_1365, %parallel_loop3A_1366 : i32
        %parallel_loop3A_1368 = arith.constant 1 : i32
        %parallel_loop3A_1369 = arith.index_cast %parallel_loop3A_1368 : i32 to index
        %parallel_loop3A_1370 = arith.index_cast %parallel_loop3A_1367 : i32 to index
        %parallel_loop3A_1371 = arith.constant 48 : index
        %parallel_loop3A_1372 = tpu.vector_load %arg8[%parallel_loop3A_1369, %parallel_loop3A_1370, %parallel_loop3A_1371] {strides = array<i32>} : memref<2x256x128xf32, #tpu.memory_space<vmem>>, vector<1x1x16xf32>,
        %parallel_loop3A_1373 = vector.shape_cast %parallel_loop3A_1372 : vector<1x1x16xf32> to vector<16xf32>
        %parallel_loop3A_1374 = arith.mulf %parallel_loop3A_1167, %parallel_loop3A_1373 : vector<16xf32>
        %parallel_loop3A_1375 = arith.addf %parallel_loop3A_1363, %parallel_loop3A_1374 : vector<16xf32>
        %parallel_loop3A_1376 = arith.addf %parallel_loop3A_1352, %parallel_loop3A_1375 : vector<16xf32>
        %parallel_loop3A_1377 = arith.constant 1 : i32
        %parallel_loop3A_1378 = arith.index_cast %parallel_loop3A_1377 : i32 to index
        %parallel_loop3A_1379 = arith.index_cast %parallel_loop3A_1155 : i32 to index
        %parallel_loop3A_1380 = arith.constant 48 : index
        %parallel_loop3A_1381 = tpu.vector_load %arg9[%parallel_loop3A_1378, %parallel_loop3A_1379, %parallel_loop3A_1380] {strides = array<i32>} : memref<2x64x128xf32, #tpu.memory_space<vmem>>, vector<1x1x16xf32>,
        %parallel_loop3A_1382 = vector.shape_cast %parallel_loop3A_1381 : vector<1x1x16xf32> to vector<16xf32>
        %parallel_loop3A_1383 = vector.shape_cast %parallel_loop3A_1376 : vector<16xf32> to vector<1x1x16xf32>
        tpu.vector_store %arg9[%parallel_loop3A_1378, %parallel_loop3A_1379, %parallel_loop3A_1380], %parallel_loop3A_1383 {strides = array<i32>} : memref<2x64x128xf32, #tpu.memory_space<vmem>>, vector<1x1x16xf32>,
        %parallel_loop3A_1384 = arith.constant 4 : i32
        %parallel_loop3A_1385 = arith.muli %parallel_loop3A_1384, %parallel_loop3A_1155 : i32
        %parallel_loop3A_1386 = arith.constant 0 : i32
        %parallel_loop3A_1387 = arith.addi %parallel_loop3A_1385, %parallel_loop3A_1386 : i32
        %parallel_loop3A_1388 = arith.constant 1 : i32
        %parallel_loop3A_1389 = arith.index_cast %parallel_loop3A_1388 : i32 to index
        %parallel_loop3A_1390 = arith.index_cast %parallel_loop3A_1387 : i32 to index
        %parallel_loop3A_1391 = arith.constant 64 : index
        %parallel_loop3A_1392 = tpu.vector_load %arg8[%parallel_loop3A_1389, %parallel_loop3A_1390, %parallel_loop3A_1391] {strides = array<i32>} : memref<2x256x128xf32, #tpu.memory_space<vmem>>, vector<1x1x16xf32>,
        %parallel_loop3A_1393 = vector.shape_cast %parallel_loop3A_1392 : vector<1x1x16xf32> to vector<16xf32>
        %parallel_loop3A_1394 = arith.mulf %parallel_loop3A_1158, %parallel_loop3A_1393 : vector<16xf32>
        %parallel_loop3A_1395 = arith.constant 4 : i32
        %parallel_loop3A_1396 = arith.muli %parallel_loop3A_1395, %parallel_loop3A_1155 : i32
        %parallel_loop3A_1397 = arith.constant 1 : i32
        %parallel_loop3A_1398 = arith.addi %parallel_loop3A_1396, %parallel_loop3A_1397 : i32
        %parallel_loop3A_1399 = arith.constant 1 : i32
        %parallel_loop3A_1400 = arith.index_cast %parallel_loop3A_1399 : i32 to index
        %parallel_loop3A_1401 = arith.index_cast %parallel_loop3A_1398 : i32 to index
        %parallel_loop3A_1402 = arith.constant 64 : index
        %parallel_loop3A_1403 = tpu.vector_load %arg8[%parallel_loop3A_1400, %parallel_loop3A_1401, %parallel_loop3A_1402] {strides = array<i32>} : memref<2x256x128xf32, #tpu.memory_space<vmem>>, vector<1x1x16xf32>,
        %parallel_loop3A_1404 = vector.shape_cast %parallel_loop3A_1403 : vector<1x1x16xf32> to vector<16xf32>
        %parallel_loop3A_1405 = arith.mulf %parallel_loop3A_1161, %parallel_loop3A_1404 : vector<16xf32>
        %parallel_loop3A_1406 = arith.addf %parallel_loop3A_1394, %parallel_loop3A_1405 : vector<16xf32>
        %parallel_loop3A_1407 = arith.constant 4 : i32
        %parallel_loop3A_1408 = arith.muli %parallel_loop3A_1407, %parallel_loop3A_1155 : i32
        %parallel_loop3A_1409 = arith.constant 2 : i32
        %parallel_loop3A_1410 = arith.addi %parallel_loop3A_1408, %parallel_loop3A_1409 : i32
        %parallel_loop3A_1411 = arith.constant 1 : i32
        %parallel_loop3A_1412 = arith.index_cast %parallel_loop3A_1411 : i32 to index
        %parallel_loop3A_1413 = arith.index_cast %parallel_loop3A_1410 : i32 to index
        %parallel_loop3A_1414 = arith.constant 64 : index
        %parallel_loop3A_1415 = tpu.vector_load %arg8[%parallel_loop3A_1412, %parallel_loop3A_1413, %parallel_loop3A_1414] {strides = array<i32>} : memref<2x256x128xf32, #tpu.memory_space<vmem>>, vector<1x1x16xf32>,
        %parallel_loop3A_1416 = vector.shape_cast %parallel_loop3A_1415 : vector<1x1x16xf32> to vector<16xf32>
        %parallel_loop3A_1417 = arith.mulf %parallel_loop3A_1164, %parallel_loop3A_1416 : vector<16xf32>
        %parallel_loop3A_1418 = arith.constant 4 : i32
        %parallel_loop3A_1419 = arith.muli %parallel_loop3A_1418, %parallel_loop3A_1155 : i32
        %parallel_loop3A_1420 = arith.constant 3 : i32
        %parallel_loop3A_1421 = arith.addi %parallel_loop3A_1419, %parallel_loop3A_1420 : i32
        %parallel_loop3A_1422 = arith.constant 1 : i32
        %parallel_loop3A_1423 = arith.index_cast %parallel_loop3A_1422 : i32 to index
        %parallel_loop3A_1424 = arith.index_cast %parallel_loop3A_1421 : i32 to index
        %parallel_loop3A_1425 = arith.constant 64 : index
        %parallel_loop3A_1426 = tpu.vector_load %arg8[%parallel_loop3A_1423, %parallel_loop3A_1424, %parallel_loop3A_1425] {strides = array<i32>} : memref<2x256x128xf32, #tpu.memory_space<vmem>>, vector<1x1x16xf32>,
        %parallel_loop3A_1427 = vector.shape_cast %parallel_loop3A_1426 : vector<1x1x16xf32> to vector<16xf32>
        %parallel_loop3A_1428 = arith.mulf %parallel_loop3A_1167, %parallel_loop3A_1427 : vector<16xf32>
        %parallel_loop3A_1429 = arith.addf %parallel_loop3A_1417, %parallel_loop3A_1428 : vector<16xf32>
        %parallel_loop3A_1430 = arith.addf %parallel_loop3A_1406, %parallel_loop3A_1429 : vector<16xf32>
        %parallel_loop3A_1431 = arith.constant 1 : i32
        %parallel_loop3A_1432 = arith.index_cast %parallel_loop3A_1431 : i32 to index
        %parallel_loop3A_1433 = arith.index_cast %parallel_loop3A_1155 : i32 to index
        %parallel_loop3A_1434 = arith.constant 64 : index
        %parallel_loop3A_1435 = tpu.vector_load %arg9[%parallel_loop3A_1432, %parallel_loop3A_1433, %parallel_loop3A_1434] {strides = array<i32>} : memref<2x64x128xf32, #tpu.memory_space<vmem>>, vector<1x1x16xf32>,
        %parallel_loop3A_1436 = vector.shape_cast %parallel_loop3A_1435 : vector<1x1x16xf32> to vector<16xf32>
        %parallel_loop3A_1437 = vector.shape_cast %parallel_loop3A_1430 : vector<16xf32> to vector<1x1x16xf32>
        tpu.vector_store %arg9[%parallel_loop3A_1432, %parallel_loop3A_1433, %parallel_loop3A_1434], %parallel_loop3A_1437 {strides = array<i32>} : memref<2x64x128xf32, #tpu.memory_space<vmem>>, vector<1x1x16xf32>,
        %parallel_loop3A_1438 = arith.constant 4 : i32
        %parallel_loop3A_1439 = arith.muli %parallel_loop3A_1438, %parallel_loop3A_1155 : i32
        %parallel_loop3A_1440 = arith.constant 0 : i32
        %parallel_loop3A_1441 = arith.addi %parallel_loop3A_1439, %parallel_loop3A_1440 : i32
        %parallel_loop3A_1442 = arith.constant 1 : i32
        %parallel_loop3A_1443 = arith.index_cast %parallel_loop3A_1442 : i32 to index
        %parallel_loop3A_1444 = arith.index_cast %parallel_loop3A_1441 : i32 to index
        %parallel_loop3A_1445 = arith.constant 80 : index
        %parallel_loop3A_1446 = tpu.vector_load %arg8[%parallel_loop3A_1443, %parallel_loop3A_1444, %parallel_loop3A_1445] {strides = array<i32>} : memref<2x256x128xf32, #tpu.memory_space<vmem>>, vector<1x1x16xf32>,
        %parallel_loop3A_1447 = vector.shape_cast %parallel_loop3A_1446 : vector<1x1x16xf32> to vector<16xf32>
        %parallel_loop3A_1448 = arith.mulf %parallel_loop3A_1158, %parallel_loop3A_1447 : vector<16xf32>
        %parallel_loop3A_1449 = arith.constant 4 : i32
        %parallel_loop3A_1450 = arith.muli %parallel_loop3A_1449, %parallel_loop3A_1155 : i32
        %parallel_loop3A_1451 = arith.constant 1 : i32
        %parallel_loop3A_1452 = arith.addi %parallel_loop3A_1450, %parallel_loop3A_1451 : i32
        %parallel_loop3A_1453 = arith.constant 1 : i32
        %parallel_loop3A_1454 = arith.index_cast %parallel_loop3A_1453 : i32 to index
        %parallel_loop3A_1455 = arith.index_cast %parallel_loop3A_1452 : i32 to index
        %parallel_loop3A_1456 = arith.constant 80 : index
        %parallel_loop3A_1457 = tpu.vector_load %arg8[%parallel_loop3A_1454, %parallel_loop3A_1455, %parallel_loop3A_1456] {strides = array<i32>} : memref<2x256x128xf32, #tpu.memory_space<vmem>>, vector<1x1x16xf32>,
        %parallel_loop3A_1458 = vector.shape_cast %parallel_loop3A_1457 : vector<1x1x16xf32> to vector<16xf32>
        %parallel_loop3A_1459 = arith.mulf %parallel_loop3A_1161, %parallel_loop3A_1458 : vector<16xf32>
        %parallel_loop3A_1460 = arith.addf %parallel_loop3A_1448, %parallel_loop3A_1459 : vector<16xf32>
        %parallel_loop3A_1461 = arith.constant 4 : i32
        %parallel_loop3A_1462 = arith.muli %parallel_loop3A_1461, %parallel_loop3A_1155 : i32
        %parallel_loop3A_1463 = arith.constant 2 : i32
        %parallel_loop3A_1464 = arith.addi %parallel_loop3A_1462, %parallel_loop3A_1463 : i32
        %parallel_loop3A_1465 = arith.constant 1 : i32
        %parallel_loop3A_1466 = arith.index_cast %parallel_loop3A_1465 : i32 to index
        %parallel_loop3A_1467 = arith.index_cast %parallel_loop3A_1464 : i32 to index
        %parallel_loop3A_1468 = arith.constant 80 : index
        %parallel_loop3A_1469 = tpu.vector_load %arg8[%parallel_loop3A_1466, %parallel_loop3A_1467, %parallel_loop3A_1468] {strides = array<i32>} : memref<2x256x128xf32, #tpu.memory_space<vmem>>, vector<1x1x16xf32>,
        %parallel_loop3A_1470 = vector.shape_cast %parallel_loop3A_1469 : vector<1x1x16xf32> to vector<16xf32>
        %parallel_loop3A_1471 = arith.mulf %parallel_loop3A_1164, %parallel_loop3A_1470 : vector<16xf32>
        %parallel_loop3A_1472 = arith.constant 4 : i32
        %parallel_loop3A_1473 = arith.muli %parallel_loop3A_1472, %parallel_loop3A_1155 : i32
        %parallel_loop3A_1474 = arith.constant 3 : i32
        %parallel_loop3A_1475 = arith.addi %parallel_loop3A_1473, %parallel_loop3A_1474 : i32
        %parallel_loop3A_1476 = arith.constant 1 : i32
        %parallel_loop3A_1477 = arith.index_cast %parallel_loop3A_1476 : i32 to index
        %parallel_loop3A_1478 = arith.index_cast %parallel_loop3A_1475 : i32 to index
        %parallel_loop3A_1479 = arith.constant 80 : index
        %parallel_loop3A_1480 = tpu.vector_load %arg8[%parallel_loop3A_1477, %parallel_loop3A_1478, %parallel_loop3A_1479] {strides = array<i32>} : memref<2x256x128xf32, #tpu.memory_space<vmem>>, vector<1x1x16xf32>,
        %parallel_loop3A_1481 = vector.shape_cast %parallel_loop3A_1480 : vector<1x1x16xf32> to vector<16xf32>
        %parallel_loop3A_1482 = arith.mulf %parallel_loop3A_1167, %parallel_loop3A_1481 : vector<16xf32>
        %parallel_loop3A_1483 = arith.addf %parallel_loop3A_1471, %parallel_loop3A_1482 : vector<16xf32>
        %parallel_loop3A_1484 = arith.addf %parallel_loop3A_1460, %parallel_loop3A_1483 : vector<16xf32>
        %parallel_loop3A_1485 = arith.constant 1 : i32
        %parallel_loop3A_1486 = arith.index_cast %parallel_loop3A_1485 : i32 to index
        %parallel_loop3A_1487 = arith.index_cast %parallel_loop3A_1155 : i32 to index
        %parallel_loop3A_1488 = arith.constant 80 : index
        %parallel_loop3A_1489 = tpu.vector_load %arg9[%parallel_loop3A_1486, %parallel_loop3A_1487, %parallel_loop3A_1488] {strides = array<i32>} : memref<2x64x128xf32, #tpu.memory_space<vmem>>, vector<1x1x16xf32>,
        %parallel_loop3A_1490 = vector.shape_cast %parallel_loop3A_1489 : vector<1x1x16xf32> to vector<16xf32>
        %parallel_loop3A_1491 = vector.shape_cast %parallel_loop3A_1484 : vector<16xf32> to vector<1x1x16xf32>
        tpu.vector_store %arg9[%parallel_loop3A_1486, %parallel_loop3A_1487, %parallel_loop3A_1488], %parallel_loop3A_1491 {strides = array<i32>} : memref<2x64x128xf32, #tpu.memory_space<vmem>>, vector<1x1x16xf32>,
        %parallel_loop3A_1492 = arith.constant 4 : i32
        %parallel_loop3A_1493 = arith.muli %parallel_loop3A_1492, %parallel_loop3A_1155 : i32
        %parallel_loop3A_1494 = arith.constant 0 : i32
        %parallel_loop3A_1495 = arith.addi %parallel_loop3A_1493, %parallel_loop3A_1494 : i32
        %parallel_loop3A_1496 = arith.constant 1 : i32
        %parallel_loop3A_1497 = arith.index_cast %parallel_loop3A_1496 : i32 to index
        %parallel_loop3A_1498 = arith.index_cast %parallel_loop3A_1495 : i32 to index
        %parallel_loop3A_1499 = arith.constant 96 : index
        %parallel_loop3A_1500 = tpu.vector_load %arg8[%parallel_loop3A_1497, %parallel_loop3A_1498, %parallel_loop3A_1499] {strides = array<i32>} : memref<2x256x128xf32, #tpu.memory_space<vmem>>, vector<1x1x16xf32>,
        %parallel_loop3A_1501 = vector.shape_cast %parallel_loop3A_1500 : vector<1x1x16xf32> to vector<16xf32>
        %parallel_loop3A_1502 = arith.mulf %parallel_loop3A_1158, %parallel_loop3A_1501 : vector<16xf32>
        %parallel_loop3A_1503 = arith.constant 4 : i32
        %parallel_loop3A_1504 = arith.muli %parallel_loop3A_1503, %parallel_loop3A_1155 : i32
        %parallel_loop3A_1505 = arith.constant 1 : i32
        %parallel_loop3A_1506 = arith.addi %parallel_loop3A_1504, %parallel_loop3A_1505 : i32
        %parallel_loop3A_1507 = arith.constant 1 : i32
        %parallel_loop3A_1508 = arith.index_cast %parallel_loop3A_1507 : i32 to index
        %parallel_loop3A_1509 = arith.index_cast %parallel_loop3A_1506 : i32 to index
        %parallel_loop3A_1510 = arith.constant 96 : index
        %parallel_loop3A_1511 = tpu.vector_load %arg8[%parallel_loop3A_1508, %parallel_loop3A_1509, %parallel_loop3A_1510] {strides = array<i32>} : memref<2x256x128xf32, #tpu.memory_space<vmem>>, vector<1x1x16xf32>,
        %parallel_loop3A_1512 = vector.shape_cast %parallel_loop3A_1511 : vector<1x1x16xf32> to vector<16xf32>
        %parallel_loop3A_1513 = arith.mulf %parallel_loop3A_1161, %parallel_loop3A_1512 : vector<16xf32>
        %parallel_loop3A_1514 = arith.addf %parallel_loop3A_1502, %parallel_loop3A_1513 : vector<16xf32>
        %parallel_loop3A_1515 = arith.constant 4 : i32
        %parallel_loop3A_1516 = arith.muli %parallel_loop3A_1515, %parallel_loop3A_1155 : i32
        %parallel_loop3A_1517 = arith.constant 2 : i32
        %parallel_loop3A_1518 = arith.addi %parallel_loop3A_1516, %parallel_loop3A_1517 : i32
        %parallel_loop3A_1519 = arith.constant 1 : i32
        %parallel_loop3A_1520 = arith.index_cast %parallel_loop3A_1519 : i32 to index
        %parallel_loop3A_1521 = arith.index_cast %parallel_loop3A_1518 : i32 to index
        %parallel_loop3A_1522 = arith.constant 96 : index
        %parallel_loop3A_1523 = tpu.vector_load %arg8[%parallel_loop3A_1520, %parallel_loop3A_1521, %parallel_loop3A_1522] {strides = array<i32>} : memref<2x256x128xf32, #tpu.memory_space<vmem>>, vector<1x1x16xf32>,
        %parallel_loop3A_1524 = vector.shape_cast %parallel_loop3A_1523 : vector<1x1x16xf32> to vector<16xf32>
        %parallel_loop3A_1525 = arith.mulf %parallel_loop3A_1164, %parallel_loop3A_1524 : vector<16xf32>
        %parallel_loop3A_1526 = arith.constant 4 : i32
        %parallel_loop3A_1527 = arith.muli %parallel_loop3A_1526, %parallel_loop3A_1155 : i32
        %parallel_loop3A_1528 = arith.constant 3 : i32
        %parallel_loop3A_1529 = arith.addi %parallel_loop3A_1527, %parallel_loop3A_1528 : i32
        %parallel_loop3A_1530 = arith.constant 1 : i32
        %parallel_loop3A_1531 = arith.index_cast %parallel_loop3A_1530 : i32 to index
        %parallel_loop3A_1532 = arith.index_cast %parallel_loop3A_1529 : i32 to index
        %parallel_loop3A_1533 = arith.constant 96 : index
        %parallel_loop3A_1534 = tpu.vector_load %arg8[%parallel_loop3A_1531, %parallel_loop3A_1532, %parallel_loop3A_1533] {strides = array<i32>} : memref<2x256x128xf32, #tpu.memory_space<vmem>>, vector<1x1x16xf32>,
        %parallel_loop3A_1535 = vector.shape_cast %parallel_loop3A_1534 : vector<1x1x16xf32> to vector<16xf32>
        %parallel_loop3A_1536 = arith.mulf %parallel_loop3A_1167, %parallel_loop3A_1535 : vector<16xf32>
        %parallel_loop3A_1537 = arith.addf %parallel_loop3A_1525, %parallel_loop3A_1536 : vector<16xf32>
        %parallel_loop3A_1538 = arith.addf %parallel_loop3A_1514, %parallel_loop3A_1537 : vector<16xf32>
        %parallel_loop3A_1539 = arith.constant 1 : i32
        %parallel_loop3A_1540 = arith.index_cast %parallel_loop3A_1539 : i32 to index
        %parallel_loop3A_1541 = arith.index_cast %parallel_loop3A_1155 : i32 to index
        %parallel_loop3A_1542 = arith.constant 96 : index
        %parallel_loop3A_1543 = tpu.vector_load %arg9[%parallel_loop3A_1540, %parallel_loop3A_1541, %parallel_loop3A_1542] {strides = array<i32>} : memref<2x64x128xf32, #tpu.memory_space<vmem>>, vector<1x1x16xf32>,
        %parallel_loop3A_1544 = vector.shape_cast %parallel_loop3A_1543 : vector<1x1x16xf32> to vector<16xf32>
        %parallel_loop3A_1545 = vector.shape_cast %parallel_loop3A_1538 : vector<16xf32> to vector<1x1x16xf32>
        tpu.vector_store %arg9[%parallel_loop3A_1540, %parallel_loop3A_1541, %parallel_loop3A_1542], %parallel_loop3A_1545 {strides = array<i32>} : memref<2x64x128xf32, #tpu.memory_space<vmem>>, vector<1x1x16xf32>,
        %parallel_loop3A_1546 = arith.constant 4 : i32
        %parallel_loop3A_1547 = arith.muli %parallel_loop3A_1546, %parallel_loop3A_1155 : i32
        %parallel_loop3A_1548 = arith.constant 0 : i32
        %parallel_loop3A_1549 = arith.addi %parallel_loop3A_1547, %parallel_loop3A_1548 : i32
        %parallel_loop3A_1550 = arith.constant 1 : i32
        %parallel_loop3A_1551 = arith.index_cast %parallel_loop3A_1550 : i32 to index
        %parallel_loop3A_1552 = arith.index_cast %parallel_loop3A_1549 : i32 to index
        %parallel_loop3A_1553 = arith.constant 112 : index
        %parallel_loop3A_1554 = tpu.vector_load %arg8[%parallel_loop3A_1551, %parallel_loop3A_1552, %parallel_loop3A_1553] {strides = array<i32>} : memref<2x256x128xf32, #tpu.memory_space<vmem>>, vector<1x1x16xf32>,
        %parallel_loop3A_1555 = vector.shape_cast %parallel_loop3A_1554 : vector<1x1x16xf32> to vector<16xf32>
        %parallel_loop3A_1556 = arith.mulf %parallel_loop3A_1158, %parallel_loop3A_1555 : vector<16xf32>
        %parallel_loop3A_1557 = arith.constant 4 : i32
        %parallel_loop3A_1558 = arith.muli %parallel_loop3A_1557, %parallel_loop3A_1155 : i32
        %parallel_loop3A_1559 = arith.constant 1 : i32
        %parallel_loop3A_1560 = arith.addi %parallel_loop3A_1558, %parallel_loop3A_1559 : i32
        %parallel_loop3A_1561 = arith.constant 1 : i32
        %parallel_loop3A_1562 = arith.index_cast %parallel_loop3A_1561 : i32 to index
        %parallel_loop3A_1563 = arith.index_cast %parallel_loop3A_1560 : i32 to index
        %parallel_loop3A_1564 = arith.constant 112 : index
        %parallel_loop3A_1565 = tpu.vector_load %arg8[%parallel_loop3A_1562, %parallel_loop3A_1563, %parallel_loop3A_1564] {strides = array<i32>} : memref<2x256x128xf32, #tpu.memory_space<vmem>>, vector<1x1x16xf32>,
        %parallel_loop3A_1566 = vector.shape_cast %parallel_loop3A_1565 : vector<1x1x16xf32> to vector<16xf32>
        %parallel_loop3A_1567 = arith.mulf %parallel_loop3A_1161, %parallel_loop3A_1566 : vector<16xf32>
        %parallel_loop3A_1568 = arith.addf %parallel_loop3A_1556, %parallel_loop3A_1567 : vector<16xf32>
        %parallel_loop3A_1569 = arith.constant 4 : i32
        %parallel_loop3A_1570 = arith.muli %parallel_loop3A_1569, %parallel_loop3A_1155 : i32
        %parallel_loop3A_1571 = arith.constant 2 : i32
        %parallel_loop3A_1572 = arith.addi %parallel_loop3A_1570, %parallel_loop3A_1571 : i32
        %parallel_loop3A_1573 = arith.constant 1 : i32
        %parallel_loop3A_1574 = arith.index_cast %parallel_loop3A_1573 : i32 to index
        %parallel_loop3A_1575 = arith.index_cast %parallel_loop3A_1572 : i32 to index
        %parallel_loop3A_1576 = arith.constant 112 : index
        %parallel_loop3A_1577 = tpu.vector_load %arg8[%parallel_loop3A_1574, %parallel_loop3A_1575, %parallel_loop3A_1576] {strides = array<i32>} : memref<2x256x128xf32, #tpu.memory_space<vmem>>, vector<1x1x16xf32>,
        %parallel_loop3A_1578 = vector.shape_cast %parallel_loop3A_1577 : vector<1x1x16xf32> to vector<16xf32>
        %parallel_loop3A_1579 = arith.mulf %parallel_loop3A_1164, %parallel_loop3A_1578 : vector<16xf32>
        %parallel_loop3A_1580 = arith.constant 4 : i32
        %parallel_loop3A_1581 = arith.muli %parallel_loop3A_1580, %parallel_loop3A_1155 : i32
        %parallel_loop3A_1582 = arith.constant 3 : i32
        %parallel_loop3A_1583 = arith.addi %parallel_loop3A_1581, %parallel_loop3A_1582 : i32
        %parallel_loop3A_1584 = arith.constant 1 : i32
        %parallel_loop3A_1585 = arith.index_cast %parallel_loop3A_1584 : i32 to index
        %parallel_loop3A_1586 = arith.index_cast %parallel_loop3A_1583 : i32 to index
        %parallel_loop3A_1587 = arith.constant 112 : index
        %parallel_loop3A_1588 = tpu.vector_load %arg8[%parallel_loop3A_1585, %parallel_loop3A_1586, %parallel_loop3A_1587] {strides = array<i32>} : memref<2x256x128xf32, #tpu.memory_space<vmem>>, vector<1x1x16xf32>,
        %parallel_loop3A_1589 = vector.shape_cast %parallel_loop3A_1588 : vector<1x1x16xf32> to vector<16xf32>
        %parallel_loop3A_1590 = arith.mulf %parallel_loop3A_1167, %parallel_loop3A_1589 : vector<16xf32>
        %parallel_loop3A_1591 = arith.addf %parallel_loop3A_1579, %parallel_loop3A_1590 : vector<16xf32>
        %parallel_loop3A_1592 = arith.addf %parallel_loop3A_1568, %parallel_loop3A_1591 : vector<16xf32>
        %parallel_loop3A_1593 = arith.constant 1 : i32
        %parallel_loop3A_1594 = arith.index_cast %parallel_loop3A_1593 : i32 to index
        %parallel_loop3A_1595 = arith.index_cast %parallel_loop3A_1155 : i32 to index
        %parallel_loop3A_1596 = arith.constant 112 : index
        %parallel_loop3A_1597 = tpu.vector_load %arg9[%parallel_loop3A_1594, %parallel_loop3A_1595, %parallel_loop3A_1596] {strides = array<i32>} : memref<2x64x128xf32, #tpu.memory_space<vmem>>, vector<1x1x16xf32>,
        %parallel_loop3A_1598 = vector.shape_cast %parallel_loop3A_1597 : vector<1x1x16xf32> to vector<16xf32>
        %parallel_loop3A_1599 = vector.shape_cast %parallel_loop3A_1592 : vector<16xf32> to vector<1x1x16xf32>
        tpu.vector_store %arg9[%parallel_loop3A_1594, %parallel_loop3A_1595, %parallel_loop3A_1596], %parallel_loop3A_1599 {strides = array<i32>} : memref<2x64x128xf32, #tpu.memory_space<vmem>>, vector<1x1x16xf32>,
        %parallel_loop3A_1600 = arith.constant 4 : i32
        %parallel_loop3A_1601 = arith.muli %parallel_loop3A_204, %parallel_loop3A_1600 : i32
        %parallel_loop3A_1602 = arith.constant 3 : i32
        %parallel_loop3A_1603 = arith.addi %parallel_loop3A_1601, %parallel_loop3A_1602 : i32
        %parallel_loop3A_1604 = vector.extract_strided_slice %parallel_loop3A_255 {offsets = [12], sizes = [1], strides = [1]} : vector<16xf32> to vector<1xf32>
        %parallel_loop3A_1605 = vector.extract %parallel_loop3A_1604[0] : f32 from vector<1xf32>
        %parallel_loop3A_1606 = vector.broadcast %parallel_loop3A_1605 : f32 to vector<16xf32>
        %parallel_loop3A_1607 = vector.extract_strided_slice %parallel_loop3A_255 {offsets = [13], sizes = [1], strides = [1]} : vector<16xf32> to vector<1xf32>
        %parallel_loop3A_1608 = vector.extract %parallel_loop3A_1607[0] : f32 from vector<1xf32>
        %parallel_loop3A_1609 = vector.broadcast %parallel_loop3A_1608 : f32 to vector<16xf32>
        %parallel_loop3A_1610 = vector.extract_strided_slice %parallel_loop3A_255 {offsets = [14], sizes = [1], strides = [1]} : vector<16xf32> to vector<1xf32>
        %parallel_loop3A_1611 = vector.extract %parallel_loop3A_1610[0] : f32 from vector<1xf32>
        %parallel_loop3A_1612 = vector.broadcast %parallel_loop3A_1611 : f32 to vector<16xf32>
        %parallel_loop3A_1613 = vector.extract_strided_slice %parallel_loop3A_255 {offsets = [15], sizes = [1], strides = [1]} : vector<16xf32> to vector<1xf32>
        %parallel_loop3A_1614 = vector.extract %parallel_loop3A_1613[0] : f32 from vector<1xf32>
        %parallel_loop3A_1615 = vector.broadcast %parallel_loop3A_1614 : f32 to vector<16xf32>
        %parallel_loop3A_1616 = arith.constant 4 : i32
        %parallel_loop3A_1617 = arith.muli %parallel_loop3A_1616, %parallel_loop3A_1603 : i32
        %parallel_loop3A_1618 = arith.constant 0 : i32
        %parallel_loop3A_1619 = arith.addi %parallel_loop3A_1617, %parallel_loop3A_1618 : i32
        %parallel_loop3A_1620 = arith.constant 1 : i32
        %parallel_loop3A_1621 = arith.index_cast %parallel_loop3A_1620 : i32 to index
        %parallel_loop3A_1622 = arith.index_cast %parallel_loop3A_1619 : i32 to index
        %parallel_loop3A_1623 = arith.constant 0 : index
        %parallel_loop3A_1624 = tpu.vector_load %arg8[%parallel_loop3A_1621, %parallel_loop3A_1622, %parallel_loop3A_1623] {strides = array<i32>} : memref<2x256x128xf32, #tpu.memory_space<vmem>>, vector<1x1x16xf32>,
        %parallel_loop3A_1625 = vector.shape_cast %parallel_loop3A_1624 : vector<1x1x16xf32> to vector<16xf32>
        %parallel_loop3A_1626 = arith.mulf %parallel_loop3A_1606, %parallel_loop3A_1625 : vector<16xf32>
        %parallel_loop3A_1627 = arith.constant 4 : i32
        %parallel_loop3A_1628 = arith.muli %parallel_loop3A_1627, %parallel_loop3A_1603 : i32
        %parallel_loop3A_1629 = arith.constant 1 : i32
        %parallel_loop3A_1630 = arith.addi %parallel_loop3A_1628, %parallel_loop3A_1629 : i32
        %parallel_loop3A_1631 = arith.constant 1 : i32
        %parallel_loop3A_1632 = arith.index_cast %parallel_loop3A_1631 : i32 to index
        %parallel_loop3A_1633 = arith.index_cast %parallel_loop3A_1630 : i32 to index
        %parallel_loop3A_1634 = arith.constant 0 : index
        %parallel_loop3A_1635 = tpu.vector_load %arg8[%parallel_loop3A_1632, %parallel_loop3A_1633, %parallel_loop3A_1634] {strides = array<i32>} : memref<2x256x128xf32, #tpu.memory_space<vmem>>, vector<1x1x16xf32>,
        %parallel_loop3A_1636 = vector.shape_cast %parallel_loop3A_1635 : vector<1x1x16xf32> to vector<16xf32>
        %parallel_loop3A_1637 = arith.mulf %parallel_loop3A_1609, %parallel_loop3A_1636 : vector<16xf32>
        %parallel_loop3A_1638 = arith.addf %parallel_loop3A_1626, %parallel_loop3A_1637 : vector<16xf32>
        %parallel_loop3A_1639 = arith.constant 4 : i32
        %parallel_loop3A_1640 = arith.muli %parallel_loop3A_1639, %parallel_loop3A_1603 : i32
        %parallel_loop3A_1641 = arith.constant 2 : i32
        %parallel_loop3A_1642 = arith.addi %parallel_loop3A_1640, %parallel_loop3A_1641 : i32
        %parallel_loop3A_1643 = arith.constant 1 : i32
        %parallel_loop3A_1644 = arith.index_cast %parallel_loop3A_1643 : i32 to index
        %parallel_loop3A_1645 = arith.index_cast %parallel_loop3A_1642 : i32 to index
        %parallel_loop3A_1646 = arith.constant 0 : index
        %parallel_loop3A_1647 = tpu.vector_load %arg8[%parallel_loop3A_1644, %parallel_loop3A_1645, %parallel_loop3A_1646] {strides = array<i32>} : memref<2x256x128xf32, #tpu.memory_space<vmem>>, vector<1x1x16xf32>,
        %parallel_loop3A_1648 = vector.shape_cast %parallel_loop3A_1647 : vector<1x1x16xf32> to vector<16xf32>
        %parallel_loop3A_1649 = arith.mulf %parallel_loop3A_1612, %parallel_loop3A_1648 : vector<16xf32>
        %parallel_loop3A_1650 = arith.constant 4 : i32
        %parallel_loop3A_1651 = arith.muli %parallel_loop3A_1650, %parallel_loop3A_1603 : i32
        %parallel_loop3A_1652 = arith.constant 3 : i32
        %parallel_loop3A_1653 = arith.addi %parallel_loop3A_1651, %parallel_loop3A_1652 : i32
        %parallel_loop3A_1654 = arith.constant 1 : i32
        %parallel_loop3A_1655 = arith.index_cast %parallel_loop3A_1654 : i32 to index
        %parallel_loop3A_1656 = arith.index_cast %parallel_loop3A_1653 : i32 to index
        %parallel_loop3A_1657 = arith.constant 0 : index
        %parallel_loop3A_1658 = tpu.vector_load %arg8[%parallel_loop3A_1655, %parallel_loop3A_1656, %parallel_loop3A_1657] {strides = array<i32>} : memref<2x256x128xf32, #tpu.memory_space<vmem>>, vector<1x1x16xf32>,
        %parallel_loop3A_1659 = vector.shape_cast %parallel_loop3A_1658 : vector<1x1x16xf32> to vector<16xf32>
        %parallel_loop3A_1660 = arith.mulf %parallel_loop3A_1615, %parallel_loop3A_1659 : vector<16xf32>
        %parallel_loop3A_1661 = arith.addf %parallel_loop3A_1649, %parallel_loop3A_1660 : vector<16xf32>
        %parallel_loop3A_1662 = arith.addf %parallel_loop3A_1638, %parallel_loop3A_1661 : vector<16xf32>
        %parallel_loop3A_1663 = arith.constant 1 : i32
        %parallel_loop3A_1664 = arith.index_cast %parallel_loop3A_1663 : i32 to index
        %parallel_loop3A_1665 = arith.index_cast %parallel_loop3A_1603 : i32 to index
        %parallel_loop3A_1666 = arith.constant 0 : index
        %parallel_loop3A_1667 = tpu.vector_load %arg9[%parallel_loop3A_1664, %parallel_loop3A_1665, %parallel_loop3A_1666] {strides = array<i32>} : memref<2x64x128xf32, #tpu.memory_space<vmem>>, vector<1x1x16xf32>,
        %parallel_loop3A_1668 = vector.shape_cast %parallel_loop3A_1667 : vector<1x1x16xf32> to vector<16xf32>
        %parallel_loop3A_1669 = vector.shape_cast %parallel_loop3A_1662 : vector<16xf32> to vector<1x1x16xf32>
        tpu.vector_store %arg9[%parallel_loop3A_1664, %parallel_loop3A_1665, %parallel_loop3A_1666], %parallel_loop3A_1669 {strides = array<i32>} : memref<2x64x128xf32, #tpu.memory_space<vmem>>, vector<1x1x16xf32>,
        %parallel_loop3A_1670 = arith.constant 4 : i32
        %parallel_loop3A_1671 = arith.muli %parallel_loop3A_1670, %parallel_loop3A_1603 : i32
        %parallel_loop3A_1672 = arith.constant 0 : i32
        %parallel_loop3A_1673 = arith.addi %parallel_loop3A_1671, %parallel_loop3A_1672 : i32
        %parallel_loop3A_1674 = arith.constant 1 : i32
        %parallel_loop3A_1675 = arith.index_cast %parallel_loop3A_1674 : i32 to index
        %parallel_loop3A_1676 = arith.index_cast %parallel_loop3A_1673 : i32 to index
        %parallel_loop3A_1677 = arith.constant 16 : index
        %parallel_loop3A_1678 = tpu.vector_load %arg8[%parallel_loop3A_1675, %parallel_loop3A_1676, %parallel_loop3A_1677] {strides = array<i32>} : memref<2x256x128xf32, #tpu.memory_space<vmem>>, vector<1x1x16xf32>,
        %parallel_loop3A_1679 = vector.shape_cast %parallel_loop3A_1678 : vector<1x1x16xf32> to vector<16xf32>
        %parallel_loop3A_1680 = arith.mulf %parallel_loop3A_1606, %parallel_loop3A_1679 : vector<16xf32>
        %parallel_loop3A_1681 = arith.constant 4 : i32
        %parallel_loop3A_1682 = arith.muli %parallel_loop3A_1681, %parallel_loop3A_1603 : i32
        %parallel_loop3A_1683 = arith.constant 1 : i32
        %parallel_loop3A_1684 = arith.addi %parallel_loop3A_1682, %parallel_loop3A_1683 : i32
        %parallel_loop3A_1685 = arith.constant 1 : i32
        %parallel_loop3A_1686 = arith.index_cast %parallel_loop3A_1685 : i32 to index
        %parallel_loop3A_1687 = arith.index_cast %parallel_loop3A_1684 : i32 to index
        %parallel_loop3A_1688 = arith.constant 16 : index
        %parallel_loop3A_1689 = tpu.vector_load %arg8[%parallel_loop3A_1686, %parallel_loop3A_1687, %parallel_loop3A_1688] {strides = array<i32>} : memref<2x256x128xf32, #tpu.memory_space<vmem>>, vector<1x1x16xf32>,
        %parallel_loop3A_1690 = vector.shape_cast %parallel_loop3A_1689 : vector<1x1x16xf32> to vector<16xf32>
        %parallel_loop3A_1691 = arith.mulf %parallel_loop3A_1609, %parallel_loop3A_1690 : vector<16xf32>
        %parallel_loop3A_1692 = arith.addf %parallel_loop3A_1680, %parallel_loop3A_1691 : vector<16xf32>
        %parallel_loop3A_1693 = arith.constant 4 : i32
        %parallel_loop3A_1694 = arith.muli %parallel_loop3A_1693, %parallel_loop3A_1603 : i32
        %parallel_loop3A_1695 = arith.constant 2 : i32
        %parallel_loop3A_1696 = arith.addi %parallel_loop3A_1694, %parallel_loop3A_1695 : i32
        %parallel_loop3A_1697 = arith.constant 1 : i32
        %parallel_loop3A_1698 = arith.index_cast %parallel_loop3A_1697 : i32 to index
        %parallel_loop3A_1699 = arith.index_cast %parallel_loop3A_1696 : i32 to index
        %parallel_loop3A_1700 = arith.constant 16 : index
        %parallel_loop3A_1701 = tpu.vector_load %arg8[%parallel_loop3A_1698, %parallel_loop3A_1699, %parallel_loop3A_1700] {strides = array<i32>} : memref<2x256x128xf32, #tpu.memory_space<vmem>>, vector<1x1x16xf32>,
        %parallel_loop3A_1702 = vector.shape_cast %parallel_loop3A_1701 : vector<1x1x16xf32> to vector<16xf32>
        %parallel_loop3A_1703 = arith.mulf %parallel_loop3A_1612, %parallel_loop3A_1702 : vector<16xf32>
        %parallel_loop3A_1704 = arith.constant 4 : i32
        %parallel_loop3A_1705 = arith.muli %parallel_loop3A_1704, %parallel_loop3A_1603 : i32
        %parallel_loop3A_1706 = arith.constant 3 : i32
        %parallel_loop3A_1707 = arith.addi %parallel_loop3A_1705, %parallel_loop3A_1706 : i32
        %parallel_loop3A_1708 = arith.constant 1 : i32
        %parallel_loop3A_1709 = arith.index_cast %parallel_loop3A_1708 : i32 to index
        %parallel_loop3A_1710 = arith.index_cast %parallel_loop3A_1707 : i32 to index
        %parallel_loop3A_1711 = arith.constant 16 : index
        %parallel_loop3A_1712 = tpu.vector_load %arg8[%parallel_loop3A_1709, %parallel_loop3A_1710, %parallel_loop3A_1711] {strides = array<i32>} : memref<2x256x128xf32, #tpu.memory_space<vmem>>, vector<1x1x16xf32>,
        %parallel_loop3A_1713 = vector.shape_cast %parallel_loop3A_1712 : vector<1x1x16xf32> to vector<16xf32>
        %parallel_loop3A_1714 = arith.mulf %parallel_loop3A_1615, %parallel_loop3A_1713 : vector<16xf32>
        %parallel_loop3A_1715 = arith.addf %parallel_loop3A_1703, %parallel_loop3A_1714 : vector<16xf32>
        %parallel_loop3A_1716 = arith.addf %parallel_loop3A_1692, %parallel_loop3A_1715 : vector<16xf32>
        %parallel_loop3A_1717 = arith.constant 1 : i32
        %parallel_loop3A_1718 = arith.index_cast %parallel_loop3A_1717 : i32 to index
        %parallel_loop3A_1719 = arith.index_cast %parallel_loop3A_1603 : i32 to index
        %parallel_loop3A_1720 = arith.constant 16 : index
        %parallel_loop3A_1721 = tpu.vector_load %arg9[%parallel_loop3A_1718, %parallel_loop3A_1719, %parallel_loop3A_1720] {strides = array<i32>} : memref<2x64x128xf32, #tpu.memory_space<vmem>>, vector<1x1x16xf32>,
        %parallel_loop3A_1722 = vector.shape_cast %parallel_loop3A_1721 : vector<1x1x16xf32> to vector<16xf32>
        %parallel_loop3A_1723 = vector.shape_cast %parallel_loop3A_1716 : vector<16xf32> to vector<1x1x16xf32>
        tpu.vector_store %arg9[%parallel_loop3A_1718, %parallel_loop3A_1719, %parallel_loop3A_1720], %parallel_loop3A_1723 {strides = array<i32>} : memref<2x64x128xf32, #tpu.memory_space<vmem>>, vector<1x1x16xf32>,
        %parallel_loop3A_1724 = arith.constant 4 : i32
        %parallel_loop3A_1725 = arith.muli %parallel_loop3A_1724, %parallel_loop3A_1603 : i32
        %parallel_loop3A_1726 = arith.constant 0 : i32
        %parallel_loop3A_1727 = arith.addi %parallel_loop3A_1725, %parallel_loop3A_1726 : i32
        %parallel_loop3A_1728 = arith.constant 1 : i32
        %parallel_loop3A_1729 = arith.index_cast %parallel_loop3A_1728 : i32 to index
        %parallel_loop3A_1730 = arith.index_cast %parallel_loop3A_1727 : i32 to index
        %parallel_loop3A_1731 = arith.constant 32 : index
        %parallel_loop3A_1732 = tpu.vector_load %arg8[%parallel_loop3A_1729, %parallel_loop3A_1730, %parallel_loop3A_1731] {strides = array<i32>} : memref<2x256x128xf32, #tpu.memory_space<vmem>>, vector<1x1x16xf32>,
        %parallel_loop3A_1733 = vector.shape_cast %parallel_loop3A_1732 : vector<1x1x16xf32> to vector<16xf32>
        %parallel_loop3A_1734 = arith.mulf %parallel_loop3A_1606, %parallel_loop3A_1733 : vector<16xf32>
        %parallel_loop3A_1735 = arith.constant 4 : i32
        %parallel_loop3A_1736 = arith.muli %parallel_loop3A_1735, %parallel_loop3A_1603 : i32
        %parallel_loop3A_1737 = arith.constant 1 : i32
        %parallel_loop3A_1738 = arith.addi %parallel_loop3A_1736, %parallel_loop3A_1737 : i32
        %parallel_loop3A_1739 = arith.constant 1 : i32
        %parallel_loop3A_1740 = arith.index_cast %parallel_loop3A_1739 : i32 to index
        %parallel_loop3A_1741 = arith.index_cast %parallel_loop3A_1738 : i32 to index
        %parallel_loop3A_1742 = arith.constant 32 : index
        %parallel_loop3A_1743 = tpu.vector_load %arg8[%parallel_loop3A_1740, %parallel_loop3A_1741, %parallel_loop3A_1742] {strides = array<i32>} : memref<2x256x128xf32, #tpu.memory_space<vmem>>, vector<1x1x16xf32>,
        %parallel_loop3A_1744 = vector.shape_cast %parallel_loop3A_1743 : vector<1x1x16xf32> to vector<16xf32>
        %parallel_loop3A_1745 = arith.mulf %parallel_loop3A_1609, %parallel_loop3A_1744 : vector<16xf32>
        %parallel_loop3A_1746 = arith.addf %parallel_loop3A_1734, %parallel_loop3A_1745 : vector<16xf32>
        %parallel_loop3A_1747 = arith.constant 4 : i32
        %parallel_loop3A_1748 = arith.muli %parallel_loop3A_1747, %parallel_loop3A_1603 : i32
        %parallel_loop3A_1749 = arith.constant 2 : i32
        %parallel_loop3A_1750 = arith.addi %parallel_loop3A_1748, %parallel_loop3A_1749 : i32
        %parallel_loop3A_1751 = arith.constant 1 : i32
        %parallel_loop3A_1752 = arith.index_cast %parallel_loop3A_1751 : i32 to index
        %parallel_loop3A_1753 = arith.index_cast %parallel_loop3A_1750 : i32 to index
        %parallel_loop3A_1754 = arith.constant 32 : index
        %parallel_loop3A_1755 = tpu.vector_load %arg8[%parallel_loop3A_1752, %parallel_loop3A_1753, %parallel_loop3A_1754] {strides = array<i32>} : memref<2x256x128xf32, #tpu.memory_space<vmem>>, vector<1x1x16xf32>,
        %parallel_loop3A_1756 = vector.shape_cast %parallel_loop3A_1755 : vector<1x1x16xf32> to vector<16xf32>
        %parallel_loop3A_1757 = arith.mulf %parallel_loop3A_1612, %parallel_loop3A_1756 : vector<16xf32>
        %parallel_loop3A_1758 = arith.constant 4 : i32
        %parallel_loop3A_1759 = arith.muli %parallel_loop3A_1758, %parallel_loop3A_1603 : i32
        %parallel_loop3A_1760 = arith.constant 3 : i32
        %parallel_loop3A_1761 = arith.addi %parallel_loop3A_1759, %parallel_loop3A_1760 : i32
        %parallel_loop3A_1762 = arith.constant 1 : i32
        %parallel_loop3A_1763 = arith.index_cast %parallel_loop3A_1762 : i32 to index
        %parallel_loop3A_1764 = arith.index_cast %parallel_loop3A_1761 : i32 to index
        %parallel_loop3A_1765 = arith.constant 32 : index
        %parallel_loop3A_1766 = tpu.vector_load %arg8[%parallel_loop3A_1763, %parallel_loop3A_1764, %parallel_loop3A_1765] {strides = array<i32>} : memref<2x256x128xf32, #tpu.memory_space<vmem>>, vector<1x1x16xf32>,
        %parallel_loop3A_1767 = vector.shape_cast %parallel_loop3A_1766 : vector<1x1x16xf32> to vector<16xf32>
        %parallel_loop3A_1768 = arith.mulf %parallel_loop3A_1615, %parallel_loop3A_1767 : vector<16xf32>
        %parallel_loop3A_1769 = arith.addf %parallel_loop3A_1757, %parallel_loop3A_1768 : vector<16xf32>
        %parallel_loop3A_1770 = arith.addf %parallel_loop3A_1746, %parallel_loop3A_1769 : vector<16xf32>
        %parallel_loop3A_1771 = arith.constant 1 : i32
        %parallel_loop3A_1772 = arith.index_cast %parallel_loop3A_1771 : i32 to index
        %parallel_loop3A_1773 = arith.index_cast %parallel_loop3A_1603 : i32 to index
        %parallel_loop3A_1774 = arith.constant 32 : index
        %parallel_loop3A_1775 = tpu.vector_load %arg9[%parallel_loop3A_1772, %parallel_loop3A_1773, %parallel_loop3A_1774] {strides = array<i32>} : memref<2x64x128xf32, #tpu.memory_space<vmem>>, vector<1x1x16xf32>,
        %parallel_loop3A_1776 = vector.shape_cast %parallel_loop3A_1775 : vector<1x1x16xf32> to vector<16xf32>
        %parallel_loop3A_1777 = vector.shape_cast %parallel_loop3A_1770 : vector<16xf32> to vector<1x1x16xf32>
        tpu.vector_store %arg9[%parallel_loop3A_1772, %parallel_loop3A_1773, %parallel_loop3A_1774], %parallel_loop3A_1777 {strides = array<i32>} : memref<2x64x128xf32, #tpu.memory_space<vmem>>, vector<1x1x16xf32>,
        %parallel_loop3A_1778 = arith.constant 4 : i32
        %parallel_loop3A_1779 = arith.muli %parallel_loop3A_1778, %parallel_loop3A_1603 : i32
        %parallel_loop3A_1780 = arith.constant 0 : i32
        %parallel_loop3A_1781 = arith.addi %parallel_loop3A_1779, %parallel_loop3A_1780 : i32
        %parallel_loop3A_1782 = arith.constant 1 : i32
        %parallel_loop3A_1783 = arith.index_cast %parallel_loop3A_1782 : i32 to index
        %parallel_loop3A_1784 = arith.index_cast %parallel_loop3A_1781 : i32 to index
        %parallel_loop3A_1785 = arith.constant 48 : index
        %parallel_loop3A_1786 = tpu.vector_load %arg8[%parallel_loop3A_1783, %parallel_loop3A_1784, %parallel_loop3A_1785] {strides = array<i32>} : memref<2x256x128xf32, #tpu.memory_space<vmem>>, vector<1x1x16xf32>,
        %parallel_loop3A_1787 = vector.shape_cast %parallel_loop3A_1786 : vector<1x1x16xf32> to vector<16xf32>
        %parallel_loop3A_1788 = arith.mulf %parallel_loop3A_1606, %parallel_loop3A_1787 : vector<16xf32>
        %parallel_loop3A_1789 = arith.constant 4 : i32
        %parallel_loop3A_1790 = arith.muli %parallel_loop3A_1789, %parallel_loop3A_1603 : i32
        %parallel_loop3A_1791 = arith.constant 1 : i32
        %parallel_loop3A_1792 = arith.addi %parallel_loop3A_1790, %parallel_loop3A_1791 : i32
        %parallel_loop3A_1793 = arith.constant 1 : i32
        %parallel_loop3A_1794 = arith.index_cast %parallel_loop3A_1793 : i32 to index
        %parallel_loop3A_1795 = arith.index_cast %parallel_loop3A_1792 : i32 to index
        %parallel_loop3A_1796 = arith.constant 48 : index
        %parallel_loop3A_1797 = tpu.vector_load %arg8[%parallel_loop3A_1794, %parallel_loop3A_1795, %parallel_loop3A_1796] {strides = array<i32>} : memref<2x256x128xf32, #tpu.memory_space<vmem>>, vector<1x1x16xf32>,
        %parallel_loop3A_1798 = vector.shape_cast %parallel_loop3A_1797 : vector<1x1x16xf32> to vector<16xf32>
        %parallel_loop3A_1799 = arith.mulf %parallel_loop3A_1609, %parallel_loop3A_1798 : vector<16xf32>
        %parallel_loop3A_1800 = arith.addf %parallel_loop3A_1788, %parallel_loop3A_1799 : vector<16xf32>
        %parallel_loop3A_1801 = arith.constant 4 : i32
        %parallel_loop3A_1802 = arith.muli %parallel_loop3A_1801, %parallel_loop3A_1603 : i32
        %parallel_loop3A_1803 = arith.constant 2 : i32
        %parallel_loop3A_1804 = arith.addi %parallel_loop3A_1802, %parallel_loop3A_1803 : i32
        %parallel_loop3A_1805 = arith.constant 1 : i32
        %parallel_loop3A_1806 = arith.index_cast %parallel_loop3A_1805 : i32 to index
        %parallel_loop3A_1807 = arith.index_cast %parallel_loop3A_1804 : i32 to index
        %parallel_loop3A_1808 = arith.constant 48 : index
        %parallel_loop3A_1809 = tpu.vector_load %arg8[%parallel_loop3A_1806, %parallel_loop3A_1807, %parallel_loop3A_1808] {strides = array<i32>} : memref<2x256x128xf32, #tpu.memory_space<vmem>>, vector<1x1x16xf32>,
        %parallel_loop3A_1810 = vector.shape_cast %parallel_loop3A_1809 : vector<1x1x16xf32> to vector<16xf32>
        %parallel_loop3A_1811 = arith.mulf %parallel_loop3A_1612, %parallel_loop3A_1810 : vector<16xf32>
        %parallel_loop3A_1812 = arith.constant 4 : i32
        %parallel_loop3A_1813 = arith.muli %parallel_loop3A_1812, %parallel_loop3A_1603 : i32
        %parallel_loop3A_1814 = arith.constant 3 : i32
        %parallel_loop3A_1815 = arith.addi %parallel_loop3A_1813, %parallel_loop3A_1814 : i32
        %parallel_loop3A_1816 = arith.constant 1 : i32
        %parallel_loop3A_1817 = arith.index_cast %parallel_loop3A_1816 : i32 to index
        %parallel_loop3A_1818 = arith.index_cast %parallel_loop3A_1815 : i32 to index
        %parallel_loop3A_1819 = arith.constant 48 : index
        %parallel_loop3A_1820 = tpu.vector_load %arg8[%parallel_loop3A_1817, %parallel_loop3A_1818, %parallel_loop3A_1819] {strides = array<i32>} : memref<2x256x128xf32, #tpu.memory_space<vmem>>, vector<1x1x16xf32>,
        %parallel_loop3A_1821 = vector.shape_cast %parallel_loop3A_1820 : vector<1x1x16xf32> to vector<16xf32>
        %parallel_loop3A_1822 = arith.mulf %parallel_loop3A_1615, %parallel_loop3A_1821 : vector<16xf32>
        %parallel_loop3A_1823 = arith.addf %parallel_loop3A_1811, %parallel_loop3A_1822 : vector<16xf32>
        %parallel_loop3A_1824 = arith.addf %parallel_loop3A_1800, %parallel_loop3A_1823 : vector<16xf32>
        %parallel_loop3A_1825 = arith.constant 1 : i32
        %parallel_loop3A_1826 = arith.index_cast %parallel_loop3A_1825 : i32 to index
        %parallel_loop3A_1827 = arith.index_cast %parallel_loop3A_1603 : i32 to index
        %parallel_loop3A_1828 = arith.constant 48 : index
        %parallel_loop3A_1829 = tpu.vector_load %arg9[%parallel_loop3A_1826, %parallel_loop3A_1827, %parallel_loop3A_1828] {strides = array<i32>} : memref<2x64x128xf32, #tpu.memory_space<vmem>>, vector<1x1x16xf32>,
        %parallel_loop3A_1830 = vector.shape_cast %parallel_loop3A_1829 : vector<1x1x16xf32> to vector<16xf32>
        %parallel_loop3A_1831 = vector.shape_cast %parallel_loop3A_1824 : vector<16xf32> to vector<1x1x16xf32>
        tpu.vector_store %arg9[%parallel_loop3A_1826, %parallel_loop3A_1827, %parallel_loop3A_1828], %parallel_loop3A_1831 {strides = array<i32>} : memref<2x64x128xf32, #tpu.memory_space<vmem>>, vector<1x1x16xf32>,
        %parallel_loop3A_1832 = arith.constant 4 : i32
        %parallel_loop3A_1833 = arith.muli %parallel_loop3A_1832, %parallel_loop3A_1603 : i32
        %parallel_loop3A_1834 = arith.constant 0 : i32
        %parallel_loop3A_1835 = arith.addi %parallel_loop3A_1833, %parallel_loop3A_1834 : i32
        %parallel_loop3A_1836 = arith.constant 1 : i32
        %parallel_loop3A_1837 = arith.index_cast %parallel_loop3A_1836 : i32 to index
        %parallel_loop3A_1838 = arith.index_cast %parallel_loop3A_1835 : i32 to index
        %parallel_loop3A_1839 = arith.constant 64 : index
        %parallel_loop3A_1840 = tpu.vector_load %arg8[%parallel_loop3A_1837, %parallel_loop3A_1838, %parallel_loop3A_1839] {strides = array<i32>} : memref<2x256x128xf32, #tpu.memory_space<vmem>>, vector<1x1x16xf32>,
        %parallel_loop3A_1841 = vector.shape_cast %parallel_loop3A_1840 : vector<1x1x16xf32> to vector<16xf32>
        %parallel_loop3A_1842 = arith.mulf %parallel_loop3A_1606, %parallel_loop3A_1841 : vector<16xf32>
        %parallel_loop3A_1843 = arith.constant 4 : i32
        %parallel_loop3A_1844 = arith.muli %parallel_loop3A_1843, %parallel_loop3A_1603 : i32
        %parallel_loop3A_1845 = arith.constant 1 : i32
        %parallel_loop3A_1846 = arith.addi %parallel_loop3A_1844, %parallel_loop3A_1845 : i32
        %parallel_loop3A_1847 = arith.constant 1 : i32
        %parallel_loop3A_1848 = arith.index_cast %parallel_loop3A_1847 : i32 to index
        %parallel_loop3A_1849 = arith.index_cast %parallel_loop3A_1846 : i32 to index
        %parallel_loop3A_1850 = arith.constant 64 : index
        %parallel_loop3A_1851 = tpu.vector_load %arg8[%parallel_loop3A_1848, %parallel_loop3A_1849, %parallel_loop3A_1850] {strides = array<i32>} : memref<2x256x128xf32, #tpu.memory_space<vmem>>, vector<1x1x16xf32>,
        %parallel_loop3A_1852 = vector.shape_cast %parallel_loop3A_1851 : vector<1x1x16xf32> to vector<16xf32>
        %parallel_loop3A_1853 = arith.mulf %parallel_loop3A_1609, %parallel_loop3A_1852 : vector<16xf32>
        %parallel_loop3A_1854 = arith.addf %parallel_loop3A_1842, %parallel_loop3A_1853 : vector<16xf32>
        %parallel_loop3A_1855 = arith.constant 4 : i32
        %parallel_loop3A_1856 = arith.muli %parallel_loop3A_1855, %parallel_loop3A_1603 : i32
        %parallel_loop3A_1857 = arith.constant 2 : i32
        %parallel_loop3A_1858 = arith.addi %parallel_loop3A_1856, %parallel_loop3A_1857 : i32
        %parallel_loop3A_1859 = arith.constant 1 : i32
        %parallel_loop3A_1860 = arith.index_cast %parallel_loop3A_1859 : i32 to index
        %parallel_loop3A_1861 = arith.index_cast %parallel_loop3A_1858 : i32 to index
        %parallel_loop3A_1862 = arith.constant 64 : index
        %parallel_loop3A_1863 = tpu.vector_load %arg8[%parallel_loop3A_1860, %parallel_loop3A_1861, %parallel_loop3A_1862] {strides = array<i32>} : memref<2x256x128xf32, #tpu.memory_space<vmem>>, vector<1x1x16xf32>,
        %parallel_loop3A_1864 = vector.shape_cast %parallel_loop3A_1863 : vector<1x1x16xf32> to vector<16xf32>
        %parallel_loop3A_1865 = arith.mulf %parallel_loop3A_1612, %parallel_loop3A_1864 : vector<16xf32>
        %parallel_loop3A_1866 = arith.constant 4 : i32
        %parallel_loop3A_1867 = arith.muli %parallel_loop3A_1866, %parallel_loop3A_1603 : i32
        %parallel_loop3A_1868 = arith.constant 3 : i32
        %parallel_loop3A_1869 = arith.addi %parallel_loop3A_1867, %parallel_loop3A_1868 : i32
        %parallel_loop3A_1870 = arith.constant 1 : i32
        %parallel_loop3A_1871 = arith.index_cast %parallel_loop3A_1870 : i32 to index
        %parallel_loop3A_1872 = arith.index_cast %parallel_loop3A_1869 : i32 to index
        %parallel_loop3A_1873 = arith.constant 64 : index
        %parallel_loop3A_1874 = tpu.vector_load %arg8[%parallel_loop3A_1871, %parallel_loop3A_1872, %parallel_loop3A_1873] {strides = array<i32>} : memref<2x256x128xf32, #tpu.memory_space<vmem>>, vector<1x1x16xf32>,
        %parallel_loop3A_1875 = vector.shape_cast %parallel_loop3A_1874 : vector<1x1x16xf32> to vector<16xf32>
        %parallel_loop3A_1876 = arith.mulf %parallel_loop3A_1615, %parallel_loop3A_1875 : vector<16xf32>
        %parallel_loop3A_1877 = arith.addf %parallel_loop3A_1865, %parallel_loop3A_1876 : vector<16xf32>
        %parallel_loop3A_1878 = arith.addf %parallel_loop3A_1854, %parallel_loop3A_1877 : vector<16xf32>
        %parallel_loop3A_1879 = arith.constant 1 : i32
        %parallel_loop3A_1880 = arith.index_cast %parallel_loop3A_1879 : i32 to index
        %parallel_loop3A_1881 = arith.index_cast %parallel_loop3A_1603 : i32 to index
        %parallel_loop3A_1882 = arith.constant 64 : index
        %parallel_loop3A_1883 = tpu.vector_load %arg9[%parallel_loop3A_1880, %parallel_loop3A_1881, %parallel_loop3A_1882] {strides = array<i32>} : memref<2x64x128xf32, #tpu.memory_space<vmem>>, vector<1x1x16xf32>,
        %parallel_loop3A_1884 = vector.shape_cast %parallel_loop3A_1883 : vector<1x1x16xf32> to vector<16xf32>
        %parallel_loop3A_1885 = vector.shape_cast %parallel_loop3A_1878 : vector<16xf32> to vector<1x1x16xf32>
        tpu.vector_store %arg9[%parallel_loop3A_1880, %parallel_loop3A_1881, %parallel_loop3A_1882], %parallel_loop3A_1885 {strides = array<i32>} : memref<2x64x128xf32, #tpu.memory_space<vmem>>, vector<1x1x16xf32>,
        %parallel_loop3A_1886 = arith.constant 4 : i32
        %parallel_loop3A_1887 = arith.muli %parallel_loop3A_1886, %parallel_loop3A_1603 : i32
        %parallel_loop3A_1888 = arith.constant 0 : i32
        %parallel_loop3A_1889 = arith.addi %parallel_loop3A_1887, %parallel_loop3A_1888 : i32
        %parallel_loop3A_1890 = arith.constant 1 : i32
        %parallel_loop3A_1891 = arith.index_cast %parallel_loop3A_1890 : i32 to index
        %parallel_loop3A_1892 = arith.index_cast %parallel_loop3A_1889 : i32 to index
        %parallel_loop3A_1893 = arith.constant 80 : index
        %parallel_loop3A_1894 = tpu.vector_load %arg8[%parallel_loop3A_1891, %parallel_loop3A_1892, %parallel_loop3A_1893] {strides = array<i32>} : memref<2x256x128xf32, #tpu.memory_space<vmem>>, vector<1x1x16xf32>,
        %parallel_loop3A_1895 = vector.shape_cast %parallel_loop3A_1894 : vector<1x1x16xf32> to vector<16xf32>
        %parallel_loop3A_1896 = arith.mulf %parallel_loop3A_1606, %parallel_loop3A_1895 : vector<16xf32>
        %parallel_loop3A_1897 = arith.constant 4 : i32
        %parallel_loop3A_1898 = arith.muli %parallel_loop3A_1897, %parallel_loop3A_1603 : i32
        %parallel_loop3A_1899 = arith.constant 1 : i32
        %parallel_loop3A_1900 = arith.addi %parallel_loop3A_1898, %parallel_loop3A_1899 : i32
        %parallel_loop3A_1901 = arith.constant 1 : i32
        %parallel_loop3A_1902 = arith.index_cast %parallel_loop3A_1901 : i32 to index
        %parallel_loop3A_1903 = arith.index_cast %parallel_loop3A_1900 : i32 to index
        %parallel_loop3A_1904 = arith.constant 80 : index
        %parallel_loop3A_1905 = tpu.vector_load %arg8[%parallel_loop3A_1902, %parallel_loop3A_1903, %parallel_loop3A_1904] {strides = array<i32>} : memref<2x256x128xf32, #tpu.memory_space<vmem>>, vector<1x1x16xf32>,
        %parallel_loop3A_1906 = vector.shape_cast %parallel_loop3A_1905 : vector<1x1x16xf32> to vector<16xf32>
        %parallel_loop3A_1907 = arith.mulf %parallel_loop3A_1609, %parallel_loop3A_1906 : vector<16xf32>
        %parallel_loop3A_1908 = arith.addf %parallel_loop3A_1896, %parallel_loop3A_1907 : vector<16xf32>
        %parallel_loop3A_1909 = arith.constant 4 : i32
        %parallel_loop3A_1910 = arith.muli %parallel_loop3A_1909, %parallel_loop3A_1603 : i32
        %parallel_loop3A_1911 = arith.constant 2 : i32
        %parallel_loop3A_1912 = arith.addi %parallel_loop3A_1910, %parallel_loop3A_1911 : i32
        %parallel_loop3A_1913 = arith.constant 1 : i32
        %parallel_loop3A_1914 = arith.index_cast %parallel_loop3A_1913 : i32 to index
        %parallel_loop3A_1915 = arith.index_cast %parallel_loop3A_1912 : i32 to index
        %parallel_loop3A_1916 = arith.constant 80 : index
        %parallel_loop3A_1917 = tpu.vector_load %arg8[%parallel_loop3A_1914, %parallel_loop3A_1915, %parallel_loop3A_1916] {strides = array<i32>} : memref<2x256x128xf32, #tpu.memory_space<vmem>>, vector<1x1x16xf32>,
        %parallel_loop3A_1918 = vector.shape_cast %parallel_loop3A_1917 : vector<1x1x16xf32> to vector<16xf32>
        %parallel_loop3A_1919 = arith.mulf %parallel_loop3A_1612, %parallel_loop3A_1918 : vector<16xf32>
        %parallel_loop3A_1920 = arith.constant 4 : i32
        %parallel_loop3A_1921 = arith.muli %parallel_loop3A_1920, %parallel_loop3A_1603 : i32
        %parallel_loop3A_1922 = arith.constant 3 : i32
        %parallel_loop3A_1923 = arith.addi %parallel_loop3A_1921, %parallel_loop3A_1922 : i32
        %parallel_loop3A_1924 = arith.constant 1 : i32
        %parallel_loop3A_1925 = arith.index_cast %parallel_loop3A_1924 : i32 to index
        %parallel_loop3A_1926 = arith.index_cast %parallel_loop3A_1923 : i32 to index
        %parallel_loop3A_1927 = arith.constant 80 : index
        %parallel_loop3A_1928 = tpu.vector_load %arg8[%parallel_loop3A_1925, %parallel_loop3A_1926, %parallel_loop3A_1927] {strides = array<i32>} : memref<2x256x128xf32, #tpu.memory_space<vmem>>, vector<1x1x16xf32>,
        %parallel_loop3A_1929 = vector.shape_cast %parallel_loop3A_1928 : vector<1x1x16xf32> to vector<16xf32>
        %parallel_loop3A_1930 = arith.mulf %parallel_loop3A_1615, %parallel_loop3A_1929 : vector<16xf32>
        %parallel_loop3A_1931 = arith.addf %parallel_loop3A_1919, %parallel_loop3A_1930 : vector<16xf32>
        %parallel_loop3A_1932 = arith.addf %parallel_loop3A_1908, %parallel_loop3A_1931 : vector<16xf32>
        %parallel_loop3A_1933 = arith.constant 1 : i32
        %parallel_loop3A_1934 = arith.index_cast %parallel_loop3A_1933 : i32 to index
        %parallel_loop3A_1935 = arith.index_cast %parallel_loop3A_1603 : i32 to index
        %parallel_loop3A_1936 = arith.constant 80 : index
        %parallel_loop3A_1937 = tpu.vector_load %arg9[%parallel_loop3A_1934, %parallel_loop3A_1935, %parallel_loop3A_1936] {strides = array<i32>} : memref<2x64x128xf32, #tpu.memory_space<vmem>>, vector<1x1x16xf32>,
        %parallel_loop3A_1938 = vector.shape_cast %parallel_loop3A_1937 : vector<1x1x16xf32> to vector<16xf32>
        %parallel_loop3A_1939 = vector.shape_cast %parallel_loop3A_1932 : vector<16xf32> to vector<1x1x16xf32>
        tpu.vector_store %arg9[%parallel_loop3A_1934, %parallel_loop3A_1935, %parallel_loop3A_1936], %parallel_loop3A_1939 {strides = array<i32>} : memref<2x64x128xf32, #tpu.memory_space<vmem>>, vector<1x1x16xf32>,
        %parallel_loop3A_1940 = arith.constant 4 : i32
        %parallel_loop3A_1941 = arith.muli %parallel_loop3A_1940, %parallel_loop3A_1603 : i32
        %parallel_loop3A_1942 = arith.constant 0 : i32
        %parallel_loop3A_1943 = arith.addi %parallel_loop3A_1941, %parallel_loop3A_1942 : i32
        %parallel_loop3A_1944 = arith.constant 1 : i32
        %parallel_loop3A_1945 = arith.index_cast %parallel_loop3A_1944 : i32 to index
        %parallel_loop3A_1946 = arith.index_cast %parallel_loop3A_1943 : i32 to index
        %parallel_loop3A_1947 = arith.constant 96 : index
        %parallel_loop3A_1948 = tpu.vector_load %arg8[%parallel_loop3A_1945, %parallel_loop3A_1946, %parallel_loop3A_1947] {strides = array<i32>} : memref<2x256x128xf32, #tpu.memory_space<vmem>>, vector<1x1x16xf32>,
        %parallel_loop3A_1949 = vector.shape_cast %parallel_loop3A_1948 : vector<1x1x16xf32> to vector<16xf32>
        %parallel_loop3A_1950 = arith.mulf %parallel_loop3A_1606, %parallel_loop3A_1949 : vector<16xf32>
        %parallel_loop3A_1951 = arith.constant 4 : i32
        %parallel_loop3A_1952 = arith.muli %parallel_loop3A_1951, %parallel_loop3A_1603 : i32
        %parallel_loop3A_1953 = arith.constant 1 : i32
        %parallel_loop3A_1954 = arith.addi %parallel_loop3A_1952, %parallel_loop3A_1953 : i32
        %parallel_loop3A_1955 = arith.constant 1 : i32
        %parallel_loop3A_1956 = arith.index_cast %parallel_loop3A_1955 : i32 to index
        %parallel_loop3A_1957 = arith.index_cast %parallel_loop3A_1954 : i32 to index
        %parallel_loop3A_1958 = arith.constant 96 : index
        %parallel_loop3A_1959 = tpu.vector_load %arg8[%parallel_loop3A_1956, %parallel_loop3A_1957, %parallel_loop3A_1958] {strides = array<i32>} : memref<2x256x128xf32, #tpu.memory_space<vmem>>, vector<1x1x16xf32>,
        %parallel_loop3A_1960 = vector.shape_cast %parallel_loop3A_1959 : vector<1x1x16xf32> to vector<16xf32>
        %parallel_loop3A_1961 = arith.mulf %parallel_loop3A_1609, %parallel_loop3A_1960 : vector<16xf32>
        %parallel_loop3A_1962 = arith.addf %parallel_loop3A_1950, %parallel_loop3A_1961 : vector<16xf32>
        %parallel_loop3A_1963 = arith.constant 4 : i32
        %parallel_loop3A_1964 = arith.muli %parallel_loop3A_1963, %parallel_loop3A_1603 : i32
        %parallel_loop3A_1965 = arith.constant 2 : i32
        %parallel_loop3A_1966 = arith.addi %parallel_loop3A_1964, %parallel_loop3A_1965 : i32
        %parallel_loop3A_1967 = arith.constant 1 : i32
        %parallel_loop3A_1968 = arith.index_cast %parallel_loop3A_1967 : i32 to index
        %parallel_loop3A_1969 = arith.index_cast %parallel_loop3A_1966 : i32 to index
        %parallel_loop3A_1970 = arith.constant 96 : index
        %parallel_loop3A_1971 = tpu.vector_load %arg8[%parallel_loop3A_1968, %parallel_loop3A_1969, %parallel_loop3A_1970] {strides = array<i32>} : memref<2x256x128xf32, #tpu.memory_space<vmem>>, vector<1x1x16xf32>,
        %parallel_loop3A_1972 = vector.shape_cast %parallel_loop3A_1971 : vector<1x1x16xf32> to vector<16xf32>
        %parallel_loop3A_1973 = arith.mulf %parallel_loop3A_1612, %parallel_loop3A_1972 : vector<16xf32>
        %parallel_loop3A_1974 = arith.constant 4 : i32
        %parallel_loop3A_1975 = arith.muli %parallel_loop3A_1974, %parallel_loop3A_1603 : i32
        %parallel_loop3A_1976 = arith.constant 3 : i32
        %parallel_loop3A_1977 = arith.addi %parallel_loop3A_1975, %parallel_loop3A_1976 : i32
        %parallel_loop3A_1978 = arith.constant 1 : i32
        %parallel_loop3A_1979 = arith.index_cast %parallel_loop3A_1978 : i32 to index
        %parallel_loop3A_1980 = arith.index_cast %parallel_loop3A_1977 : i32 to index
        %parallel_loop3A_1981 = arith.constant 96 : index
        %parallel_loop3A_1982 = tpu.vector_load %arg8[%parallel_loop3A_1979, %parallel_loop3A_1980, %parallel_loop3A_1981] {strides = array<i32>} : memref<2x256x128xf32, #tpu.memory_space<vmem>>, vector<1x1x16xf32>,
        %parallel_loop3A_1983 = vector.shape_cast %parallel_loop3A_1982 : vector<1x1x16xf32> to vector<16xf32>
        %parallel_loop3A_1984 = arith.mulf %parallel_loop3A_1615, %parallel_loop3A_1983 : vector<16xf32>
        %parallel_loop3A_1985 = arith.addf %parallel_loop3A_1973, %parallel_loop3A_1984 : vector<16xf32>
        %parallel_loop3A_1986 = arith.addf %parallel_loop3A_1962, %parallel_loop3A_1985 : vector<16xf32>
        %parallel_loop3A_1987 = arith.constant 1 : i32
        %parallel_loop3A_1988 = arith.index_cast %parallel_loop3A_1987 : i32 to index
        %parallel_loop3A_1989 = arith.index_cast %parallel_loop3A_1603 : i32 to index
        %parallel_loop3A_1990 = arith.constant 96 : index
        %parallel_loop3A_1991 = tpu.vector_load %arg9[%parallel_loop3A_1988, %parallel_loop3A_1989, %parallel_loop3A_1990] {strides = array<i32>} : memref<2x64x128xf32, #tpu.memory_space<vmem>>, vector<1x1x16xf32>,
        %parallel_loop3A_1992 = vector.shape_cast %parallel_loop3A_1991 : vector<1x1x16xf32> to vector<16xf32>
        %parallel_loop3A_1993 = vector.shape_cast %parallel_loop3A_1986 : vector<16xf32> to vector<1x1x16xf32>
        tpu.vector_store %arg9[%parallel_loop3A_1988, %parallel_loop3A_1989, %parallel_loop3A_1990], %parallel_loop3A_1993 {strides = array<i32>} : memref<2x64x128xf32, #tpu.memory_space<vmem>>, vector<1x1x16xf32>,
        %parallel_loop3A_1994 = arith.constant 4 : i32
        %parallel_loop3A_1995 = arith.muli %parallel_loop3A_1994, %parallel_loop3A_1603 : i32
        %parallel_loop3A_1996 = arith.constant 0 : i32
        %parallel_loop3A_1997 = arith.addi %parallel_loop3A_1995, %parallel_loop3A_1996 : i32
        %parallel_loop3A_1998 = arith.constant 1 : i32
        %parallel_loop3A_1999 = arith.index_cast %parallel_loop3A_1998 : i32 to index
        %parallel_loop3A_2000 = arith.index_cast %parallel_loop3A_1997 : i32 to index
        %parallel_loop3A_2001 = arith.constant 112 : index
        %parallel_loop3A_2002 = tpu.vector_load %arg8[%parallel_loop3A_1999, %parallel_loop3A_2000, %parallel_loop3A_2001] {strides = array<i32>} : memref<2x256x128xf32, #tpu.memory_space<vmem>>, vector<1x1x16xf32>,
        %parallel_loop3A_2003 = vector.shape_cast %parallel_loop3A_2002 : vector<1x1x16xf32> to vector<16xf32>
        %parallel_loop3A_2004 = arith.mulf %parallel_loop3A_1606, %parallel_loop3A_2003 : vector<16xf32>
        %parallel_loop3A_2005 = arith.constant 4 : i32
        %parallel_loop3A_2006 = arith.muli %parallel_loop3A_2005, %parallel_loop3A_1603 : i32
        %parallel_loop3A_2007 = arith.constant 1 : i32
        %parallel_loop3A_2008 = arith.addi %parallel_loop3A_2006, %parallel_loop3A_2007 : i32
        %parallel_loop3A_2009 = arith.constant 1 : i32
        %parallel_loop3A_2010 = arith.index_cast %parallel_loop3A_2009 : i32 to index
        %parallel_loop3A_2011 = arith.index_cast %parallel_loop3A_2008 : i32 to index
        %parallel_loop3A_2012 = arith.constant 112 : index
        %parallel_loop3A_2013 = tpu.vector_load %arg8[%parallel_loop3A_2010, %parallel_loop3A_2011, %parallel_loop3A_2012] {strides = array<i32>} : memref<2x256x128xf32, #tpu.memory_space<vmem>>, vector<1x1x16xf32>,
        %parallel_loop3A_2014 = vector.shape_cast %parallel_loop3A_2013 : vector<1x1x16xf32> to vector<16xf32>
        %parallel_loop3A_2015 = arith.mulf %parallel_loop3A_1609, %parallel_loop3A_2014 : vector<16xf32>
        %parallel_loop3A_2016 = arith.addf %parallel_loop3A_2004, %parallel_loop3A_2015 : vector<16xf32>
        %parallel_loop3A_2017 = arith.constant 4 : i32
        %parallel_loop3A_2018 = arith.muli %parallel_loop3A_2017, %parallel_loop3A_1603 : i32
        %parallel_loop3A_2019 = arith.constant 2 : i32
        %parallel_loop3A_2020 = arith.addi %parallel_loop3A_2018, %parallel_loop3A_2019 : i32
        %parallel_loop3A_2021 = arith.constant 1 : i32
        %parallel_loop3A_2022 = arith.index_cast %parallel_loop3A_2021 : i32 to index
        %parallel_loop3A_2023 = arith.index_cast %parallel_loop3A_2020 : i32 to index
        %parallel_loop3A_2024 = arith.constant 112 : index
        %parallel_loop3A_2025 = tpu.vector_load %arg8[%parallel_loop3A_2022, %parallel_loop3A_2023, %parallel_loop3A_2024] {strides = array<i32>} : memref<2x256x128xf32, #tpu.memory_space<vmem>>, vector<1x1x16xf32>,
        %parallel_loop3A_2026 = vector.shape_cast %parallel_loop3A_2025 : vector<1x1x16xf32> to vector<16xf32>
        %parallel_loop3A_2027 = arith.mulf %parallel_loop3A_1612, %parallel_loop3A_2026 : vector<16xf32>
        %parallel_loop3A_2028 = arith.constant 4 : i32
        %parallel_loop3A_2029 = arith.muli %parallel_loop3A_2028, %parallel_loop3A_1603 : i32
        %parallel_loop3A_2030 = arith.constant 3 : i32
        %parallel_loop3A_2031 = arith.addi %parallel_loop3A_2029, %parallel_loop3A_2030 : i32
        %parallel_loop3A_2032 = arith.constant 1 : i32
        %parallel_loop3A_2033 = arith.index_cast %parallel_loop3A_2032 : i32 to index
        %parallel_loop3A_2034 = arith.index_cast %parallel_loop3A_2031 : i32 to index
        %parallel_loop3A_2035 = arith.constant 112 : index
        %parallel_loop3A_2036 = tpu.vector_load %arg8[%parallel_loop3A_2033, %parallel_loop3A_2034, %parallel_loop3A_2035] {strides = array<i32>} : memref<2x256x128xf32, #tpu.memory_space<vmem>>, vector<1x1x16xf32>,
        %parallel_loop3A_2037 = vector.shape_cast %parallel_loop3A_2036 : vector<1x1x16xf32> to vector<16xf32>
        %parallel_loop3A_2038 = arith.mulf %parallel_loop3A_1615, %parallel_loop3A_2037 : vector<16xf32>
        %parallel_loop3A_2039 = arith.addf %parallel_loop3A_2027, %parallel_loop3A_2038 : vector<16xf32>
        %parallel_loop3A_2040 = arith.addf %parallel_loop3A_2016, %parallel_loop3A_2039 : vector<16xf32>
        %parallel_loop3A_2041 = arith.constant 1 : i32
        %parallel_loop3A_2042 = arith.index_cast %parallel_loop3A_2041 : i32 to index
        %parallel_loop3A_2043 = arith.index_cast %parallel_loop3A_1603 : i32 to index
        %parallel_loop3A_2044 = arith.constant 112 : index
        %parallel_loop3A_2045 = tpu.vector_load %arg9[%parallel_loop3A_2042, %parallel_loop3A_2043, %parallel_loop3A_2044] {strides = array<i32>} : memref<2x64x128xf32, #tpu.memory_space<vmem>>, vector<1x1x16xf32>,
        %parallel_loop3A_2046 = vector.shape_cast %parallel_loop3A_2045 : vector<1x1x16xf32> to vector<16xf32>
        %parallel_loop3A_2047 = vector.shape_cast %parallel_loop3A_2040 : vector<16xf32> to vector<1x1x16xf32>
        tpu.vector_store %arg9[%parallel_loop3A_2042, %parallel_loop3A_2043, %parallel_loop3A_2044], %parallel_loop3A_2047 {strides = array<i32>} : memref<2x64x128xf32, #tpu.memory_space<vmem>>, vector<1x1x16xf32>,
      } {sc.loop_unroll_factor = 2 : i64, sc.parallel_access}
      %add3A_181 = arith.constant 2 : i32
      %add3A_182 = arith.addi %add3A_142, %add3A_181 : i32
      %lt3A_183 = arith.constant 32 : i32
      %lt3A_184 = arith.cmpi slt, %add3A_182, %lt3A_183 : i32
      %convert_element_type3A_185 = arith.extui %lt3A_184 : i1 to i32
      %cond3A_186 = arith.constant 0 : i32
      %cond3A_187 = arith.cmpi ne, %convert_element_type3A_185, %cond3A_186 : i32
      scf.if %cond3A_187 {
        %add3A_204 = arith.constant 2 : i32
        %add3A_205 = arith.addi %add3A_142, %add3A_204 : i32
        %mul3A_206 = arith.constant 2 : i32
        %mul3A_207 = arith.muli %mul3A_206, %add3A_205 : i32
        %add3A_208 = arith.constant 0 : i32
        %add3A_209 = arith.addi %mul3A_207, %add3A_208 : i32
        %mul3A_210 = arith.constant 128 : i32
        %mul3A_211 = arith.muli %add3A_209, %mul3A_210 : i32
        %dma_start3A_212 = arith.constant 1 : i32
        %dma_start3A_213 = arith.constant 0 : i32
        %dma_start3A_214 = arith.constant 0 : i32
        %dma_start3A_215 = tpu.memref_slice %arg8[%dma_start3A_212, %dma_start3A_213, %dma_start3A_214] : memref<2x256x128xf32, #tpu.memory_space<vmem>> -> memref<1x128x128xf32, #tpu.memory_space<vmem>>
        %dma_start3A_216 = tpu.memref_squeeze %dma_start3A_215 : memref<1x128x128xf32, #tpu.memory_space<vmem>> -> memref<128x128xf32, #tpu.memory_space<vmem>>
        %dma_start3A_217 = tpu.memref_slice %arg6[%mul3A_211] : memref<8192xi32, #tpu.memory_space<vmem>> -> memref<128xi32, #tpu.memory_space<vmem>>
        %dma_start3A_218 = arith.constant 0 : i32
        %dma_start3A_219 = arith.constant 0 : i32
        %dma_start3A_220 = tpu.memref_slice %arg2[%dma_start3A_218, %dma_start3A_219] : memref<196608x128xf32, #tpu.memory_space<hbm>> -> memref<196608x128xf32, #tpu.memory_space<hbm>>
        tpu.enqueue_indirect_dma source(%dma_start3A_220 : memref<196608x128xf32, #tpu.memory_space<hbm>>) target(%dma_start3A_216 : memref<128x128xf32, #tpu.memory_space<vmem>>) offsets(%dma_start3A_217 : memref<128xi32, #tpu.memory_space<vmem>>) semaphore(%arg11 : memref<!tpu.dma_semaphore, #tpu.memory_space<semaphore_mem>>)
        %mul3A_221 = arith.constant 2 : i32
        %mul3A_222 = arith.muli %mul3A_221, %add3A_205 : i32
        %add3A_223 = arith.constant 1 : i32
        %add3A_224 = arith.addi %mul3A_222, %add3A_223 : i32
        %mul3A_225 = arith.constant 128 : i32
        %mul3A_226 = arith.muli %add3A_224, %mul3A_225 : i32
        %dma_start3A_227 = arith.constant 1 : i32
        %dma_start3A_228 = arith.constant 128 : i32
        %dma_start3A_229 = arith.constant 0 : i32
        %dma_start3A_230 = tpu.memref_slice %arg8[%dma_start3A_227, %dma_start3A_228, %dma_start3A_229] : memref<2x256x128xf32, #tpu.memory_space<vmem>> -> memref<1x128x128xf32, #tpu.memory_space<vmem>>
        %dma_start3A_231 = tpu.memref_squeeze %dma_start3A_230 : memref<1x128x128xf32, #tpu.memory_space<vmem>> -> memref<128x128xf32, #tpu.memory_space<vmem>>
        %dma_start3A_232 = tpu.memref_slice %arg6[%mul3A_226] : memref<8192xi32, #tpu.memory_space<vmem>> -> memref<128xi32, #tpu.memory_space<vmem>>
        %dma_start3A_233 = arith.constant 0 : i32
        %dma_start3A_234 = arith.constant 0 : i32
        %dma_start3A_235 = tpu.memref_slice %arg2[%dma_start3A_233, %dma_start3A_234] : memref<196608x128xf32, #tpu.memory_space<hbm>> -> memref<196608x128xf32, #tpu.memory_space<hbm>>
        tpu.enqueue_indirect_dma source(%dma_start3A_235 : memref<196608x128xf32, #tpu.memory_space<hbm>>) target(%dma_start3A_231 : memref<128x128xf32, #tpu.memory_space<vmem>>) offsets(%dma_start3A_232 : memref<128xi32, #tpu.memory_space<vmem>>) semaphore(%arg11 : memref<!tpu.dma_semaphore, #tpu.memory_space<semaphore_mem>>)
      } else {
      }
      %mul3A_188 = arith.constant 64 : i32
      %mul3A_189 = arith.muli %add3A_142, %mul3A_188 : i32
      %add3A_190 = arith.addi %mul3A_2, %mul3A_189 : i32
      %dma_start3A_191 = arith.constant 1 : i32
      %dma_start3A_192 = arith.constant 0 : i32
      %dma_start3A_193 = arith.constant 0 : i32
      %dma_start3A_194 = tpu.memref_slice %arg9[%dma_start3A_191, %dma_start3A_192, %dma_start3A_193] : memref<2x64x128xf32, #tpu.memory_space<vmem>> -> memref<1x64x128xf32, #tpu.memory_space<vmem>>
      %dma_start3A_195 = tpu.memref_squeeze %dma_start3A_194 : memref<1x64x128xf32, #tpu.memory_space<vmem>> -> memref<64x128xf32, #tpu.memory_space<vmem>>
      %dma_start3A_196 = arith.constant 0 : i32
      %dma_start3A_197 = tpu.memref_slice %arg5[%add3A_190, %dma_start3A_196] : memref<65536x128xf32, #tpu.memory_space<hbm>> -> memref<64x128xf32, #tpu.memory_space<hbm>>
      %dma_start3A_198 = arith.constant 0 : i32
      %dma_start3A_199 = tpu.memref_slice %arg5[%add3A_190, %dma_start3A_198] : memref<65536x128xf32, #tpu.memory_space<hbm>> -> memref<64x128xf32, #tpu.memory_space<hbm>>
      %dma_start3A_200 = arith.constant 0 : i32
      %dma_start3A_201 = arith.constant 0 : i32
      %dma_start3A_202 = tpu.memref_slice %arg9[%dma_start3A_191, %dma_start3A_200, %dma_start3A_201] : memref<2x64x128xf32, #tpu.memory_space<vmem>> -> memref<1x64x128xf32, #tpu.memory_space<vmem>>
      %dma_start3A_203 = tpu.memref_squeeze %dma_start3A_202 : memref<1x64x128xf32, #tpu.memory_space<vmem>> -> memref<64x128xf32, #tpu.memory_space<vmem>>
      tpu.enqueue_dma source(%dma_start3A_203 : memref<64x128xf32, #tpu.memory_space<vmem>>) target(%dma_start3A_199 : memref<64x128xf32, #tpu.memory_space<hbm>>) target_semaphore(%arg13 : memref<!tpu.dma_semaphore, #tpu.memory_space<semaphore_mem>>)
    }
    %scan3A_48 = arith.constant 16 : i32
    %add3A_49 = arith.constant 1920 : i32
    %add3A_50 = arith.addi %mul3A_2, %add3A_49 : i32
    %dma_wait3A = arith.constant 0 : i32
    %dma_wait3A_51 = arith.constant 0 : i32
    %dma_wait3A_52 = arith.constant 0 : i32
    %dma_wait3A_53 = tpu.memref_slice %arg9[%dma_wait3A, %dma_wait3A_51, %dma_wait3A_52] : memref<2x64x128xf32, #tpu.memory_space<vmem>> -> memref<1x64x128xf32, #tpu.memory_space<vmem>>
    %dma_wait3A_54 = tpu.memref_squeeze %dma_wait3A_53 : memref<1x64x128xf32, #tpu.memory_space<vmem>> -> memref<64x128xf32, #tpu.memory_space<vmem>>
    %dma_wait3A_55 = arith.constant 0 : i32
    %dma_wait3A_56 = tpu.memref_slice %arg5[%add3A_50, %dma_wait3A_55] : memref<65536x128xf32, #tpu.memory_space<hbm>> -> memref<64x128xf32, #tpu.memory_space<hbm>>
    %dma_wait3A_57 = arith.constant 0 : i32
    %dma_wait3A_58 = tpu.memref_slice %arg5[%add3A_50, %dma_wait3A_57] : memref<65536x128xf32, #tpu.memory_space<hbm>> -> memref<64x128xf32, #tpu.memory_space<hbm>>
    %dma_wait3A_59 = arith.constant 0 : i32
    %dma_wait3A_60 = arith.constant 0 : i32
    %dma_wait3A_61 = tpu.memref_slice %arg9[%dma_wait3A, %dma_wait3A_59, %dma_wait3A_60] : memref<2x64x128xf32, #tpu.memory_space<vmem>> -> memref<1x64x128xf32, #tpu.memory_space<vmem>>
    %dma_wait3A_62 = tpu.memref_squeeze %dma_wait3A_61 : memref<1x64x128xf32, #tpu.memory_space<vmem>> -> memref<64x128xf32, #tpu.memory_space<vmem>>
    tpu.wait_dma2 semaphore(%arg12 : memref<!tpu.dma_semaphore, #tpu.memory_space<semaphore_mem>>) src(%dma_wait3A_62 : memref<64x128xf32, #tpu.memory_space<vmem>>) dst(%dma_wait3A_58 : memref<64x128xf32, #tpu.memory_space<hbm>>)
    %add3A_63 = arith.constant 1984 : i32
    %add3A_64 = arith.addi %mul3A_2, %add3A_63 : i32
    %dma_wait3A_65 = arith.constant 1 : i32
    %dma_wait3A_66 = arith.constant 0 : i32
    %dma_wait3A_67 = arith.constant 0 : i32
    %dma_wait3A_68 = tpu.memref_slice %arg9[%dma_wait3A_65, %dma_wait3A_66, %dma_wait3A_67] : memref<2x64x128xf32, #tpu.memory_space<vmem>> -> memref<1x64x128xf32, #tpu.memory_space<vmem>>
    %dma_wait3A_69 = tpu.memref_squeeze %dma_wait3A_68 : memref<1x64x128xf32, #tpu.memory_space<vmem>> -> memref<64x128xf32, #tpu.memory_space<vmem>>
    %dma_wait3A_70 = arith.constant 0 : i32
    %dma_wait3A_71 = tpu.memref_slice %arg5[%add3A_64, %dma_wait3A_70] : memref<65536x128xf32, #tpu.memory_space<hbm>> -> memref<64x128xf32, #tpu.memory_space<hbm>>
    %dma_wait3A_72 = arith.constant 0 : i32
    %dma_wait3A_73 = tpu.memref_slice %arg5[%add3A_64, %dma_wait3A_72] : memref<65536x128xf32, #tpu.memory_space<hbm>> -> memref<64x128xf32, #tpu.memory_space<hbm>>
    %dma_wait3A_74 = arith.constant 0 : i32
    %dma_wait3A_75 = arith.constant 0 : i32
    %dma_wait3A_76 = tpu.memref_slice %arg9[%dma_wait3A_65, %dma_wait3A_74, %dma_wait3A_75] : memref<2x64x128xf32, #tpu.memory_space<vmem>> -> memref<1x64x128xf32, #tpu.memory_space<vmem>>
    %dma_wait3A_77 = tpu.memref_squeeze %dma_wait3A_76 : memref<1x64x128xf32, #tpu.memory_space<vmem>> -> memref<64x128xf32, #tpu.memory_space<vmem>>
    tpu.wait_dma2 semaphore(%arg13 : memref<!tpu.dma_semaphore, #tpu.memory_space<semaphore_mem>>) src(%dma_wait3A_77 : memref<64x128xf32, #tpu.memory_space<vmem>>) dst(%dma_wait3A_73 : memref<64x128xf32, #tpu.memory_space<hbm>>)
    return
  }
}

</mosaic_0001>

<sc_bundles>
// kernel: kernel.3.cloned.1.call-start
scs
__scs_entry_jumppad:
0x0: {  	(pc) =	sbr.rel $0x88, $3  }
0x1: {  	(tag) =	ssettag $0x0;
	lr =	simm.s32 $0x1  }
0x2: {  	[smem:$0x3F9E] =	sst lr;
	_ =	strace $0xD0000000  }
0x3: {  	_ = 	snop  }
0x4: {  	_ = 	snop  }
0x5: {  	_ = 	snop  }
0x6: {  	_ = 	snop  }
0x7: {  	_ = 	snop  }
__scs_overlays_trampoline_lowered:
0x8: {  	[smem:$0x3FAD] =	sst s0  }
0x9: {  	[smem:$0x3FAE] =	sst s1  }
0xa: {  	[smem:$0x3FAF] =	sst s2  }
0xb: {  	[smem:$0x3FB0] =	sst s3  }
0xc: {  	[smem:$0x3FB1] =	sst s4  }
0xd: {  	[smem:$0x3FB2] =	sst s5  }
0xe: {  	[smem:$0x3FB3] =	sst s6  }
0xf: {  	[smem:$0x3FB4] =	sst s7  }
0x10: {  	[smem:$0x3FB5] =	sst s8  }
0x11: {  	[smem:$0x3FB6] =	sst s9;
	s0 =	simm.s32 @!p0 $0x0  }
0x12: {  	s1 =	sld [smem:$0x3F9C];
	s0 =	simm.s32 @p0 $0x1  }
0x13: {  	[smem:$0x3FB7] =	sst s0;
	s0 =	simm.s32 @!p1 $0x0  }
0x14: {  	s2 =	sld [smem:$0x3F9B];
	s0 =	simm.s32 @p1 $0x1  }
0x15: {  	[smem:$0x3FB8] =	sst s0;
	s0 =	simm.s32 @!p2 $0x0  }
0x16: {  	s3 =	sld [smem:$0x3FDB];
	s0 =	simm.s32 @p2 $0x1  }
0x17: {  	s4 =	simm.s32 $0x1BF5;
	[smem:$0x3FBA] =	sst s0  }
0x18: {  	s0 =	sld [smem:$0x3F9D];
	_ =	swait.ge [sflag:s4], $0x0  }
0x19: {  	s7 =	sld [smem:$0x3F9E]  }
0x1a: {  	s8 =	sadd.s32 $0xFFFFE003, lr  }
0x1b: {  	s9 =	sadd.s32 $0xFFFFFEF7, lr;
	s5 =	simm.s32 $0xFFFFFFFF;
	p2 =	slt.u32 s8, $0xFFFFF086  }
0x1c: {  	p1 =	slt.u32 s9, $0xF7A;
	s5 =	simm.s32 @!p2 $0x0  }
0x1d: {  	s5 =	simm.s32 @p1 $0x1;
	p0 =	seq.s32 s7, s2  }
0x1e: {  	s7 =	smul.u32 @!p0 $0xF7A, s2;
	p2 =	seq.s32 @!p0 s5, $0x0  }
0x1f: {  	s9 =	smul.u32 $0xF7A, s1;
	s8 =	simm.s32 @!p0 $0x1BF5;
	p2 =	por !p2, p0  }
0x20: {  	[sflag:s8] =	ssyncset.s32 @!p0 $0xFFFFF086;
	s6 =	sadd.s32 @!p0 s3, s7;
	s7 =	simm.s32 @!p0 $0x108  }
0x21: {  	s3 =	sadd.s32 s3, s9;
	s6 =	sadd.s32 @!p0 $0x88, s6;
	s7 =	simm.s32 @p2 $0x1082  }
0x22: {  	[simem:s7], [sflag:s8] =	dma.local @!p0 [hbm:s6], $0xF7A  }
0x23: {  	s9 =	sor.u32 $0xD0000000, s2;
	s6 =	simm.s32 $0x108;
	_ =	swait.ge @!p0 [sflag:s8], $0x0  }
0x24: {  	s3 =	sadd.s32 $0x88, s3;
	s6 =	simm.s32 @!p1 $0x1082;
	[sflag:s4] =	ssyncset.s32 $0xFFFFF086  }
0x25: {  	[simem:s6], [sflag:s4] =	dma.local [hbm:s3], $0xF7A  }
0x26: {  	[smem:$0x3F9E] =	sst s1;
	(tag) =	ssettag s2;
	_ =	strace s9  }
0x27: {  	s1 =	sld [smem:$0x3FAE]  }
0x28: {  	s2 =	sld [smem:$0x3FAF]  }
0x29: {  	s4 =	sld [smem:$0x3FB1]  }
0x2a: {  	p0 =	seq.s32 s5, $0x0;
	s5 =	sld [smem:$0x3FB2]  }
0x2b: {  	s6 =	sld [smem:$0x3FB3]  }
0x2c: {  	s7 =	sld [smem:$0x3FB4]  }
0x2d: {  	s3 =	simm.s32 $0x108;
	s8 =	sld [smem:$0x3FB5]  }
0x2e: {  	s3 =	simm.s32 @!p0 $0x1082;
	s9 =	sld [smem:$0x3FB6]  }
0x2f: {  	lr =	sadd.s32 s0, s3;
	s0 =	sld [smem:$0x3FAD]  }
0x30: {  	s3 =	sld [smem:$0x3FB0]  }
0x31: {  	[smem:$0x3FB9] =	sst s10  }
0x32: {  	s10 =	sld [smem:$0x3FB7];
	_ =	sdelay $0x3  }
0x33: {  	p0 =	seq.s32 s10, $0x1;
	s10 =	sld [smem:$0x3FB9];
	_ =	sdelay $0x3  }
0x34: {  	[smem:$0x3FB9] =	sst s10  }
0x35: {  	s10 =	sld [smem:$0x3FB8];
	_ =	sdelay $0x3  }
0x36: {  	p1 =	seq.s32 s10, $0x1;
	s10 =	sld [smem:$0x3FB9];
	_ =	sdelay $0x3  }
0x37: {  	[smem:$0x3FB9] =	sst s10  }
0x38: {  	s10 =	sld [smem:$0x3FBA]  }
0x39: {  	_ = 	snop;
	(pc) =	sbr.ind lr, $3  }
0x3a: {  	_ = 	snop  }
0x3b: {  	_ = 	snop  }
0x3c: {  	p2 =	seq.s32 s10, $0x1;
	s10 =	sld [smem:$0x3FB9]  }
0x3d: {  	_ =	shalt  }
0x3e: {  	_ =	shalt  }
0x3f: {  	_ =	shalt  }
0x40: {  	_ =	shalt  }
0x41: {  	_ =	shalt  }
0x42: {  	_ =	shalt  }
0x43: {  	_ =	shalt  }
0x44: {  	_ =	shalt  }
0x45: {  	_ =	shalt  }
0x46: {  	_ =	shalt  }
0x47: {  	_ =	shalt  }
0x48: {  	_ =	shalt  }
0x49: {  	_ =	shalt  }
0x4a: {  	_ =	shalt  }
0x4b: {  	_ =	shalt  }
0x4c: {  	_ =	shalt  }
0x4d: {  	_ =	shalt  }
0x4e: {  	_ =	shalt  }
0x4f: {  	_ =	shalt  }
0x50: {  	_ =	shalt  }
0x51: {  	_ =	shalt  }
0x52: {  	_ =	shalt  }
0x53: {  	_ =	shalt  }
0x54: {  	_ =	shalt  }
0x55: {  	_ =	shalt  }
0x56: {  	_ =	shalt  }
0x57: {  	_ =	shalt  }
0x58: {  	_ =	shalt  }
0x59: {  	_ =	shalt  }
0x5a: {  	_ =	shalt  }
0x5b: {  	_ =	shalt  }
0x5c: {  	_ =	shalt  }
0x5d: {  	_ =	shalt  }
0x5e: {  	_ =	shalt  }
0x5f: {  	_ =	shalt  }
0x60: {  	_ =	shalt  }
0x61: {  	_ =	shalt  }
0x62: {  	_ =	shalt  }
0x63: {  	_ =	shalt  }
0x64: {  	_ =	shalt  }
0x65: {  	_ =	shalt  }
0x66: {  	_ =	shalt  }
0x67: {  	_ =	shalt  }
0x68: {  	_ =	shalt  }
0x69: {  	_ =	shalt  }
0x6a: {  	_ =	shalt  }
0x6b: {  	_ =	shalt  }
0x6c: {  	_ =	shalt  }
0x6d: {  	_ =	shalt  }
0x6e: {  	_ =	shalt  }
0x6f: {  	_ =	shalt  }
0x70: {  	_ =	shalt  }
0x71: {  	_ =	shalt  }
0x72: {  	_ =	shalt  }
0x73: {  	_ =	shalt  }
0x74: {  	_ =	shalt  }
0x75: {  	_ =	shalt  }
0x76: {  	_ =	shalt  }
0x77: {  	_ =	shalt  }
0x78: {  	_ =	shalt  }
0x79: {  	_ =	shalt  }
0x7a: {  	_ =	shalt  }
0x7b: {  	_ =	shalt  }
0x7c: {  	_ =	shalt  }
0x7d: {  	_ =	shalt  }
0x7e: {  	_ =	shalt  }
0x7f: {  	_ =	shalt  }
0x80: {  	_ =	shalt  }
0x81: {  	_ =	shalt  }
0x82: {  	_ =	shalt  }
0x83: {  	_ =	shalt  }
0x84: {  	_ =	shalt  }
0x85: {  	_ =	shalt  }
0x86: {  	_ =	shalt  }
0x87: {  	_ =	shalt  }
.Lfunc_end0:
.L_simem_size_0:
called_computation.1_lowered:
.L_overlay_start_0:
0x88: {  	s2 =	sld [smem:$0x3FD9]  }
0x89: {  	s3 =	sld [smem:$0x3FFE];
	_ =	sdelay $0x1  }
0x8a: {  	s1 =	srdreg.scid  }
0x8b: {  	s0 =	sand.u32 $0x1, s1  }
0x8c: {  	s16 =	sshll.u32 s0, $0xA;
	s2 =	sadd.s32 s3, s2  }
0x8d: {  	s2 =	sadd.s32 s2, s16  }
0x8e: {  	[smem:$0x3FC5] =	sst s2  }
0x8f: {  	_ = 	snop  }
0x90: {  	(tm) =	ssettm $0x1  }
0x91: {  	s17 =	sld [smem:$0x3FFB];
	_ =	sdelay $0x3  }
0x92: {  	_ =	strace s17  }
0x93: {  	s2 =	sld [smem:$0x3FFC];
	_ =	sdelay $0x3  }
0x94: {  	_ =	strace s2  }
0x95: {  	s2 =	sld [smem:$0x3FFD];
	_ =	sdelay $0x3  }
0x96: {  	_ =	strace s2  }
0x97: {  	_ =	strace $0x8FFFFFFF  }
0x98: {  	s18 =	sld [smem:$0x3FDB];
	_ =	sdelay $0x1  }
0x99: {  	s19 =	simm.s32 $_scs_section_size  }
0x9a: {  	s4 =	simm.s32 $_size__tile_overlayer_lowered;
	s5 =	simm.s32 $_tile_overlayer_lowered  }
0x9b: {  	s22 =	simm.s32 $0x1BFF;
	s21 =	sshll.u32 s5, $0x1;
	s2 =	sadd.s32 s19, s18  }
0x9c: {  	s6 =	simm.s32 $0x0;
	s20 =	sshll.u32 s4, $0x1;
	s4 =	sadd.s32 s21, s2  }
0x9d: {  	[timem:s6], [sflag:s22] =	dma.local [hbm:s4], s20  }
0x9e: {  	_ =	swait.ge [sflag:s22], s20  }
0x9f: {  	s3 =	ssub.s32 $0x0, s20;
	[sflag:s22] =	ssyncset.done $0x0  }
0xa0: {  	[sflag:s22] =	ssyncadd.s32 s3;
	_ =	sdelay $0x1  }
0xa1: {  	s23 =	simm.s32 $0x1B8B  }
0xa2: {  	_ =	swait.ge [sflag:s23], $0x1  }
0xa3: {  	[sflag:s23] =	ssyncset.done $0x0  }
0xa4: {  	s25 =	simm.s32 $0x1B8E;
	s24 =	sld [smem:$0x3FFE];
	[sflag:s23] =	ssyncadd.s32 $0xFFFFFFFF  }
0xa5: {  	s26 =	simm.s32 $execute0_lowered;
	[smem:$0x3FD2] =	sst s25  }
0xa6: {  	s4 =	sshll.u32 s26, $0x1;
	_ =	strace $0x80000046;
	[dreg:$0x1] =	wrdreg $0xFFFFFFFF  }
0xa7: {  	s28 =	simm.s32 $_size_execute0_lowered;
	s2 =	sadd.s32 s2, s4;
	[dreg:$0x0] =	wrdreg $0x0  }
0xa8: {  	s4 =	sshll.u32 s28, $0x1;
	[dreg:$0x2] =	wrdreg s2  }
0xa9: {  	[dreg:$0x3] =	wrdreg s4  }
0xaa: {  	[dreg:$0x4] =	wrdreg $0xC0  }
0xab: {  	_ =	task [dreg:s6], $0x5FFFF  }
0xac: {  	[dreg:$0x1] =	wrdreg $0xFFFFFFFF  }
0xad: {  	[dreg:$0x0] =	wrdreg $0x60  }
0xae: {  	[dreg:$0x2] =	wrdreg s24  }
0xaf: {  	[dreg:$0x3] =	wrdreg $0x9  }
0xb0: {  	_ =	task.clear_ibuf [dreg:s6], $0x4FFFF;
	_ =	strace $0x90000046  }
0xb1: {  	s29 =	simm.s32 $0x9;
	_ =	strace $0x80000048  }
0xb2: {  	_ =	swait.ge [sflag:s29], $0x1  }
0xb3: {  	[sflag:s29] =	ssyncadd.s32 $0xFFFFFFFF  }
0xb4: {  	_ =	strace $0x90000048  }
0xb5: {  	_ =	sfence  }
0xb6: {  	s30 =	sld [smem:$0x0];
	_ =	sdelay $0x2  }
0xb7: {  	s31 =	sshll.u32 s1, $0xD;
	s1 =	sshrl.u32 s1, $0x2  }
0xb8: {  	s3 =	sand.u32 $0x4000, s31;
	s1 =	sadd.s32 s1, s30  }
0xb9: {  	s0 =	sor.u32 s3, s0;
	s1 =	sshll.u32 s1, $0x11  }
0xba: {  	s0 =	sor.u32 s1, s0  }
0xbb: {  	s0 =	sadd.s32 $0x8F2B, s0  }
0xbc: {  	[sflag:s0] =	ssyncadd.remote.s32 $0x1  }
0xbd: {  	_ =	sfence.sel $0xFFFF  }
0xbe: {  	[dreg:$0x0] =	wrdreg $0xFFFFFFFF;
	(pc) =	sbr.abs _section_cstart, $3  }
0xbf: {  	[dreg:$0x1] =	wrdreg $0xFFFFFFFF  }
0xc0: {  	_ =	task.clear_ibuf [dreg:s6], $0x2FFFF;
	_ =	strace $0x9FFFFFFF  }
0xc1: {  	(tm) =	ssettm $0x7FFFFFFF  }
tec
execute0_lowered:
.L_overlay_start_1:
0x0: {  	(tag) =	ssettag $0x1  }
0x1: {  	s0 =	rddreg [dreg:$0x0]  }
0x2: {  	s2 =	simm.s32 $0x0;
	s1 =	srdreg.scid;
	s3 =	stileid.u32  }
0x3: {  	s8 =	simm.s32 $0x5;
	s10 =	simm.s32 $0x80;
	s13 =	simm.s32 $0x100  }
0x4: {  	s14 =	simm.s32 $0xC000;
	s15 =	simm.s32 $0x180;
	s16 =	simm.s32 $0x10000  }
0x5: {  	s17 =	simm.s32 $0x1;
	s18 =	simm.s32 $0x14000;
	s19 =	simm.s32 $0x2  }
0x6: {  	s20 =	simm.s32 $0x16000;
	s21 =	simm.s32 $0x3;
	s22 =	simm.s32 $0x4  }
0x7: {  	s23 =	simm.s32 $0x0;
	s1 =	sand.u32 $0x1, s1;
	s4 =	sshll.u32 s3, $0x1  }
0x8: {  	[smem:$0x7FF] =	sst s2;
	s3 =	sadd.s32 $0x10A00, s0;
	s4 =	sor.u32 s1, s4  }
0x9: {  	_ =	strace $0x80000047;
	s1 =	ssub.s32 $0x2, s1;
	s5 =	sshll.u32 s4, $0xA  }
0xa: {  	s4 =	sshll.u32 s4, $0xF;
	s31 =	sshrl.u32 s1, $0x1;
	s5 =	sadd.s32 s5, s0  }
0xb: {  	s0 =	sadd.s32 s4, s0;
	s1 =	ssub.s32 s1, s31;
	s4 =	sadd.s32 $0xA00, s5  }
0xc: {  	s5 =	sadd.s32 $0x8A00, s5;
	s6 =	sadd.s32 $0x310A00, s0;
	s7 =	smax.u32 s1, $0x1  }
.LBB2_1:
0xd: {  	[tilespmem:s2], [sflag:$0x5] =	stream.linear.gather [hbm4b:s4+s2], $0x2000, $0x38;
	[tilespmem:$0x18000] =	vst v63  }
0xe: {  	_ =	swait.ge [sflag:s8], $0x2000  }
0xf: {  	[sflag:s8] =	ssyncset.done $0x0  }
0x10: {  	s0 =	simm.s32 $0x2000;
	[sflag:s8] =	ssyncadd.s32 $0xFFFFE000  }
0x11: {  	[tilespmem:s0], [sflag:$0x5] =	stream.linear.gather [hbm4b:s5+s2], $0x2000, $0x38;
	[tilespmem:$0x18000] =	vst v63  }
0x12: {  	_ =	swait.ge [sflag:s8], $0x2000  }
0x13: {  	[sflag:s8] =	ssyncset.done $0x0  }
0x14: {  	s30 =	simm.s32 $0x4000;
	[sflag:s8] =	ssyncadd.s32 $0xFFFFE000  }
0x15: {  	[tilespmem:s30], [sflag:$0x1] =	stream.indirect.gather [hbm4b:s3+s10], $0x80, s2, s10, $0xb8;
	[tilespmem:$0x18000] =	vst v63  }
0x16: {  	s31 =	simm.s32 $0x8000  }
0x17: {  	[tilespmem:s31], [sflag:$0x1] =	stream.indirect.gather [hbm4b:s3+s10], $0x80, s10, s10, $0xb8;
	[tilespmem:$0x18000] =	vst v63  }
0x18: {  	_ = 	snop  }
0x19: {  	[tilespmem:s14], [sflag:$0x2] =	stream.indirect.gather [hbm4b:s3+s10], $0x80, s13, s10, $0xb8;
	[tilespmem:$0x18000] =	vst v63  }
0x1a: {  	s24 =	simm.s32 $0x0  }
0x1b: {  	[tilespmem:s16], [sflag:$0x2] =	stream.indirect.gather [hbm4b:s3+s10], $0x80, s15, s10, $0xb8;
	[tilespmem:$0x18000] =	vst v63  }
.LBB2_2:
0x1c: {  	_ =	swait.ge [sflag:s17], $0x4000  }
0x1d: {  	[sflag:s17] =	ssyncset.done $0x0  }
0x1e: {  	[sflag:s17] =	ssyncadd.s32 $0xFFFFC000  }
0x1f: {  	_ =	swait.ge [sflag:s17], $0x4000  }
0x20: {  	p0 =	seq.s32 s24, $0x0;
	[sflag:s17] =	ssyncset.done $0x0  }
0x21: {  	s26 =	sshll.u32 s24, $0xB;
	s0 =	simm.s32 @!p0 $0x3;
	[sflag:s17] =	ssyncadd.s32 $0xFFFFC000  }
0x22: {  	s1 =	sshra.s32 s26, $0x2;
	_ =	swait.ge @!p0 [sflag:s0], $0x2000  }
0x23: {  	s1 =	sadd.s32 $0x2000, s1;
	[sflag:s0] =	ssyncset.done @!p0 $0x0  }
0x24: {  	s25 =	simm.s32 $0x0;
	[dreg:$0x2] =	wrdreg s1;
	[sflag:s0] =	ssyncadd.s32 @!p0 $0xFFFFE000  }
.LBB2_3:
0x25: {  	s1 =	sshll.u32 s25, $0x4;
	s11 =	sshll.u32 s25, $0xB  }
0x26: {  	s0 =	rddreg [dreg:$0x2];
	s9 =	sand.u32 $0x80, s1;
	s12 =	sand.u32 $0x3FFFF800, s11  }
0x27: {  	s1 =	sand.u32 $0x60, s1;
	s9 =	sadd.s32 s9, s0;
	v6 =	vld [tilespmem:s12+$0x4000]  }
0x28: {  	v7 =	vld [tilespmem:s12+$0x4080];
	s0 =	sadd.s32 s1, s9  }
0x29: {  	s28 =	sor.u32 $0x1, s25;
	v1 =	vld [tilespmem:s0+$0x0]  }
0x2a: {  	s29 =	sshll.u32 s28, $0x4;
	s30 =	sshll.u32 s28, $0xB;
	v8 =	vld [tilespmem:s12+$0x4100]  }
0x2b: {  	v9 =	vld [tilespmem:s12+$0x4180];
	s1 =	sand.u32 $0x70, s29;
	s29 =	sand.u32 $0x3FFFF800, s30  }
0x2c: {  	s1 =	sadd.s32 s1, s9;
	v10 =	vld [tilespmem:s29+$0x4000]  }
0x2d: {  	v0 =	vld [tilespmem:s1+$0x0]  }
0x2e: {  	v11 =	vld [tilespmem:s29+$0x4080];
	v2 =	vbroadcast v1, $0x0;
	v3 =	vbroadcast v1, $0x1  }
0x2f: {  	v12 =	vld [tilespmem:s29+$0x4100];
	v4 =	vbroadcast v1, $0x2;
	v5 =	vbroadcast v1, $0x3  }
0x30: {  	v13 =	vld [tilespmem:s29+$0x4180];
	v6 =	vmul.f32 v6, v2;
	v7 =	vmul.f32 v7, v3  }
0x31: {  	v14 =	vmul.f32 v8, v4;
	v15 =	vmul.f32 v9, v5  }
0x32: {  	v8 =	vbroadcast v0, $0x0;
	v9 =	vbroadcast v0, $0x1;
	v16 =	vadd.f32 v7, v6  }
0x33: {  	v14 =	vadd.f32 v15, v14;
	v6 =	vbroadcast v0, $0x2;
	v7 =	vbroadcast v0, $0x3  }
0x34: {  	v10 =	vmul.f32 v10, v8;
	v11 =	vmul.f32 v11, v9  }
0x35: {  	s31 =	sshll.u32 s25, $0x9;
	v14 =	vadd.f32 v14, v16;
	v12 =	vmul.f32 v12, v6;
	v13 =	vmul.f32 v13, v7  }
0x36: {  	s30 =	sand.u32 $0x3FFFFE00, s31  }
0x37: {  	v10 =	vadd.f32 v11, v10;
	[tilespmem:s30+$0x14000] =	vst v14;
	v37 =	vadd.f32 v13, v12  }
0x38: {  	v38 =	vld [tilespmem:s12+$0x4010]  }
0x39: {  	s9 =	sshll.u32 s28, $0x9;
	v39 =	vld [tilespmem:s12+$0x4090];
	v10 =	vadd.f32 v37, v10  }
0x3a: {  	s1 =	sand.u32 $0x3FFFFE00, s9;
	v40 =	vld [tilespmem:s12+$0x4110]  }
0x3b: {  	v14 =	vld [tilespmem:s12+$0x4190];
	[tilespmem:s1+$0x14000] =	vst v10  }
0x3c: {  	v10 =	vld [tilespmem:s29+$0x4010]  }
0x3d: {  	v41 =	vld [tilespmem:s29+$0x4090]  }
0x3e: {  	v42 =	vld [tilespmem:s29+$0x4110]  }
0x3f: {  	v17 =	vld [tilespmem:s29+$0x4190];
	v12 =	vmul.f32 v38, v2;
	v13 =	vmul.f32 v39, v3  }
0x40: {  	v11 =	vmul.f32 v40, v4;
	v14 =	vmul.f32 v14, v5;
	_ =	sdelay $0x1  }
0x41: {  	v12 =	vadd.f32 v13, v12;
	v11 =	vadd.f32 v14, v11  }
0x42: {  	v10 =	vmul.f32 v10, v8;
	v43 =	vmul.f32 v41, v9  }
0x43: {  	v11 =	vadd.f32 v11, v12;
	v44 =	vmul.f32 v42, v6;
	v45 =	vmul.f32 v17, v7;
	_ =	sdelay $0x1  }
0x44: {  	[tilespmem:s30+$0x14010] =	vst v11;
	v10 =	vadd.f32 v43, v10;
	v46 =	vadd.f32 v45, v44  }
0x45: {  	v47 =	vld [tilespmem:s12+$0x4020]  }
0x46: {  	v48 =	vld [tilespmem:s12+$0x40A0];
	v10 =	vadd.f32 v46, v10  }
0x47: {  	v49 =	vld [tilespmem:s12+$0x4120]  }
0x48: {  	v50 =	vld [tilespmem:s12+$0x41A0];
	[tilespmem:s1+$0x14010] =	vst v10  }
0x49: {  	v10 =	vld [tilespmem:s29+$0x4020]  }
0x4a: {  	v51 =	vld [tilespmem:s29+$0x40A0]  }
0x4b: {  	v52 =	vld [tilespmem:s29+$0x4120]  }
0x4c: {  	v53 =	vld [tilespmem:s29+$0x41A0];
	v12 =	vmul.f32 v47, v2;
	v13 =	vmul.f32 v48, v3  }
0x4d: {  	v11 =	vmul.f32 v49, v4;
	v14 =	vmul.f32 v50, v5;
	_ =	sdelay $0x1  }
0x4e: {  	v12 =	vadd.f32 v13, v12;
	v11 =	vadd.f32 v14, v11  }
0x4f: {  	v10 =	vmul.f32 v10, v8;
	v54 =	vmul.f32 v51, v9  }
0x50: {  	v11 =	vadd.f32 v11, v12;
	v55 =	vmul.f32 v52, v6;
	v56 =	vmul.f32 v53, v7;
	_ =	sdelay $0x1  }
0x51: {  	[tilespmem:s30+$0x14020] =	vst v11;
	v10 =	vadd.f32 v54, v10;
	v57 =	vadd.f32 v56, v55  }
0x52: {  	v58 =	vld [tilespmem:s12+$0x4030]  }
0x53: {  	v59 =	vld [tilespmem:s12+$0x40B0];
	v10 =	vadd.f32 v57, v10  }
0x54: {  	v60 =	vld [tilespmem:s12+$0x4130]  }
0x55: {  	v61 =	vld [tilespmem:s12+$0x41B0];
	[tilespmem:s1+$0x14020] =	vst v10  }
0x56: {  	v10 =	vld [tilespmem:s29+$0x4030]  }
0x57: {  	v62 =	vld [tilespmem:s29+$0x40B0]  }
0x58: {  	v63 =	vld [tilespmem:s29+$0x4130]  }
0x59: {  	v20 =	vld [tilespmem:s29+$0x41B0];
	v12 =	vmul.f32 v58, v2;
	v13 =	vmul.f32 v59, v3  }
0x5a: {  	v11 =	vmul.f32 v60, v4;
	v14 =	vmul.f32 v61, v5;
	_ =	sdelay $0x1  }
0x5b: {  	v12 =	vadd.f32 v13, v12;
	v11 =	vadd.f32 v14, v11  }
0x5c: {  	v10 =	vmul.f32 v10, v8;
	v21 =	vmul.f32 v62, v9  }
0x5d: {  	v11 =	vadd.f32 v11, v12;
	v22 =	vmul.f32 v63, v6;
	v23 =	vmul.f32 v20, v7;
	_ =	sdelay $0x1  }
0x5e: {  	[tilespmem:s30+$0x14030] =	vst v11;
	v10 =	vadd.f32 v21, v10;
	v24 =	vadd.f32 v23, v22  }
0x5f: {  	v25 =	vld [tilespmem:s12+$0x4040]  }
0x60: {  	v26 =	vld [tilespmem:s12+$0x40C0];
	v10 =	vadd.f32 v24, v10  }
0x61: {  	v27 =	vld [tilespmem:s12+$0x4140]  }
0x62: {  	v28 =	vld [tilespmem:s12+$0x41C0];
	[tilespmem:s1+$0x14030] =	vst v10  }
0x63: {  	v10 =	vld [tilespmem:s29+$0x4040]  }
0x64: {  	v29 =	vld [tilespmem:s29+$0x40C0]  }
0x65: {  	v30 =	vld [tilespmem:s29+$0x4140]  }
0x66: {  	v31 =	vld [tilespmem:s29+$0x41C0];
	v12 =	vmul.f32 v25, v2;
	v13 =	vmul.f32 v26, v3  }
0x67: {  	v11 =	vmul.f32 v27, v4;
	v14 =	vmul.f32 v28, v5;
	_ =	sdelay $0x1  }
0x68: {  	v12 =	vadd.f32 v13, v12;
	v11 =	vadd.f32 v14, v11  }
0x69: {  	v10 =	vmul.f32 v10, v8;
	v32 =	vmul.f32 v29, v9  }
0x6a: {  	v11 =	vadd.f32 v11, v12;
	v33 =	vmul.f32 v30, v6;
	v34 =	vmul.f32 v31, v7;
	_ =	sdelay $0x1  }
0x6b: {  	[tilespmem:s30+$0x14040] =	vst v11;
	v10 =	vadd.f32 v32, v10;
	v35 =	vadd.f32 v34, v33  }
0x6c: {  	v36 =	vld [tilespmem:s12+$0x4050]  }
0x6d: {  	v37 =	vld [tilespmem:s12+$0x40D0];
	v10 =	vadd.f32 v35, v10  }
0x6e: {  	v38 =	vld [tilespmem:s12+$0x4150]  }
0x6f: {  	v39 =	vld [tilespmem:s12+$0x41D0];
	[tilespmem:s1+$0x14040] =	vst v10  }
0x70: {  	v10 =	vld [tilespmem:s29+$0x4050]  }
0x71: {  	v40 =	vld [tilespmem:s29+$0x40D0]  }
0x72: {  	v41 =	vld [tilespmem:s29+$0x4150]  }
0x73: {  	v42 =	vld [tilespmem:s29+$0x41D0];
	v12 =	vmul.f32 v36, v2;
	v13 =	vmul.f32 v37, v3  }
0x74: {  	v11 =	vmul.f32 v38, v4;
	v14 =	vmul.f32 v39, v5;
	_ =	sdelay $0x1  }
0x75: {  	v12 =	vadd.f32 v13, v12;
	v11 =	vadd.f32 v14, v11  }
0x76: {  	v10 =	vmul.f32 v10, v8;
	v43 =	vmul.f32 v40, v9  }
0x77: {  	v11 =	vadd.f32 v11, v12;
	v44 =	vmul.f32 v41, v6;
	v45 =	vmul.f32 v42, v7;
	_ =	sdelay $0x1  }
0x78: {  	[tilespmem:s30+$0x14050] =	vst v11;
	v10 =	vadd.f32 v43, v10;
	v46 =	vadd.f32 v45, v44  }
0x79: {  	v47 =	vld [tilespmem:s12+$0x4060]  }
0x7a: {  	v48 =	vld [tilespmem:s12+$0x40E0];
	v10 =	vadd.f32 v46, v10  }
0x7b: {  	v49 =	vld [tilespmem:s12+$0x4160]  }
0x7c: {  	v50 =	vld [tilespmem:s12+$0x41E0];
	[tilespmem:s1+$0x14050] =	vst v10  }
0x7d: {  	v10 =	vld [tilespmem:s29+$0x4060]  }
0x7e: {  	v51 =	vld [tilespmem:s29+$0x40E0]  }
0x7f: {  	v52 =	vld [tilespmem:s29+$0x4160]  }
0x80: {  	v53 =	vld [tilespmem:s29+$0x41E0];
	v12 =	vmul.f32 v47, v2;
	v13 =	vmul.f32 v48, v3  }
0x81: {  	v11 =	vmul.f32 v49, v4;
	v14 =	vmul.f32 v50, v5;
	_ =	sdelay $0x1  }
0x82: {  	v12 =	vadd.f32 v13, v12;
	v11 =	vadd.f32 v14, v11  }
0x83: {  	v10 =	vmul.f32 v10, v8;
	v54 =	vmul.f32 v51, v9  }
0x84: {  	v11 =	vadd.f32 v11, v12;
	v55 =	vmul.f32 v52, v6;
	v56 =	vmul.f32 v53, v7;
	_ =	sdelay $0x1  }
0x85: {  	[tilespmem:s30+$0x14060] =	vst v11;
	v10 =	vadd.f32 v54, v10;
	v57 =	vadd.f32 v56, v55  }
0x86: {  	v58 =	vld [tilespmem:s12+$0x4070]  }
0x87: {  	v59 =	vld [tilespmem:s12+$0x40F0];
	v10 =	vadd.f32 v57, v10  }
0x88: {  	v60 =	vld [tilespmem:s12+$0x4170]  }
0x89: {  	v61 =	vld [tilespmem:s12+$0x41F0];
	[tilespmem:s1+$0x14060] =	vst v10  }
0x8a: {  	v10 =	vld [tilespmem:s29+$0x4070]  }
0x8b: {  	v62 =	vld [tilespmem:s29+$0x40F0]  }
0x8c: {  	v63 =	vld [tilespmem:s29+$0x4170]  }
0x8d: {  	v18 =	vld [tilespmem:s29+$0x41F0];
	v2 =	vmul.f32 v58, v2;
	v3 =	vmul.f32 v59, v3  }
0x8e: {  	v4 =	vmul.f32 v60, v4;
	v5 =	vmul.f32 v61, v5;
	_ =	sdelay $0x1  }
0x8f: {  	v2 =	vadd.f32 v3, v2;
	v19 =	vadd.f32 v5, v4  }
0x90: {  	s29 =	sshll.u32 s25, $0x2;
	v20 =	vmul.f32 v10, v8;
	v21 =	vmul.f32 v62, v9  }
0x91: {  	s9 =	sor.u32 $0x1, s29;
	v2 =	vadd.f32 v19, v2;
	v22 =	vmul.f32 v63, v6;
	v23 =	vmul.f32 v18, v7  }
0x92: {  	s11 =	sshll.u32 s9, $0x9  }
0x93: {  	s31 =	sand.u32 $0x3FFFFA00, s11;
	[tilespmem:s30+$0x14070] =	vst v2;
	v24 =	vadd.f32 v21, v20;
	v3 =	vadd.f32 v23, v22  }
0x94: {  	s30 =	sshll.u32 s28, $0x2;
	v25 =	vld [tilespmem:s31+$0x4000]  }
0x95: {  	v26 =	vld [tilespmem:s31+$0x4080];
	s11 =	sor.u32 $0x1, s30;
	v2 =	vadd.f32 v3, v24  }
0x96: {  	v27 =	vld [tilespmem:s31+$0x4100];
	s12 =	sshll.u32 s11, $0x9  }
0x97: {  	v28 =	vld [tilespmem:s31+$0x4180];
	s0 =	sand.u32 $0x3FFFFA00, s12;
	[tilespmem:s1+$0x14070] =	vst v2  }
0x98: {  	v29 =	vld [tilespmem:s0+$0x4000]  }
0x99: {  	v3 =	vbroadcast v1, $0x5;
	v2 =	vbroadcast v1, $0x4;
	v30 =	vld [tilespmem:s0+$0x4080]  }
0x9a: {  	v4 =	vbroadcast v1, $0x6;
	v5 =	vbroadcast v1, $0x7;
	v31 =	vld [tilespmem:s0+$0x4100]  }
0x9b: {  	v32 =	vld [tilespmem:s0+$0x4180];
	v6 =	vmul.f32 v25, v2;
	v7 =	vmul.f32 v26, v3  }
0x9c: {  	v33 =	vmul.f32 v27, v4;
	v34 =	vmul.f32 v28, v5  }
0x9d: {  	v8 =	vbroadcast v0, $0x4;
	v9 =	vbroadcast v0, $0x5;
	v35 =	vadd.f32 v7, v6  }
0x9e: {  	v14 =	vadd.f32 v34, v33;
	v6 =	vbroadcast v0, $0x6;
	v7 =	vbroadcast v0, $0x7  }
0x9f: {  	v10 =	vmul.f32 v29, v8;
	v11 =	vmul.f32 v30, v9  }
0xa0: {  	s9 =	sshll.u32 s9, $0x7;
	v14 =	vadd.f32 v14, v35;
	v12 =	vmul.f32 v31, v6;
	v13 =	vmul.f32 v32, v7  }
0xa1: {  	s9 =	sand.u32 $0x3FFFFE80, s9  }
0xa2: {  	[tilespmem:s9+$0x14000] =	vst v14;
	v10 =	vadd.f32 v11, v10;
	v36 =	vadd.f32 v13, v12  }
0xa3: {  	v37 =	vld [tilespmem:s31+$0x4010]  }
0xa4: {  	s11 =	sshll.u32 s11, $0x7;
	v38 =	vld [tilespmem:s31+$0x4090];
	v10 =	vadd.f32 v36, v10  }
0xa5: {  	s1 =	sand.u32 $0x3FFFFE80, s11;
	v39 =	vld [tilespmem:s31+$0x4110]  }
0xa6: {  	v14 =	vld [tilespmem:s31+$0x4190];
	[tilespmem:s1+$0x14000] =	vst v10  }
0xa7: {  	v10 =	vld [tilespmem:s0+$0x4010]  }
0xa8: {  	v40 =	vld [tilespmem:s0+$0x4090]  }
0xa9: {  	v41 =	vld [tilespmem:s0+$0x4110]  }
0xaa: {  	v42 =	vld [tilespmem:s0+$0x4190];
	v12 =	vmul.f32 v37, v2;
	v13 =	vmul.f32 v38, v3  }
0xab: {  	v11 =	vmul.f32 v39, v4;
	v14 =	vmul.f32 v14, v5;
	_ =	sdelay $0x1  }
0xac: {  	v12 =	vadd.f32 v13, v12;
	v11 =	vadd.f32 v14, v11  }
0xad: {  	v10 =	vmul.f32 v10, v8;
	v43 =	vmul.f32 v40, v9  }
0xae: {  	v11 =	vadd.f32 v11, v12;
	v44 =	vmul.f32 v41, v6;
	v45 =	vmul.f32 v42, v7;
	_ =	sdelay $0x1  }
0xaf: {  	[tilespmem:s9+$0x14010] =	vst v11;
	v10 =	vadd.f32 v43, v10;
	v46 =	vadd.f32 v45, v44  }
0xb0: {  	v47 =	vld [tilespmem:s31+$0x4020]  }
0xb1: {  	v48 =	vld [tilespmem:s31+$0x40A0];
	v10 =	vadd.f32 v46, v10  }
0xb2: {  	v49 =	vld [tilespmem:s31+$0x4120]  }
0xb3: {  	v50 =	vld [tilespmem:s31+$0x41A0];
	[tilespmem:s1+$0x14010] =	vst v10  }
0xb4: {  	v10 =	vld [tilespmem:s0+$0x4020]  }
0xb5: {  	v51 =	vld [tilespmem:s0+$0x40A0]  }
0xb6: {  	v52 =	vld [tilespmem:s0+$0x4120]  }
0xb7: {  	v53 =	vld [tilespmem:s0+$0x41A0];
	v12 =	vmul.f32 v47, v2;
	v13 =	vmul.f32 v48, v3  }
0xb8: {  	v11 =	vmul.f32 v49, v4;
	v14 =	vmul.f32 v50, v5;
	_ =	sdelay $0x1  }
0xb9: {  	v12 =	vadd.f32 v13, v12;
	v11 =	vadd.f32 v14, v11  }
0xba: {  	v10 =	vmul.f32 v10, v8;
	v54 =	vmul.f32 v51, v9  }
0xbb: {  	v11 =	vadd.f32 v11, v12;
	v55 =	vmul.f32 v52, v6;
	v56 =	vmul.f32 v53, v7;
	_ =	sdelay $0x1  }
0xbc: {  	[tilespmem:s9+$0x14020] =	vst v11;
	v10 =	vadd.f32 v54, v10;
	v57 =	vadd.f32 v56, v55  }
0xbd: {  	v58 =	vld [tilespmem:s31+$0x4030]  }
0xbe: {  	v59 =	vld [tilespmem:s31+$0x40B0];
	v10 =	vadd.f32 v57, v10  }
0xbf: {  	v60 =	vld [tilespmem:s31+$0x4130]  }
0xc0: {  	v61 =	vld [tilespmem:s31+$0x41B0];
	[tilespmem:s1+$0x14020] =	vst v10  }
0xc1: {  	v10 =	vld [tilespmem:s0+$0x4030]  }
0xc2: {  	v62 =	vld [tilespmem:s0+$0x40B0]  }
0xc3: {  	v63 =	vld [tilespmem:s0+$0x4130]  }
0xc4: {  	v20 =	vld [tilespmem:s0+$0x41B0];
	v12 =	vmul.f32 v58, v2;
	v13 =	vmul.f32 v59, v3  }
0xc5: {  	v11 =	vmul.f32 v60, v4;
	v14 =	vmul.f32 v61, v5;
	_ =	sdelay $0x1  }
0xc6: {  	v12 =	vadd.f32 v13, v12;
	v11 =	vadd.f32 v14, v11  }
0xc7: {  	v10 =	vmul.f32 v10, v8;
	v21 =	vmul.f32 v62, v9  }
0xc8: {  	v11 =	vadd.f32 v11, v12;
	v22 =	vmul.f32 v63, v6;
	v23 =	vmul.f32 v20, v7;
	_ =	sdelay $0x1  }
0xc9: {  	[tilespmem:s9+$0x14030] =	vst v11;
	v10 =	vadd.f32 v21, v10;
	v24 =	vadd.f32 v23, v22  }
0xca: {  	v25 =	vld [tilespmem:s31+$0x4040]  }
0xcb: {  	v26 =	vld [tilespmem:s31+$0x40C0];
	v10 =	vadd.f32 v24, v10  }
0xcc: {  	v27 =	vld [tilespmem:s31+$0x4140]  }
0xcd: {  	v28 =	vld [tilespmem:s31+$0x41C0];
	[tilespmem:s1+$0x14030] =	vst v10  }
0xce: {  	v10 =	vld [tilespmem:s0+$0x4040]  }
0xcf: {  	v29 =	vld [tilespmem:s0+$0x40C0]  }
0xd0: {  	v30 =	vld [tilespmem:s0+$0x4140]  }
0xd1: {  	v31 =	vld [tilespmem:s0+$0x41C0];
	v12 =	vmul.f32 v25, v2;
	v13 =	vmul.f32 v26, v3  }
0xd2: {  	v11 =	vmul.f32 v27, v4;
	v14 =	vmul.f32 v28, v5;
	_ =	sdelay $0x1  }
0xd3: {  	v12 =	vadd.f32 v13, v12;
	v11 =	vadd.f32 v14, v11  }
0xd4: {  	v10 =	vmul.f32 v10, v8;
	v32 =	vmul.f32 v29, v9  }
0xd5: {  	v11 =	vadd.f32 v11, v12;
	v33 =	vmul.f32 v30, v6;
	v34 =	vmul.f32 v31, v7;
	_ =	sdelay $0x1  }
0xd6: {  	[tilespmem:s9+$0x14040] =	vst v11;
	v10 =	vadd.f32 v32, v10;
	v35 =	vadd.f32 v34, v33  }
0xd7: {  	v36 =	vld [tilespmem:s31+$0x4050]  }
0xd8: {  	v37 =	vld [tilespmem:s31+$0x40D0];
	v10 =	vadd.f32 v35, v10  }
0xd9: {  	v38 =	vld [tilespmem:s31+$0x4150]  }
0xda: {  	v39 =	vld [tilespmem:s31+$0x41D0];
	[tilespmem:s1+$0x14040] =	vst v10  }
0xdb: {  	v10 =	vld [tilespmem:s0+$0x4050]  }
0xdc: {  	v40 =	vld [tilespmem:s0+$0x40D0]  }
0xdd: {  	v41 =	vld [tilespmem:s0+$0x4150]  }
0xde: {  	v42 =	vld [tilespmem:s0+$0x41D0];
	v12 =	vmul.f32 v36, v2;
	v13 =	vmul.f32 v37, v3  }
0xdf: {  	v11 =	vmul.f32 v38, v4;
	v14 =	vmul.f32 v39, v5;
	_ =	sdelay $0x1  }
0xe0: {  	v12 =	vadd.f32 v13, v12;
	v11 =	vadd.f32 v14, v11  }
0xe1: {  	v10 =	vmul.f32 v10, v8;
	v43 =	vmul.f32 v40, v9  }
0xe2: {  	v11 =	vadd.f32 v11, v12;
	v44 =	vmul.f32 v41, v6;
	v45 =	vmul.f32 v42, v7;
	_ =	sdelay $0x1  }
0xe3: {  	[tilespmem:s9+$0x14050] =	vst v11;
	v10 =	vadd.f32 v43, v10;
	v46 =	vadd.f32 v45, v44  }
0xe4: {  	v47 =	vld [tilespmem:s31+$0x4060]  }
0xe5: {  	v48 =	vld [tilespmem:s31+$0x40E0];
	v10 =	vadd.f32 v46, v10  }
0xe6: {  	v49 =	vld [tilespmem:s31+$0x4160]  }
0xe7: {  	v50 =	vld [tilespmem:s31+$0x41E0];
	[tilespmem:s1+$0x14050] =	vst v10  }
0xe8: {  	v10 =	vld [tilespmem:s0+$0x4060]  }
0xe9: {  	v51 =	vld [tilespmem:s0+$0x40E0]  }
0xea: {  	v52 =	vld [tilespmem:s0+$0x4160]  }
0xeb: {  	v53 =	vld [tilespmem:s0+$0x41E0];
	v12 =	vmul.f32 v47, v2;
	v13 =	vmul.f32 v48, v3  }
0xec: {  	v11 =	vmul.f32 v49, v4;
	v14 =	vmul.f32 v50, v5;
	_ =	sdelay $0x1  }
0xed: {  	v12 =	vadd.f32 v13, v12;
	v11 =	vadd.f32 v14, v11  }
0xee: {  	v10 =	vmul.f32 v10, v8;
	v54 =	vmul.f32 v51, v9  }
0xef: {  	v11 =	vadd.f32 v11, v12;
	v55 =	vmul.f32 v52, v6;
	v56 =	vmul.f32 v53, v7;
	_ =	sdelay $0x1  }
0xf0: {  	[tilespmem:s9+$0x14060] =	vst v11;
	v10 =	vadd.f32 v54, v10;
	v57 =	vadd.f32 v56, v55  }
0xf1: {  	v58 =	vld [tilespmem:s31+$0x4070]  }
0xf2: {  	v59 =	vld [tilespmem:s31+$0x40F0];
	v10 =	vadd.f32 v57, v10  }
0xf3: {  	v60 =	vld [tilespmem:s31+$0x4170]  }
0xf4: {  	v61 =	vld [tilespmem:s31+$0x41F0];
	[tilespmem:s1+$0x14060] =	vst v10  }
0xf5: {  	v10 =	vld [tilespmem:s0+$0x4070]  }
0xf6: {  	v62 =	vld [tilespmem:s0+$0x40F0]  }
0xf7: {  	v63 =	vld [tilespmem:s0+$0x4170]  }
0xf8: {  	v18 =	vld [tilespmem:s0+$0x41F0];
	v2 =	vmul.f32 v58, v2;
	v3 =	vmul.f32 v59, v3  }
0xf9: {  	v4 =	vmul.f32 v60, v4;
	v5 =	vmul.f32 v61, v5;
	_ =	sdelay $0x1  }
0xfa: {  	v2 =	vadd.f32 v3, v2;
	v19 =	vadd.f32 v5, v4  }
0xfb: {  	v20 =	vmul.f32 v10, v8;
	v21 =	vmul.f32 v62, v9  }
0xfc: {  	s11 =	sor.u32 $0x2, s29;
	v2 =	vadd.f32 v19, v2;
	v22 =	vmul.f32 v63, v6;
	v23 =	vmul.f32 v18, v7  }
0xfd: {  	s12 =	sshll.u32 s11, $0x9  }
0xfe: {  	s0 =	sand.u32 $0x3FFFFC00, s12;
	[tilespmem:s9+$0x14070] =	vst v2;
	v24 =	vadd.f32 v21, v20;
	v3 =	vadd.f32 v23, v22  }
0xff: {  	v25 =	vld [tilespmem:s0+$0x4000]  }
0x100: {  	s30 =	sor.u32 $0x2, s30;
	v26 =	vld [tilespmem:s0+$0x4080];
	v2 =	vadd.f32 v3, v24  }
0x101: {  	s29 =	sshll.u32 s30, $0x9;
	v27 =	vld [tilespmem:s0+$0x4100]  }
0x102: {  	s31 =	sand.u32 $0x3FFFFC00, s29;
	v28 =	vld [tilespmem:s0+$0x4180];
	[tilespmem:s1+$0x14070] =	vst v2  }
0x103: {  	v29 =	vld [tilespmem:s31+$0x4000]  }
0x104: {  	v3 =	vbroadcast v1, $0x9;
	v2 =	vbroadcast v1, $0x8;
	v30 =	vld [tilespmem:s31+$0x4080]  }
0x105: {  	v4 =	vbroadcast v1, $0xA;
	v5 =	vbroadcast v1, $0xB;
	v31 =	vld [tilespmem:s31+$0x4100]  }
0x106: {  	v32 =	vld [tilespmem:s31+$0x4180];
	v6 =	vmul.f32 v25, v2;
	v7 =	vmul.f32 v26, v3  }
0x107: {  	v33 =	vmul.f32 v27, v4;
	v34 =	vmul.f32 v28, v5  }
0x108: {  	v8 =	vbroadcast v0, $0x8;
	v9 =	vbroadcast v0, $0x9;
	v35 =	vadd.f32 v7, v6  }
0x109: {  	v14 =	vadd.f32 v34, v33;
	v6 =	vbroadcast v0, $0xA;
	v7 =	vbroadcast v0, $0xB  }
0x10a: {  	v10 =	vmul.f32 v29, v8;
	v11 =	vmul.f32 v30, v9  }
0x10b: {  	s9 =	sshll.u32 s11, $0x7;
	v14 =	vadd.f32 v14, v35;
	v12 =	vmul.f32 v31, v6;
	v13 =	vmul.f32 v32, v7  }
0x10c: {  	s11 =	sand.u32 $0x3FFFFF00, s9  }
0x10d: {  	[tilespmem:s11+$0x14000] =	vst v14;
	v10 =	vadd.f32 v11, v10;
	v36 =	vadd.f32 v13, v12  }
0x10e: {  	v37 =	vld [tilespmem:s0+$0x4010]  }
0x10f: {  	s12 =	sshll.u32 s30, $0x7;
	v38 =	vld [tilespmem:s0+$0x4090];
	v10 =	vadd.f32 v36, v10  }
0x110: {  	s1 =	sand.u32 $0x3FFFFF00, s12;
	v39 =	vld [tilespmem:s0+$0x4110]  }
0x111: {  	v14 =	vld [tilespmem:s0+$0x4190];
	[tilespmem:s1+$0x14000] =	vst v10  }
0x112: {  	v10 =	vld [tilespmem:s31+$0x4010]  }
0x113: {  	v40 =	vld [tilespmem:s31+$0x4090]  }
0x114: {  	v41 =	vld [tilespmem:s31+$0x4110]  }
0x115: {  	v42 =	vld [tilespmem:s31+$0x4190];
	v12 =	vmul.f32 v37, v2;
	v13 =	vmul.f32 v38, v3  }
0x116: {  	v11 =	vmul.f32 v39, v4;
	v14 =	vmul.f32 v14, v5;
	_ =	sdelay $0x1  }
0x117: {  	v12 =	vadd.f32 v13, v12;
	v11 =	vadd.f32 v14, v11  }
0x118: {  	v10 =	vmul.f32 v10, v8;
	v43 =	vmul.f32 v40, v9  }
0x119: {  	v11 =	vadd.f32 v11, v12;
	v44 =	vmul.f32 v41, v6;
	v45 =	vmul.f32 v42, v7;
	_ =	sdelay $0x1  }
0x11a: {  	[tilespmem:s11+$0x14010] =	vst v11;
	v10 =	vadd.f32 v43, v10;
	v46 =	vadd.f32 v45, v44  }
0x11b: {  	v47 =	vld [tilespmem:s0+$0x4020]  }
0x11c: {  	v48 =	vld [tilespmem:s0+$0x40A0];
	v10 =	vadd.f32 v46, v10  }
0x11d: {  	v49 =	vld [tilespmem:s0+$0x4120]  }
0x11e: {  	v50 =	vld [tilespmem:s0+$0x41A0];
	[tilespmem:s1+$0x14010] =	vst v10  }
0x11f: {  	v10 =	vld [tilespmem:s31+$0x4020]  }
0x120: {  	v51 =	vld [tilespmem:s31+$0x40A0]  }
0x121: {  	v52 =	vld [tilespmem:s31+$0x4120]  }
0x122: {  	v53 =	vld [tilespmem:s31+$0x41A0];
	v12 =	vmul.f32 v47, v2;
	v13 =	vmul.f32 v48, v3  }
0x123: {  	v11 =	vmul.f32 v49, v4;
	v14 =	vmul.f32 v50, v5;
	_ =	sdelay $0x1  }
0x124: {  	v12 =	vadd.f32 v13, v12;
	v11 =	vadd.f32 v14, v11  }
0x125: {  	v10 =	vmul.f32 v10, v8;
	v54 =	vmul.f32 v51, v9  }
0x126: {  	v11 =	vadd.f32 v11, v12;
	v55 =	vmul.f32 v52, v6;
	v56 =	vmul.f32 v53, v7;
	_ =	sdelay $0x1  }
0x127: {  	[tilespmem:s11+$0x14020] =	vst v11;
	v10 =	vadd.f32 v54, v10;
	v57 =	vadd.f32 v56, v55  }
0x128: {  	v58 =	vld [tilespmem:s0+$0x4030]  }
0x129: {  	v59 =	vld [tilespmem:s0+$0x40B0];
	v10 =	vadd.f32 v57, v10  }
0x12a: {  	v60 =	vld [tilespmem:s0+$0x4130]  }
0x12b: {  	v61 =	vld [tilespmem:s0+$0x41B0];
	[tilespmem:s1+$0x14020] =	vst v10  }
0x12c: {  	v10 =	vld [tilespmem:s31+$0x4030]  }
0x12d: {  	v62 =	vld [tilespmem:s31+$0x40B0]  }
0x12e: {  	v63 =	vld [tilespmem:s31+$0x4130]  }
0x12f: {  	v20 =	vld [tilespmem:s31+$0x41B0];
	v12 =	vmul.f32 v58, v2;
	v13 =	vmul.f32 v59, v3  }
0x130: {  	v11 =	vmul.f32 v60, v4;
	v14 =	vmul.f32 v61, v5;
	_ =	sdelay $0x1  }
0x131: {  	v12 =	vadd.f32 v13, v12;
	v11 =	vadd.f32 v14, v11  }
0x132: {  	v10 =	vmul.f32 v10, v8;
	v21 =	vmul.f32 v62, v9  }
0x133: {  	v11 =	vadd.f32 v11, v12;
	v22 =	vmul.f32 v63, v6;
	v23 =	vmul.f32 v20, v7;
	_ =	sdelay $0x1  }
0x134: {  	[tilespmem:s11+$0x14030] =	vst v11;
	v10 =	vadd.f32 v21, v10;
	v24 =	vadd.f32 v23, v22  }
0x135: {  	v25 =	vld [tilespmem:s0+$0x4040]  }
0x136: {  	v26 =	vld [tilespmem:s0+$0x40C0];
	v10 =	vadd.f32 v24, v10  }
0x137: {  	v27 =	vld [tilespmem:s0+$0x4140]  }
0x138: {  	v28 =	vld [tilespmem:s0+$0x41C0];
	[tilespmem:s1+$0x14030] =	vst v10  }
0x139: {  	v10 =	vld [tilespmem:s31+$0x4040]  }
0x13a: {  	v29 =	vld [tilespmem:s31+$0x40C0]  }
0x13b: {  	v30 =	vld [tilespmem:s31+$0x4140]  }
0x13c: {  	v31 =	vld [tilespmem:s31+$0x41C0];
	v12 =	vmul.f32 v25, v2;
	v13 =	vmul.f32 v26, v3  }
0x13d: {  	v11 =	vmul.f32 v27, v4;
	v14 =	vmul.f32 v28, v5;
	_ =	sdelay $0x1  }
0x13e: {  	v12 =	vadd.f32 v13, v12;
	v11 =	vadd.f32 v14, v11  }
0x13f: {  	v10 =	vmul.f32 v10, v8;
	v32 =	vmul.f32 v29, v9  }
0x140: {  	v11 =	vadd.f32 v11, v12;
	v33 =	vmul.f32 v30, v6;
	v34 =	vmul.f32 v31, v7;
	_ =	sdelay $0x1  }
0x141: {  	[tilespmem:s11+$0x14040] =	vst v11;
	v10 =	vadd.f32 v32, v10;
	v35 =	vadd.f32 v34, v33  }
0x142: {  	v36 =	vld [tilespmem:s0+$0x4050]  }
0x143: {  	v37 =	vld [tilespmem:s0+$0x40D0];
	v10 =	vadd.f32 v35, v10  }
0x144: {  	v38 =	vld [tilespmem:s0+$0x4150]  }
0x145: {  	v39 =	vld [tilespmem:s0+$0x41D0];
	[tilespmem:s1+$0x14040] =	vst v10  }
0x146: {  	v10 =	vld [tilespmem:s31+$0x4050]  }
0x147: {  	v40 =	vld [tilespmem:s31+$0x40D0]  }
0x148: {  	v41 =	vld [tilespmem:s31+$0x4150]  }
0x149: {  	v42 =	vld [tilespmem:s31+$0x41D0];
	v12 =	vmul.f32 v36, v2;
	v13 =	vmul.f32 v37, v3  }
0x14a: {  	v11 =	vmul.f32 v38, v4;
	v14 =	vmul.f32 v39, v5;
	_ =	sdelay $0x1  }
0x14b: {  	v12 =	vadd.f32 v13, v12;
	v11 =	vadd.f32 v14, v11  }
0x14c: {  	v10 =	vmul.f32 v10, v8;
	v43 =	vmul.f32 v40, v9  }
0x14d: {  	v11 =	vadd.f32 v11, v12;
	v44 =	vmul.f32 v41, v6;
	v45 =	vmul.f32 v42, v7;
	_ =	sdelay $0x1  }
0x14e: {  	[tilespmem:s11+$0x14050] =	vst v11;
	v10 =	vadd.f32 v43, v10;
	v46 =	vadd.f32 v45, v44  }
0x14f: {  	v47 =	vld [tilespmem:s0+$0x4060]  }
0x150: {  	v48 =	vld [tilespmem:s0+$0x40E0];
	v10 =	vadd.f32 v46, v10  }
0x151: {  	v49 =	vld [tilespmem:s0+$0x4160]  }
0x152: {  	v50 =	vld [tilespmem:s0+$0x41E0];
	[tilespmem:s1+$0x14050] =	vst v10  }
0x153: {  	v10 =	vld [tilespmem:s31+$0x4060]  }
0x154: {  	v51 =	vld [tilespmem:s31+$0x40E0]  }
0x155: {  	v52 =	vld [tilespmem:s31+$0x4160]  }
0x156: {  	v53 =	vld [tilespmem:s31+$0x41E0];
	v12 =	vmul.f32 v47, v2;
	v13 =	vmul.f32 v48, v3  }
0x157: {  	v11 =	vmul.f32 v49, v4;
	v14 =	vmul.f32 v50, v5;
	_ =	sdelay $0x1  }
0x158: {  	v12 =	vadd.f32 v13, v12;
	v11 =	vadd.f32 v14, v11  }
0x159: {  	v10 =	vmul.f32 v10, v8;
	v54 =	vmul.f32 v51, v9  }
0x15a: {  	v11 =	vadd.f32 v11, v12;
	v55 =	vmul.f32 v52, v6;
	v56 =	vmul.f32 v53, v7;
	_ =	sdelay $0x1  }
0x15b: {  	[tilespmem:s11+$0x14060] =	vst v11;
	v10 =	vadd.f32 v54, v10;
	v57 =	vadd.f32 v56, v55  }
0x15c: {  	v58 =	vld [tilespmem:s0+$0x4070]  }
0x15d: {  	v59 =	vld [tilespmem:s0+$0x40F0];
	v10 =	vadd.f32 v57, v10  }
0x15e: {  	v60 =	vld [tilespmem:s0+$0x4170]  }
0x15f: {  	v61 =	vld [tilespmem:s0+$0x41F0];
	[tilespmem:s1+$0x14060] =	vst v10  }
0x160: {  	v10 =	vld [tilespmem:s31+$0x4070]  }
0x161: {  	v62 =	vld [tilespmem:s31+$0x40F0]  }
0x162: {  	v63 =	vld [tilespmem:s31+$0x4170]  }
0x163: {  	v18 =	vld [tilespmem:s31+$0x41F0];
	v2 =	vmul.f32 v58, v2;
	v3 =	vmul.f32 v59, v3  }
0x164: {  	v4 =	vmul.f32 v60, v4;
	v5 =	vmul.f32 v61, v5;
	_ =	sdelay $0x1  }
0x165: {  	v2 =	vadd.f32 v3, v2;
	v19 =	vadd.f32 v5, v4  }
0x166: {  	v20 =	vmul.f32 v10, v8;
	v21 =	vmul.f32 v62, v9  }
0x167: {  	s30 =	sshllo.u32 s25, $0x2;
	v2 =	vadd.f32 v19, v2;
	v22 =	vmul.f32 v63, v6;
	v23 =	vmul.f32 v18, v7  }
0x168: {  	s31 =	sshll.u32 s30, $0x9  }
0x169: {  	s0 =	sand.u32 $0x3FFFFE00, s31;
	[tilespmem:s11+$0x14070] =	vst v2;
	v24 =	vadd.f32 v21, v20;
	v3 =	vadd.f32 v23, v22  }
0x16a: {  	v25 =	vld [tilespmem:s0+$0x4000]  }
0x16b: {  	s12 =	sshllo.u32 s28, $0x2;
	v26 =	vld [tilespmem:s0+$0x4080];
	v2 =	vadd.f32 v3, v24  }
0x16c: {  	s28 =	sshll.u32 s12, $0x9;
	v27 =	vld [tilespmem:s0+$0x4100]  }
0x16d: {  	s29 =	sand.u32 $0x3FFFFE00, s28;
	v28 =	vld [tilespmem:s0+$0x4180];
	[tilespmem:s1+$0x14070] =	vst v2  }
0x16e: {  	v29 =	vld [tilespmem:s29+$0x4000]  }
0x16f: {  	v3 =	vbroadcast v1, $0xD;
	v2 =	vbroadcast v1, $0xC;
	v30 =	vld [tilespmem:s29+$0x4080]  }
0x170: {  	v4 =	vbroadcast v1, $0xE;
	v1 =	vbroadcast v1, $0xF;
	v31 =	vld [tilespmem:s29+$0x4100]  }
0x171: {  	v32 =	vld [tilespmem:s29+$0x4180];
	v5 =	vmul.f32 v25, v2;
	v6 =	vmul.f32 v26, v3  }
0x172: {  	v7 =	vmul.f32 v27, v4;
	v8 =	vmul.f32 v28, v1  }
0x173: {  	v33 =	vadd.f32 v6, v5;
	v5 =	vbroadcast v0, $0xC;
	v6 =	vbroadcast v0, $0xD  }
0x174: {  	v8 =	vadd.f32 v8, v7;
	v7 =	vbroadcast v0, $0xE;
	v0 =	vbroadcast v0, $0xF  }
0x175: {  	v9 =	vmul.f32 v29, v5;
	v10 =	vmul.f32 v30, v6  }
0x176: {  	s11 =	sshll.u32 s30, $0x7;
	v8 =	vadd.f32 v8, v33;
	v11 =	vmul.f32 v31, v7;
	v12 =	vmul.f32 v32, v0  }
0x177: {  	s30 =	sand.u32 $0x3FFFFF80, s11  }
0x178: {  	[tilespmem:s30+$0x14000] =	vst v8;
	v34 =	vadd.f32 v10, v9;
	v35 =	vadd.f32 v12, v11  }
0x179: {  	v36 =	vld [tilespmem:s0+$0x4010]  }
0x17a: {  	s9 =	sshll.u32 s12, $0x7;
	v37 =	vld [tilespmem:s0+$0x4090];
	v8 =	vadd.f32 v35, v34  }
0x17b: {  	s9 =	sand.u32 $0x3FFFFF80, s9;
	v38 =	vld [tilespmem:s0+$0x4110]  }
0x17c: {  	v39 =	vld [tilespmem:s0+$0x4190];
	[tilespmem:s9+$0x14000] =	vst v8  }
0x17d: {  	v8 =	vld [tilespmem:s29+$0x4010]  }
0x17e: {  	v40 =	vld [tilespmem:s29+$0x4090]  }
0x17f: {  	v41 =	vld [tilespmem:s29+$0x4110]  }
0x180: {  	v42 =	vld [tilespmem:s29+$0x4190];
	v10 =	vmul.f32 v36, v2;
	v11 =	vmul.f32 v37, v3  }
0x181: {  	v9 =	vmul.f32 v38, v4;
	v12 =	vmul.f32 v39, v1;
	_ =	sdelay $0x1  }
0x182: {  	v10 =	vadd.f32 v11, v10;
	v9 =	vadd.f32 v12, v9  }
0x183: {  	v8 =	vmul.f32 v8, v5;
	v43 =	vmul.f32 v40, v6  }
0x184: {  	v9 =	vadd.f32 v9, v10;
	v44 =	vmul.f32 v41, v7;
	v45 =	vmul.f32 v42, v0;
	_ =	sdelay $0x1  }
0x185: {  	[tilespmem:s30+$0x14010] =	vst v9;
	v8 =	vadd.f32 v43, v8;
	v46 =	vadd.f32 v45, v44  }
0x186: {  	v47 =	vld [tilespmem:s0+$0x4020]  }
0x187: {  	v48 =	vld [tilespmem:s0+$0x40A0];
	v8 =	vadd.f32 v46, v8  }
0x188: {  	v49 =	vld [tilespmem:s0+$0x4120]  }
0x189: {  	v50 =	vld [tilespmem:s0+$0x41A0];
	[tilespmem:s9+$0x14010] =	vst v8  }
0x18a: {  	v8 =	vld [tilespmem:s29+$0x4020]  }
0x18b: {  	v51 =	vld [tilespmem:s29+$0x40A0]  }
0x18c: {  	v52 =	vld [tilespmem:s29+$0x4120]  }
0x18d: {  	v53 =	vld [tilespmem:s29+$0x41A0];
	v10 =	vmul.f32 v47, v2;
	v11 =	vmul.f32 v48, v3  }
0x18e: {  	v9 =	vmul.f32 v49, v4;
	v12 =	vmul.f32 v50, v1;
	_ =	sdelay $0x1  }
0x18f: {  	v10 =	vadd.f32 v11, v10;
	v9 =	vadd.f32 v12, v9  }
0x190: {  	v8 =	vmul.f32 v8, v5;
	v54 =	vmul.f32 v51, v6  }
0x191: {  	v9 =	vadd.f32 v9, v10;
	v55 =	vmul.f32 v52, v7;
	v56 =	vmul.f32 v53, v0;
	_ =	sdelay $0x1  }
0x192: {  	[tilespmem:s30+$0x14020] =	vst v9;
	v8 =	vadd.f32 v54, v8;
	v57 =	vadd.f32 v56, v55  }
0x193: {  	v58 =	vld [tilespmem:s0+$0x4030]  }
0x194: {  	v59 =	vld [tilespmem:s0+$0x40B0];
	v8 =	vadd.f32 v57, v8  }
0x195: {  	v60 =	vld [tilespmem:s0+$0x4130]  }
0x196: {  	v61 =	vld [tilespmem:s0+$0x41B0];
	[tilespmem:s9+$0x14020] =	vst v8  }
0x197: {  	v8 =	vld [tilespmem:s29+$0x4030]  }
0x198: {  	v62 =	vld [tilespmem:s29+$0x40B0]  }
0x199: {  	v63 =	vld [tilespmem:s29+$0x4130]  }
0x19a: {  	v18 =	vld [tilespmem:s29+$0x41B0];
	v10 =	vmul.f32 v58, v2;
	v11 =	vmul.f32 v59, v3  }
0x19b: {  	v9 =	vmul.f32 v60, v4;
	v12 =	vmul.f32 v61, v1;
	_ =	sdelay $0x1  }
0x19c: {  	v10 =	vadd.f32 v11, v10;
	v9 =	vadd.f32 v12, v9  }
0x19d: {  	v8 =	vmul.f32 v8, v5;
	v19 =	vmul.f32 v62, v6  }
0x19e: {  	v9 =	vadd.f32 v9, v10;
	v20 =	vmul.f32 v63, v7;
	v21 =	vmul.f32 v18, v0;
	_ =	sdelay $0x1  }
0x19f: {  	[tilespmem:s30+$0x14030] =	vst v9;
	v8 =	vadd.f32 v19, v8;
	v22 =	vadd.f32 v21, v20  }
0x1a0: {  	v23 =	vld [tilespmem:s0+$0x4040]  }
0x1a1: {  	v24 =	vld [tilespmem:s0+$0x40C0];
	v8 =	vadd.f32 v22, v8  }
0x1a2: {  	v25 =	vld [tilespmem:s0+$0x4140]  }
0x1a3: {  	v26 =	vld [tilespmem:s0+$0x41C0];
	[tilespmem:s9+$0x14030] =	vst v8  }
0x1a4: {  	v8 =	vld [tilespmem:s29+$0x4040]  }
0x1a5: {  	v27 =	vld [tilespmem:s29+$0x40C0]  }
0x1a6: {  	v28 =	vld [tilespmem:s29+$0x4140]  }
0x1a7: {  	v29 =	vld [tilespmem:s29+$0x41C0];
	v10 =	vmul.f32 v23, v2;
	v11 =	vmul.f32 v24, v3  }
0x1a8: {  	v9 =	vmul.f32 v25, v4;
	v12 =	vmul.f32 v26, v1;
	_ =	sdelay $0x1  }
0x1a9: {  	v10 =	vadd.f32 v11, v10;
	v9 =	vadd.f32 v12, v9  }
0x1aa: {  	v8 =	vmul.f32 v8, v5;
	v30 =	vmul.f32 v27, v6  }
0x1ab: {  	v9 =	vadd.f32 v9, v10;
	v31 =	vmul.f32 v28, v7;
	v32 =	vmul.f32 v29, v0;
	_ =	sdelay $0x1  }
0x1ac: {  	[tilespmem:s30+$0x14040] =	vst v9;
	v8 =	vadd.f32 v30, v8;
	v33 =	vadd.f32 v32, v31  }
0x1ad: {  	v34 =	vld [tilespmem:s0+$0x4050]  }
0x1ae: {  	v35 =	vld [tilespmem:s0+$0x40D0];
	v8 =	vadd.f32 v33, v8  }
0x1af: {  	v36 =	vld [tilespmem:s0+$0x4150]  }
0x1b0: {  	v37 =	vld [tilespmem:s0+$0x41D0];
	[tilespmem:s9+$0x14040] =	vst v8  }
0x1b1: {  	v8 =	vld [tilespmem:s29+$0x4050]  }
0x1b2: {  	v38 =	vld [tilespmem:s29+$0x40D0]  }
0x1b3: {  	v39 =	vld [tilespmem:s29+$0x4150]  }
0x1b4: {  	v40 =	vld [tilespmem:s29+$0x41D0];
	v10 =	vmul.f32 v34, v2;
	v11 =	vmul.f32 v35, v3  }
0x1b5: {  	v9 =	vmul.f32 v36, v4;
	v12 =	vmul.f32 v37, v1;
	_ =	sdelay $0x1  }
0x1b6: {  	v10 =	vadd.f32 v11, v10;
	v9 =	vadd.f32 v12, v9  }
0x1b7: {  	v8 =	vmul.f32 v8, v5;
	v41 =	vmul.f32 v38, v6  }
0x1b8: {  	v9 =	vadd.f32 v9, v10;
	v42 =	vmul.f32 v39, v7;
	v43 =	vmul.f32 v40, v0;
	_ =	sdelay $0x1  }
0x1b9: {  	[tilespmem:s30+$0x14050] =	vst v9;
	v8 =	vadd.f32 v41, v8;
	v44 =	vadd.f32 v43, v42  }
0x1ba: {  	v45 =	vld [tilespmem:s0+$0x4060]  }
0x1bb: {  	v46 =	vld [tilespmem:s0+$0x40E0];
	v8 =	vadd.f32 v44, v8  }
0x1bc: {  	v47 =	vld [tilespmem:s0+$0x4160]  }
0x1bd: {  	v48 =	vld [tilespmem:s0+$0x41E0];
	[tilespmem:s9+$0x14050] =	vst v8  }
0x1be: {  	v8 =	vld [tilespmem:s29+$0x4060]  }
0x1bf: {  	v49 =	vld [tilespmem:s29+$0x40E0]  }
0x1c0: {  	v50 =	vld [tilespmem:s29+$0x4160]  }
0x1c1: {  	v51 =	vld [tilespmem:s29+$0x41E0];
	v10 =	vmul.f32 v45, v2;
	v11 =	vmul.f32 v46, v3  }
0x1c2: {  	v9 =	vmul.f32 v47, v4;
	v12 =	vmul.f32 v48, v1;
	_ =	sdelay $0x1  }
0x1c3: {  	v10 =	vadd.f32 v11, v10;
	v9 =	vadd.f32 v12, v9  }
0x1c4: {  	v8 =	vmul.f32 v8, v5;
	v52 =	vmul.f32 v49, v6  }
0x1c5: {  	v9 =	vadd.f32 v9, v10;
	v53 =	vmul.f32 v50, v7;
	v54 =	vmul.f32 v51, v0;
	_ =	sdelay $0x1  }
0x1c6: {  	[tilespmem:s30+$0x14060] =	vst v9;
	v8 =	vadd.f32 v52, v8;
	v55 =	vadd.f32 v54, v53  }
0x1c7: {  	v56 =	vld [tilespmem:s0+$0x4070]  }
0x1c8: {  	v57 =	vld [tilespmem:s0+$0x40F0];
	v8 =	vadd.f32 v55, v8  }
0x1c9: {  	v58 =	vld [tilespmem:s0+$0x4170]  }
0x1ca: {  	v59 =	vld [tilespmem:s0+$0x41F0];
	[tilespmem:s9+$0x14060] =	vst v8  }
0x1cb: {  	v8 =	vld [tilespmem:s29+$0x4070]  }
0x1cc: {  	v60 =	vld [tilespmem:s29+$0x40F0]  }
0x1cd: {  	v61 =	vld [tilespmem:s29+$0x4170]  }
0x1ce: {  	v62 =	vld [tilespmem:s29+$0x41F0];
	_ =	sdelay $0x1  }
0x1cf: {  	v2 =	vmul.f32 v56, v2;
	v3 =	vmul.f32 v57, v3  }
0x1d0: {  	v4 =	vmul.f32 v58, v4;
	v1 =	vmul.f32 v59, v1  }
0x1d1: {  	v5 =	vmul.f32 v8, v5;
	v6 =	vmul.f32 v60, v6  }
0x1d2: {  	v7 =	vmul.f32 v61, v7;
	v0 =	vmul.f32 v62, v0  }
0x1d3: {  	p1 =	slt.u32 s25, $0xE;
	v2 =	vadd.f32 v3, v2;
	v1 =	vadd.f32 v1, v4  }
.Ltmp0:
0x1d4: {  	v63 =	vadd.f32 v6, v5;
	v0 =	vadd.f32 v0, v7;
	(pc) =	sbr.rel @p1 .LBB2_3-.Ltmp0, $4  }
0x1d5: {  	v1 =	vadd.f32 v1, v2  }
0x1d6: {  	v0 =	vadd.f32 v0, v63  }
0x1d7: {  	s31 =	sadd.s32 $0x2, s25;
	[tilespmem:s30+$0x14070] =	vst v1  }
0x1d8: {  	s25 =	smov.u32 s31;
	[tilespmem:s9+$0x14070] =	vst v0  }
0x1d9: {  	p1 =	seq.s32 s24, $0xF  }
0x1da: {  	s25 =	sshra.s32 @!p1 s26, $0x2  }
0x1db: {  	s1 =	simm.s32 @!p1 $0x80;
	s9 =	simm.s32 @!p1 $0x4000;
	s0 =	sadd.s32 @!p1 $0x200, s25  }
0x1dc: {  	[tilespmem:s9], [sflag:$0x1] =	stream.indirect.gather @!p1 [hbm4b:s3+s1], $0x80, s0, s1, $0xb8;
	[tilespmem:$0x18000] =	vst v63  }
0x1dd: {  	s0 =	sadd.s32 @!p1 $0x280, s25;
	s9 =	simm.s32 @!p1 $0x8000  }
0x1de: {  	[tilespmem:s9], [sflag:$0x1] =	stream.indirect.gather @!p1 [hbm4b:s3+s1], $0x80, s0, s1, $0xb8;
	[tilespmem:$0x18000] =	vst v63  }
0x1df: {  	s30 =	sadd.s32 s26, s6  }
0x1e0: {  	[hbm4b:s30+s2] =	stream.linear.scatter [tilespmem:s18], [sflag:$0x3], $0x2000, $0x38;
	[tilespmem:$0x18000] =	vst v63  }
0x1e1: {  	_ =	swait.ge [sflag:s19], $0x4000  }
0x1e2: {  	[sflag:s19] =	ssyncset.done $0x0  }
0x1e3: {  	[sflag:s19] =	ssyncadd.s32 $0xFFFFC000  }
0x1e4: {  	_ =	swait.ge [sflag:s19], $0x4000  }
0x1e5: {  	[sflag:s19] =	ssyncset.done $0x0  }
0x1e6: {  	s26 =	sor.u32 $0x400, s26;
	s0 =	simm.s32 @!p0 $0x4;
	[sflag:s19] =	ssyncadd.s32 $0xFFFFC000  }
0x1e7: {  	s31 =	sshra.s32 s26, $0x2;
	_ =	swait.ge @!p0 [sflag:s0], $0x2000  }
0x1e8: {  	s1 =	sadd.s32 $0x2000, s31;
	[sflag:s0] =	ssyncset.done @!p0 $0x0  }
0x1e9: {  	s28 =	simm.s32 $0x0;
	[dreg:$0x3] =	wrdreg s1;
	[sflag:s0] =	ssyncadd.s32 @!p0 $0xFFFFE000  }
.LBB2_5:
0x1ea: {  	s1 =	sshll.u32 s28, $0x4;
	s31 =	sshll.u32 s28, $0xB  }
0x1eb: {  	s0 =	rddreg [dreg:$0x3];
	s9 =	sand.u32 $0x80, s1;
	s11 =	sand.u32 $0x3FFFF800, s31  }
0x1ec: {  	s1 =	sand.u32 $0x60, s1;
	s9 =	sadd.s32 s9, s0;
	v6 =	vld [tilespmem:s11+$0xC000]  }
0x1ed: {  	v7 =	vld [tilespmem:s11+$0xC080];
	s0 =	sadd.s32 s1, s9  }
0x1ee: {  	s29 =	sor.u32 $0x1, s28;
	v1 =	vld [tilespmem:s0+$0x0]  }
0x1ef: {  	s12 =	sshll.u32 s29, $0x4;
	s30 =	sshll.u32 s29, $0xB;
	v8 =	vld [tilespmem:s11+$0xC100]  }
0x1f0: {  	v9 =	vld [tilespmem:s11+$0xC180];
	s30 =	sand.u32 $0x3FFFF800, s30;
	s1 =	sand.u32 $0x70, s12  }
0x1f1: {  	v10 =	vld [tilespmem:s30+$0xC000];
	s1 =	sadd.s32 s1, s9  }
0x1f2: {  	v0 =	vld [tilespmem:s1+$0x0]  }
0x1f3: {  	v11 =	vld [tilespmem:s30+$0xC080];
	v2 =	vbroadcast v1, $0x0;
	v3 =	vbroadcast v1, $0x1  }
0x1f4: {  	v12 =	vld [tilespmem:s30+$0xC100];
	v4 =	vbroadcast v1, $0x2;
	v5 =	vbroadcast v1, $0x3  }
0x1f5: {  	v13 =	vld [tilespmem:s30+$0xC180];
	v6 =	vmul.f32 v6, v2;
	v7 =	vmul.f32 v7, v3  }
0x1f6: {  	v14 =	vmul.f32 v8, v4;
	v15 =	vmul.f32 v9, v5  }
0x1f7: {  	v8 =	vbroadcast v0, $0x0;
	v9 =	vbroadcast v0, $0x1;
	v16 =	vadd.f32 v7, v6  }
0x1f8: {  	v14 =	vadd.f32 v15, v14;
	v6 =	vbroadcast v0, $0x2;
	v7 =	vbroadcast v0, $0x3  }
0x1f9: {  	v10 =	vmul.f32 v10, v8;
	v11 =	vmul.f32 v11, v9  }
0x1fa: {  	s31 =	sshll.u32 s28, $0x9;
	v14 =	vadd.f32 v14, v16;
	v12 =	vmul.f32 v12, v6;
	v13 =	vmul.f32 v13, v7  }
0x1fb: {  	s31 =	sand.u32 $0x3FFFFE00, s31  }
0x1fc: {  	v10 =	vadd.f32 v11, v10;
	[tilespmem:s31+$0x16000] =	vst v14;
	v37 =	vadd.f32 v13, v12  }
0x1fd: {  	v38 =	vld [tilespmem:s11+$0xC010]  }
0x1fe: {  	s9 =	sshll.u32 s29, $0x9;
	v39 =	vld [tilespmem:s11+$0xC090];
	v10 =	vadd.f32 v37, v10  }
0x1ff: {  	s1 =	sand.u32 $0x3FFFFE00, s9;
	v40 =	vld [tilespmem:s11+$0xC110]  }
0x200: {  	v14 =	vld [tilespmem:s11+$0xC190];
	[tilespmem:s1+$0x16000] =	vst v10  }
0x201: {  	v10 =	vld [tilespmem:s30+$0xC010]  }
0x202: {  	v41 =	vld [tilespmem:s30+$0xC090]  }
0x203: {  	v42 =	vld [tilespmem:s30+$0xC110]  }
0x204: {  	v17 =	vld [tilespmem:s30+$0xC190];
	v12 =	vmul.f32 v38, v2;
	v13 =	vmul.f32 v39, v3  }
0x205: {  	v11 =	vmul.f32 v40, v4;
	v14 =	vmul.f32 v14, v5;
	_ =	sdelay $0x1  }
0x206: {  	v12 =	vadd.f32 v13, v12;
	v11 =	vadd.f32 v14, v11  }
0x207: {  	v10 =	vmul.f32 v10, v8;
	v43 =	vmul.f32 v41, v9  }
0x208: {  	v11 =	vadd.f32 v11, v12;
	v44 =	vmul.f32 v42, v6;
	v45 =	vmul.f32 v17, v7;
	_ =	sdelay $0x1  }
0x209: {  	[tilespmem:s31+$0x16010] =	vst v11;
	v10 =	vadd.f32 v43, v10;
	v46 =	vadd.f32 v45, v44  }
0x20a: {  	v47 =	vld [tilespmem:s11+$0xC020]  }
0x20b: {  	v48 =	vld [tilespmem:s11+$0xC0A0];
	v10 =	vadd.f32 v46, v10  }
0x20c: {  	v49 =	vld [tilespmem:s11+$0xC120]  }
0x20d: {  	v50 =	vld [tilespmem:s11+$0xC1A0];
	[tilespmem:s1+$0x16010] =	vst v10  }
0x20e: {  	v10 =	vld [tilespmem:s30+$0xC020]  }
0x20f: {  	v51 =	vld [tilespmem:s30+$0xC0A0]  }
0x210: {  	v52 =	vld [tilespmem:s30+$0xC120]  }
0x211: {  	v53 =	vld [tilespmem:s30+$0xC1A0];
	v12 =	vmul.f32 v47, v2;
	v13 =	vmul.f32 v48, v3  }
0x212: {  	v11 =	vmul.f32 v49, v4;
	v14 =	vmul.f32 v50, v5;
	_ =	sdelay $0x1  }
0x213: {  	v12 =	vadd.f32 v13, v12;
	v11 =	vadd.f32 v14, v11  }
0x214: {  	v10 =	vmul.f32 v10, v8;
	v54 =	vmul.f32 v51, v9  }
0x215: {  	v11 =	vadd.f32 v11, v12;
	v55 =	vmul.f32 v52, v6;
	v56 =	vmul.f32 v53, v7;
	_ =	sdelay $0x1  }
0x216: {  	[tilespmem:s31+$0x16020] =	vst v11;
	v10 =	vadd.f32 v54, v10;
	v57 =	vadd.f32 v56, v55  }
0x217: {  	v58 =	vld [tilespmem:s11+$0xC030]  }
0x218: {  	v59 =	vld [tilespmem:s11+$0xC0B0];
	v10 =	vadd.f32 v57, v10  }
0x219: {  	v60 =	vld [tilespmem:s11+$0xC130]  }
0x21a: {  	v61 =	vld [tilespmem:s11+$0xC1B0];
	[tilespmem:s1+$0x16020] =	vst v10  }
0x21b: {  	v10 =	vld [tilespmem:s30+$0xC030]  }
0x21c: {  	v62 =	vld [tilespmem:s30+$0xC0B0]  }
0x21d: {  	v63 =	vld [tilespmem:s30+$0xC130]  }
0x21e: {  	v20 =	vld [tilespmem:s30+$0xC1B0];
	v12 =	vmul.f32 v58, v2;
	v13 =	vmul.f32 v59, v3  }
0x21f: {  	v11 =	vmul.f32 v60, v4;
	v14 =	vmul.f32 v61, v5;
	_ =	sdelay $0x1  }
0x220: {  	v12 =	vadd.f32 v13, v12;
	v11 =	vadd.f32 v14, v11  }
0x221: {  	v10 =	vmul.f32 v10, v8;
	v21 =	vmul.f32 v62, v9  }
0x222: {  	v11 =	vadd.f32 v11, v12;
	v22 =	vmul.f32 v63, v6;
	v23 =	vmul.f32 v20, v7;
	_ =	sdelay $0x1  }
0x223: {  	[tilespmem:s31+$0x16030] =	vst v11;
	v10 =	vadd.f32 v21, v10;
	v24 =	vadd.f32 v23, v22  }
0x224: {  	v25 =	vld [tilespmem:s11+$0xC040]  }
0x225: {  	v26 =	vld [tilespmem:s11+$0xC0C0];
	v10 =	vadd.f32 v24, v10  }
0x226: {  	v27 =	vld [tilespmem:s11+$0xC140]  }
0x227: {  	v28 =	vld [tilespmem:s11+$0xC1C0];
	[tilespmem:s1+$0x16030] =	vst v10  }
0x228: {  	v10 =	vld [tilespmem:s30+$0xC040]  }
0x229: {  	v29 =	vld [tilespmem:s30+$0xC0C0]  }
0x22a: {  	v30 =	vld [tilespmem:s30+$0xC140]  }
0x22b: {  	v31 =	vld [tilespmem:s30+$0xC1C0];
	v12 =	vmul.f32 v25, v2;
	v13 =	vmul.f32 v26, v3  }
0x22c: {  	v11 =	vmul.f32 v27, v4;
	v14 =	vmul.f32 v28, v5;
	_ =	sdelay $0x1  }
0x22d: {  	v12 =	vadd.f32 v13, v12;
	v11 =	vadd.f32 v14, v11  }
0x22e: {  	v10 =	vmul.f32 v10, v8;
	v32 =	vmul.f32 v29, v9  }
0x22f: {  	v11 =	vadd.f32 v11, v12;
	v33 =	vmul.f32 v30, v6;
	v34 =	vmul.f32 v31, v7;
	_ =	sdelay $0x1  }
0x230: {  	[tilespmem:s31+$0x16040] =	vst v11;
	v10 =	vadd.f32 v32, v10;
	v35 =	vadd.f32 v34, v33  }
0x231: {  	v36 =	vld [tilespmem:s11+$0xC050]  }
0x232: {  	v37 =	vld [tilespmem:s11+$0xC0D0];
	v10 =	vadd.f32 v35, v10  }
0x233: {  	v38 =	vld [tilespmem:s11+$0xC150]  }
0x234: {  	v39 =	vld [tilespmem:s11+$0xC1D0];
	[tilespmem:s1+$0x16040] =	vst v10  }
0x235: {  	v10 =	vld [tilespmem:s30+$0xC050]  }
0x236: {  	v40 =	vld [tilespmem:s30+$0xC0D0]  }
0x237: {  	v41 =	vld [tilespmem:s30+$0xC150]  }
0x238: {  	v42 =	vld [tilespmem:s30+$0xC1D0];
	v12 =	vmul.f32 v36, v2;
	v13 =	vmul.f32 v37, v3  }
0x239: {  	v11 =	vmul.f32 v38, v4;
	v14 =	vmul.f32 v39, v5;
	_ =	sdelay $0x1  }
0x23a: {  	v12 =	vadd.f32 v13, v12;
	v11 =	vadd.f32 v14, v11  }
0x23b: {  	v10 =	vmul.f32 v10, v8;
	v43 =	vmul.f32 v40, v9  }
0x23c: {  	v11 =	vadd.f32 v11, v12;
	v44 =	vmul.f32 v41, v6;
	v45 =	vmul.f32 v42, v7;
	_ =	sdelay $0x1  }
0x23d: {  	[tilespmem:s31+$0x16050] =	vst v11;
	v10 =	vadd.f32 v43, v10;
	v46 =	vadd.f32 v45, v44  }
0x23e: {  	v47 =	vld [tilespmem:s11+$0xC060]  }
0x23f: {  	v48 =	vld [tilespmem:s11+$0xC0E0];
	v10 =	vadd.f32 v46, v10  }
0x240: {  	v49 =	vld [tilespmem:s11+$0xC160]  }
0x241: {  	v50 =	vld [tilespmem:s11+$0xC1E0];
	[tilespmem:s1+$0x16050] =	vst v10  }
0x242: {  	v10 =	vld [tilespmem:s30+$0xC060]  }
0x243: {  	v51 =	vld [tilespmem:s30+$0xC0E0]  }
0x244: {  	v52 =	vld [tilespmem:s30+$0xC160]  }
0x245: {  	v53 =	vld [tilespmem:s30+$0xC1E0];
	v12 =	vmul.f32 v47, v2;
	v13 =	vmul.f32 v48, v3  }
0x246: {  	v11 =	vmul.f32 v49, v4;
	v14 =	vmul.f32 v50, v5;
	_ =	sdelay $0x1  }
0x247: {  	v12 =	vadd.f32 v13, v12;
	v11 =	vadd.f32 v14, v11  }
0x248: {  	v10 =	vmul.f32 v10, v8;
	v54 =	vmul.f32 v51, v9  }
0x249: {  	v11 =	vadd.f32 v11, v12;
	v55 =	vmul.f32 v52, v6;
	v56 =	vmul.f32 v53, v7;
	_ =	sdelay $0x1  }
0x24a: {  	[tilespmem:s31+$0x16060] =	vst v11;
	v10 =	vadd.f32 v54, v10;
	v57 =	vadd.f32 v56, v55  }
0x24b: {  	v58 =	vld [tilespmem:s11+$0xC070]  }
0x24c: {  	v59 =	vld [tilespmem:s11+$0xC0F0];
	v10 =	vadd.f32 v57, v10  }
0x24d: {  	v60 =	vld [tilespmem:s11+$0xC170]  }
0x24e: {  	v61 =	vld [tilespmem:s11+$0xC1F0];
	[tilespmem:s1+$0x16060] =	vst v10  }
0x24f: {  	v10 =	vld [tilespmem:s30+$0xC070]  }
0x250: {  	v62 =	vld [tilespmem:s30+$0xC0F0]  }
0x251: {  	v63 =	vld [tilespmem:s30+$0xC170]  }
0x252: {  	v18 =	vld [tilespmem:s30+$0xC1F0];
	v2 =	vmul.f32 v58, v2;
	v3 =	vmul.f32 v59, v3  }
0x253: {  	v4 =	vmul.f32 v60, v4;
	v5 =	vmul.f32 v61, v5;
	_ =	sdelay $0x1  }
0x254: {  	v2 =	vadd.f32 v3, v2;
	v19 =	vadd.f32 v5, v4  }
0x255: {  	s30 =	sshll.u32 s28, $0x2;
	v20 =	vmul.f32 v10, v8;
	v21 =	vmul.f32 v62, v9  }
0x256: {  	s9 =	sor.u32 $0x1, s30;
	v2 =	vadd.f32 v19, v2;
	v22 =	vmul.f32 v63, v6;
	v23 =	vmul.f32 v18, v7  }
0x257: {  	s11 =	sshll.u32 s9, $0x9  }
0x258: {  	s0 =	sand.u32 $0x3FFFFA00, s11;
	[tilespmem:s31+$0x16070] =	vst v2;
	v24 =	vadd.f32 v21, v20;
	v3 =	vadd.f32 v23, v22  }
0x259: {  	s31 =	sshll.u32 s29, $0x2;
	v25 =	vld [tilespmem:s0+$0xC000]  }
0x25a: {  	v26 =	vld [tilespmem:s0+$0xC080];
	s12 =	sor.u32 $0x1, s31;
	v2 =	vadd.f32 v3, v24  }
0x25b: {  	v27 =	vld [tilespmem:s0+$0xC100];
	s11 =	sshll.u32 s12, $0x9  }
0x25c: {  	v28 =	vld [tilespmem:s0+$0xC180];
	[tilespmem:s1+$0x16070] =	vst v2;
	s1 =	sand.u32 $0x3FFFFA00, s11  }
0x25d: {  	v29 =	vld [tilespmem:s1+$0xC000]  }
0x25e: {  	v3 =	vbroadcast v1, $0x5;
	v2 =	vbroadcast v1, $0x4;
	v30 =	vld [tilespmem:s1+$0xC080]  }
0x25f: {  	v4 =	vbroadcast v1, $0x6;
	v5 =	vbroadcast v1, $0x7;
	v31 =	vld [tilespmem:s1+$0xC100]  }
0x260: {  	v32 =	vld [tilespmem:s1+$0xC180];
	v6 =	vmul.f32 v25, v2;
	v7 =	vmul.f32 v26, v3  }
0x261: {  	v33 =	vmul.f32 v27, v4;
	v34 =	vmul.f32 v28, v5  }
0x262: {  	v8 =	vbroadcast v0, $0x4;
	v9 =	vbroadcast v0, $0x5;
	v35 =	vadd.f32 v7, v6  }
0x263: {  	v14 =	vadd.f32 v34, v33;
	v6 =	vbroadcast v0, $0x6;
	v7 =	vbroadcast v0, $0x7  }
0x264: {  	v10 =	vmul.f32 v29, v8;
	v11 =	vmul.f32 v30, v9  }
0x265: {  	s9 =	sshll.u32 s9, $0x7;
	v14 =	vadd.f32 v14, v35;
	v12 =	vmul.f32 v31, v6;
	v13 =	vmul.f32 v32, v7  }
0x266: {  	s11 =	sand.u32 $0x3FFFFE80, s9  }
0x267: {  	[tilespmem:s11+$0x16000] =	vst v14;
	v10 =	vadd.f32 v11, v10;
	v36 =	vadd.f32 v13, v12  }
0x268: {  	v37 =	vld [tilespmem:s0+$0xC010]  }
0x269: {  	s12 =	sshll.u32 s12, $0x7;
	v38 =	vld [tilespmem:s0+$0xC090];
	v10 =	vadd.f32 v36, v10  }
0x26a: {  	s9 =	sand.u32 $0x3FFFFE80, s12;
	v39 =	vld [tilespmem:s0+$0xC110]  }
0x26b: {  	v14 =	vld [tilespmem:s0+$0xC190];
	[tilespmem:s9+$0x16000] =	vst v10  }
0x26c: {  	v10 =	vld [tilespmem:s1+$0xC010]  }
0x26d: {  	v40 =	vld [tilespmem:s1+$0xC090]  }
0x26e: {  	v41 =	vld [tilespmem:s1+$0xC110]  }
0x26f: {  	v42 =	vld [tilespmem:s1+$0xC190];
	v12 =	vmul.f32 v37, v2;
	v13 =	vmul.f32 v38, v3  }
0x270: {  	v11 =	vmul.f32 v39, v4;
	v14 =	vmul.f32 v14, v5;
	_ =	sdelay $0x1  }
0x271: {  	v12 =	vadd.f32 v13, v12;
	v11 =	vadd.f32 v14, v11  }
0x272: {  	v10 =	vmul.f32 v10, v8;
	v43 =	vmul.f32 v40, v9  }
0x273: {  	v11 =	vadd.f32 v11, v12;
	v44 =	vmul.f32 v41, v6;
	v45 =	vmul.f32 v42, v7;
	_ =	sdelay $0x1  }
0x274: {  	[tilespmem:s11+$0x16010] =	vst v11;
	v10 =	vadd.f32 v43, v10;
	v46 =	vadd.f32 v45, v44  }
0x275: {  	v47 =	vld [tilespmem:s0+$0xC020]  }
0x276: {  	v48 =	vld [tilespmem:s0+$0xC0A0];
	v10 =	vadd.f32 v46, v10  }
0x277: {  	v49 =	vld [tilespmem:s0+$0xC120]  }
0x278: {  	v50 =	vld [tilespmem:s0+$0xC1A0];
	[tilespmem:s9+$0x16010] =	vst v10  }
0x279: {  	v10 =	vld [tilespmem:s1+$0xC020]  }
0x27a: {  	v51 =	vld [tilespmem:s1+$0xC0A0]  }
0x27b: {  	v52 =	vld [tilespmem:s1+$0xC120]  }
0x27c: {  	v53 =	vld [tilespmem:s1+$0xC1A0];
	v12 =	vmul.f32 v47, v2;
	v13 =	vmul.f32 v48, v3  }
0x27d: {  	v11 =	vmul.f32 v49, v4;
	v14 =	vmul.f32 v50, v5;
	_ =	sdelay $0x1  }
0x27e: {  	v12 =	vadd.f32 v13, v12;
	v11 =	vadd.f32 v14, v11  }
0x27f: {  	v10 =	vmul.f32 v10, v8;
	v54 =	vmul.f32 v51, v9  }
0x280: {  	v11 =	vadd.f32 v11, v12;
	v55 =	vmul.f32 v52, v6;
	v56 =	vmul.f32 v53, v7;
	_ =	sdelay $0x1  }
0x281: {  	[tilespmem:s11+$0x16020] =	vst v11;
	v10 =	vadd.f32 v54, v10;
	v57 =	vadd.f32 v56, v55  }
0x282: {  	v58 =	vld [tilespmem:s0+$0xC030]  }
0x283: {  	v59 =	vld [tilespmem:s0+$0xC0B0];
	v10 =	vadd.f32 v57, v10  }
0x284: {  	v60 =	vld [tilespmem:s0+$0xC130]  }
0x285: {  	v61 =	vld [tilespmem:s0+$0xC1B0];
	[tilespmem:s9+$0x16020] =	vst v10  }
0x286: {  	v10 =	vld [tilespmem:s1+$0xC030]  }
0x287: {  	v62 =	vld [tilespmem:s1+$0xC0B0]  }
0x288: {  	v63 =	vld [tilespmem:s1+$0xC130]  }
0x289: {  	v20 =	vld [tilespmem:s1+$0xC1B0];
	v12 =	vmul.f32 v58, v2;
	v13 =	vmul.f32 v59, v3  }
0x28a: {  	v11 =	vmul.f32 v60, v4;
	v14 =	vmul.f32 v61, v5;
	_ =	sdelay $0x1  }
0x28b: {  	v12 =	vadd.f32 v13, v12;
	v11 =	vadd.f32 v14, v11  }
0x28c: {  	v10 =	vmul.f32 v10, v8;
	v21 =	vmul.f32 v62, v9  }
0x28d: {  	v11 =	vadd.f32 v11, v12;
	v22 =	vmul.f32 v63, v6;
	v23 =	vmul.f32 v20, v7;
	_ =	sdelay $0x1  }
0x28e: {  	[tilespmem:s11+$0x16030] =	vst v11;
	v10 =	vadd.f32 v21, v10;
	v24 =	vadd.f32 v23, v22  }
0x28f: {  	v25 =	vld [tilespmem:s0+$0xC040]  }
0x290: {  	v26 =	vld [tilespmem:s0+$0xC0C0];
	v10 =	vadd.f32 v24, v10  }
0x291: {  	v27 =	vld [tilespmem:s0+$0xC140]  }
0x292: {  	v28 =	vld [tilespmem:s0+$0xC1C0];
	[tilespmem:s9+$0x16030] =	vst v10  }
0x293: {  	v10 =	vld [tilespmem:s1+$0xC040]  }
0x294: {  	v29 =	vld [tilespmem:s1+$0xC0C0]  }
0x295: {  	v30 =	vld [tilespmem:s1+$0xC140]  }
0x296: {  	v31 =	vld [tilespmem:s1+$0xC1C0];
	v12 =	vmul.f32 v25, v2;
	v13 =	vmul.f32 v26, v3  }
0x297: {  	v11 =	vmul.f32 v27, v4;
	v14 =	vmul.f32 v28, v5;
	_ =	sdelay $0x1  }
0x298: {  	v12 =	vadd.f32 v13, v12;
	v11 =	vadd.f32 v14, v11  }
0x299: {  	v10 =	vmul.f32 v10, v8;
	v32 =	vmul.f32 v29, v9  }
0x29a: {  	v11 =	vadd.f32 v11, v12;
	v33 =	vmul.f32 v30, v6;
	v34 =	vmul.f32 v31, v7;
	_ =	sdelay $0x1  }
0x29b: {  	[tilespmem:s11+$0x16040] =	vst v11;
	v10 =	vadd.f32 v32, v10;
	v35 =	vadd.f32 v34, v33  }
0x29c: {  	v36 =	vld [tilespmem:s0+$0xC050]  }
0x29d: {  	v37 =	vld [tilespmem:s0+$0xC0D0];
	v10 =	vadd.f32 v35, v10  }
0x29e: {  	v38 =	vld [tilespmem:s0+$0xC150]  }
0x29f: {  	v39 =	vld [tilespmem:s0+$0xC1D0];
	[tilespmem:s9+$0x16040] =	vst v10  }
0x2a0: {  	v10 =	vld [tilespmem:s1+$0xC050]  }
0x2a1: {  	v40 =	vld [tilespmem:s1+$0xC0D0]  }
0x2a2: {  	v41 =	vld [tilespmem:s1+$0xC150]  }
0x2a3: {  	v42 =	vld [tilespmem:s1+$0xC1D0];
	v12 =	vmul.f32 v36, v2;
	v13 =	vmul.f32 v37, v3  }
0x2a4: {  	v11 =	vmul.f32 v38, v4;
	v14 =	vmul.f32 v39, v5;
	_ =	sdelay $0x1  }
0x2a5: {  	v12 =	vadd.f32 v13, v12;
	v11 =	vadd.f32 v14, v11  }
0x2a6: {  	v10 =	vmul.f32 v10, v8;
	v43 =	vmul.f32 v40, v9  }
0x2a7: {  	v11 =	vadd.f32 v11, v12;
	v44 =	vmul.f32 v41, v6;
	v45 =	vmul.f32 v42, v7;
	_ =	sdelay $0x1  }
0x2a8: {  	[tilespmem:s11+$0x16050] =	vst v11;
	v10 =	vadd.f32 v43, v10;
	v46 =	vadd.f32 v45, v44  }
0x2a9: {  	v47 =	vld [tilespmem:s0+$0xC060]  }
0x2aa: {  	v48 =	vld [tilespmem:s0+$0xC0E0];
	v10 =	vadd.f32 v46, v10  }
0x2ab: {  	v49 =	vld [tilespmem:s0+$0xC160]  }
0x2ac: {  	v50 =	vld [tilespmem:s0+$0xC1E0];
	[tilespmem:s9+$0x16050] =	vst v10  }
0x2ad: {  	v10 =	vld [tilespmem:s1+$0xC060]  }
0x2ae: {  	v51 =	vld [tilespmem:s1+$0xC0E0]  }
0x2af: {  	v52 =	vld [tilespmem:s1+$0xC160]  }
0x2b0: {  	v53 =	vld [tilespmem:s1+$0xC1E0];
	v12 =	vmul.f32 v47, v2;
	v13 =	vmul.f32 v48, v3  }
0x2b1: {  	v11 =	vmul.f32 v49, v4;
	v14 =	vmul.f32 v50, v5;
	_ =	sdelay $0x1  }
0x2b2: {  	v12 =	vadd.f32 v13, v12;
	v11 =	vadd.f32 v14, v11  }
0x2b3: {  	v10 =	vmul.f32 v10, v8;
	v54 =	vmul.f32 v51, v9  }
0x2b4: {  	v11 =	vadd.f32 v11, v12;
	v55 =	vmul.f32 v52, v6;
	v56 =	vmul.f32 v53, v7;
	_ =	sdelay $0x1  }
0x2b5: {  	[tilespmem:s11+$0x16060] =	vst v11;
	v10 =	vadd.f32 v54, v10;
	v57 =	vadd.f32 v56, v55  }
0x2b6: {  	v58 =	vld [tilespmem:s0+$0xC070]  }
0x2b7: {  	v59 =	vld [tilespmem:s0+$0xC0F0];
	v10 =	vadd.f32 v57, v10  }
0x2b8: {  	v60 =	vld [tilespmem:s0+$0xC170]  }
0x2b9: {  	v61 =	vld [tilespmem:s0+$0xC1F0];
	[tilespmem:s9+$0x16060] =	vst v10  }
0x2ba: {  	v10 =	vld [tilespmem:s1+$0xC070]  }
0x2bb: {  	v62 =	vld [tilespmem:s1+$0xC0F0]  }
0x2bc: {  	v63 =	vld [tilespmem:s1+$0xC170]  }
0x2bd: {  	v18 =	vld [tilespmem:s1+$0xC1F0];
	v2 =	vmul.f32 v58, v2;
	v3 =	vmul.f32 v59, v3  }
0x2be: {  	v4 =	vmul.f32 v60, v4;
	v5 =	vmul.f32 v61, v5;
	_ =	sdelay $0x1  }
0x2bf: {  	v2 =	vadd.f32 v3, v2;
	v19 =	vadd.f32 v5, v4  }
0x2c0: {  	v20 =	vmul.f32 v10, v8;
	v21 =	vmul.f32 v62, v9  }
0x2c1: {  	s12 =	sor.u32 $0x2, s30;
	v2 =	vadd.f32 v19, v2;
	v22 =	vmul.f32 v63, v6;
	v23 =	vmul.f32 v18, v7  }
0x2c2: {  	s30 =	sshll.u32 s12, $0x9  }
0x2c3: {  	s0 =	sand.u32 $0x3FFFFC00, s30;
	[tilespmem:s11+$0x16070] =	vst v2;
	v24 =	vadd.f32 v21, v20;
	v3 =	vadd.f32 v23, v22  }
0x2c4: {  	v25 =	vld [tilespmem:s0+$0xC000]  }
0x2c5: {  	s30 =	sor.u32 $0x2, s31;
	v26 =	vld [tilespmem:s0+$0xC080];
	v2 =	vadd.f32 v3, v24  }
0x2c6: {  	s31 =	sshll.u32 s30, $0x9;
	v27 =	vld [tilespmem:s0+$0xC100]  }
0x2c7: {  	s1 =	sand.u32 $0x3FFFFC00, s31;
	v28 =	vld [tilespmem:s0+$0xC180];
	[tilespmem:s9+$0x16070] =	vst v2  }
0x2c8: {  	v29 =	vld [tilespmem:s1+$0xC000]  }
0x2c9: {  	v3 =	vbroadcast v1, $0x9;
	v2 =	vbroadcast v1, $0x8;
	v30 =	vld [tilespmem:s1+$0xC080]  }
0x2ca: {  	v4 =	vbroadcast v1, $0xA;
	v5 =	vbroadcast v1, $0xB;
	v31 =	vld [tilespmem:s1+$0xC100]  }
0x2cb: {  	v32 =	vld [tilespmem:s1+$0xC180];
	v6 =	vmul.f32 v25, v2;
	v7 =	vmul.f32 v26, v3  }
0x2cc: {  	v33 =	vmul.f32 v27, v4;
	v34 =	vmul.f32 v28, v5  }
0x2cd: {  	v8 =	vbroadcast v0, $0x8;
	v9 =	vbroadcast v0, $0x9;
	v35 =	vadd.f32 v7, v6  }
0x2ce: {  	v14 =	vadd.f32 v34, v33;
	v6 =	vbroadcast v0, $0xA;
	v7 =	vbroadcast v0, $0xB  }
0x2cf: {  	v10 =	vmul.f32 v29, v8;
	v11 =	vmul.f32 v30, v9  }
0x2d0: {  	s11 =	sshll.u32 s12, $0x7;
	v14 =	vadd.f32 v14, v35;
	v12 =	vmul.f32 v31, v6;
	v13 =	vmul.f32 v32, v7  }
0x2d1: {  	s12 =	sand.u32 $0x3FFFFF00, s11  }
0x2d2: {  	[tilespmem:s12+$0x16000] =	vst v14;
	v10 =	vadd.f32 v11, v10;
	v36 =	vadd.f32 v13, v12  }
0x2d3: {  	v37 =	vld [tilespmem:s0+$0xC010]  }
0x2d4: {  	s30 =	sshll.u32 s30, $0x7;
	v38 =	vld [tilespmem:s0+$0xC090];
	v10 =	vadd.f32 v36, v10  }
0x2d5: {  	s9 =	sand.u32 $0x3FFFFF00, s30;
	v39 =	vld [tilespmem:s0+$0xC110]  }
0x2d6: {  	v14 =	vld [tilespmem:s0+$0xC190];
	[tilespmem:s9+$0x16000] =	vst v10  }
0x2d7: {  	v10 =	vld [tilespmem:s1+$0xC010]  }
0x2d8: {  	v40 =	vld [tilespmem:s1+$0xC090]  }
0x2d9: {  	v41 =	vld [tilespmem:s1+$0xC110]  }
0x2da: {  	v42 =	vld [tilespmem:s1+$0xC190];
	v12 =	vmul.f32 v37, v2;
	v13 =	vmul.f32 v38, v3  }
0x2db: {  	v11 =	vmul.f32 v39, v4;
	v14 =	vmul.f32 v14, v5;
	_ =	sdelay $0x1  }
0x2dc: {  	v12 =	vadd.f32 v13, v12;
	v11 =	vadd.f32 v14, v11  }
0x2dd: {  	v10 =	vmul.f32 v10, v8;
	v43 =	vmul.f32 v40, v9  }
0x2de: {  	v11 =	vadd.f32 v11, v12;
	v44 =	vmul.f32 v41, v6;
	v45 =	vmul.f32 v42, v7;
	_ =	sdelay $0x1  }
0x2df: {  	[tilespmem:s12+$0x16010] =	vst v11;
	v10 =	vadd.f32 v43, v10;
	v46 =	vadd.f32 v45, v44  }
0x2e0: {  	v47 =	vld [tilespmem:s0+$0xC020]  }
0x2e1: {  	v48 =	vld [tilespmem:s0+$0xC0A0];
	v10 =	vadd.f32 v46, v10  }
0x2e2: {  	v49 =	vld [tilespmem:s0+$0xC120]  }
0x2e3: {  	v50 =	vld [tilespmem:s0+$0xC1A0];
	[tilespmem:s9+$0x16010] =	vst v10  }
0x2e4: {  	v10 =	vld [tilespmem:s1+$0xC020]  }
0x2e5: {  	v51 =	vld [tilespmem:s1+$0xC0A0]  }
0x2e6: {  	v52 =	vld [tilespmem:s1+$0xC120]  }
0x2e7: {  	v53 =	vld [tilespmem:s1+$0xC1A0];
	v12 =	vmul.f32 v47, v2;
	v13 =	vmul.f32 v48, v3  }
0x2e8: {  	v11 =	vmul.f32 v49, v4;
	v14 =	vmul.f32 v50, v5;
	_ =	sdelay $0x1  }
0x2e9: {  	v12 =	vadd.f32 v13, v12;
	v11 =	vadd.f32 v14, v11  }
0x2ea: {  	v10 =	vmul.f32 v10, v8;
	v54 =	vmul.f32 v51, v9  }
0x2eb: {  	v11 =	vadd.f32 v11, v12;
	v55 =	vmul.f32 v52, v6;
	v56 =	vmul.f32 v53, v7;
	_ =	sdelay $0x1  }
0x2ec: {  	[tilespmem:s12+$0x16020] =	vst v11;
	v10 =	vadd.f32 v54, v10;
	v57 =	vadd.f32 v56, v55  }
0x2ed: {  	v58 =	vld [tilespmem:s0+$0xC030]  }
0x2ee: {  	v59 =	vld [tilespmem:s0+$0xC0B0];
	v10 =	vadd.f32 v57, v10  }
0x2ef: {  	v60 =	vld [tilespmem:s0+$0xC130]  }
0x2f0: {  	v61 =	vld [tilespmem:s0+$0xC1B0];
	[tilespmem:s9+$0x16020] =	vst v10  }
0x2f1: {  	v10 =	vld [tilespmem:s1+$0xC030]  }
0x2f2: {  	v62 =	vld [tilespmem:s1+$0xC0B0]  }
0x2f3: {  	v63 =	vld [tilespmem:s1+$0xC130]  }
0x2f4: {  	v20 =	vld [tilespmem:s1+$0xC1B0];
	v12 =	vmul.f32 v58, v2;
	v13 =	vmul.f32 v59, v3  }
0x2f5: {  	v11 =	vmul.f32 v60, v4;
	v14 =	vmul.f32 v61, v5;
	_ =	sdelay $0x1  }
0x2f6: {  	v12 =	vadd.f32 v13, v12;
	v11 =	vadd.f32 v14, v11  }
0x2f7: {  	v10 =	vmul.f32 v10, v8;
	v21 =	vmul.f32 v62, v9  }
0x2f8: {  	v11 =	vadd.f32 v11, v12;
	v22 =	vmul.f32 v63, v6;
	v23 =	vmul.f32 v20, v7;
	_ =	sdelay $0x1  }
0x2f9: {  	[tilespmem:s12+$0x16030] =	vst v11;
	v10 =	vadd.f32 v21, v10;
	v24 =	vadd.f32 v23, v22  }
0x2fa: {  	v25 =	vld [tilespmem:s0+$0xC040]  }
0x2fb: {  	v26 =	vld [tilespmem:s0+$0xC0C0];
	v10 =	vadd.f32 v24, v10  }
0x2fc: {  	v27 =	vld [tilespmem:s0+$0xC140]  }
0x2fd: {  	v28 =	vld [tilespmem:s0+$0xC1C0];
	[tilespmem:s9+$0x16030] =	vst v10  }
0x2fe: {  	v10 =	vld [tilespmem:s1+$0xC040]  }
0x2ff: {  	v29 =	vld [tilespmem:s1+$0xC0C0]  }
0x300: {  	v30 =	vld [tilespmem:s1+$0xC140]  }
0x301: {  	v31 =	vld [tilespmem:s1+$0xC1C0];
	v12 =	vmul.f32 v25, v2;
	v13 =	vmul.f32 v26, v3  }
0x302: {  	v11 =	vmul.f32 v27, v4;
	v14 =	vmul.f32 v28, v5;
	_ =	sdelay $0x1  }
0x303: {  	v12 =	vadd.f32 v13, v12;
	v11 =	vadd.f32 v14, v11  }
0x304: {  	v10 =	vmul.f32 v10, v8;
	v32 =	vmul.f32 v29, v9  }
0x305: {  	v11 =	vadd.f32 v11, v12;
	v33 =	vmul.f32 v30, v6;
	v34 =	vmul.f32 v31, v7;
	_ =	sdelay $0x1  }
0x306: {  	[tilespmem:s12+$0x16040] =	vst v11;
	v10 =	vadd.f32 v32, v10;
	v35 =	vadd.f32 v34, v33  }
0x307: {  	v36 =	vld [tilespmem:s0+$0xC050]  }
0x308: {  	v37 =	vld [tilespmem:s0+$0xC0D0];
	v10 =	vadd.f32 v35, v10  }
0x309: {  	v38 =	vld [tilespmem:s0+$0xC150]  }
0x30a: {  	v39 =	vld [tilespmem:s0+$0xC1D0];
	[tilespmem:s9+$0x16040] =	vst v10  }
0x30b: {  	v10 =	vld [tilespmem:s1+$0xC050]  }
0x30c: {  	v40 =	vld [tilespmem:s1+$0xC0D0]  }
0x30d: {  	v41 =	vld [tilespmem:s1+$0xC150]  }
0x30e: {  	v42 =	vld [tilespmem:s1+$0xC1D0];
	v12 =	vmul.f32 v36, v2;
	v13 =	vmul.f32 v37, v3  }
0x30f: {  	v11 =	vmul.f32 v38, v4;
	v14 =	vmul.f32 v39, v5;
	_ =	sdelay $0x1  }
0x310: {  	v12 =	vadd.f32 v13, v12;
	v11 =	vadd.f32 v14, v11  }
0x311: {  	v10 =	vmul.f32 v10, v8;
	v43 =	vmul.f32 v40, v9  }
0x312: {  	v11 =	vadd.f32 v11, v12;
	v44 =	vmul.f32 v41, v6;
	v45 =	vmul.f32 v42, v7;
	_ =	sdelay $0x1  }
0x313: {  	[tilespmem:s12+$0x16050] =	vst v11;
	v10 =	vadd.f32 v43, v10;
	v46 =	vadd.f32 v45, v44  }
0x314: {  	v47 =	vld [tilespmem:s0+$0xC060]  }
0x315: {  	v48 =	vld [tilespmem:s0+$0xC0E0];
	v10 =	vadd.f32 v46, v10  }
0x316: {  	v49 =	vld [tilespmem:s0+$0xC160]  }
0x317: {  	v50 =	vld [tilespmem:s0+$0xC1E0];
	[tilespmem:s9+$0x16050] =	vst v10  }
0x318: {  	v10 =	vld [tilespmem:s1+$0xC060]  }
0x319: {  	v51 =	vld [tilespmem:s1+$0xC0E0]  }
0x31a: {  	v52 =	vld [tilespmem:s1+$0xC160]  }
0x31b: {  	v53 =	vld [tilespmem:s1+$0xC1E0];
	v12 =	vmul.f32 v47, v2;
	v13 =	vmul.f32 v48, v3  }
0x31c: {  	v11 =	vmul.f32 v49, v4;
	v14 =	vmul.f32 v50, v5;
	_ =	sdelay $0x1  }
0x31d: {  	v12 =	vadd.f32 v13, v12;
	v11 =	vadd.f32 v14, v11  }
0x31e: {  	v10 =	vmul.f32 v10, v8;
	v54 =	vmul.f32 v51, v9  }
0x31f: {  	v11 =	vadd.f32 v11, v12;
	v55 =	vmul.f32 v52, v6;
	v56 =	vmul.f32 v53, v7;
	_ =	sdelay $0x1  }
0x320: {  	[tilespmem:s12+$0x16060] =	vst v11;
	v10 =	vadd.f32 v54, v10;
	v57 =	vadd.f32 v56, v55  }
0x321: {  	v58 =	vld [tilespmem:s0+$0xC070]  }
0x322: {  	v59 =	vld [tilespmem:s0+$0xC0F0];
	v10 =	vadd.f32 v57, v10  }
0x323: {  	v60 =	vld [tilespmem:s0+$0xC170]  }
0x324: {  	v61 =	vld [tilespmem:s0+$0xC1F0];
	[tilespmem:s9+$0x16060] =	vst v10  }
0x325: {  	v10 =	vld [tilespmem:s1+$0xC070]  }
0x326: {  	v62 =	vld [tilespmem:s1+$0xC0F0]  }
0x327: {  	v63 =	vld [tilespmem:s1+$0xC170]  }
0x328: {  	v18 =	vld [tilespmem:s1+$0xC1F0];
	v2 =	vmul.f32 v58, v2;
	v3 =	vmul.f32 v59, v3  }
0x329: {  	v4 =	vmul.f32 v60, v4;
	v5 =	vmul.f32 v61, v5;
	_ =	sdelay $0x1  }
0x32a: {  	v2 =	vadd.f32 v3, v2;
	v19 =	vadd.f32 v5, v4  }
0x32b: {  	v20 =	vmul.f32 v10, v8;
	v21 =	vmul.f32 v62, v9  }
0x32c: {  	s31 =	sshllo.u32 s28, $0x2;
	v2 =	vadd.f32 v19, v2;
	v22 =	vmul.f32 v63, v6;
	v23 =	vmul.f32 v18, v7  }
0x32d: {  	s1 =	sshll.u32 s31, $0x9  }
0x32e: {  	s0 =	sand.u32 $0x3FFFFE00, s1;
	[tilespmem:s12+$0x16070] =	vst v2;
	v24 =	vadd.f32 v21, v20;
	v3 =	vadd.f32 v23, v22  }
0x32f: {  	v25 =	vld [tilespmem:s0+$0xC000]  }
0x330: {  	s11 =	sshllo.u32 s29, $0x2;
	v26 =	vld [tilespmem:s0+$0xC080];
	v2 =	vadd.f32 v3, v24  }
0x331: {  	s30 =	sshll.u32 s11, $0x9;
	v27 =	vld [tilespmem:s0+$0xC100]  }
0x332: {  	s1 =	sand.u32 $0x3FFFFE00, s30;
	v28 =	vld [tilespmem:s0+$0xC180];
	[tilespmem:s9+$0x16070] =	vst v2  }
0x333: {  	v29 =	vld [tilespmem:s1+$0xC000]  }
0x334: {  	v3 =	vbroadcast v1, $0xD;
	v2 =	vbroadcast v1, $0xC;
	v30 =	vld [tilespmem:s1+$0xC080]  }
0x335: {  	v4 =	vbroadcast v1, $0xE;
	v1 =	vbroadcast v1, $0xF;
	v31 =	vld [tilespmem:s1+$0xC100]  }
0x336: {  	v32 =	vld [tilespmem:s1+$0xC180];
	v5 =	vmul.f32 v25, v2;
	v6 =	vmul.f32 v26, v3  }
0x337: {  	v7 =	vmul.f32 v27, v4;
	v8 =	vmul.f32 v28, v1  }
0x338: {  	v33 =	vadd.f32 v6, v5;
	v5 =	vbroadcast v0, $0xC;
	v6 =	vbroadcast v0, $0xD  }
0x339: {  	v8 =	vadd.f32 v8, v7;
	v7 =	vbroadcast v0, $0xE;
	v0 =	vbroadcast v0, $0xF  }
0x33a: {  	v9 =	vmul.f32 v29, v5;
	v10 =	vmul.f32 v30, v6  }
0x33b: {  	s31 =	sshll.u32 s31, $0x7;
	v8 =	vadd.f32 v8, v33;
	v11 =	vmul.f32 v31, v7;
	v12 =	vmul.f32 v32, v0  }
0x33c: {  	s12 =	sand.u32 $0x3FFFFF80, s31  }
0x33d: {  	[tilespmem:s12+$0x16000] =	vst v8;
	v34 =	vadd.f32 v10, v9;
	v35 =	vadd.f32 v12, v11  }
0x33e: {  	v36 =	vld [tilespmem:s0+$0xC010]  }
0x33f: {  	s30 =	sshll.u32 s11, $0x7;
	v37 =	vld [tilespmem:s0+$0xC090];
	v8 =	vadd.f32 v35, v34  }
0x340: {  	s9 =	sand.u32 $0x3FFFFF80, s30;
	v38 =	vld [tilespmem:s0+$0xC110]  }
0x341: {  	v39 =	vld [tilespmem:s0+$0xC190];
	[tilespmem:s9+$0x16000] =	vst v8  }
0x342: {  	v8 =	vld [tilespmem:s1+$0xC010]  }
0x343: {  	v40 =	vld [tilespmem:s1+$0xC090]  }
0x344: {  	v41 =	vld [tilespmem:s1+$0xC110]  }
0x345: {  	v42 =	vld [tilespmem:s1+$0xC190];
	v10 =	vmul.f32 v36, v2;
	v11 =	vmul.f32 v37, v3  }
0x346: {  	v9 =	vmul.f32 v38, v4;
	v12 =	vmul.f32 v39, v1;
	_ =	sdelay $0x1  }
0x347: {  	v10 =	vadd.f32 v11, v10;
	v9 =	vadd.f32 v12, v9  }
0x348: {  	v8 =	vmul.f32 v8, v5;
	v43 =	vmul.f32 v40, v6  }
0x349: {  	v9 =	vadd.f32 v9, v10;
	v44 =	vmul.f32 v41, v7;
	v45 =	vmul.f32 v42, v0;
	_ =	sdelay $0x1  }
0x34a: {  	[tilespmem:s12+$0x16010] =	vst v9;
	v8 =	vadd.f32 v43, v8;
	v46 =	vadd.f32 v45, v44  }
0x34b: {  	v47 =	vld [tilespmem:s0+$0xC020]  }
0x34c: {  	v48 =	vld [tilespmem:s0+$0xC0A0];
	v8 =	vadd.f32 v46, v8  }
0x34d: {  	v49 =	vld [tilespmem:s0+$0xC120]  }
0x34e: {  	v50 =	vld [tilespmem:s0+$0xC1A0];
	[tilespmem:s9+$0x16010] =	vst v8  }
0x34f: {  	v8 =	vld [tilespmem:s1+$0xC020]  }
0x350: {  	v51 =	vld [tilespmem:s1+$0xC0A0]  }
0x351: {  	v52 =	vld [tilespmem:s1+$0xC120]  }
0x352: {  	v53 =	vld [tilespmem:s1+$0xC1A0];
	v10 =	vmul.f32 v47, v2;
	v11 =	vmul.f32 v48, v3  }
0x353: {  	v9 =	vmul.f32 v49, v4;
	v12 =	vmul.f32 v50, v1;
	_ =	sdelay $0x1  }
0x354: {  	v10 =	vadd.f32 v11, v10;
	v9 =	vadd.f32 v12, v9  }
0x355: {  	v8 =	vmul.f32 v8, v5;
	v54 =	vmul.f32 v51, v6  }
0x356: {  	v9 =	vadd.f32 v9, v10;
	v55 =	vmul.f32 v52, v7;
	v56 =	vmul.f32 v53, v0;
	_ =	sdelay $0x1  }
0x357: {  	[tilespmem:s12+$0x16020] =	vst v9;
	v8 =	vadd.f32 v54, v8;
	v57 =	vadd.f32 v56, v55  }
0x358: {  	v58 =	vld [tilespmem:s0+$0xC030]  }
0x359: {  	v59 =	vld [tilespmem:s0+$0xC0B0];
	v8 =	vadd.f32 v57, v8  }
0x35a: {  	v60 =	vld [tilespmem:s0+$0xC130]  }
0x35b: {  	v61 =	vld [tilespmem:s0+$0xC1B0];
	[tilespmem:s9+$0x16020] =	vst v8  }
0x35c: {  	v8 =	vld [tilespmem:s1+$0xC030]  }
0x35d: {  	v62 =	vld [tilespmem:s1+$0xC0B0]  }
0x35e: {  	v63 =	vld [tilespmem:s1+$0xC130]  }
0x35f: {  	v18 =	vld [tilespmem:s1+$0xC1B0];
	v10 =	vmul.f32 v58, v2;
	v11 =	vmul.f32 v59, v3  }
0x360: {  	v9 =	vmul.f32 v60, v4;
	v12 =	vmul.f32 v61, v1;
	_ =	sdelay $0x1  }
0x361: {  	v10 =	vadd.f32 v11, v10;
	v9 =	vadd.f32 v12, v9  }
0x362: {  	v8 =	vmul.f32 v8, v5;
	v19 =	vmul.f32 v62, v6  }
0x363: {  	v9 =	vadd.f32 v9, v10;
	v20 =	vmul.f32 v63, v7;
	v21 =	vmul.f32 v18, v0;
	_ =	sdelay $0x1  }
0x364: {  	[tilespmem:s12+$0x16030] =	vst v9;
	v8 =	vadd.f32 v19, v8;
	v22 =	vadd.f32 v21, v20  }
0x365: {  	v23 =	vld [tilespmem:s0+$0xC040]  }
0x366: {  	v24 =	vld [tilespmem:s0+$0xC0C0];
	v8 =	vadd.f32 v22, v8  }
0x367: {  	v25 =	vld [tilespmem:s0+$0xC140]  }
0x368: {  	v26 =	vld [tilespmem:s0+$0xC1C0];
	[tilespmem:s9+$0x16030] =	vst v8  }
0x369: {  	v8 =	vld [tilespmem:s1+$0xC040]  }
0x36a: {  	v27 =	vld [tilespmem:s1+$0xC0C0]  }
0x36b: {  	v28 =	vld [tilespmem:s1+$0xC140]  }
0x36c: {  	v29 =	vld [tilespmem:s1+$0xC1C0];
	v10 =	vmul.f32 v23, v2;
	v11 =	vmul.f32 v24, v3  }
0x36d: {  	v9 =	vmul.f32 v25, v4;
	v12 =	vmul.f32 v26, v1;
	_ =	sdelay $0x1  }
0x36e: {  	v10 =	vadd.f32 v11, v10;
	v9 =	vadd.f32 v12, v9  }
0x36f: {  	v8 =	vmul.f32 v8, v5;
	v30 =	vmul.f32 v27, v6  }
0x370: {  	v9 =	vadd.f32 v9, v10;
	v31 =	vmul.f32 v28, v7;
	v32 =	vmul.f32 v29, v0;
	_ =	sdelay $0x1  }
0x371: {  	[tilespmem:s12+$0x16040] =	vst v9;
	v8 =	vadd.f32 v30, v8;
	v33 =	vadd.f32 v32, v31  }
0x372: {  	v34 =	vld [tilespmem:s0+$0xC050]  }
0x373: {  	v35 =	vld [tilespmem:s0+$0xC0D0];
	v8 =	vadd.f32 v33, v8  }
0x374: {  	v36 =	vld [tilespmem:s0+$0xC150]  }
0x375: {  	v37 =	vld [tilespmem:s0+$0xC1D0];
	[tilespmem:s9+$0x16040] =	vst v8  }
0x376: {  	v8 =	vld [tilespmem:s1+$0xC050]  }
0x377: {  	v38 =	vld [tilespmem:s1+$0xC0D0]  }
0x378: {  	v39 =	vld [tilespmem:s1+$0xC150]  }
0x379: {  	v40 =	vld [tilespmem:s1+$0xC1D0];
	v10 =	vmul.f32 v34, v2;
	v11 =	vmul.f32 v35, v3  }
0x37a: {  	v9 =	vmul.f32 v36, v4;
	v12 =	vmul.f32 v37, v1;
	_ =	sdelay $0x1  }
0x37b: {  	v10 =	vadd.f32 v11, v10;
	v9 =	vadd.f32 v12, v9  }
0x37c: {  	v8 =	vmul.f32 v8, v5;
	v41 =	vmul.f32 v38, v6  }
0x37d: {  	v9 =	vadd.f32 v9, v10;
	v42 =	vmul.f32 v39, v7;
	v43 =	vmul.f32 v40, v0;
	_ =	sdelay $0x1  }
0x37e: {  	[tilespmem:s12+$0x16050] =	vst v9;
	v8 =	vadd.f32 v41, v8;
	v44 =	vadd.f32 v43, v42  }
0x37f: {  	v45 =	vld [tilespmem:s0+$0xC060]  }
0x380: {  	v46 =	vld [tilespmem:s0+$0xC0E0];
	v8 =	vadd.f32 v44, v8  }
0x381: {  	v47 =	vld [tilespmem:s0+$0xC160]  }
0x382: {  	v48 =	vld [tilespmem:s0+$0xC1E0];
	[tilespmem:s9+$0x16050] =	vst v8  }
0x383: {  	v8 =	vld [tilespmem:s1+$0xC060]  }
0x384: {  	v49 =	vld [tilespmem:s1+$0xC0E0]  }
0x385: {  	v50 =	vld [tilespmem:s1+$0xC160]  }
0x386: {  	v51 =	vld [tilespmem:s1+$0xC1E0];
	v10 =	vmul.f32 v45, v2;
	v11 =	vmul.f32 v46, v3  }
0x387: {  	v9 =	vmul.f32 v47, v4;
	v12 =	vmul.f32 v48, v1;
	_ =	sdelay $0x1  }
0x388: {  	v10 =	vadd.f32 v11, v10;
	v9 =	vadd.f32 v12, v9  }
0x389: {  	v8 =	vmul.f32 v8, v5;
	v52 =	vmul.f32 v49, v6  }
0x38a: {  	v9 =	vadd.f32 v9, v10;
	v53 =	vmul.f32 v50, v7;
	v54 =	vmul.f32 v51, v0;
	_ =	sdelay $0x1  }
0x38b: {  	[tilespmem:s12+$0x16060] =	vst v9;
	v8 =	vadd.f32 v52, v8;
	v55 =	vadd.f32 v54, v53  }
0x38c: {  	v56 =	vld [tilespmem:s0+$0xC070]  }
0x38d: {  	v57 =	vld [tilespmem:s0+$0xC0F0];
	v8 =	vadd.f32 v55, v8  }
0x38e: {  	v58 =	vld [tilespmem:s0+$0xC170]  }
0x38f: {  	v59 =	vld [tilespmem:s0+$0xC1F0];
	[tilespmem:s9+$0x16060] =	vst v8  }
0x390: {  	v8 =	vld [tilespmem:s1+$0xC070]  }
0x391: {  	v60 =	vld [tilespmem:s1+$0xC0F0]  }
0x392: {  	v61 =	vld [tilespmem:s1+$0xC170]  }
0x393: {  	v62 =	vld [tilespmem:s1+$0xC1F0];
	_ =	sdelay $0x1  }
0x394: {  	v2 =	vmul.f32 v56, v2;
	v3 =	vmul.f32 v57, v3  }
0x395: {  	v4 =	vmul.f32 v58, v4;
	v1 =	vmul.f32 v59, v1  }
0x396: {  	v5 =	vmul.f32 v8, v5;
	v6 =	vmul.f32 v60, v6  }
0x397: {  	v7 =	vmul.f32 v61, v7;
	v0 =	vmul.f32 v62, v0  }
0x398: {  	p0 =	slt.u32 s28, $0xE;
	v2 =	vadd.f32 v3, v2;
	v1 =	vadd.f32 v1, v4  }
.Ltmp1:
0x399: {  	v63 =	vadd.f32 v6, v5;
	v0 =	vadd.f32 v0, v7;
	(pc) =	sbr.rel @p0 .LBB2_5-.Ltmp1, $4  }
0x39a: {  	v1 =	vadd.f32 v1, v2  }
0x39b: {  	v0 =	vadd.f32 v0, v63  }
0x39c: {  	s31 =	sadd.s32 $0x2, s28;
	[tilespmem:s12+$0x16070] =	vst v1  }
0x39d: {  	s28 =	smov.u32 s31;
	[tilespmem:s9+$0x16070] =	vst v0  }
0x39e: {  	s0 =	sadd.s32 @!p1 $0x300, s25  }
0x39f: {  	s1 =	simm.s32 @!p1 $0x80;
	s9 =	simm.s32 @!p1 $0xC000;
	s24 =	sadd.s32 $0x1, s24  }
0x3a0: {  	[tilespmem:s9], [sflag:$0x2] =	stream.indirect.gather @!p1 [hbm4b:s3+s1], $0x80, s0, s1, $0xb8;
	[tilespmem:$0x18000] =	vst v63  }
0x3a1: {  	p0 =	sne.s32 s24, $0x10  }
.Ltmp2:
0x3a2: {  	_ = 	snop;
	(pc) =	sbr.rel @p0 .LBB2_2-.Ltmp2, $4  }
0x3a3: {  	s0 =	sadd.s32 @!p1 $0x380, s25;
	s9 =	simm.s32 @!p1 $0x10000  }
0x3a4: {  	[tilespmem:s9], [sflag:$0x2] =	stream.indirect.gather @!p1 [hbm4b:s3+s1], $0x80, s0, s1, $0xb8;
	[tilespmem:$0x18000] =	vst v63  }
0x3a5: {  	s31 =	sadd.s32 s26, s6  }
0x3a6: {  	[hbm4b:s31+s2] =	stream.linear.scatter [tilespmem:s20], [sflag:$0x4], $0x2000, $0x38;
	[tilespmem:$0x18000] =	vst v63  }
0x3a7: {  	s23 =	sadd.s32 $0x1, s23  }
0x3a8: {  	_ =	swait.ge [sflag:s21], $0x2000;
	p0 =	sne.s32 s23, s7  }
.Ltmp3:
0x3a9: {  	[sflag:s21] =	ssyncset.done $0x0;
	(pc) =	sbr.rel @p0 .LBB2_1-.Ltmp3, $4  }
0x3aa: {  	[sflag:s21] =	ssyncadd.s32 $0xFFFFE000  }
0x3ab: {  	_ =	swait.ge [sflag:s22], $0x2000  }
0x3ac: {  	[sflag:s22] =	ssyncset.done $0x0  }
0x3ad: {  	[sflag:s22] =	ssyncadd.s32 $0xFFFFE000  }
0x3ae: {  	_ =	sfence.sel $0x180000  }
0x3af: {  	[bflag:$0x0] =	sbarrier.arrive $0xFFFF  }
0x3b0: {  	_ =	strace $0x90000047  }
0x3b1: {  	s0 =	stileid.u32;
	[bflag:$0x2] =	sbarrier.arrive $0xFFFF  }
0x3b2: {  	p0 =	sne.s32 s0, $0x0;
	s0 =	rddreg [dreg:$0x1]  }
0x3b3: {  	s0 =	sadd.s32 @!p0 $0x100000, s0  }
0x3b4: {  	[sflag:s0] =	ssyncadd.tile.s32 @!p0 $0x1;
	_ =	shalt  }
.Lfunc_end2:
_tile_overlayer_lowered:
.L_overlay_start_2:
0x3b5: {  	(tag) =	ssettag $0x2  }
0x3b6: {  	s0 =	rddreg [dreg:$0x0];
	s2 =	stileid.u32  }
0x3b7: {  	s1 =	rddreg [dreg:$0x1];
	p0 =	sne.s32 s2, $0x0  }
0x3b8: {  	s3 =	rddreg [dreg:$0x2];
	[bflag:$0x3] =	sbarrier.arrive $0xFFFF;
	s2 =	simm.s32 @!p0 $0x1C05  }
0x3b9: {  	[timem:s3], [sflag:s2] =	dma.local @!p0 [hbm:s0], s1  }
0x3ba: {  	s0 =	simm.s32 @!p0 $0x5  }
0x3bb: {  	_ =	swait.ge @!p0 [sflag:s0], s1  }
0x3bc: {  	s1 =	ssub.s32 @!p0 $0x0, s1;
	[sflag:s0] =	ssyncset.done @!p0 $0x0  }
0x3bd: {  	[sflag:s0] =	ssyncadd.s32 @!p0 s1  }
0x3be: {  	[bflag:$0x3] =	sbarrier.arrive $0xFFFF  }
0x3bf: {  	_ =	shalt  }

// kernel: sparse-core-data-format-call.cloned.1.call-start
scs
called_computation_lowered:
.L_overlay_start_0:
0x0: {  	s2 =	sld [smem:$0x3FD9]  }
0x1: {  	s3 =	sld [smem:$0x3FFE];
	_ =	sdelay $0x1  }
0x2: {  	s1 =	srdreg.scid  }
0x3: {  	s0 =	sand.u32 $0x1, s1  }
0x4: {  	s18 =	sshll.u32 s0, $0xA;
	s2 =	sadd.s32 s3, s2  }
0x5: {  	s2 =	sadd.s32 s2, s18  }
0x6: {  	[smem:$0x3FC5] =	sst s2  }
0x7: {  	_ = 	snop  }
0x8: {  	s2 =	sld [smem:$0x3FD0];
	(tm) =	ssettm $0x1  }
0x9: {  	s19 =	sld [smem:$0x3FFB];
	_ =	sdelay $0x3  }
0xa: {  	_ =	strace s19  }
0xb: {  	s3 =	sld [smem:$0x3FFC];
	_ =	sdelay $0x3  }
0xc: {  	_ =	strace s3  }
0xd: {  	s3 =	sld [smem:$0x3FFD];
	_ =	sdelay $0x3  }
0xe: {  	_ =	strace s3  }
0xf: {  	_ =	strace $0x8FFFFFFF  }
0x10: {  	s20 =	sld [smem:$0x3FDB];
	_ =	sdelay $0x1  }
0x11: {  	s4 =	simm.s32 $_scs_section_size  }
0x12: {  	s5 =	simm.s32 $_size__tile_overlayer_lowered;
	s6 =	simm.s32 $_tile_overlayer_lowered  }
0x13: {  	s23 =	simm.s32 $0x1BFF;
	s22 =	sshll.u32 s6, $0x1;
	s3 =	sadd.s32 s4, s20  }
0x14: {  	s7 =	simm.s32 $0x0;
	s21 =	sshll.u32 s5, $0x1;
	s5 =	sadd.s32 s22, s3  }
0x15: {  	[timem:s7], [sflag:s23] =	dma.local [hbm:s5], s21  }
0x16: {  	_ =	swait.ge [sflag:s23], s21  }
0x17: {  	s4 =	ssub.s32 $0x0, s21;
	[sflag:s23] =	ssyncset.done $0x0  }
0x18: {  	[sflag:s23] =	ssyncadd.s32 s4;
	_ =	sdelay $0x1  }
0x19: {  	s24 =	simm.s32 $0x1B8B  }
0x1a: {  	_ =	swait.ge [sflag:s24], $0x1  }
0x1b: {  	[sflag:s24] =	ssyncset.done $0x0  }
0x1c: {  	s26 =	simm.s32 $0x1B8E;
	s25 =	sld [smem:$0x3FFE];
	[sflag:s24] =	ssyncadd.s32 $0xFFFFFFFF  }
0x1d: {  	s27 =	simm.s32 $execute0_lowered;
	[smem:$0x3FD2] =	sst s26  }
0x1e: {  	s5 =	sshll.u32 s27, $0x1;
	_ =	strace $0x80000049;
	[dreg:$0x1] =	wrdreg $0xFFFFFFFF  }
0x1f: {  	s28 =	simm.s32 $_size_execute0_lowered;
	s3 =	sadd.s32 s3, s5;
	[dreg:$0x0] =	wrdreg $0x0  }
0x20: {  	s5 =	sshll.u32 s28, $0x1;
	[dreg:$0x2] =	wrdreg s3  }
0x21: {  	[dreg:$0x3] =	wrdreg s5  }
0x22: {  	[dreg:$0x4] =	wrdreg $0xC0  }
0x23: {  	_ =	task [dreg:s7], $0x5FFFF  }
0x24: {  	[dreg:$0x1] =	wrdreg $0xFFFFFFFF  }
0x25: {  	[dreg:$0x0] =	wrdreg $0x60  }
0x26: {  	[dreg:$0x2] =	wrdreg s25  }
0x27: {  	[dreg:$0x3] =	wrdreg s2  }
0x28: {  	[dreg:$0x4] =	wrdreg $0x9  }
0x29: {  	_ =	task.clear_ibuf [dreg:s7], $0x5FFFF;
	_ =	strace $0x90000049  }
0x2a: {  	s29 =	simm.s32 $0x9;
	_ =	strace $0x8000004B  }
0x2b: {  	_ =	swait.ge [sflag:s29], $0x1  }
0x2c: {  	[sflag:s29] =	ssyncadd.s32 $0xFFFFFFFF  }
0x2d: {  	_ =	strace $0x9000004B  }
0x2e: {  	_ =	sfence  }
0x2f: {  	s30 =	sld [smem:$0x0];
	_ =	sdelay $0x2  }
0x30: {  	s31 =	sshll.u32 s1, $0xD;
	s1 =	sshrl.u32 s1, $0x2  }
0x31: {  	s3 =	sand.u32 $0x4000, s31;
	s1 =	sadd.s32 s1, s30  }
0x32: {  	s0 =	sor.u32 s3, s0;
	s1 =	sshll.u32 s1, $0x11  }
0x33: {  	s0 =	sor.u32 s1, s0  }
0x34: {  	s0 =	sadd.s32 $0x8F2B, s0  }
0x35: {  	[sflag:s0] =	ssyncadd.remote.s32 $0x1  }
0x36: {  	_ =	sfence.sel $0xFFFF  }
0x37: {  	[dreg:$0x0] =	wrdreg $0xFFFFFFFF;
	(pc) =	sbr.abs _section_cstart, $3  }
0x38: {  	[dreg:$0x1] =	wrdreg $0xFFFFFFFF  }
0x39: {  	_ =	task.clear_ibuf [dreg:s7], $0x2FFFF;
	_ =	strace $0x9FFFFFFF  }
0x3a: {  	(tm) =	ssettm $0x7FFFFFFF  }
0x3b: {  	_ =	shalt  }
tec
execute0_lowered:
.L_overlay_start_1:
0x0: {  	(tag) =	ssettag $0x1  }
0x1: {  	s0 =	srdreg.scid  }
0x2: {  	s1 =	sshll.u32 s0, $0x4  }
0x3: {  	s4 =	rddreg [dreg:$0x0];
	s0 =	stileid.u32;
	s1 =	sand.u32 $0x10, s1  }
0x4: {  	s2 =	rddreg [dreg:$0x1];
	s7 =	simm.s32 $0x1;
	s1 =	sor.u32 s0, s1  }
0x5: {  	s8 =	simm.s32 $0x2;
	s11 =	simm.s32 $0x0;
	s3 =	sshll.u32 s1, $0x7  }
0x6: {  	s10 =	simm.s32 $0x0;
	s4 =	sadd.s32 $0x310A00, s4;
	s6 =	ssub.s32 $0x10000, s3  }
.Ltmp0:
0x7: {  	s1 =	rddreg [dreg:$0x2];
	s5 =	sand.u32 $0xF80, s6;
	(pc) =	sbr.rel .LBB1_1-.Ltmp0, $4  }
0x8: {  	_ =	strace $0x8000004A;
	s9 =	smov.u32 s3;
	p0 =	sne.s32 s5, $0x0  }
0x9: {  	s6 =	sshrl.u32 s6, $0xC;
	s5 =	simm.s32 $0x1;
	s7 =	simm.s32 @!p0 $0x0  }
0xa: {  	[sflag:s5] =	ssyncpa.u1 $0x0;
	p0 =	por $0x0, $0x0;
	s6 =	sadd.s32 s7, s6  }
0xb: {  	[sflag:s8] =	ssyncpa.u1 $0x0;
	s8 =	simm.s32 $0x80000;
	s7 =	sadd.s32 $0x1, s6  }
.LBB1_4:
0xc: {  	v5 =	vld [tilespmem:s15+$0xFFFFFFD0];
	[tilespmem:s14+$0x2040 ss:$0x81] =	vst.msk $0xffff, v1  }
0xd: {  	v58 =	vld [tilespmem:s15+$0xFFFFFFE0];
	[tilespmem:s14+$0x2850 ss:$0x81] =	vst.msk $0xffff, v2  }
0xe: {  	s16 =	sshra.s32 s16, $0x2;
	v59 =	vld [tilespmem:s15+$0xFFFFFFF0];
	[tilespmem:s14+$0x3060 ss:$0x81] =	vst.msk $0xffff, v3  }
0xf: {  	v60 =	vld [tilespmem:s15+$0x0];
	[tilespmem:s14+$0x0 ss:$0x81] =	vst.msk $0xffff, v0;
	s13 =	sadd.s32 s16, s13  }
0x10: {  	v61 =	vld [tilespmem:s15+$0x10];
	[tilespmem:s13+$0x3870 ss:$0x81] =	vst.msk $0xffff, v4  }
0x11: {  	v62 =	vld [tilespmem:s15+$0x20];
	[tilespmem:s13+$0x810 ss:$0x81] =	vst.msk $0xffff, v5  }
0x12: {  	v63 =	vld [tilespmem:s15+$0xFFFFFFC0];
	[tilespmem:s13+$0x1020 ss:$0x81] =	vst.msk $0xffff, v58  }
0x13: {  	s27 =	sshll.u32 s11, $0x3;
	[tilespmem:s13+$0x1830 ss:$0x81] =	vst.msk $0xffff, v59  }
0x14: {  	s28 =	sand.u32 $0x78, s11;
	s14 =	sand.u32 $0xFC00, s27;
	[tilespmem:s13+$0x2040 ss:$0x81] =	vst.msk $0xffff, v60  }
0x15: {  	s29 =	sand.u32 $0xFE000, s11;
	s30 =	sand.u32 $0x7, s11;
	s14 =	sor.u32 s28, s14;
	[tilespmem:s13+$0x2850 ss:$0x81] =	vst.msk $0xffff, v61  }
0x16: {  	s15 =	sadd.s32 s2, s29;
	s11 =	sshll.u32 s30, $0x12;
	s14 =	sshrl.u32 s14, $0x3;
	[tilespmem:s13+$0x3060 ss:$0x81] =	vst.msk $0xffff, v62  }
0x17: {  	s11 =	sor.u32 $0x400, s11;
	s31 =	sadd.s32 s14, s15;
	[tilespmem:s13+$0x0 ss:$0x81] =	vst.msk $0xffff, v63  }
0x18: {  	[hbm4b:s31+s11] =	stream.strided.scatter [tilespmem:s12], [sflag:$0x2], $0x4000, s8, s11, $0x20;
	[tilespmem:$0x10100] =	vst v63  }
.LBB1_5:
0x19: {  	s13 =	sadd.s32 $0x1000, s9  }
0x1a: {  	p2 =	sgt.s32 s13, $0xFFFF  }
0x1b: {  	s13 =	smov.u32 @p2 s3;
	p2 =	sne.s32 s10, s7  }
.Ltmp1:
0x1c: {  	p1 =	slt.u32 s10, $0x2;
	(pc) =	sbr.rel @!p2 .LBB1_6-.Ltmp1, $4  }
0x1d: {  	s12 =	simm.s32 @!p1 $0x2  }
0x1e: {  	s14 =	sadd.s32 $0x1, s10;
	_ =	swait.ge @!p1 [sflag:s12], $0x4000  }
0x1f: {  	s11 =	smov.u32 s9;
	p0 =	por !p0, !p0;
	[sflag:s12] =	ssyncset.done @!p1 $0x0  }
0x20: {  	s10 =	smov.u32 s14;
	s9 =	smov.u32 s13;
	[sflag:s12] =	ssyncadd.s32 @!p1 $0xFFFFC000  }
.LBB1_1:
0x21: {  	p1 =	sge.u32 s10, s6  }
0x22: {  	s12 =	sxor.u32 @!p1 $0xFFFFFFFF, s10;
	s13 =	sshll.u32 @!p1 s9, $0x4  }
0x23: {  	s31 =	sadd.s32 $0xFFFFFFFF, s10;
	s12 =	sshll.u32 @!p1 s12, $0xE;
	s13 =	sand.u32 @!p1 $0xFFFF0, s13  }
0x24: {  	s14 =	simm.s32 @!p1 $0x0;
	s12 =	sand.u32 @!p1 $0x4000, s12;
	s13 =	sadd.s32 @!p1 s4, s13  }
0x25: {  	[tilespmem:s12], [sflag:$0x1] =	stream.linear.gather @!p1 [hbm4b:s13+s14], $0x4000, $0x38;
	[tilespmem:$0x10100] =	vst v63  }
0x26: {  	p1 =	sge.u32 s31, s6  }
.Ltmp2:
0x27: {  	_ = 	snop;
	(pc) =	sbr.rel @p1 .LBB1_5-.Ltmp2, $1  }
0x28: {  	_ =	sdelay $0x3  }
0x29: {  	s12 =	simm.s32 $0x1  }
0x2a: {  	_ =	swait.ge [sflag:s5], $0x4000;
	s12 =	simm.s32 @!p0 $0x0  }
0x2b: {  	[sflag:s5] =	ssyncset.done $0x0;
	s13 =	sshll.u32 s12, $0xE  }
0x2c: {  	[sflag:s5] =	ssyncadd.s32 $0xFFFFC000;
	s15 =	sor.u32 $0x40, s13  }
0x2d: {  	s12 =	smul.u32 $0x10200, s12;
	v0 =	vld [tilespmem:s15+$0x30]  }
0x2e: {  	v3 =	vld [tilespmem:s15+$0xFFFFFFD0]  }
0x2f: {  	s12 =	sshrl.u32 s12, $0x2;
	v4 =	vld [tilespmem:s15+$0xFFFFFFE0]  }
0x30: {  	v5 =	vld [tilespmem:s15+$0xFFFFFFF0];
	s13 =	sor.u32 $0x8000, s12  }
0x31: {  	s31 =	sand.u32 $0x1, s10;
	v1 =	vld [tilespmem:s15+$0x0];
	s14 =	sadd.s32 $0x0, s13  }
0x32: {  	v2 =	vld [tilespmem:s15+$0x10];
	s12 =	smul.u32 $0x10200, s31;
	[tilespmem:s14+$0x3870 ss:$0x81] =	vst.msk $0xffff, v0  }
0x33: {  	[tilespmem:s14+$0x810 ss:$0x81] =	vst.msk $0xffff, v3;
	v3 =	vld [tilespmem:s15+$0x20]  }
0x34: {  	s12 =	sshrl.u32 s12, $0x2;
	v0 =	vld [tilespmem:s15+$0xFFFFFFC0];
	[tilespmem:s14+$0x1020 ss:$0x81] =	vst.msk $0xffff, v4;
	s15 =	sadd.s32 $0x80, s15  }
0x35: {  	s16 =	simm.s32 $0x4;
	s17 =	simm.s32 $0x8;
	s12 =	sor.u32 $0x8000, s12;
	[tilespmem:s14+$0x1830 ss:$0x81] =	vst.msk $0xffff, v5;
	v4 =	vld [tilespmem:s15+$0x30]  }
.LBB1_3:
0x36: {  	p1 =	sne.s32 s17, $0x1FC;
	v5 =	vld [tilespmem:s15+$0xFFFFFFD0];
	[tilespmem:s14+$0x2040 ss:$0x81] =	vst.msk $0xffff, v1  }
0x37: {  	v6 =	vld [tilespmem:s15+$0xFFFFFFE0];
	[tilespmem:s14+$0x2850 ss:$0x81] =	vst.msk $0xffff, v2  }
0x38: {  	s18 =	sshra.s32 s16, $0x2;
	s16 =	smov.u32 s17;
	v7 =	vld [tilespmem:s15+$0xFFFFFFF0];
	[tilespmem:s14+$0x3060 ss:$0x81] =	vst.msk $0xffff, v3  }
.Ltmp3:
0x39: {  	v1 =	vld [tilespmem:s15+$0x0];
	[tilespmem:s14+$0x0 ss:$0x81] =	vst.msk $0xffff, v0;
	s14 =	sadd.s32 s18, s13;
	(pc) =	sbr.rel @p1 .LBB1_3-.Ltmp3, $4  }
0x3a: {  	v2 =	vld [tilespmem:s15+$0x10];
	[tilespmem:s14+$0x3870 ss:$0x81] =	vst.msk $0xffff, v4  }
0x3b: {  	[tilespmem:s14+$0x810 ss:$0x81] =	vst.msk $0xffff, v5;
	v3 =	vld [tilespmem:s15+$0x20]  }
0x3c: {  	v0 =	vld [tilespmem:s15+$0xFFFFFFC0];
	[tilespmem:s14+$0x1020 ss:$0x81] =	vst.msk $0xffff, v6;
	s15 =	sadd.s32 $0x80, s15  }
0x3d: {  	s17 =	sadd.s32 $0x4, s17;
	v4 =	vld [tilespmem:s15+$0x30];
	[tilespmem:s14+$0x1830 ss:$0x81] =	vst.msk $0xffff, v7  }
.Ltmp4:
0x3e: {  	_ = 	snop;
	(pc) =	sbr.rel .LBB1_4-.Ltmp4, $1  }
0x3f: {  	_ =	sdelay $0x3  }
.LBB1_6:
0x40: {  	_ =	sfence.sel $0x180000  }
0x41: {  	s2 =	simm.s32 $0x1;
	[bflag:$0x0] =	sbarrier.arrive $0xFFFF  }
0x42: {  	s31 =	simm.s32 $0x2;
	[sflag:s2] =	ssyncpa.u1 $0x1  }
0x43: {  	[sflag:s31] =	ssyncpa.u1 $0x1  }
0x44: {  	p0 =	sne.s32 s0, $0x0;
	_ =	strace $0x9000004A  }
0x45: {  	s0 =	sadd.s32 @!p0 $0x100000, s1;
	[bflag:$0x2] =	sbarrier.arrive $0xFFFF  }
0x46: {  	[sflag:s0] =	ssyncadd.tile.s32 @!p0 $0x1;
	_ =	shalt  }
.Lfunc_end1:
_tile_overlayer_lowered:
.L_overlay_start_2:
0x47: {  	(tag) =	ssettag $0x2  }
0x48: {  	s0 =	rddreg [dreg:$0x0];
	s2 =	stileid.u32  }
0x49: {  	s1 =	rddreg [dreg:$0x1];
	p0 =	sne.s32 s2, $0x0  }
0x4a: {  	s3 =	rddreg [dreg:$0x2];
	[bflag:$0x3] =	sbarrier.arrive $0xFFFF;
	s2 =	simm.s32 @!p0 $0x1C01  }
0x4b: {  	[timem:s3], [sflag:s2] =	dma.local @!p0 [hbm:s0], s1  }
0x4c: {  	s0 =	simm.s32 @!p0 $0x1  }
0x4d: {  	_ =	swait.ge @!p0 [sflag:s0], s1  }
0x4e: {  	s1 =	ssub.s32 @!p0 $0x0, s1;
	[sflag:s0] =	ssyncset.done @!p0 $0x0  }
0x4f: {  	[sflag:s0] =	ssyncadd.s32 @!p0 s1  }
0x50: {  	[bflag:$0x3] =	sbarrier.arrive $0xFFFF  }
0x51: {  	_ =	shalt  }

</sc_bundles>
